<compile_context>
chip_gen: v7x
topology: tpu7x:2x2x1
jax: 0.10.2.dev20260603
libtpu: 0.0.44.dev20260713+nightly
codegen_flags: <defaults>
</compile_context>

<pallas_src>
import functools

import jax
import jax.numpy as jnp
from jax import lax
from jax.experimental import pallas as pl
from jax.experimental.pallas import tpu as pltpu
from jax.experimental.pallas import tpu_sc as plsc

_B = 4096
_F = 26
_D = 64
_V = 100000
_NP1 = _F + 1
_ROWS = _B * _F
_TROWS = _F * _V
_NBLK = (_TROWS + 127) // 128
_NW = 32
_G = 8
_LIST = 2 * _B + 48
_TRASH = _ROWS


def _make_sc_gather():
  mesh = plsc.VectorSubcoreMesh(core_axis_name="c", subcore_axis_name="s")
  nc = mesh.num_cores
  base_blk = _NBLK // _NW
  rem_blk = _NBLK % _NW

  @functools.partial(
      pl.kernel,
      out_type=jax.ShapeDtypeStruct((_ROWS + 16, 128), jnp.float32),
      mesh=mesh,
      scratch_types=[
          pltpu.VMEM((2, 32, 128), jnp.int32),
          pltpu.VMEM((_LIST,), jnp.int32),
          pltpu.VMEM((_LIST,), jnp.int32),
          pltpu.VMEM((_G // 2, _D, 256), jnp.float32),
          pltpu.VMEM((_LIST,), jnp.int32),
          pltpu.VMEM((_LIST,), jnp.int32),
          pltpu.VMEM((1, 128), jnp.int32),
          pltpu.VMEM((128, 128), jnp.float32),
          pltpu.SemaphoreType.DMA,
          pltpu.SemaphoreType.DMA,
      ],
      compiler_params=pltpu.CompilerParams(use_tc_tiling_on_sc=True,
                                           needs_layout_passes=False),
  )
  def sc_gather(tableT, idxT3, tail_in, out_hbm, idx_v, list_r, list_p, buf,
                sub_r, sub_p, pos_st, dat_st, fsem, ssem):
    wid = lax.axis_index("s") * nc + lax.axis_index("c")
    w_blo = wid * base_blk + jnp.minimum(wid, rem_blk)
    nblk = base_blk + jnp.where(wid < rem_blk, 1, 0)
    r_lo = w_blo * 128
    r_hi = (w_blo + nblk) * 128
    iota = lax.iota(jnp.int32, 16)

    f0 = r_lo // _V
    f1 = jnp.minimum(f0 + 1, _F - 1)
    pltpu.sync_copy(idxT3.at[f0], idx_v.at[0])
    pltpu.sync_copy(idxT3.at[f1], idx_v.at[1])

    r_lo_v = jnp.full((16,), r_lo, jnp.int32)
    r_hi_v = jnp.full((16,), r_hi, jnp.int32)

    def scan_feature(fi, f, cur0):
      fv = jnp.full((16,), f, jnp.int32)

      def body(j, cur):
        rv = idx_v[fi, j // 8, pl.ds((j % 8) * 16, 16)]
        bv = jnp.full((16,), j * 16, jnp.int32) + iota
        pv = bv * _F + fv
        m = ((rv >= r_lo_v) & (rv < r_hi_v)).astype(jnp.int32)
        incl = plsc.cumsum(m)
        slot = jnp.where(m > 0, jnp.full((16,), cur, jnp.int32) + incl - m,
                         jnp.full((16,), _LIST - 1, jnp.int32))
        plsc.store_scatter(list_r, [slot], rv)
        plsc.store_scatter(list_p, [slot], pv)
        return cur + incl[15]

      return lax.fori_loop(0, _B // 16, body, cur0)

    cur = scan_feature(0, f0, jnp.int32(0))
    cur = jnp.where(f1 != f0, scan_feature(1, f1, cur), cur)
    list_r[pl.ds(cur, 16)] = jnp.full((16,), 2 ** 30, jnp.int32)
    list_p[pl.ds(cur, 16)] = jnp.full((16,), _TRASH, jnp.int32) + iota
    n_chunks = (cur + 15) // 16

    n_groups = (nblk + _G - 1) // _G

    def pinit(i, _):
      plsc.store_scatter(pos_st,
                         [jnp.zeros((16,), jnp.int32),
                          iota + jnp.full((16,), i * 16, jnp.int32)],
                         jnp.full((16,), _TRASH, jnp.int32) + iota)
      return 0

    lax.fori_loop(0, 8, pinit, 0)

    def group_body(g, gk_in):
      blk0 = w_blo + g * _G
      gn = jnp.minimum(nblk - g * _G, _G)
      has_tail = blk0 + gn == _NBLK
      full_n = gn - jnp.where(has_tail, 1, 0)

      def fetch(j, _):
        pltpu.async_copy(tableT.at[:, pl.ds((blk0 + 2 * j) * 128, 256)],
                         buf.at[j], fsem)
        return 0

      lax.fori_loop(0, full_n // 2, fetch, 0)

      @pl.when(full_n % 2 == 1)
      def _():
        pltpu.async_copy(
            tableT.at[:, pl.ds((blk0 + full_n - 1) * 128, 128)],
            buf.at[full_n // 2, :, pl.ds(0, 128)], fsem)

      @pl.when(has_tail)
      def _():
        pltpu.sync_copy(tail_in,
                        buf.at[full_n // 2, :,
                               pl.ds((full_n % 2) * 128, 128)])

      blo_v = jnp.full((16,), blk0, jnp.int32)
      bhi_v = jnp.full((16,), blk0 + gn, jnp.int32)

      def rescan(j, scur):
        rv = list_r[pl.ds(j * 16, 16)]
        bv = lax.shift_right_logical(rv, 7)
        mb = (bv >= blo_v) & (bv < bhi_v)
        cnt = plsc.all_reduce_population_count(mb)[0]

        @pl.when(cnt > 0)
        def _():
          pv = list_p[pl.ds(j * 16, 16)]
          m = mb.astype(jnp.int32)
          incl = plsc.cumsum(m)
          slot = jnp.where(mb, jnp.full((16,), scur, jnp.int32) + incl - m,
                           jnp.full((16,), _LIST - 1, jnp.int32))
          plsc.store_scatter(sub_r, [slot], rv)
          plsc.store_scatter(sub_p, [slot], pv)

        return scur + cnt

      scur = lax.fori_loop(0, n_chunks, rescan, jnp.int32(0))
      sub_r[pl.ds(scur, 16)] = jnp.full((16,), blk0 * 128, jnp.int32)
      sub_p[pl.ds(scur, 16)] = jnp.full((16,), _TRASH, jnp.int32) + iota

      def drain(j, _):
        pltpu.make_async_copy(tableT.at[:, pl.ds(0, 256)], buf.at[0],
                              fsem).wait()
        return 0

      lax.fori_loop(0, full_n // 2, drain, 0)

      @pl.when(full_n % 2 == 1)
      def _():
        pltpu.make_async_copy(tableT.at[:, pl.ds(0, 128)],
                              buf.at[0, :, pl.ds(0, 128)], fsem).wait()

      nm = (scur + 15) // 16
      zero16 = jnp.zeros((16,), jnp.int32)

      def ext_chunk(k, gk):
        rv = sub_r[pl.ds(k * 16, 16)]
        pv = sub_p[pl.ds(k * 16, 16)]
        bv = lax.shift_right_logical(rv, 7)
        lane = rv - bv * 128
        cblk = bv - blo_v
        blk_l = lax.shift_right_logical(cblk, 1)
        lane = lane + (cblk % 2) * 128
        so = (gk % 8) * 16
        plsc.store_scatter(pos_st, [zero16, iota + jnp.full((16,), so,
                                                            jnp.int32)], pv)
        for d in range(_D):
          vals = plsc.load_gather(
              buf, [blk_l, jnp.full((16,), d, jnp.int32), lane])
          plsc.store_scatter(
              dat_st,
              [iota + jnp.full((16,), so, jnp.int32),
               jnp.full((16,), d, jnp.int32)], vals)

        @pl.when(gk % 8 == 7)
        def _():
          pltpu.async_copy(dat_st, out_hbm.at[pos_st.at[0]], ssem).wait()

        return gk + 1

      return lax.fori_loop(0, nm, ext_chunk, gk_in)

    lax.fori_loop(0, n_groups, group_body, jnp.int32(0))
    pltpu.async_copy(dat_st, out_hbm.at[pos_st.at[0]], ssem).wait()

  return sc_gather



def _tc_body(x_ref, emb_ref,
             dW0_ref, db0_ref, dW1_ref, db1_ref, dW2_ref, db2_ref,
             oW0d_ref, wsym_ref, ob0_ref, oW1_ref, ob1_ref,
             oW2_ref, ob2_ref, oW3_ref, ob3_ref, out_ref, *, bb):
  x = x_ref[...]
  h = jnp.maximum(jnp.dot(x, dW0_ref[...],
                          preferred_element_type=jnp.float32) + db0_ref[...], 0.0)
  h = jnp.maximum(jnp.dot(h, dW1_ref[...],
                          preferred_element_type=jnp.float32) + db1_ref[...], 0.0)
  d = jnp.maximum(jnp.dot(h, dW2_ref[...],
                          preferred_element_type=jnp.float32) + db2_ref[...], 0.0)
  emb = emb_ref[...].reshape(bb, _F, 128)[:, :, :_D]
  comb = jnp.concatenate([d[:, None, :], emb], axis=1)
  inter = lax.dot_general(comb, comb, (((2,), (2,)), ((0,), (0,))),
                          preferred_element_type=jnp.float32)
  z = (jnp.dot(d, oW0d_ref[...], preferred_element_type=jnp.float32)
       + jnp.dot(inter.reshape(bb, _NP1 * _NP1), wsym_ref[...],
                 preferred_element_type=jnp.float32)
       + ob0_ref[...])
  z = jnp.maximum(z, 0.0)
  z = jnp.maximum(jnp.dot(z, oW1_ref[...],
                          preferred_element_type=jnp.float32) + ob1_ref[...], 0.0)
  z = jnp.maximum(jnp.dot(z, oW2_ref[...],
                          preferred_element_type=jnp.float32) + ob2_ref[...], 0.0)
  out_ref[...] = (jnp.dot(z, oW3_ref[...],
                          preferred_element_type=jnp.float32) + ob3_ref[...])


def kernel(dense_features, sparse_indices, embed_table,
           dW0, db0, dW1, db1, dW2, db2,
           oW0, ob0, oW1, ob1, oW2, ob2, oW3, ob3):
  tableT = embed_table.T
  feat_offsets = (jnp.arange(_F, dtype=sparse_indices.dtype) * _V)[None, :]
  idxT3 = (sparse_indices + feat_offsets).T.astype(jnp.int32).reshape(
      _F, _B // 128, 128)
  tail_in = jnp.pad(embed_table[_TROWS - 64:].T, ((0, 0), (0, 64)))

  emb_rows = _make_sc_gather()(tableT, idxT3, tail_in)

  xpad = jnp.pad(dense_features, ((0, 0), (0, 3)))
  dW0p = jnp.pad(dW0, ((0, 3), (0, 0)))

  oW0d = oW0[:_D]
  oW0p = oW0[_D:]
  ti, tj = jnp.triu_indices(_NP1, k=1)
  wsym = jnp.zeros((_NP1 * _NP1, 512), jnp.float32)
  wsym = wsym.at[ti * _NP1 + tj].set(0.5 * oW0p)
  wsym = wsym.at[tj * _NP1 + ti].set(0.5 * oW0p)

  bb = 256
  grid = _B // bb

  def first_dim_block(shape):
    return pl.BlockSpec((bb,) + shape[1:], lambda i: (i,) + (0,) * (len(shape) - 1))

  def whole(a):
    return pl.BlockSpec(a.shape, lambda i: (0,) * a.ndim)

  b2 = lambda v: v.reshape(1, -1)
  weights = (dW0p, b2(db0), dW1, b2(db1), dW2, b2(db2),
             oW0d, wsym, b2(ob0), oW1, b2(ob1), oW2, b2(ob2), oW3, b2(ob3))

  out = pl.pallas_call(
      functools.partial(_tc_body, bb=bb),
      grid=(grid,),
      in_specs=[first_dim_block(xpad.shape),
                pl.BlockSpec((bb * _F, 128), lambda i: (i, 0))]
               + [whole(w) for w in weights],
      out_specs=first_dim_block((_B, 1)),
      out_shape=jax.ShapeDtypeStruct((_B, 1), jnp.float32),
  )(xpad, emb_rows, *weights)
  return out

# --- scband reference (transcript-rebuilt; emitter-appended) ---
"""Pipeline reference for scband-hybrid-parallel-dlrm-22187801051522 (READ-ONLY COPY).

The authoritative reference and input builder live on the scoring server;
editing this copy changes nothing except your own understanding.
"""

import jax, jax.numpy as jnp
import numpy as np

B = 4096
F = 26
D = 64
V = 100000
DENSE_IN = 13
DENSE_LAYERS = [512, 256, 64]
OVER_LAYERS = [512, 512, 256, 1]


def _linear_params(key, fan_in, fan_out):
    kw, kb = jax.random.split(key)
    lim = 1.0 / np.sqrt(fan_in)
    W = jax.random.uniform(kw, (fan_in, fan_out), jnp.float32, -lim, lim)
    b = jax.random.uniform(kb, (fan_out,), jnp.float32, -lim, lim)
    return W, b


def setup_inputs(seed: int = 0) -> dict:
    key = jax.random.key(seed)
    ks = jax.random.split(key, 16)
    dense_features = jax.random.normal(ks[0], (B, DENSE_IN), dtype=jnp.float32)
    sparse_indices = jax.random.randint(ks[1], (B, F), 0, V, dtype=jnp.int32)
    embed_table = jax.random.normal(ks[2], (F * V, D), dtype=jnp.float32) * 0.01
    dW0, db0 = _linear_params(ks[3], DENSE_IN, DENSE_LAYERS[0])
    dW1, db1 = _linear_params(ks[4], DENSE_LAYERS[0], DENSE_LAYERS[1])
    dW2, db2 = _linear_params(ks[5], DENSE_LAYERS[1], DENSE_LAYERS[2])
    over_in = D + (F + 1) * F // 2
    oW0, ob0 = _linear_params(ks[6], over_in, OVER_LAYERS[0])
    oW1, ob1 = _linear_params(ks[7], OVER_LAYERS[0], OVER_LAYERS[1])
    oW2, ob2 = _linear_params(ks[8], OVER_LAYERS[1], OVER_LAYERS[2])
    oW3, ob3 = _linear_params(ks[9], OVER_LAYERS[2], OVER_LAYERS[3])
    return {
        "dense_features": dense_features,
        "sparse_indices": sparse_indices,
        "embed_table": embed_table,
        "dW0": dW0, "db0": db0, "dW1": dW1, "db1": db1, "dW2": dW2, "db2": db2,
        "oW0": oW0, "ob0": ob0, "oW1": oW1, "ob1": ob1,
        "oW2": oW2, "ob2": ob2, "oW3": oW3, "ob3": ob3,
    }


def reference(dense_features, sparse_indices, embed_table,
              dW0, db0, dW1, db1, dW2, db2,
              oW0, ob0, oW1, ob1, oW2, ob2, oW3, ob3):
    # FusedSparseModules: per-feature offsets into one fused table, then lookup.
    # Hotness-1 per feature, so EmbeddingBag(sum) reduces to a plain gather.
    feat_offsets = (jnp.arange(F, dtype=sparse_indices.dtype) * V)[None, :]
    flat_idx = (sparse_indices + feat_offsets).reshape(-1)
    sparse_emb = jnp.take(embed_table, flat_idx, axis=0).reshape(B, F, D)

    # DenseArch: MLP with ReLU on every layer
    h = dense_features
    for W, b in ((dW0, db0), (dW1, db1), (dW2, db2)):
        h = jax.nn.relu(h @ W + b)
    dense_emb = h  # (B, D)

    # InteractionArch: pairwise dot products among [dense_emb] + sparse embeddings
    combined = jnp.concatenate([dense_emb[:, None, :], sparse_emb], axis=1)  # (B, F+1, D)
    inter = jnp.einsum("bnd,bmd->bnm", combined, combined)  # (B, F+1, F+1)
    ti, tj = jnp.triu_indices(F + 1, k=1)
    flat_inter = inter[:, ti, tj]  # (B, C(F+1,2))
    over_in = jnp.concatenate([dense_emb, flat_inter], axis=1)

    # OverArch: ReLU MLP with final plain Linear
    z = over_in
    for W, b in ((oW0, ob0), (oW1, ob1), (oW2, ob2)):
        z = jax.nn.relu(z @ W + b)
    logits = z @ oW3 + ob3  # (B, 1)
    return logits

if __name__ == "__main__":
    import jax
    _d = setup_inputs()
    print(jax.jit(kernel)(*tuple(_d.values())))

</pallas_src>

<mosaic_0001>
#map = affine_map<(d0, d1) -> (0, 0)>
#map1 = affine_map<(d0, d1) -> (0, 0, 0)>
module attributes {stable_mosaic.version = 14 : i64} {
  func.func @sc_gather(%arg0: i32, %arg1: i32, %arg2: memref<64x2600000xf32, #tpu.memory_space<hbm>>, %arg3: memref<26x32x128xi32, #tpu.memory_space<hbm>>, %arg4: memref<64x128xf32, #tpu.memory_space<hbm>>, %arg5: memref<106512x128xf32, #tpu.memory_space<hbm>>, %arg6: memref<2x32x128xi32, #tpu.memory_space<vmem>>, %arg7: memref<8240xi32, #tpu.memory_space<vmem>>, %arg8: memref<8240xi32, #tpu.memory_space<vmem>>, %arg9: memref<4x64x256xf32, #tpu.memory_space<vmem>>, %arg10: memref<8240xi32, #tpu.memory_space<vmem>>, %arg11: memref<8240xi32, #tpu.memory_space<vmem>>, %arg12: memref<1x128xi32, #tpu.memory_space<vmem>>, %arg13: memref<128x128xf32, #tpu.memory_space<vmem>>, %arg14: memref<!tpu.dma_semaphore, #tpu.memory_space<semaphore_mem>>, %arg15: memref<!tpu.dma_semaphore, #tpu.memory_space<semaphore_mem>>) attributes {dimension_semantics = [#tpu.dimension_semantics<core_parallel>, #tpu.dimension_semantics<subcore_parallel>], iteration_bounds = array<i64: 2, 16>, scalar_prefetch = 0 : i64, scratch_operands = 10 : i64, tpu.core_type = #tpu.core_type<sc_vector_subcore>, window_params = [{transform_indices = #map}, {transform_indices = #map1}, {transform_indices = #map}, {transform_indices = #map}]} {
    %mul3A = arith.constant 2 : i32
    %mul3A_0 = arith.muli %arg1, %mul3A : i32
    %add3A = arith.addi %mul3A_0, %arg0 : i32
    %mul3A_1 = arith.constant 634 : i32
    %mul3A_2 = arith.muli %add3A, %mul3A_1 : i32
    %min3A = arith.constant 25 : i32
    %min3A_3 = arith.minsi %add3A, %min3A : i32
    %add3A_4 = arith.addi %mul3A_2, %min3A_3 : i32
    %lt3A = arith.constant 25 : i32
    %lt3A_5 = arith.cmpi slt, %add3A, %lt3A : i32
    %jit3A = arith.constant 1 : i32
    %jit3A_6 = arith.constant 0 : i32
    %select_n3A = arith.select %lt3A_5, %jit3A, %jit3A_6 : i32
    %add3A_7 = arith.constant 634 : i32
    %add3A_8 = arith.addi %add3A_7, %select_n3A : i32
    %mul3A_9 = arith.constant 128 : i32
    %mul3A_10 = arith.muli %add3A_4, %mul3A_9 : i32
    %add3A_11 = arith.addi %add3A_4, %add3A_8 : i32
    %mul3A_12 = arith.constant 128 : i32
    %mul3A_13 = arith.muli %add3A_11, %mul3A_12 : i32
    %iota3A = tpu.iota {dimensions = array<i32: 0>} : vector<16xi32>
    %jit3A_14 = arith.constant 100000 : i32
    %div3A = arith.divsi %mul3A_10, %jit3A_14 : i32
    %sign3A = arith.constant 0 : i32
    %sign3A_15 = arith.cmpi sgt, %mul3A_10, %sign3A : i32
    %sign3A_16 = arith.extui %sign3A_15 : i1 to i32
    %sign3A_17 = arith.constant 0 : i32
    %sign3A_18 = arith.cmpi slt, %mul3A_10, %sign3A_17 : i32
    %sign3A_19 = arith.extui %sign3A_18 : i1 to i32
    %sign3A_20 = arith.subi %sign3A_16, %sign3A_19 : i32
    %sign3A_21 = arith.constant 0 : i32
    %sign3A_22 = arith.cmpi sgt, %jit3A_14, %sign3A_21 : i32
    %sign3A_23 = arith.extui %sign3A_22 : i1 to i32
    %sign3A_24 = arith.constant 0 : i32
    %sign3A_25 = arith.cmpi slt, %jit3A_14, %sign3A_24 : i32
    %sign3A_26 = arith.extui %sign3A_25 : i1 to i32
    %sign3A_27 = arith.subi %sign3A_23, %sign3A_26 : i32
    %ne3A = arith.cmpi ne, %sign3A_20, %sign3A_27 : i32
    %rem3A = arith.remsi %mul3A_10, %jit3A_14 : i32
    %ne3A_28 = arith.constant 0 : i32
    %ne3A_29 = arith.cmpi ne, %rem3A, %ne3A_28 : i32
    %and3A = arith.andi %ne3A, %ne3A_29 : i1
    %sub3A = arith.constant 1 : i32
    %sub3A_30 = arith.subi %div3A, %sub3A : i32
    %select_n3A_31 = arith.select %and3A, %sub3A_30, %div3A : i32
    %add3A_32 = arith.constant 1 : i32
    %add3A_33 = arith.addi %select_n3A_31, %add3A_32 : i32
    %min3A_34 = arith.constant 25 : i32
    %min3A_35 = arith.minsi %add3A_33, %min3A_34 : i32
    %run_scoped3A = arith.constant 0 : i32
    "tpu.region"() ({
      %run_scoped3A_146 = tpu.sem_alloc : memref<!tpu.dma_semaphore, #tpu.memory_space<semaphore_mem>>
      %dma_start3A_147 = arith.constant 0 : i32
      %dma_start3A_148 = arith.constant 0 : i32
      %dma_start3A_149 = tpu.memref_slice %arg6[%run_scoped3A, %dma_start3A_147, %dma_start3A_148] : memref<2x32x128xi32, #tpu.memory_space<vmem>> -> memref<1x32x128xi32, #tpu.memory_space<vmem>>
      %dma_start3A_150 = tpu.memref_squeeze %dma_start3A_149 : memref<1x32x128xi32, #tpu.memory_space<vmem>> -> memref<32x128xi32, #tpu.memory_space<vmem>>
      %dma_start3A_151 = arith.constant 0 : i32
      %dma_start3A_152 = arith.constant 0 : i32
      %dma_start3A_153 = tpu.memref_slice %arg3[%select_n3A_31, %dma_start3A_151, %dma_start3A_152] : memref<26x32x128xi32, #tpu.memory_space<hbm>> -> memref<1x32x128xi32, #tpu.memory_space<hbm>>
      %dma_start3A_154 = tpu.memref_squeeze %dma_start3A_153 : memref<1x32x128xi32, #tpu.memory_space<hbm>> -> memref<32x128xi32, #tpu.memory_space<hbm>>
      %dma_start3A_155 = arith.constant 0 : i32
      %dma_start3A_156 = arith.constant 0 : i32
      %dma_start3A_157 = tpu.memref_slice %arg6[%run_scoped3A, %dma_start3A_155, %dma_start3A_156] : memref<2x32x128xi32, #tpu.memory_space<vmem>> -> memref<1x32x128xi32, #tpu.memory_space<vmem>>
      %dma_start3A_158 = tpu.memref_squeeze %dma_start3A_157 : memref<1x32x128xi32, #tpu.memory_space<vmem>> -> memref<32x128xi32, #tpu.memory_space<vmem>>
      %dma_start3A_159 = arith.constant 0 : i32
      %dma_start3A_160 = arith.constant 0 : i32
      %dma_start3A_161 = tpu.memref_slice %arg3[%select_n3A_31, %dma_start3A_159, %dma_start3A_160] : memref<26x32x128xi32, #tpu.memory_space<hbm>> -> memref<1x32x128xi32, #tpu.memory_space<hbm>>
      %dma_start3A_162 = tpu.memref_squeeze %dma_start3A_161 : memref<1x32x128xi32, #tpu.memory_space<hbm>> -> memref<32x128xi32, #tpu.memory_space<hbm>>
      tpu.enqueue_dma source(%dma_start3A_162 : memref<32x128xi32, #tpu.memory_space<hbm>>) target(%dma_start3A_158 : memref<32x128xi32, #tpu.memory_space<vmem>>) target_semaphore(%run_scoped3A_146 : memref<!tpu.dma_semaphore, #tpu.memory_space<semaphore_mem>>)
      %dma_wait3A_163 = arith.constant 0 : i32
      %dma_wait3A_164 = arith.constant 0 : i32
      %dma_wait3A_165 = tpu.memref_slice %arg6[%run_scoped3A, %dma_wait3A_163, %dma_wait3A_164] : memref<2x32x128xi32, #tpu.memory_space<vmem>> -> memref<1x32x128xi32, #tpu.memory_space<vmem>>
      %dma_wait3A_166 = tpu.memref_squeeze %dma_wait3A_165 : memref<1x32x128xi32, #tpu.memory_space<vmem>> -> memref<32x128xi32, #tpu.memory_space<vmem>>
      %dma_wait3A_167 = arith.constant 0 : i32
      %dma_wait3A_168 = arith.constant 0 : i32
      %dma_wait3A_169 = tpu.memref_slice %arg3[%select_n3A_31, %dma_wait3A_167, %dma_wait3A_168] : memref<26x32x128xi32, #tpu.memory_space<hbm>> -> memref<1x32x128xi32, #tpu.memory_space<hbm>>
      %dma_wait3A_170 = tpu.memref_squeeze %dma_wait3A_169 : memref<1x32x128xi32, #tpu.memory_space<hbm>> -> memref<32x128xi32, #tpu.memory_space<hbm>>
      %dma_wait3A_171 = arith.constant 0 : i32
      %dma_wait3A_172 = arith.constant 0 : i32
      %dma_wait3A_173 = tpu.memref_slice %arg6[%run_scoped3A, %dma_wait3A_171, %dma_wait3A_172] : memref<2x32x128xi32, #tpu.memory_space<vmem>> -> memref<1x32x128xi32, #tpu.memory_space<vmem>>
      %dma_wait3A_174 = tpu.memref_squeeze %dma_wait3A_173 : memref<1x32x128xi32, #tpu.memory_space<vmem>> -> memref<32x128xi32, #tpu.memory_space<vmem>>
      %dma_wait3A_175 = arith.constant 0 : i32
      %dma_wait3A_176 = arith.constant 0 : i32
      %dma_wait3A_177 = tpu.memref_slice %arg3[%select_n3A_31, %dma_wait3A_175, %dma_wait3A_176] : memref<26x32x128xi32, #tpu.memory_space<hbm>> -> memref<1x32x128xi32, #tpu.memory_space<hbm>>
      %dma_wait3A_178 = tpu.memref_squeeze %dma_wait3A_177 : memref<1x32x128xi32, #tpu.memory_space<hbm>> -> memref<32x128xi32, #tpu.memory_space<hbm>>
      tpu.wait_dma2 semaphore(%run_scoped3A_146 : memref<!tpu.dma_semaphore, #tpu.memory_space<semaphore_mem>>) src(%dma_wait3A_178 : memref<32x128xi32, #tpu.memory_space<hbm>>) dst(%dma_wait3A_174 : memref<32x128xi32, #tpu.memory_space<vmem>>)
      tpu.yield
    }) : () -> ()
    %run_scoped3A_36 = arith.constant 1 : i32
    "tpu.region"() ({
      %run_scoped3A_146 = tpu.sem_alloc : memref<!tpu.dma_semaphore, #tpu.memory_space<semaphore_mem>>
      %dma_start3A_147 = arith.constant 0 : i32
      %dma_start3A_148 = arith.constant 0 : i32
      %dma_start3A_149 = tpu.memref_slice %arg6[%run_scoped3A_36, %dma_start3A_147, %dma_start3A_148] : memref<2x32x128xi32, #tpu.memory_space<vmem>> -> memref<1x32x128xi32, #tpu.memory_space<vmem>>
      %dma_start3A_150 = tpu.memref_squeeze %dma_start3A_149 : memref<1x32x128xi32, #tpu.memory_space<vmem>> -> memref<32x128xi32, #tpu.memory_space<vmem>>
      %dma_start3A_151 = arith.constant 0 : i32
      %dma_start3A_152 = arith.constant 0 : i32
      %dma_start3A_153 = tpu.memref_slice %arg3[%min3A_35, %dma_start3A_151, %dma_start3A_152] : memref<26x32x128xi32, #tpu.memory_space<hbm>> -> memref<1x32x128xi32, #tpu.memory_space<hbm>>
      %dma_start3A_154 = tpu.memref_squeeze %dma_start3A_153 : memref<1x32x128xi32, #tpu.memory_space<hbm>> -> memref<32x128xi32, #tpu.memory_space<hbm>>
      %dma_start3A_155 = arith.constant 0 : i32
      %dma_start3A_156 = arith.constant 0 : i32
      %dma_start3A_157 = tpu.memref_slice %arg6[%run_scoped3A_36, %dma_start3A_155, %dma_start3A_156] : memref<2x32x128xi32, #tpu.memory_space<vmem>> -> memref<1x32x128xi32, #tpu.memory_space<vmem>>
      %dma_start3A_158 = tpu.memref_squeeze %dma_start3A_157 : memref<1x32x128xi32, #tpu.memory_space<vmem>> -> memref<32x128xi32, #tpu.memory_space<vmem>>
      %dma_start3A_159 = arith.constant 0 : i32
      %dma_start3A_160 = arith.constant 0 : i32
      %dma_start3A_161 = tpu.memref_slice %arg3[%min3A_35, %dma_start3A_159, %dma_start3A_160] : memref<26x32x128xi32, #tpu.memory_space<hbm>> -> memref<1x32x128xi32, #tpu.memory_space<hbm>>
      %dma_start3A_162 = tpu.memref_squeeze %dma_start3A_161 : memref<1x32x128xi32, #tpu.memory_space<hbm>> -> memref<32x128xi32, #tpu.memory_space<hbm>>
      tpu.enqueue_dma source(%dma_start3A_162 : memref<32x128xi32, #tpu.memory_space<hbm>>) target(%dma_start3A_158 : memref<32x128xi32, #tpu.memory_space<vmem>>) target_semaphore(%run_scoped3A_146 : memref<!tpu.dma_semaphore, #tpu.memory_space<semaphore_mem>>)
      %dma_wait3A_163 = arith.constant 0 : i32
      %dma_wait3A_164 = arith.constant 0 : i32
      %dma_wait3A_165 = tpu.memref_slice %arg6[%run_scoped3A_36, %dma_wait3A_163, %dma_wait3A_164] : memref<2x32x128xi32, #tpu.memory_space<vmem>> -> memref<1x32x128xi32, #tpu.memory_space<vmem>>
      %dma_wait3A_166 = tpu.memref_squeeze %dma_wait3A_165 : memref<1x32x128xi32, #tpu.memory_space<vmem>> -> memref<32x128xi32, #tpu.memory_space<vmem>>
      %dma_wait3A_167 = arith.constant 0 : i32
      %dma_wait3A_168 = arith.constant 0 : i32
      %dma_wait3A_169 = tpu.memref_slice %arg3[%min3A_35, %dma_wait3A_167, %dma_wait3A_168] : memref<26x32x128xi32, #tpu.memory_space<hbm>> -> memref<1x32x128xi32, #tpu.memory_space<hbm>>
      %dma_wait3A_170 = tpu.memref_squeeze %dma_wait3A_169 : memref<1x32x128xi32, #tpu.memory_space<hbm>> -> memref<32x128xi32, #tpu.memory_space<hbm>>
      %dma_wait3A_171 = arith.constant 0 : i32
      %dma_wait3A_172 = arith.constant 0 : i32
      %dma_wait3A_173 = tpu.memref_slice %arg6[%run_scoped3A_36, %dma_wait3A_171, %dma_wait3A_172] : memref<2x32x128xi32, #tpu.memory_space<vmem>> -> memref<1x32x128xi32, #tpu.memory_space<vmem>>
      %dma_wait3A_174 = tpu.memref_squeeze %dma_wait3A_173 : memref<1x32x128xi32, #tpu.memory_space<vmem>> -> memref<32x128xi32, #tpu.memory_space<vmem>>
      %dma_wait3A_175 = arith.constant 0 : i32
      %dma_wait3A_176 = arith.constant 0 : i32
      %dma_wait3A_177 = tpu.memref_slice %arg3[%min3A_35, %dma_wait3A_175, %dma_wait3A_176] : memref<26x32x128xi32, #tpu.memory_space<hbm>> -> memref<1x32x128xi32, #tpu.memory_space<hbm>>
      %dma_wait3A_178 = tpu.memref_squeeze %dma_wait3A_177 : memref<1x32x128xi32, #tpu.memory_space<hbm>> -> memref<32x128xi32, #tpu.memory_space<hbm>>
      tpu.wait_dma2 semaphore(%run_scoped3A_146 : memref<!tpu.dma_semaphore, #tpu.memory_space<semaphore_mem>>) src(%dma_wait3A_178 : memref<32x128xi32, #tpu.memory_space<hbm>>) dst(%dma_wait3A_174 : memref<32x128xi32, #tpu.memory_space<vmem>>)
      tpu.yield
    }) : () -> ()
    %broadcast_in_dim3A = vector.broadcast %mul3A_10 : i32 to vector<16xi32>
    %broadcast_in_dim3A_37 = vector.broadcast %mul3A_13 : i32 to vector<16xi32>
    %broadcast_in_dim3A_38 = vector.broadcast %select_n3A_31 : i32 to vector<16xi32>
    %scan3A = arith.constant 0 : i32
    %scan3A_39 = arith.constant 0 : i32
    %scan3A_40 = arith.constant 256 : i32
    %scan3A_41 = arith.addi %scan3A_39, %scan3A_40 : i32
    %scan3A_42 = arith.constant 1 : i32
    %scan3A_43 = scf.for %scan3A_146 = %scan3A_39 to %scan3A_41 step %scan3A_42 iter_args(%scan3A_147 = %scan3A) -> (i32)  : i32 {
      %jit3A_148 = arith.constant 8 : i32
      %div3A_149 = arith.divsi %scan3A_146, %jit3A_148 : i32
      %sign3A_150 = arith.constant 0 : i32
      %sign3A_151 = arith.cmpi sgt, %scan3A_146, %sign3A_150 : i32
      %sign3A_152 = arith.extui %sign3A_151 : i1 to i32
      %sign3A_153 = arith.constant 0 : i32
      %sign3A_154 = arith.cmpi slt, %scan3A_146, %sign3A_153 : i32
      %sign3A_155 = arith.extui %sign3A_154 : i1 to i32
      %sign3A_156 = arith.subi %sign3A_152, %sign3A_155 : i32
      %sign3A_157 = arith.constant 0 : i32
      %sign3A_158 = arith.cmpi sgt, %jit3A_148, %sign3A_157 : i32
      %sign3A_159 = arith.extui %sign3A_158 : i1 to i32
      %sign3A_160 = arith.constant 0 : i32
      %sign3A_161 = arith.cmpi slt, %jit3A_148, %sign3A_160 : i32
      %sign3A_162 = arith.extui %sign3A_161 : i1 to i32
      %sign3A_163 = arith.subi %sign3A_159, %sign3A_162 : i32
      %ne3A_164 = arith.cmpi ne, %sign3A_156, %sign3A_163 : i32
      %rem3A_165 = arith.remsi %scan3A_146, %jit3A_148 : i32
      %ne3A_166 = arith.constant 0 : i32
      %ne3A_167 = arith.cmpi ne, %rem3A_165, %ne3A_166 : i32
      %and3A_168 = arith.andi %ne3A_164, %ne3A_167 : i1
      %sub3A_169 = arith.constant 1 : i32
      %sub3A_170 = arith.subi %div3A_149, %sub3A_169 : i32
      %select_n3A_171 = arith.select %and3A_168, %sub3A_170, %div3A_149 : i32
      %jit3A_172 = arith.constant 8 : i32
      %eq3A = arith.constant 0 : i32
      %eq3A_173 = arith.cmpi eq, %jit3A_172, %eq3A : i32
      %jit3A_174 = arith.constant 1 : i32
      %select_n3A_175 = arith.select %eq3A_173, %jit3A_174, %jit3A_172 : i32
      %rem3A_176 = arith.remsi %scan3A_146, %select_n3A_175 : i32
      %ne3A_177 = arith.constant 0 : i32
      %ne3A_178 = arith.cmpi ne, %rem3A_176, %ne3A_177 : i32
      %lt3A_179 = arith.constant 0 : i32
      %lt3A_180 = arith.cmpi slt, %rem3A_176, %lt3A_179 : i32
      %lt3A_181 = arith.constant 0 : i32
      %lt3A_182 = arith.cmpi slt, %select_n3A_175, %lt3A_181 : i32
      %ne3A_183 = arith.xori %lt3A_180, %lt3A_182 : i1
      %and3A_184 = arith.andi %ne3A_183, %ne3A_178 : i1
      %add3A_185 = arith.addi %rem3A_176, %select_n3A_175 : i32
      %select_n3A_186 = arith.select %and3A_184, %add3A_185, %rem3A_176 : i32
      %mul3A_187 = arith.constant 16 : i32
      %mul3A_188 = arith.muli %select_n3A_186, %mul3A_187 : i32
      %get3A = arith.constant 0 : i32
      %get3A_189 = arith.index_cast %get3A : i32 to index
      %get3A_190 = arith.index_cast %select_n3A_171 : i32 to index
      %get3A_191 = arith.index_cast %mul3A_188 : i32 to index
      %get3A_192 = tpu.vector_load %arg6[%get3A_189, %get3A_190, %get3A_191] {strides = array<i32>} : memref<2x32x128xi32, #tpu.memory_space<vmem>>, vector<16xi32>,
      %mul3A_193 = arith.constant 16 : i32
      %mul3A_194 = arith.muli %scan3A_146, %mul3A_193 : i32
      %broadcast_in_dim3A_195 = vector.broadcast %mul3A_194 : i32 to vector<16xi32>
      %add3A_196 = arith.addi %broadcast_in_dim3A_195, %iota3A : vector<16xi32>
      %mul3A_197 = arith.constant 26 : i32
      %mul3A_198 = vector.broadcast %mul3A_197 : i32 to vector<16xi32>
      %mul3A_199 = arith.muli %add3A_196, %mul3A_198 : vector<16xi32>
      %add3A_200 = arith.addi %mul3A_199, %broadcast_in_dim3A_38 : vector<16xi32>
      %ge3A = arith.cmpi sge, %get3A_192, %broadcast_in_dim3A : vector<16xi32>
      %lt3A_201 = arith.cmpi slt, %get3A_192, %broadcast_in_dim3A_37 : vector<16xi32>
      %and3A_202 = arith.andi %ge3A, %lt3A_201 : vector<16xi1>
      %convert_element_type3A = arith.extui %and3A_202 : vector<16xi1> to vector<16xi32>
      %broadcast_in_dim3A_203 = arith.constant true
      %broadcast_in_dim3A_204 = vector.broadcast %broadcast_in_dim3A_203 : i1 to vector<16xi1>
      %masked_cumsum3A = tpu.scan <sum>, %convert_element_type3A masked %broadcast_in_dim3A_204 : vector<16xi32>, vector<16xi1> -> vector<16xi32>
      %gt3A = arith.constant 0 : i32
      %gt3A_205 = vector.broadcast %gt3A : i32 to vector<16xi32>
      %gt3A_206 = arith.cmpi sgt, %convert_element_type3A, %gt3A_205 : vector<16xi32>
      %broadcast_in_dim3A_207 = vector.broadcast %scan3A_147 : i32 to vector<16xi32>
      %add3A_208 = arith.addi %broadcast_in_dim3A_207, %masked_cumsum3A : vector<16xi32>
      %sub3A_209 = arith.subi %add3A_208, %convert_element_type3A : vector<16xi32>
      %broadcast_in_dim3A_210 = arith.constant 8239 : i32
      %broadcast_in_dim3A_211 = vector.broadcast %broadcast_in_dim3A_210 : i32 to vector<16xi32>
      %select_n3A_212 = arith.select %gt3A_206, %sub3A_209, %broadcast_in_dim3A_211 : vector<16xi1>, vector<16xi32>
      tpu.vector_store_idx %arg7[%select_n3A_212], %get3A_192 : memref<8240xi32, #tpu.memory_space<vmem>>[vector<16xi32>], vector<16xi32>,
      tpu.vector_store_idx %arg8[%select_n3A_212], %add3A_200 : memref<8240xi32, #tpu.memory_space<vmem>>[vector<16xi32>], vector<16xi32>,
      %slice3A = vector.extract_strided_slice %masked_cumsum3A {offsets = [15], sizes = [1], strides = [1]} : vector<16xi32> to vector<1xi32>
      %squeeze3A = vector.extract %slice3A[0] : i32 from vector<1xi32>
      %add3A_213 = arith.addi %scan3A_147, %squeeze3A : i32
      scf.yield %add3A_213 : i32
    }
    %scan3A_44 = arith.constant 256 : i32
    %ne3A_45 = arith.cmpi ne, %min3A_35, %select_n3A_31 : i32
    %broadcast_in_dim3A_46 = vector.broadcast %min3A_35 : i32 to vector<16xi32>
    %scan3A_47 = arith.constant 0 : i32
    %scan3A_48 = arith.constant 256 : i32
    %scan3A_49 = arith.addi %scan3A_47, %scan3A_48 : i32
    %scan3A_50 = arith.constant 1 : i32
    %scan3A_51 = scf.for %scan3A_146 = %scan3A_47 to %scan3A_49 step %scan3A_50 iter_args(%scan3A_147 = %scan3A_43) -> (i32)  : i32 {
      %jit3A_148 = arith.constant 8 : i32
      %div3A_149 = arith.divsi %scan3A_146, %jit3A_148 : i32
      %sign3A_150 = arith.constant 0 : i32
      %sign3A_151 = arith.cmpi sgt, %scan3A_146, %sign3A_150 : i32
      %sign3A_152 = arith.extui %sign3A_151 : i1 to i32
      %sign3A_153 = arith.constant 0 : i32
      %sign3A_154 = arith.cmpi slt, %scan3A_146, %sign3A_153 : i32
      %sign3A_155 = arith.extui %sign3A_154 : i1 to i32
      %sign3A_156 = arith.subi %sign3A_152, %sign3A_155 : i32
      %sign3A_157 = arith.constant 0 : i32
      %sign3A_158 = arith.cmpi sgt, %jit3A_148, %sign3A_157 : i32
      %sign3A_159 = arith.extui %sign3A_158 : i1 to i32
      %sign3A_160 = arith.constant 0 : i32
      %sign3A_161 = arith.cmpi slt, %jit3A_148, %sign3A_160 : i32
      %sign3A_162 = arith.extui %sign3A_161 : i1 to i32
      %sign3A_163 = arith.subi %sign3A_159, %sign3A_162 : i32
      %ne3A_164 = arith.cmpi ne, %sign3A_156, %sign3A_163 : i32
      %rem3A_165 = arith.remsi %scan3A_146, %jit3A_148 : i32
      %ne3A_166 = arith.constant 0 : i32
      %ne3A_167 = arith.cmpi ne, %rem3A_165, %ne3A_166 : i32
      %and3A_168 = arith.andi %ne3A_164, %ne3A_167 : i1
      %sub3A_169 = arith.constant 1 : i32
      %sub3A_170 = arith.subi %div3A_149, %sub3A_169 : i32
      %select_n3A_171 = arith.select %and3A_168, %sub3A_170, %div3A_149 : i32
      %jit3A_172 = arith.constant 8 : i32
      %eq3A = arith.constant 0 : i32
      %eq3A_173 = arith.cmpi eq, %jit3A_172, %eq3A : i32
      %jit3A_174 = arith.constant 1 : i32
      %select_n3A_175 = arith.select %eq3A_173, %jit3A_174, %jit3A_172 : i32
      %rem3A_176 = arith.remsi %scan3A_146, %select_n3A_175 : i32
      %ne3A_177 = arith.constant 0 : i32
      %ne3A_178 = arith.cmpi ne, %rem3A_176, %ne3A_177 : i32
      %lt3A_179 = arith.constant 0 : i32
      %lt3A_180 = arith.cmpi slt, %rem3A_176, %lt3A_179 : i32
      %lt3A_181 = arith.constant 0 : i32
      %lt3A_182 = arith.cmpi slt, %select_n3A_175, %lt3A_181 : i32
      %ne3A_183 = arith.xori %lt3A_180, %lt3A_182 : i1
      %and3A_184 = arith.andi %ne3A_183, %ne3A_178 : i1
      %add3A_185 = arith.addi %rem3A_176, %select_n3A_175 : i32
      %select_n3A_186 = arith.select %and3A_184, %add3A_185, %rem3A_176 : i32
      %mul3A_187 = arith.constant 16 : i32
      %mul3A_188 = arith.muli %select_n3A_186, %mul3A_187 : i32
      %get3A = arith.constant 1 : i32
      %get3A_189 = arith.index_cast %get3A : i32 to index
      %get3A_190 = arith.index_cast %select_n3A_171 : i32 to index
      %get3A_191 = arith.index_cast %mul3A_188 : i32 to index
      %get3A_192 = tpu.vector_load %arg6[%get3A_189, %get3A_190, %get3A_191] {strides = array<i32>} : memref<2x32x128xi32, #tpu.memory_space<vmem>>, vector<16xi32>,
      %mul3A_193 = arith.constant 16 : i32
      %mul3A_194 = arith.muli %scan3A_146, %mul3A_193 : i32
      %broadcast_in_dim3A_195 = vector.broadcast %mul3A_194 : i32 to vector<16xi32>
      %add3A_196 = arith.addi %broadcast_in_dim3A_195, %iota3A : vector<16xi32>
      %mul3A_197 = arith.constant 26 : i32
      %mul3A_198 = vector.broadcast %mul3A_197 : i32 to vector<16xi32>
      %mul3A_199 = arith.muli %add3A_196, %mul3A_198 : vector<16xi32>
      %add3A_200 = arith.addi %mul3A_199, %broadcast_in_dim3A_46 : vector<16xi32>
      %ge3A = arith.cmpi sge, %get3A_192, %broadcast_in_dim3A : vector<16xi32>
      %lt3A_201 = arith.cmpi slt, %get3A_192, %broadcast_in_dim3A_37 : vector<16xi32>
      %and3A_202 = arith.andi %ge3A, %lt3A_201 : vector<16xi1>
      %convert_element_type3A = arith.extui %and3A_202 : vector<16xi1> to vector<16xi32>
      %broadcast_in_dim3A_203 = arith.constant true
      %broadcast_in_dim3A_204 = vector.broadcast %broadcast_in_dim3A_203 : i1 to vector<16xi1>
      %masked_cumsum3A = tpu.scan <sum>, %convert_element_type3A masked %broadcast_in_dim3A_204 : vector<16xi32>, vector<16xi1> -> vector<16xi32>
      %gt3A = arith.constant 0 : i32
      %gt3A_205 = vector.broadcast %gt3A : i32 to vector<16xi32>
      %gt3A_206 = arith.cmpi sgt, %convert_element_type3A, %gt3A_205 : vector<16xi32>
      %broadcast_in_dim3A_207 = vector.broadcast %scan3A_147 : i32 to vector<16xi32>
      %add3A_208 = arith.addi %broadcast_in_dim3A_207, %masked_cumsum3A : vector<16xi32>
      %sub3A_209 = arith.subi %add3A_208, %convert_element_type3A : vector<16xi32>
      %broadcast_in_dim3A_210 = arith.constant 8239 : i32
      %broadcast_in_dim3A_211 = vector.broadcast %broadcast_in_dim3A_210 : i32 to vector<16xi32>
      %select_n3A_212 = arith.select %gt3A_206, %sub3A_209, %broadcast_in_dim3A_211 : vector<16xi1>, vector<16xi32>
      tpu.vector_store_idx %arg7[%select_n3A_212], %get3A_192 : memref<8240xi32, #tpu.memory_space<vmem>>[vector<16xi32>], vector<16xi32>,
      tpu.vector_store_idx %arg8[%select_n3A_212], %add3A_200 : memref<8240xi32, #tpu.memory_space<vmem>>[vector<16xi32>], vector<16xi32>,
      %slice3A = vector.extract_strided_slice %masked_cumsum3A {offsets = [15], sizes = [1], strides = [1]} : vector<16xi32> to vector<1xi32>
      %squeeze3A = vector.extract %slice3A[0] : i32 from vector<1xi32>
      %add3A_213 = arith.addi %scan3A_147, %squeeze3A : i32
      scf.yield %add3A_213 : i32
    }
    %scan3A_52 = arith.constant 256 : i32
    %select_n3A_53 = arith.select %ne3A_45, %scan3A_51, %scan3A_43 : i32
    %broadcast_in_dim3A_54 = arith.constant 1073741824 : i32
    %broadcast_in_dim3A_55 = vector.broadcast %broadcast_in_dim3A_54 : i32 to vector<16xi32>
    %swap3A = arith.index_cast %select_n3A_53 : i32 to index
    %swap3A_56 = tpu.vector_load %arg7[%swap3A] {strides = array<i32>} : memref<8240xi32, #tpu.memory_space<vmem>>, vector<16xi32>,
    tpu.vector_store %arg7[%swap3A], %broadcast_in_dim3A_55 {strides = array<i32>} : memref<8240xi32, #tpu.memory_space<vmem>>, vector<16xi32>,
    %broadcast_in_dim3A_57 = arith.constant 106496 : i32
    %broadcast_in_dim3A_58 = vector.broadcast %broadcast_in_dim3A_57 : i32 to vector<16xi32>
    %add3A_59 = arith.addi %broadcast_in_dim3A_58, %iota3A : vector<16xi32>
    %swap3A_60 = arith.index_cast %select_n3A_53 : i32 to index
    %swap3A_61 = tpu.vector_load %arg8[%swap3A_60] {strides = array<i32>} : memref<8240xi32, #tpu.memory_space<vmem>>, vector<16xi32>,
    tpu.vector_store %arg8[%swap3A_60], %add3A_59 {strides = array<i32>} : memref<8240xi32, #tpu.memory_space<vmem>>, vector<16xi32>,
    %add3A_62 = arith.constant 15 : i32
    %add3A_63 = arith.addi %select_n3A_53, %add3A_62 : i32
    %jit3A_64 = arith.constant 16 : i32
    %div3A_65 = arith.divsi %add3A_63, %jit3A_64 : i32
    %sign3A_66 = arith.constant 0 : i32
    %sign3A_67 = arith.cmpi sgt, %add3A_63, %sign3A_66 : i32
    %sign3A_68 = arith.extui %sign3A_67 : i1 to i32
    %sign3A_69 = arith.constant 0 : i32
    %sign3A_70 = arith.cmpi slt, %add3A_63, %sign3A_69 : i32
    %sign3A_71 = arith.extui %sign3A_70 : i1 to i32
    %sign3A_72 = arith.subi %sign3A_68, %sign3A_71 : i32
    %sign3A_73 = arith.constant 0 : i32
    %sign3A_74 = arith.cmpi sgt, %jit3A_64, %sign3A_73 : i32
    %sign3A_75 = arith.extui %sign3A_74 : i1 to i32
    %sign3A_76 = arith.constant 0 : i32
    %sign3A_77 = arith.cmpi slt, %jit3A_64, %sign3A_76 : i32
    %sign3A_78 = arith.extui %sign3A_77 : i1 to i32
    %sign3A_79 = arith.subi %sign3A_75, %sign3A_78 : i32
    %ne3A_80 = arith.cmpi ne, %sign3A_72, %sign3A_79 : i32
    %rem3A_81 = arith.remsi %add3A_63, %jit3A_64 : i32
    %ne3A_82 = arith.constant 0 : i32
    %ne3A_83 = arith.cmpi ne, %rem3A_81, %ne3A_82 : i32
    %and3A_84 = arith.andi %ne3A_80, %ne3A_83 : i1
    %sub3A_85 = arith.constant 1 : i32
    %sub3A_86 = arith.subi %div3A_65, %sub3A_85 : i32
    %select_n3A_87 = arith.select %and3A_84, %sub3A_86, %div3A_65 : i32
    %add3A_88 = arith.constant 8 : i32
    %add3A_89 = arith.addi %add3A_8, %add3A_88 : i32
    %sub3A_90 = arith.constant 1 : i32
    %sub3A_91 = arith.subi %add3A_89, %sub3A_90 : i32
    %jit3A_92 = arith.constant 8 : i32
    %div3A_93 = arith.divsi %sub3A_91, %jit3A_92 : i32
    %sign3A_94 = arith.constant 0 : i32
    %sign3A_95 = arith.cmpi sgt, %sub3A_91, %sign3A_94 : i32
    %sign3A_96 = arith.extui %sign3A_95 : i1 to i32
    %sign3A_97 = arith.constant 0 : i32
    %sign3A_98 = arith.cmpi slt, %sub3A_91, %sign3A_97 : i32
    %sign3A_99 = arith.extui %sign3A_98 : i1 to i32
    %sign3A_100 = arith.subi %sign3A_96, %sign3A_99 : i32
    %sign3A_101 = arith.constant 0 : i32
    %sign3A_102 = arith.cmpi sgt, %jit3A_92, %sign3A_101 : i32
    %sign3A_103 = arith.extui %sign3A_102 : i1 to i32
    %sign3A_104 = arith.constant 0 : i32
    %sign3A_105 = arith.cmpi slt, %jit3A_92, %sign3A_104 : i32
    %sign3A_106 = arith.extui %sign3A_105 : i1 to i32
    %sign3A_107 = arith.subi %sign3A_103, %sign3A_106 : i32
    %ne3A_108 = arith.cmpi ne, %sign3A_100, %sign3A_107 : i32
    %rem3A_109 = arith.remsi %sub3A_91, %jit3A_92 : i32
    %ne3A_110 = arith.constant 0 : i32
    %ne3A_111 = arith.cmpi ne, %rem3A_109, %ne3A_110 : i32
    %and3A_112 = arith.andi %ne3A_108, %ne3A_111 : i1
    %sub3A_113 = arith.constant 1 : i32
    %sub3A_114 = arith.subi %div3A_93, %sub3A_113 : i32
    %select_n3A_115 = arith.select %and3A_112, %sub3A_114, %div3A_93 : i32
    %scan3A_116 = arith.constant 0 : i32
    %scan3A_117 = arith.constant 0 : i32
    %scan3A_118 = arith.constant 8 : i32
    %scan3A_119 = arith.addi %scan3A_117, %scan3A_118 : i32
    %scan3A_120 = arith.constant 1 : i32
    %scan3A_121 = scf.for %scan3A_146 = %scan3A_117 to %scan3A_119 step %scan3A_120 iter_args(%scan3A_147 = %scan3A_116) -> (i32)  : i32 {
      %broadcast_in_dim3A_148 = arith.constant 0 : i32
      %broadcast_in_dim3A_149 = vector.broadcast %broadcast_in_dim3A_148 : i32 to vector<16xi32>
      %mul3A_150 = arith.constant 16 : i32
      %mul3A_151 = arith.muli %scan3A_146, %mul3A_150 : i32
      %broadcast_in_dim3A_152 = vector.broadcast %mul3A_151 : i32 to vector<16xi32>
      %add3A_153 = arith.addi %iota3A, %broadcast_in_dim3A_152 : vector<16xi32>
      %broadcast_in_dim3A_154 = arith.constant 106496 : i32
      %broadcast_in_dim3A_155 = vector.broadcast %broadcast_in_dim3A_154 : i32 to vector<16xi32>
      %add3A_156 = arith.addi %broadcast_in_dim3A_155, %iota3A : vector<16xi32>
      tpu.vector_store_idx %arg12[%broadcast_in_dim3A_149, %add3A_153], %add3A_156 : memref<1x128xi32, #tpu.memory_space<vmem>>[vector<16xi32>, vector<16xi32>], vector<16xi32>,
      %scan3A_157 = arith.constant 0 : i32
      scf.yield %scan3A_157 : i32
    }
    %scan3A_122 = arith.constant 8 : i32
    %while3A = arith.constant 0 : i32
    %while3A_123 = arith.constant 0 : i32
    %while3A_124 = arith.subi %select_n3A_115, %while3A : i32
    %while3A_125 = arith.addi %while3A, %while3A_124 : i32
    %while3A_126 = arith.constant 1 : i32
    %while3A_127 = arith.divsi %while3A_124, %while3A_126 : i32
    %while3A_128 = arith.muli %while3A_127, %while3A_126 : i32
    %while3A_129 = arith.addi %while3A, %while3A_128 : i32
    %while3A_130 = arith.constant 1 : i32
    %while3A_131 = scf.for %while3A_146 = %while3A to %while3A_129 step %while3A_130 iter_args(%while3A_147 = %while3A_123) -> (i32)  : i32 {
      %mul3A_148 = arith.constant 8 : i32
      %mul3A_149 = arith.muli %while3A_146, %mul3A_148 : i32
      %add3A_150 = arith.addi %add3A_4, %mul3A_149 : i32
      %mul3A_151 = arith.constant 8 : i32
      %mul3A_152 = arith.muli %while3A_146, %mul3A_151 : i32
      %sub3A_153 = arith.subi %add3A_8, %mul3A_152 : i32
      %min3A_154 = arith.constant 8 : i32
      %min3A_155 = arith.minsi %sub3A_153, %min3A_154 : i32
      %add3A_156 = arith.addi %add3A_150, %min3A_155 : i32
      %eq3A = arith.constant 20313 : i32
      %eq3A_157 = arith.cmpi eq, %add3A_156, %eq3A : i32
      %jit3A_158 = arith.constant 1 : i32
      %jit3A_159 = arith.constant 0 : i32
      %select_n3A_160 = arith.select %eq3A_157, %jit3A_158, %jit3A_159 : i32
      %sub3A_161 = arith.subi %min3A_155, %select_n3A_160 : i32
      %jit3A_162 = arith.constant 2 : i32
      %div3A_163 = arith.divsi %sub3A_161, %jit3A_162 : i32
      %sign3A_164 = arith.constant 0 : i32
      %sign3A_165 = arith.cmpi sgt, %sub3A_161, %sign3A_164 : i32
      %sign3A_166 = arith.extui %sign3A_165 : i1 to i32
      %sign3A_167 = arith.constant 0 : i32
      %sign3A_168 = arith.cmpi slt, %sub3A_161, %sign3A_167 : i32
      %sign3A_169 = arith.extui %sign3A_168 : i1 to i32
      %sign3A_170 = arith.subi %sign3A_166, %sign3A_169 : i32
      %sign3A_171 = arith.constant 0 : i32
      %sign3A_172 = arith.cmpi sgt, %jit3A_162, %sign3A_171 : i32
      %sign3A_173 = arith.extui %sign3A_172 : i1 to i32
      %sign3A_174 = arith.constant 0 : i32
      %sign3A_175 = arith.cmpi slt, %jit3A_162, %sign3A_174 : i32
      %sign3A_176 = arith.extui %sign3A_175 : i1 to i32
      %sign3A_177 = arith.subi %sign3A_173, %sign3A_176 : i32
      %ne3A_178 = arith.cmpi ne, %sign3A_170, %sign3A_177 : i32
      %rem3A_179 = arith.remsi %sub3A_161, %jit3A_162 : i32
      %ne3A_180 = arith.constant 0 : i32
      %ne3A_181 = arith.cmpi ne, %rem3A_179, %ne3A_180 : i32
      %and3A_182 = arith.andi %ne3A_178, %ne3A_181 : i1
      %sub3A_183 = arith.constant 1 : i32
      %sub3A_184 = arith.subi %div3A_163, %sub3A_183 : i32
      %select_n3A_185 = arith.select %and3A_182, %sub3A_184, %div3A_163 : i32
      %while3A_186 = arith.constant 0 : i32
      %while3A_187 = arith.constant 0 : i32
      %while3A_188 = arith.subi %select_n3A_185, %while3A_186 : i32
      %while3A_189 = arith.addi %while3A_186, %while3A_188 : i32
      %while3A_190 = arith.constant 1 : i32
      %while3A_191 = arith.divsi %while3A_188, %while3A_190 : i32
      %while3A_192 = arith.muli %while3A_191, %while3A_190 : i32
      %while3A_193 = arith.addi %while3A_186, %while3A_192 : i32
      %while3A_194 = arith.constant 1 : i32
      %while3A_195 = scf.for %while3A_341 = %while3A_186 to %while3A_193 step %while3A_194 iter_args(%while3A_342 = %while3A_187) -> (i32)  : i32 {
        %mul3A_343 = arith.constant 2 : i32
        %mul3A_344 = arith.muli %mul3A_343, %while3A_341 : i32
        %add3A_345 = arith.addi %add3A_150, %mul3A_344 : i32
        %mul3A_346 = arith.constant 128 : i32
        %mul3A_347 = arith.muli %add3A_345, %mul3A_346 : i32
        %dma_start3A_348 = arith.constant 0 : i32
        %dma_start3A_349 = arith.constant 0 : i32
        %dma_start3A_350 = tpu.memref_slice %arg9[%while3A_341, %dma_start3A_348, %dma_start3A_349] : memref<4x64x256xf32, #tpu.memory_space<vmem>> -> memref<1x64x256xf32, #tpu.memory_space<vmem>>
        %dma_start3A_351 = tpu.memref_squeeze %dma_start3A_350 : memref<1x64x256xf32, #tpu.memory_space<vmem>> -> memref<64x256xf32, #tpu.memory_space<vmem>>
        %dma_start3A_352 = arith.constant 0 : i32
        %dma_start3A_353 = tpu.memref_slice %arg2[%dma_start3A_352, %mul3A_347] : memref<64x2600000xf32, #tpu.memory_space<hbm>> -> memref<64x256xf32, #tpu.memory_space<hbm>>
        %dma_start3A_354 = arith.constant 0 : i32
        %dma_start3A_355 = arith.constant 0 : i32
        %dma_start3A_356 = tpu.memref_slice %arg9[%while3A_341, %dma_start3A_354, %dma_start3A_355] : memref<4x64x256xf32, #tpu.memory_space<vmem>> -> memref<1x64x256xf32, #tpu.memory_space<vmem>>
        %dma_start3A_357 = tpu.memref_squeeze %dma_start3A_356 : memref<1x64x256xf32, #tpu.memory_space<vmem>> -> memref<64x256xf32, #tpu.memory_space<vmem>>
        %dma_start3A_358 = arith.constant 0 : i32
        %dma_start3A_359 = tpu.memref_slice %arg2[%dma_start3A_358, %mul3A_347] : memref<64x2600000xf32, #tpu.memory_space<hbm>> -> memref<64x256xf32, #tpu.memory_space<hbm>>
        tpu.enqueue_dma source(%dma_start3A_359 : memref<64x256xf32, #tpu.memory_space<hbm>>) target(%dma_start3A_357 : memref<64x256xf32, #tpu.memory_space<vmem>>) target_semaphore(%arg14 : memref<!tpu.dma_semaphore, #tpu.memory_space<semaphore_mem>>)
        %while3A_360 = arith.constant 0 : i32
        scf.yield %while3A_360 : i32
      }
      %while3A_196 = arith.constant 1 : i32
      %while3A_197 = scf.for %while3A_341 = %while3A_193 to %while3A_189 step %while3A_196 iter_args(%while3A_342 = %while3A_195) -> (i32)  : i32 {
        %mul3A_343 = arith.constant 2 : i32
        %mul3A_344 = arith.muli %mul3A_343, %while3A_341 : i32
        %add3A_345 = arith.addi %add3A_150, %mul3A_344 : i32
        %mul3A_346 = arith.constant 128 : i32
        %mul3A_347 = arith.muli %add3A_345, %mul3A_346 : i32
        %dma_start3A_348 = arith.constant 0 : i32
        %dma_start3A_349 = arith.constant 0 : i32
        %dma_start3A_350 = tpu.memref_slice %arg9[%while3A_341, %dma_start3A_348, %dma_start3A_349] : memref<4x64x256xf32, #tpu.memory_space<vmem>> -> memref<1x64x256xf32, #tpu.memory_space<vmem>>
        %dma_start3A_351 = tpu.memref_squeeze %dma_start3A_350 : memref<1x64x256xf32, #tpu.memory_space<vmem>> -> memref<64x256xf32, #tpu.memory_space<vmem>>
        %dma_start3A_352 = arith.constant 0 : i32
        %dma_start3A_353 = tpu.memref_slice %arg2[%dma_start3A_352, %mul3A_347] : memref<64x2600000xf32, #tpu.memory_space<hbm>> -> memref<64x256xf32, #tpu.memory_space<hbm>>
        %dma_start3A_354 = arith.constant 0 : i32
        %dma_start3A_355 = arith.constant 0 : i32
        %dma_start3A_356 = tpu.memref_slice %arg9[%while3A_341, %dma_start3A_354, %dma_start3A_355] : memref<4x64x256xf32, #tpu.memory_space<vmem>> -> memref<1x64x256xf32, #tpu.memory_space<vmem>>
        %dma_start3A_357 = tpu.memref_squeeze %dma_start3A_356 : memref<1x64x256xf32, #tpu.memory_space<vmem>> -> memref<64x256xf32, #tpu.memory_space<vmem>>
        %dma_start3A_358 = arith.constant 0 : i32
        %dma_start3A_359 = tpu.memref_slice %arg2[%dma_start3A_358, %mul3A_347] : memref<64x2600000xf32, #tpu.memory_space<hbm>> -> memref<64x256xf32, #tpu.memory_space<hbm>>
        tpu.enqueue_dma source(%dma_start3A_359 : memref<64x256xf32, #tpu.memory_space<hbm>>) target(%dma_start3A_357 : memref<64x256xf32, #tpu.memory_space<vmem>>) target_semaphore(%arg14 : memref<!tpu.dma_semaphore, #tpu.memory_space<semaphore_mem>>)
        %while3A_360 = arith.constant 0 : i32
        scf.yield %while3A_360 : i32
      }
      %jit3A_198 = arith.constant 2 : i32
      %eq3A_199 = arith.constant 0 : i32
      %eq3A_200 = arith.cmpi eq, %jit3A_198, %eq3A_199 : i32
      %jit3A_201 = arith.constant 1 : i32
      %select_n3A_202 = arith.select %eq3A_200, %jit3A_201, %jit3A_198 : i32
      %rem3A_203 = arith.remsi %sub3A_161, %select_n3A_202 : i32
      %ne3A_204 = arith.constant 0 : i32
      %ne3A_205 = arith.cmpi ne, %rem3A_203, %ne3A_204 : i32
      %lt3A_206 = arith.constant 0 : i32
      %lt3A_207 = arith.cmpi slt, %rem3A_203, %lt3A_206 : i32
      %lt3A_208 = arith.constant 0 : i32
      %lt3A_209 = arith.cmpi slt, %select_n3A_202, %lt3A_208 : i32
      %ne3A_210 = arith.xori %lt3A_207, %lt3A_209 : i1
      %and3A_211 = arith.andi %ne3A_210, %ne3A_205 : i1
      %add3A_212 = arith.addi %rem3A_203, %select_n3A_202 : i32
      %select_n3A_213 = arith.select %and3A_211, %add3A_212, %rem3A_203 : i32
      %eq3A_214 = arith.constant 1 : i32
      %eq3A_215 = arith.cmpi eq, %select_n3A_213, %eq3A_214 : i32
      %convert_element_type3A = arith.extui %eq3A_215 : i1 to i32
      %cond3A = arith.constant 0 : i32
      %cond3A_216 = arith.cmpi ne, %convert_element_type3A, %cond3A : i32
      scf.if %cond3A_216 {
        %add3A_341 = arith.addi %add3A_150, %sub3A_161 : i32
        %sub3A_342 = arith.constant 1 : i32
        %sub3A_343 = arith.subi %add3A_341, %sub3A_342 : i32
        %mul3A_344 = arith.constant 128 : i32
        %mul3A_345 = arith.muli %sub3A_343, %mul3A_344 : i32
        %jit3A_346 = arith.constant 2 : i32
        %div3A_347 = arith.divsi %sub3A_161, %jit3A_346 : i32
        %sign3A_348 = arith.constant 0 : i32
        %sign3A_349 = arith.cmpi sgt, %sub3A_161, %sign3A_348 : i32
        %sign3A_350 = arith.extui %sign3A_349 : i1 to i32
        %sign3A_351 = arith.constant 0 : i32
        %sign3A_352 = arith.cmpi slt, %sub3A_161, %sign3A_351 : i32
        %sign3A_353 = arith.extui %sign3A_352 : i1 to i32
        %sign3A_354 = arith.subi %sign3A_350, %sign3A_353 : i32
        %sign3A_355 = arith.constant 0 : i32
        %sign3A_356 = arith.cmpi sgt, %jit3A_346, %sign3A_355 : i32
        %sign3A_357 = arith.extui %sign3A_356 : i1 to i32
        %sign3A_358 = arith.constant 0 : i32
        %sign3A_359 = arith.cmpi slt, %jit3A_346, %sign3A_358 : i32
        %sign3A_360 = arith.extui %sign3A_359 : i1 to i32
        %sign3A_361 = arith.subi %sign3A_357, %sign3A_360 : i32
        %ne3A_362 = arith.cmpi ne, %sign3A_354, %sign3A_361 : i32
        %rem3A_363 = arith.remsi %sub3A_161, %jit3A_346 : i32
        %ne3A_364 = arith.constant 0 : i32
        %ne3A_365 = arith.cmpi ne, %rem3A_363, %ne3A_364 : i32
        %and3A_366 = arith.andi %ne3A_362, %ne3A_365 : i1
        %sub3A_367 = arith.constant 1 : i32
        %sub3A_368 = arith.subi %div3A_347, %sub3A_367 : i32
        %select_n3A_369 = arith.select %and3A_366, %sub3A_368, %div3A_347 : i32
        %dma_start3A_370 = arith.constant 0 : i32
        %dma_start3A_371 = arith.constant 0 : i32
        %dma_start3A_372 = tpu.memref_slice %arg9[%select_n3A_369, %dma_start3A_370, %dma_start3A_371] : memref<4x64x256xf32, #tpu.memory_space<vmem>> -> memref<1x64x128xf32, #tpu.memory_space<vmem>>
        %dma_start3A_373 = tpu.memref_squeeze %dma_start3A_372 : memref<1x64x128xf32, #tpu.memory_space<vmem>> -> memref<64x128xf32, #tpu.memory_space<vmem>>
        %dma_start3A_374 = arith.constant 0 : i32
        %dma_start3A_375 = tpu.memref_slice %arg2[%dma_start3A_374, %mul3A_345] : memref<64x2600000xf32, #tpu.memory_space<hbm>> -> memref<64x128xf32, #tpu.memory_space<hbm>>
        %dma_start3A_376 = arith.constant 0 : i32
        %dma_start3A_377 = arith.constant 0 : i32
        %dma_start3A_378 = tpu.memref_slice %arg9[%select_n3A_369, %dma_start3A_376, %dma_start3A_377] : memref<4x64x256xf32, #tpu.memory_space<vmem>> -> memref<1x64x128xf32, #tpu.memory_space<vmem>>
        %dma_start3A_379 = tpu.memref_squeeze %dma_start3A_378 : memref<1x64x128xf32, #tpu.memory_space<vmem>> -> memref<64x128xf32, #tpu.memory_space<vmem>>
        %dma_start3A_380 = arith.constant 0 : i32
        %dma_start3A_381 = tpu.memref_slice %arg2[%dma_start3A_380, %mul3A_345] : memref<64x2600000xf32, #tpu.memory_space<hbm>> -> memref<64x128xf32, #tpu.memory_space<hbm>>
        tpu.enqueue_dma source(%dma_start3A_381 : memref<64x128xf32, #tpu.memory_space<hbm>>) target(%dma_start3A_379 : memref<64x128xf32, #tpu.memory_space<vmem>>) target_semaphore(%arg14 : memref<!tpu.dma_semaphore, #tpu.memory_space<semaphore_mem>>)
      } else {
      }
      %convert_element_type3A_217 = arith.extui %eq3A_157 : i1 to i32
      %cond3A_218 = arith.constant 0 : i32
      %cond3A_219 = arith.cmpi ne, %convert_element_type3A_217, %cond3A_218 : i32
      scf.if %cond3A_219 {
        %jit3A_341 = arith.constant 2 : i32
        %div3A_342 = arith.divsi %sub3A_161, %jit3A_341 : i32
        %sign3A_343 = arith.constant 0 : i32
        %sign3A_344 = arith.cmpi sgt, %sub3A_161, %sign3A_343 : i32
        %sign3A_345 = arith.extui %sign3A_344 : i1 to i32
        %sign3A_346 = arith.constant 0 : i32
        %sign3A_347 = arith.cmpi slt, %sub3A_161, %sign3A_346 : i32
        %sign3A_348 = arith.extui %sign3A_347 : i1 to i32
        %sign3A_349 = arith.subi %sign3A_345, %sign3A_348 : i32
        %sign3A_350 = arith.constant 0 : i32
        %sign3A_351 = arith.cmpi sgt, %jit3A_341, %sign3A_350 : i32
        %sign3A_352 = arith.extui %sign3A_351 : i1 to i32
        %sign3A_353 = arith.constant 0 : i32
        %sign3A_354 = arith.cmpi slt, %jit3A_341, %sign3A_353 : i32
        %sign3A_355 = arith.extui %sign3A_354 : i1 to i32
        %sign3A_356 = arith.subi %sign3A_352, %sign3A_355 : i32
        %ne3A_357 = arith.cmpi ne, %sign3A_349, %sign3A_356 : i32
        %rem3A_358 = arith.remsi %sub3A_161, %jit3A_341 : i32
        %ne3A_359 = arith.constant 0 : i32
        %ne3A_360 = arith.cmpi ne, %rem3A_358, %ne3A_359 : i32
        %and3A_361 = arith.andi %ne3A_357, %ne3A_360 : i1
        %sub3A_362 = arith.constant 1 : i32
        %sub3A_363 = arith.subi %div3A_342, %sub3A_362 : i32
        %select_n3A_364 = arith.select %and3A_361, %sub3A_363, %div3A_342 : i32
        %jit3A_365 = arith.constant 2 : i32
        %eq3A_366 = arith.constant 0 : i32
        %eq3A_367 = arith.cmpi eq, %jit3A_365, %eq3A_366 : i32
        %jit3A_368 = arith.constant 1 : i32
        %select_n3A_369 = arith.select %eq3A_367, %jit3A_368, %jit3A_365 : i32
        %rem3A_370 = arith.remsi %sub3A_161, %select_n3A_369 : i32
        %ne3A_371 = arith.constant 0 : i32
        %ne3A_372 = arith.cmpi ne, %rem3A_370, %ne3A_371 : i32
        %lt3A_373 = arith.constant 0 : i32
        %lt3A_374 = arith.cmpi slt, %rem3A_370, %lt3A_373 : i32
        %lt3A_375 = arith.constant 0 : i32
        %lt3A_376 = arith.cmpi slt, %select_n3A_369, %lt3A_375 : i32
        %ne3A_377 = arith.xori %lt3A_374, %lt3A_376 : i1
        %and3A_378 = arith.andi %ne3A_377, %ne3A_372 : i1
        %add3A_379 = arith.addi %rem3A_370, %select_n3A_369 : i32
        %select_n3A_380 = arith.select %and3A_378, %add3A_379, %rem3A_370 : i32
        %mul3A_381 = arith.constant 128 : i32
        %mul3A_382 = arith.muli %select_n3A_380, %mul3A_381 : i32
        "tpu.region"() ({
          %run_scoped3A_383 = tpu.sem_alloc : memref<!tpu.dma_semaphore, #tpu.memory_space<semaphore_mem>>
          %dma_start3A_384 = arith.constant 0 : i32
          %dma_start3A_385 = tpu.memref_slice %arg9[%select_n3A_364, %dma_start3A_384, %mul3A_382] : memref<4x64x256xf32, #tpu.memory_space<vmem>> -> memref<1x64x128xf32, #tpu.memory_space<vmem>>
          %dma_start3A_386 = tpu.memref_squeeze %dma_start3A_385 : memref<1x64x128xf32, #tpu.memory_space<vmem>> -> memref<64x128xf32, #tpu.memory_space<vmem>>
          %dma_start3A_387 = arith.constant 0 : i32
          %dma_start3A_388 = tpu.memref_slice %arg9[%select_n3A_364, %dma_start3A_387, %mul3A_382] : memref<4x64x256xf32, #tpu.memory_space<vmem>> -> memref<1x64x128xf32, #tpu.memory_space<vmem>>
          %dma_start3A_389 = tpu.memref_squeeze %dma_start3A_388 : memref<1x64x128xf32, #tpu.memory_space<vmem>> -> memref<64x128xf32, #tpu.memory_space<vmem>>
          tpu.enqueue_dma source(%arg4 : memref<64x128xf32, #tpu.memory_space<hbm>>) target(%dma_start3A_389 : memref<64x128xf32, #tpu.memory_space<vmem>>) target_semaphore(%run_scoped3A_383 : memref<!tpu.dma_semaphore, #tpu.memory_space<semaphore_mem>>)
          %dma_wait3A_390 = arith.constant 0 : i32
          %dma_wait3A_391 = tpu.memref_slice %arg9[%select_n3A_364, %dma_wait3A_390, %mul3A_382] : memref<4x64x256xf32, #tpu.memory_space<vmem>> -> memref<1x64x128xf32, #tpu.memory_space<vmem>>
          %dma_wait3A_392 = tpu.memref_squeeze %dma_wait3A_391 : memref<1x64x128xf32, #tpu.memory_space<vmem>> -> memref<64x128xf32, #tpu.memory_space<vmem>>
          %dma_wait3A_393 = arith.constant 0 : i32
          %dma_wait3A_394 = tpu.memref_slice %arg9[%select_n3A_364, %dma_wait3A_393, %mul3A_382] : memref<4x64x256xf32, #tpu.memory_space<vmem>> -> memref<1x64x128xf32, #tpu.memory_space<vmem>>
          %dma_wait3A_395 = tpu.memref_squeeze %dma_wait3A_394 : memref<1x64x128xf32, #tpu.memory_space<vmem>> -> memref<64x128xf32, #tpu.memory_space<vmem>>
          tpu.wait_dma2 semaphore(%run_scoped3A_383 : memref<!tpu.dma_semaphore, #tpu.memory_space<semaphore_mem>>) src(%arg4 : memref<64x128xf32, #tpu.memory_space<hbm>>) dst(%dma_wait3A_395 : memref<64x128xf32, #tpu.memory_space<vmem>>)
          tpu.yield
        }) : () -> ()
      } else {
      }
      %broadcast_in_dim3A_220 = vector.broadcast %add3A_150 : i32 to vector<16xi32>
      %add3A_221 = arith.addi %add3A_150, %min3A_155 : i32
      %broadcast_in_dim3A_222 = vector.broadcast %add3A_221 : i32 to vector<16xi32>
      %while3A_223 = arith.constant 0 : i32
      %while3A_224 = arith.constant 0 : i32
      %while3A_225 = arith.subi %select_n3A_87, %while3A_223 : i32
      %while3A_226 = arith.addi %while3A_223, %while3A_225 : i32
      %while3A_227 = arith.constant 1 : i32
      %while3A_228 = arith.divsi %while3A_225, %while3A_227 : i32
      %while3A_229 = arith.muli %while3A_228, %while3A_227 : i32
      %while3A_230 = arith.addi %while3A_223, %while3A_229 : i32
      %while3A_231 = arith.constant 1 : i32
      %while3A_232 = scf.for %while3A_341 = %while3A_223 to %while3A_230 step %while3A_231 iter_args(%while3A_342 = %while3A_224) -> (i32)  : i32 {
        %mul3A_343 = arith.constant 16 : i32
        %mul3A_344 = arith.muli %while3A_341, %mul3A_343 : i32
        %get3A = arith.index_cast %mul3A_344 : i32 to index
        %get3A_345 = tpu.vector_load %arg7[%get3A] {strides = array<i32>} : memref<8240xi32, #tpu.memory_space<vmem>>, vector<16xi32>,
        %shift_right_logical3A = arith.constant 7 : i32
        %shift_right_logical3A_346 = vector.broadcast %shift_right_logical3A : i32 to vector<16xi32>
        %shift_right_logical3A_347 = arith.shrui %get3A_345, %shift_right_logical3A_346 : vector<16xi32>
        %ge3A = arith.cmpi sge, %shift_right_logical3A_347, %broadcast_in_dim3A_220 : vector<16xi32>
        %lt3A_348 = arith.cmpi slt, %shift_right_logical3A_347, %broadcast_in_dim3A_222 : vector<16xi32>
        %and3A_349 = arith.andi %ge3A, %lt3A_348 : vector<16xi1>
        %all_reduce_population_count3A = tpu.all_reduce %and3A_349 {dim = 0 : i64, kind = #tpu.reduction_kind<sum>} : vector<16xi1> -> vector<16xi32>
        %slice3A = vector.extract_strided_slice %all_reduce_population_count3A {offsets = [0], sizes = [1], strides = [1]} : vector<16xi32> to vector<1xi32>
        %squeeze3A = vector.extract %slice3A[0] : i32 from vector<1xi32>
        %gt3A = arith.constant 0 : i32
        %gt3A_350 = arith.cmpi sgt, %squeeze3A, %gt3A : i32
        %convert_element_type3A_351 = arith.extui %gt3A_350 : i1 to i32
        %cond3A_352 = arith.constant 0 : i32
        %cond3A_353 = arith.cmpi ne, %convert_element_type3A_351, %cond3A_352 : i32
        scf.if %cond3A_353 {
          %mul3A_355 = arith.constant 16 : i32
          %mul3A_356 = arith.muli %while3A_341, %mul3A_355 : i32
          %get3A_357 = arith.index_cast %mul3A_356 : i32 to index
          %get3A_358 = tpu.vector_load %arg8[%get3A_357] {strides = array<i32>} : memref<8240xi32, #tpu.memory_space<vmem>>, vector<16xi32>,
          %convert_element_type3A_359 = arith.extui %and3A_349 : vector<16xi1> to vector<16xi32>
          %broadcast_in_dim3A_360 = arith.constant true
          %broadcast_in_dim3A_361 = vector.broadcast %broadcast_in_dim3A_360 : i1 to vector<16xi1>
          %masked_cumsum3A = tpu.scan <sum>, %convert_element_type3A_359 masked %broadcast_in_dim3A_361 : vector<16xi32>, vector<16xi1> -> vector<16xi32>
          %broadcast_in_dim3A_362 = vector.broadcast %while3A_342 : i32 to vector<16xi32>
          %add3A_363 = arith.addi %broadcast_in_dim3A_362, %masked_cumsum3A : vector<16xi32>
          %sub3A_364 = arith.subi %add3A_363, %convert_element_type3A_359 : vector<16xi32>
          %broadcast_in_dim3A_365 = arith.constant 8239 : i32
          %broadcast_in_dim3A_366 = vector.broadcast %broadcast_in_dim3A_365 : i32 to vector<16xi32>
          %select_n3A_367 = arith.select %and3A_349, %sub3A_364, %broadcast_in_dim3A_366 : vector<16xi1>, vector<16xi32>
          tpu.vector_store_idx %arg10[%select_n3A_367], %get3A_345 : memref<8240xi32, #tpu.memory_space<vmem>>[vector<16xi32>], vector<16xi32>,
          tpu.vector_store_idx %arg11[%select_n3A_367], %get3A_358 : memref<8240xi32, #tpu.memory_space<vmem>>[vector<16xi32>], vector<16xi32>,
        } else {
        }
        %add3A_354 = arith.addi %while3A_342, %squeeze3A : i32
        scf.yield %add3A_354 : i32
      }
      %while3A_233 = arith.constant 1 : i32
      %while3A_234 = scf.for %while3A_341 = %while3A_230 to %while3A_226 step %while3A_233 iter_args(%while3A_342 = %while3A_232) -> (i32)  : i32 {
        %mul3A_343 = arith.constant 16 : i32
        %mul3A_344 = arith.muli %while3A_341, %mul3A_343 : i32
        %get3A = arith.index_cast %mul3A_344 : i32 to index
        %get3A_345 = tpu.vector_load %arg7[%get3A] {strides = array<i32>} : memref<8240xi32, #tpu.memory_space<vmem>>, vector<16xi32>,
        %shift_right_logical3A = arith.constant 7 : i32
        %shift_right_logical3A_346 = vector.broadcast %shift_right_logical3A : i32 to vector<16xi32>
        %shift_right_logical3A_347 = arith.shrui %get3A_345, %shift_right_logical3A_346 : vector<16xi32>
        %ge3A = arith.cmpi sge, %shift_right_logical3A_347, %broadcast_in_dim3A_220 : vector<16xi32>
        %lt3A_348 = arith.cmpi slt, %shift_right_logical3A_347, %broadcast_in_dim3A_222 : vector<16xi32>
        %and3A_349 = arith.andi %ge3A, %lt3A_348 : vector<16xi1>
        %all_reduce_population_count3A = tpu.all_reduce %and3A_349 {dim = 0 : i64, kind = #tpu.reduction_kind<sum>} : vector<16xi1> -> vector<16xi32>
        %slice3A = vector.extract_strided_slice %all_reduce_population_count3A {offsets = [0], sizes = [1], strides = [1]} : vector<16xi32> to vector<1xi32>
        %squeeze3A = vector.extract %slice3A[0] : i32 from vector<1xi32>
        %gt3A = arith.constant 0 : i32
        %gt3A_350 = arith.cmpi sgt, %squeeze3A, %gt3A : i32
        %convert_element_type3A_351 = arith.extui %gt3A_350 : i1 to i32
        %cond3A_352 = arith.constant 0 : i32
        %cond3A_353 = arith.cmpi ne, %convert_element_type3A_351, %cond3A_352 : i32
        scf.if %cond3A_353 {
          %mul3A_355 = arith.constant 16 : i32
          %mul3A_356 = arith.muli %while3A_341, %mul3A_355 : i32
          %get3A_357 = arith.index_cast %mul3A_356 : i32 to index
          %get3A_358 = tpu.vector_load %arg8[%get3A_357] {strides = array<i32>} : memref<8240xi32, #tpu.memory_space<vmem>>, vector<16xi32>,
          %convert_element_type3A_359 = arith.extui %and3A_349 : vector<16xi1> to vector<16xi32>
          %broadcast_in_dim3A_360 = arith.constant true
          %broadcast_in_dim3A_361 = vector.broadcast %broadcast_in_dim3A_360 : i1 to vector<16xi1>
          %masked_cumsum3A = tpu.scan <sum>, %convert_element_type3A_359 masked %broadcast_in_dim3A_361 : vector<16xi32>, vector<16xi1> -> vector<16xi32>
          %broadcast_in_dim3A_362 = vector.broadcast %while3A_342 : i32 to vector<16xi32>
          %add3A_363 = arith.addi %broadcast_in_dim3A_362, %masked_cumsum3A : vector<16xi32>
          %sub3A_364 = arith.subi %add3A_363, %convert_element_type3A_359 : vector<16xi32>
          %broadcast_in_dim3A_365 = arith.constant 8239 : i32
          %broadcast_in_dim3A_366 = vector.broadcast %broadcast_in_dim3A_365 : i32 to vector<16xi32>
          %select_n3A_367 = arith.select %and3A_349, %sub3A_364, %broadcast_in_dim3A_366 : vector<16xi1>, vector<16xi32>
          tpu.vector_store_idx %arg10[%select_n3A_367], %get3A_345 : memref<8240xi32, #tpu.memory_space<vmem>>[vector<16xi32>], vector<16xi32>,
          tpu.vector_store_idx %arg11[%select_n3A_367], %get3A_358 : memref<8240xi32, #tpu.memory_space<vmem>>[vector<16xi32>], vector<16xi32>,
        } else {
        }
        %add3A_354 = arith.addi %while3A_342, %squeeze3A : i32
        scf.yield %add3A_354 : i32
      }
      %mul3A_235 = arith.constant 128 : i32
      %mul3A_236 = arith.muli %add3A_150, %mul3A_235 : i32
      %broadcast_in_dim3A_237 = vector.broadcast %mul3A_236 : i32 to vector<16xi32>
      %swap3A_238 = arith.index_cast %while3A_234 : i32 to index
      %swap3A_239 = tpu.vector_load %arg10[%swap3A_238] {strides = array<i32>} : memref<8240xi32, #tpu.memory_space<vmem>>, vector<16xi32>,
      tpu.vector_store %arg10[%swap3A_238], %broadcast_in_dim3A_237 {strides = array<i32>} : memref<8240xi32, #tpu.memory_space<vmem>>, vector<16xi32>,
      %broadcast_in_dim3A_240 = arith.constant 106496 : i32
      %broadcast_in_dim3A_241 = vector.broadcast %broadcast_in_dim3A_240 : i32 to vector<16xi32>
      %add3A_242 = arith.addi %broadcast_in_dim3A_241, %iota3A : vector<16xi32>
      %swap3A_243 = arith.index_cast %while3A_234 : i32 to index
      %swap3A_244 = tpu.vector_load %arg11[%swap3A_243] {strides = array<i32>} : memref<8240xi32, #tpu.memory_space<vmem>>, vector<16xi32>,
      tpu.vector_store %arg11[%swap3A_243], %add3A_242 {strides = array<i32>} : memref<8240xi32, #tpu.memory_space<vmem>>, vector<16xi32>,
      %jit3A_245 = arith.constant 2 : i32
      %div3A_246 = arith.divsi %sub3A_161, %jit3A_245 : i32
      %sign3A_247 = arith.constant 0 : i32
      %sign3A_248 = arith.cmpi sgt, %sub3A_161, %sign3A_247 : i32
      %sign3A_249 = arith.extui %sign3A_248 : i1 to i32
      %sign3A_250 = arith.constant 0 : i32
      %sign3A_251 = arith.cmpi slt, %sub3A_161, %sign3A_250 : i32
      %sign3A_252 = arith.extui %sign3A_251 : i1 to i32
      %sign3A_253 = arith.subi %sign3A_249, %sign3A_252 : i32
      %sign3A_254 = arith.constant 0 : i32
      %sign3A_255 = arith.cmpi sgt, %jit3A_245, %sign3A_254 : i32
      %sign3A_256 = arith.extui %sign3A_255 : i1 to i32
      %sign3A_257 = arith.constant 0 : i32
      %sign3A_258 = arith.cmpi slt, %jit3A_245, %sign3A_257 : i32
      %sign3A_259 = arith.extui %sign3A_258 : i1 to i32
      %sign3A_260 = arith.subi %sign3A_256, %sign3A_259 : i32
      %ne3A_261 = arith.cmpi ne, %sign3A_253, %sign3A_260 : i32
      %rem3A_262 = arith.remsi %sub3A_161, %jit3A_245 : i32
      %ne3A_263 = arith.constant 0 : i32
      %ne3A_264 = arith.cmpi ne, %rem3A_262, %ne3A_263 : i32
      %and3A_265 = arith.andi %ne3A_261, %ne3A_264 : i1
      %sub3A_266 = arith.constant 1 : i32
      %sub3A_267 = arith.subi %div3A_246, %sub3A_266 : i32
      %select_n3A_268 = arith.select %and3A_265, %sub3A_267, %div3A_246 : i32
      %while3A_269 = arith.constant 0 : i32
      %while3A_270 = arith.constant 0 : i32
      %while3A_271 = arith.subi %select_n3A_268, %while3A_269 : i32
      %while3A_272 = arith.addi %while3A_269, %while3A_271 : i32
      %while3A_273 = arith.constant 1 : i32
      %while3A_274 = arith.divsi %while3A_271, %while3A_273 : i32
      %while3A_275 = arith.muli %while3A_274, %while3A_273 : i32
      %while3A_276 = arith.addi %while3A_269, %while3A_275 : i32
      %while3A_277 = arith.constant 1 : i32
      %while3A_278 = scf.for %while3A_341 = %while3A_269 to %while3A_276 step %while3A_277 iter_args(%while3A_342 = %while3A_270) -> (i32)  : i32 {
        %dma_wait3A_343 = arith.constant 0 : i32
        %dma_wait3A_344 = arith.constant 0 : i32
        %dma_wait3A_345 = arith.constant 0 : i32
        %dma_wait3A_346 = tpu.memref_slice %arg9[%dma_wait3A_343, %dma_wait3A_344, %dma_wait3A_345] : memref<4x64x256xf32, #tpu.memory_space<vmem>> -> memref<1x64x256xf32, #tpu.memory_space<vmem>>
        %dma_wait3A_347 = tpu.memref_squeeze %dma_wait3A_346 : memref<1x64x256xf32, #tpu.memory_space<vmem>> -> memref<64x256xf32, #tpu.memory_space<vmem>>
        %dma_wait3A_348 = arith.constant 0 : i32
        %dma_wait3A_349 = arith.constant 0 : i32
        %dma_wait3A_350 = tpu.memref_slice %arg2[%dma_wait3A_348, %dma_wait3A_349] : memref<64x2600000xf32, #tpu.memory_space<hbm>> -> memref<64x256xf32, #tpu.memory_space<hbm>>
        %dma_wait3A_351 = arith.constant 0 : i32
        %dma_wait3A_352 = arith.constant 0 : i32
        %dma_wait3A_353 = tpu.memref_slice %arg9[%dma_wait3A_343, %dma_wait3A_351, %dma_wait3A_352] : memref<4x64x256xf32, #tpu.memory_space<vmem>> -> memref<1x64x256xf32, #tpu.memory_space<vmem>>
        %dma_wait3A_354 = tpu.memref_squeeze %dma_wait3A_353 : memref<1x64x256xf32, #tpu.memory_space<vmem>> -> memref<64x256xf32, #tpu.memory_space<vmem>>
        %dma_wait3A_355 = arith.constant 0 : i32
        %dma_wait3A_356 = arith.constant 0 : i32
        %dma_wait3A_357 = tpu.memref_slice %arg2[%dma_wait3A_355, %dma_wait3A_356] : memref<64x2600000xf32, #tpu.memory_space<hbm>> -> memref<64x256xf32, #tpu.memory_space<hbm>>
        tpu.wait_dma2 semaphore(%arg14 : memref<!tpu.dma_semaphore, #tpu.memory_space<semaphore_mem>>) src(%dma_wait3A_357 : memref<64x256xf32, #tpu.memory_space<hbm>>) dst(%dma_wait3A_354 : memref<64x256xf32, #tpu.memory_space<vmem>>)
        %while3A_358 = arith.constant 0 : i32
        scf.yield %while3A_358 : i32
      }
      %while3A_279 = arith.constant 1 : i32
      %while3A_280 = scf.for %while3A_341 = %while3A_276 to %while3A_272 step %while3A_279 iter_args(%while3A_342 = %while3A_278) -> (i32)  : i32 {
        %dma_wait3A_343 = arith.constant 0 : i32
        %dma_wait3A_344 = arith.constant 0 : i32
        %dma_wait3A_345 = arith.constant 0 : i32
        %dma_wait3A_346 = tpu.memref_slice %arg9[%dma_wait3A_343, %dma_wait3A_344, %dma_wait3A_345] : memref<4x64x256xf32, #tpu.memory_space<vmem>> -> memref<1x64x256xf32, #tpu.memory_space<vmem>>
        %dma_wait3A_347 = tpu.memref_squeeze %dma_wait3A_346 : memref<1x64x256xf32, #tpu.memory_space<vmem>> -> memref<64x256xf32, #tpu.memory_space<vmem>>
        %dma_wait3A_348 = arith.constant 0 : i32
        %dma_wait3A_349 = arith.constant 0 : i32
        %dma_wait3A_350 = tpu.memref_slice %arg2[%dma_wait3A_348, %dma_wait3A_349] : memref<64x2600000xf32, #tpu.memory_space<hbm>> -> memref<64x256xf32, #tpu.memory_space<hbm>>
        %dma_wait3A_351 = arith.constant 0 : i32
        %dma_wait3A_352 = arith.constant 0 : i32
        %dma_wait3A_353 = tpu.memref_slice %arg9[%dma_wait3A_343, %dma_wait3A_351, %dma_wait3A_352] : memref<4x64x256xf32, #tpu.memory_space<vmem>> -> memref<1x64x256xf32, #tpu.memory_space<vmem>>
        %dma_wait3A_354 = tpu.memref_squeeze %dma_wait3A_353 : memref<1x64x256xf32, #tpu.memory_space<vmem>> -> memref<64x256xf32, #tpu.memory_space<vmem>>
        %dma_wait3A_355 = arith.constant 0 : i32
        %dma_wait3A_356 = arith.constant 0 : i32
        %dma_wait3A_357 = tpu.memref_slice %arg2[%dma_wait3A_355, %dma_wait3A_356] : memref<64x2600000xf32, #tpu.memory_space<hbm>> -> memref<64x256xf32, #tpu.memory_space<hbm>>
        tpu.wait_dma2 semaphore(%arg14 : memref<!tpu.dma_semaphore, #tpu.memory_space<semaphore_mem>>) src(%dma_wait3A_357 : memref<64x256xf32, #tpu.memory_space<hbm>>) dst(%dma_wait3A_354 : memref<64x256xf32, #tpu.memory_space<vmem>>)
        %while3A_358 = arith.constant 0 : i32
        scf.yield %while3A_358 : i32
      }
      %jit3A_281 = arith.constant 2 : i32
      %eq3A_282 = arith.constant 0 : i32
      %eq3A_283 = arith.cmpi eq, %jit3A_281, %eq3A_282 : i32
      %jit3A_284 = arith.constant 1 : i32
      %select_n3A_285 = arith.select %eq3A_283, %jit3A_284, %jit3A_281 : i32
      %rem3A_286 = arith.remsi %sub3A_161, %select_n3A_285 : i32
      %ne3A_287 = arith.constant 0 : i32
      %ne3A_288 = arith.cmpi ne, %rem3A_286, %ne3A_287 : i32
      %lt3A_289 = arith.constant 0 : i32
      %lt3A_290 = arith.cmpi slt, %rem3A_286, %lt3A_289 : i32
      %lt3A_291 = arith.constant 0 : i32
      %lt3A_292 = arith.cmpi slt, %select_n3A_285, %lt3A_291 : i32
      %ne3A_293 = arith.xori %lt3A_290, %lt3A_292 : i1
      %and3A_294 = arith.andi %ne3A_293, %ne3A_288 : i1
      %add3A_295 = arith.addi %rem3A_286, %select_n3A_285 : i32
      %select_n3A_296 = arith.select %and3A_294, %add3A_295, %rem3A_286 : i32
      %eq3A_297 = arith.constant 1 : i32
      %eq3A_298 = arith.cmpi eq, %select_n3A_296, %eq3A_297 : i32
      %convert_element_type3A_299 = arith.extui %eq3A_298 : i1 to i32
      %cond3A_300 = arith.constant 0 : i32
      %cond3A_301 = arith.cmpi ne, %convert_element_type3A_299, %cond3A_300 : i32
      scf.if %cond3A_301 {
        %dma_wait3A_341 = arith.constant 0 : i32
        %dma_wait3A_342 = arith.constant 0 : i32
        %dma_wait3A_343 = arith.constant 0 : i32
        %dma_wait3A_344 = tpu.memref_slice %arg9[%dma_wait3A_341, %dma_wait3A_342, %dma_wait3A_343] : memref<4x64x256xf32, #tpu.memory_space<vmem>> -> memref<1x64x128xf32, #tpu.memory_space<vmem>>
        %dma_wait3A_345 = tpu.memref_squeeze %dma_wait3A_344 : memref<1x64x128xf32, #tpu.memory_space<vmem>> -> memref<64x128xf32, #tpu.memory_space<vmem>>
        %dma_wait3A_346 = arith.constant 0 : i32
        %dma_wait3A_347 = arith.constant 0 : i32
        %dma_wait3A_348 = tpu.memref_slice %arg2[%dma_wait3A_346, %dma_wait3A_347] : memref<64x2600000xf32, #tpu.memory_space<hbm>> -> memref<64x128xf32, #tpu.memory_space<hbm>>
        %dma_wait3A_349 = arith.constant 0 : i32
        %dma_wait3A_350 = arith.constant 0 : i32
        %dma_wait3A_351 = tpu.memref_slice %arg9[%dma_wait3A_341, %dma_wait3A_349, %dma_wait3A_350] : memref<4x64x256xf32, #tpu.memory_space<vmem>> -> memref<1x64x128xf32, #tpu.memory_space<vmem>>
        %dma_wait3A_352 = tpu.memref_squeeze %dma_wait3A_351 : memref<1x64x128xf32, #tpu.memory_space<vmem>> -> memref<64x128xf32, #tpu.memory_space<vmem>>
        %dma_wait3A_353 = arith.constant 0 : i32
        %dma_wait3A_354 = arith.constant 0 : i32
        %dma_wait3A_355 = tpu.memref_slice %arg2[%dma_wait3A_353, %dma_wait3A_354] : memref<64x2600000xf32, #tpu.memory_space<hbm>> -> memref<64x128xf32, #tpu.memory_space<hbm>>
        tpu.wait_dma2 semaphore(%arg14 : memref<!tpu.dma_semaphore, #tpu.memory_space<semaphore_mem>>) src(%dma_wait3A_355 : memref<64x128xf32, #tpu.memory_space<hbm>>) dst(%dma_wait3A_352 : memref<64x128xf32, #tpu.memory_space<vmem>>)
      } else {
      }
      %add3A_302 = arith.constant 15 : i32
      %add3A_303 = arith.addi %while3A_234, %add3A_302 : i32
      %jit3A_304 = arith.constant 16 : i32
      %div3A_305 = arith.divsi %add3A_303, %jit3A_304 : i32
      %sign3A_306 = arith.constant 0 : i32
      %sign3A_307 = arith.cmpi sgt, %add3A_303, %sign3A_306 : i32
      %sign3A_308 = arith.extui %sign3A_307 : i1 to i32
      %sign3A_309 = arith.constant 0 : i32
      %sign3A_310 = arith.cmpi slt, %add3A_303, %sign3A_309 : i32
      %sign3A_311 = arith.extui %sign3A_310 : i1 to i32
      %sign3A_312 = arith.subi %sign3A_308, %sign3A_311 : i32
      %sign3A_313 = arith.constant 0 : i32
      %sign3A_314 = arith.cmpi sgt, %jit3A_304, %sign3A_313 : i32
      %sign3A_315 = arith.extui %sign3A_314 : i1 to i32
      %sign3A_316 = arith.constant 0 : i32
      %sign3A_317 = arith.cmpi slt, %jit3A_304, %sign3A_316 : i32
      %sign3A_318 = arith.extui %sign3A_317 : i1 to i32
      %sign3A_319 = arith.subi %sign3A_315, %sign3A_318 : i32
      %ne3A_320 = arith.cmpi ne, %sign3A_312, %sign3A_319 : i32
      %rem3A_321 = arith.remsi %add3A_303, %jit3A_304 : i32
      %ne3A_322 = arith.constant 0 : i32
      %ne3A_323 = arith.cmpi ne, %rem3A_321, %ne3A_322 : i32
      %and3A_324 = arith.andi %ne3A_320, %ne3A_323 : i1
      %sub3A_325 = arith.constant 1 : i32
      %sub3A_326 = arith.subi %div3A_305, %sub3A_325 : i32
      %select_n3A_327 = arith.select %and3A_324, %sub3A_326, %div3A_305 : i32
      %broadcast_in_dim3A_328 = arith.constant 0 : i32
      %broadcast_in_dim3A_329 = vector.broadcast %broadcast_in_dim3A_328 : i32 to vector<16xi32>
      %while3A_330 = arith.constant 0 : i32
      %while3A_331 = arith.subi %select_n3A_327, %while3A_330 : i32
      %while3A_332 = arith.addi %while3A_330, %while3A_331 : i32
      %while3A_333 = arith.constant 1 : i32
      %while3A_334 = arith.divsi %while3A_331, %while3A_333 : i32
      %while3A_335 = arith.muli %while3A_334, %while3A_333 : i32
      %while3A_336 = arith.addi %while3A_330, %while3A_335 : i32
      %while3A_337 = arith.constant 1 : i32
      %while3A_338 = scf.for %while3A_341 = %while3A_330 to %while3A_336 step %while3A_337 iter_args(%while3A_342 = %while3A_147) -> (i32)  : i32 {
        %mul3A_343 = arith.constant 16 : i32
        %mul3A_344 = arith.muli %while3A_341, %mul3A_343 : i32
        %get3A = arith.index_cast %mul3A_344 : i32 to index
        %get3A_345 = tpu.vector_load %arg10[%get3A] {strides = array<i32>} : memref<8240xi32, #tpu.memory_space<vmem>>, vector<16xi32>,
        %mul3A_346 = arith.constant 16 : i32
        %mul3A_347 = arith.muli %while3A_341, %mul3A_346 : i32
        %get3A_348 = arith.index_cast %mul3A_347 : i32 to index
        %get3A_349 = tpu.vector_load %arg11[%get3A_348] {strides = array<i32>} : memref<8240xi32, #tpu.memory_space<vmem>>, vector<16xi32>,
        %shift_right_logical3A = arith.constant 7 : i32
        %shift_right_logical3A_350 = vector.broadcast %shift_right_logical3A : i32 to vector<16xi32>
        %shift_right_logical3A_351 = arith.shrui %get3A_345, %shift_right_logical3A_350 : vector<16xi32>
        %mul3A_352 = arith.constant 128 : i32
        %mul3A_353 = vector.broadcast %mul3A_352 : i32 to vector<16xi32>
        %mul3A_354 = arith.muli %shift_right_logical3A_351, %mul3A_353 : vector<16xi32>
        %sub3A_355 = arith.subi %get3A_345, %mul3A_354 : vector<16xi32>
        %sub3A_356 = arith.subi %shift_right_logical3A_351, %broadcast_in_dim3A_220 : vector<16xi32>
        %shift_right_logical3A_357 = arith.constant 1 : i32
        %shift_right_logical3A_358 = vector.broadcast %shift_right_logical3A_357 : i32 to vector<16xi32>
        %shift_right_logical3A_359 = arith.shrui %sub3A_356, %shift_right_logical3A_358 : vector<16xi32>
        %jit3A_360 = arith.constant 2 : i32
        %eq3A_361 = arith.constant 0 : i32
        %eq3A_362 = arith.cmpi eq, %jit3A_360, %eq3A_361 : i32
        %jit3A_363 = arith.constant 1 : i32
        %select_n3A_364 = arith.select %eq3A_362, %jit3A_363, %jit3A_360 : i32
        %rem3A_365 = vector.broadcast %select_n3A_364 : i32 to vector<16xi32>
        %rem3A_366 = arith.remsi %sub3A_356, %rem3A_365 : vector<16xi32>
        %ne3A_367 = arith.constant 0 : i32
        %ne3A_368 = vector.broadcast %ne3A_367 : i32 to vector<16xi32>
        %ne3A_369 = arith.cmpi ne, %rem3A_366, %ne3A_368 : vector<16xi32>
        %lt3A_370 = arith.constant 0 : i32
        %lt3A_371 = vector.broadcast %lt3A_370 : i32 to vector<16xi32>
        %lt3A_372 = arith.cmpi slt, %rem3A_366, %lt3A_371 : vector<16xi32>
        %lt3A_373 = arith.constant 0 : i32
        %lt3A_374 = arith.cmpi slt, %select_n3A_364, %lt3A_373 : i32
        %ne3A_375 = vector.broadcast %lt3A_374 : i1 to vector<16xi1>
        %ne3A_376 = vector.broadcast %ne3A_375 : vector<16xi1> to vector<16xi1>
        %ne3A_377 = arith.xori %lt3A_372, %ne3A_376 : vector<16xi1>
        %and3A_378 = arith.andi %ne3A_377, %ne3A_369 : vector<16xi1>
        %add3A_379 = vector.broadcast %select_n3A_364 : i32 to vector<16xi32>
        %add3A_380 = arith.addi %rem3A_366, %add3A_379 : vector<16xi32>
        %select_n3A_381 = arith.select %and3A_378, %add3A_380, %rem3A_366 : vector<16xi1>, vector<16xi32>
        %mul3A_382 = arith.constant 128 : i32
        %mul3A_383 = vector.broadcast %mul3A_382 : i32 to vector<16xi32>
        %mul3A_384 = arith.muli %select_n3A_381, %mul3A_383 : vector<16xi32>
        %add3A_385 = arith.addi %sub3A_355, %mul3A_384 : vector<16xi32>
        %jit3A_386 = arith.constant 8 : i32
        %eq3A_387 = arith.constant 0 : i32
        %eq3A_388 = arith.cmpi eq, %jit3A_386, %eq3A_387 : i32
        %jit3A_389 = arith.constant 1 : i32
        %select_n3A_390 = arith.select %eq3A_388, %jit3A_389, %jit3A_386 : i32
        %rem3A_391 = arith.remsi %while3A_342, %select_n3A_390 : i32
        %ne3A_392 = arith.constant 0 : i32
        %ne3A_393 = arith.cmpi ne, %rem3A_391, %ne3A_392 : i32
        %lt3A_394 = arith.constant 0 : i32
        %lt3A_395 = arith.cmpi slt, %rem3A_391, %lt3A_394 : i32
        %lt3A_396 = arith.constant 0 : i32
        %lt3A_397 = arith.cmpi slt, %select_n3A_390, %lt3A_396 : i32
        %ne3A_398 = arith.xori %lt3A_395, %lt3A_397 : i1
        %and3A_399 = arith.andi %ne3A_398, %ne3A_393 : i1
        %add3A_400 = arith.addi %rem3A_391, %select_n3A_390 : i32
        %select_n3A_401 = arith.select %and3A_399, %add3A_400, %rem3A_391 : i32
        %mul3A_402 = arith.constant 16 : i32
        %mul3A_403 = arith.muli %select_n3A_401, %mul3A_402 : i32
        %broadcast_in_dim3A_404 = vector.broadcast %mul3A_403 : i32 to vector<16xi32>
        %add3A_405 = arith.addi %iota3A, %broadcast_in_dim3A_404 : vector<16xi32>
        tpu.vector_store_idx %arg12[%broadcast_in_dim3A_329, %add3A_405], %get3A_349 : memref<1x128xi32, #tpu.memory_space<vmem>>[vector<16xi32>, vector<16xi32>], vector<16xi32>,
        %broadcast_in_dim3A_406 = arith.constant 0 : i32
        %broadcast_in_dim3A_407 = vector.broadcast %broadcast_in_dim3A_406 : i32 to vector<16xi32>
        %gather3A = tpu.vector_load_idx %arg9[%shift_right_logical3A_359, %broadcast_in_dim3A_407, %add3A_385] : memref<4x64x256xf32, #tpu.memory_space<vmem>>[vector<16xi32>, vector<16xi32>, vector<16xi32>], vector<16xf32>,
        %broadcast_in_dim3A_408 = vector.broadcast %mul3A_403 : i32 to vector<16xi32>
        %add3A_409 = arith.addi %iota3A, %broadcast_in_dim3A_408 : vector<16xi32>
        %broadcast_in_dim3A_410 = arith.constant 0 : i32
        %broadcast_in_dim3A_411 = vector.broadcast %broadcast_in_dim3A_410 : i32 to vector<16xi32>
        tpu.vector_store_idx %arg13[%add3A_409, %broadcast_in_dim3A_411], %gather3A : memref<128x128xf32, #tpu.memory_space<vmem>>[vector<16xi32>, vector<16xi32>], vector<16xf32>,
        %broadcast_in_dim3A_412 = arith.constant 1 : i32
        %broadcast_in_dim3A_413 = vector.broadcast %broadcast_in_dim3A_412 : i32 to vector<16xi32>
        %gather3A_414 = tpu.vector_load_idx %arg9[%shift_right_logical3A_359, %broadcast_in_dim3A_413, %add3A_385] : memref<4x64x256xf32, #tpu.memory_space<vmem>>[vector<16xi32>, vector<16xi32>, vector<16xi32>], vector<16xf32>,
        %broadcast_in_dim3A_415 = vector.broadcast %mul3A_403 : i32 to vector<16xi32>
        %add3A_416 = arith.addi %iota3A, %broadcast_in_dim3A_415 : vector<16xi32>
        %broadcast_in_dim3A_417 = arith.constant 1 : i32
        %broadcast_in_dim3A_418 = vector.broadcast %broadcast_in_dim3A_417 : i32 to vector<16xi32>
        tpu.vector_store_idx %arg13[%add3A_416, %broadcast_in_dim3A_418], %gather3A_414 : memref<128x128xf32, #tpu.memory_space<vmem>>[vector<16xi32>, vector<16xi32>], vector<16xf32>,
        %broadcast_in_dim3A_419 = arith.constant 2 : i32
        %broadcast_in_dim3A_420 = vector.broadcast %broadcast_in_dim3A_419 : i32 to vector<16xi32>
        %gather3A_421 = tpu.vector_load_idx %arg9[%shift_right_logical3A_359, %broadcast_in_dim3A_420, %add3A_385] : memref<4x64x256xf32, #tpu.memory_space<vmem>>[vector<16xi32>, vector<16xi32>, vector<16xi32>], vector<16xf32>,
        %broadcast_in_dim3A_422 = vector.broadcast %mul3A_403 : i32 to vector<16xi32>
        %add3A_423 = arith.addi %iota3A, %broadcast_in_dim3A_422 : vector<16xi32>
        %broadcast_in_dim3A_424 = arith.constant 2 : i32
        %broadcast_in_dim3A_425 = vector.broadcast %broadcast_in_dim3A_424 : i32 to vector<16xi32>
        tpu.vector_store_idx %arg13[%add3A_423, %broadcast_in_dim3A_425], %gather3A_421 : memref<128x128xf32, #tpu.memory_space<vmem>>[vector<16xi32>, vector<16xi32>], vector<16xf32>,
        %broadcast_in_dim3A_426 = arith.constant 3 : i32
        %broadcast_in_dim3A_427 = vector.broadcast %broadcast_in_dim3A_426 : i32 to vector<16xi32>
        %gather3A_428 = tpu.vector_load_idx %arg9[%shift_right_logical3A_359, %broadcast_in_dim3A_427, %add3A_385] : memref<4x64x256xf32, #tpu.memory_space<vmem>>[vector<16xi32>, vector<16xi32>, vector<16xi32>], vector<16xf32>,
        %broadcast_in_dim3A_429 = vector.broadcast %mul3A_403 : i32 to vector<16xi32>
        %add3A_430 = arith.addi %iota3A, %broadcast_in_dim3A_429 : vector<16xi32>
        %broadcast_in_dim3A_431 = arith.constant 3 : i32
        %broadcast_in_dim3A_432 = vector.broadcast %broadcast_in_dim3A_431 : i32 to vector<16xi32>
        tpu.vector_store_idx %arg13[%add3A_430, %broadcast_in_dim3A_432], %gather3A_428 : memref<128x128xf32, #tpu.memory_space<vmem>>[vector<16xi32>, vector<16xi32>], vector<16xf32>,
        %broadcast_in_dim3A_433 = arith.constant 4 : i32
        %broadcast_in_dim3A_434 = vector.broadcast %broadcast_in_dim3A_433 : i32 to vector<16xi32>
        %gather3A_435 = tpu.vector_load_idx %arg9[%shift_right_logical3A_359, %broadcast_in_dim3A_434, %add3A_385] : memref<4x64x256xf32, #tpu.memory_space<vmem>>[vector<16xi32>, vector<16xi32>, vector<16xi32>], vector<16xf32>,
        %broadcast_in_dim3A_436 = vector.broadcast %mul3A_403 : i32 to vector<16xi32>
        %add3A_437 = arith.addi %iota3A, %broadcast_in_dim3A_436 : vector<16xi32>
        %broadcast_in_dim3A_438 = arith.constant 4 : i32
        %broadcast_in_dim3A_439 = vector.broadcast %broadcast_in_dim3A_438 : i32 to vector<16xi32>
        tpu.vector_store_idx %arg13[%add3A_437, %broadcast_in_dim3A_439], %gather3A_435 : memref<128x128xf32, #tpu.memory_space<vmem>>[vector<16xi32>, vector<16xi32>], vector<16xf32>,
        %broadcast_in_dim3A_440 = arith.constant 5 : i32
        %broadcast_in_dim3A_441 = vector.broadcast %broadcast_in_dim3A_440 : i32 to vector<16xi32>
        %gather3A_442 = tpu.vector_load_idx %arg9[%shift_right_logical3A_359, %broadcast_in_dim3A_441, %add3A_385] : memref<4x64x256xf32, #tpu.memory_space<vmem>>[vector<16xi32>, vector<16xi32>, vector<16xi32>], vector<16xf32>,
        %broadcast_in_dim3A_443 = vector.broadcast %mul3A_403 : i32 to vector<16xi32>
        %add3A_444 = arith.addi %iota3A, %broadcast_in_dim3A_443 : vector<16xi32>
        %broadcast_in_dim3A_445 = arith.constant 5 : i32
        %broadcast_in_dim3A_446 = vector.broadcast %broadcast_in_dim3A_445 : i32 to vector<16xi32>
        tpu.vector_store_idx %arg13[%add3A_444, %broadcast_in_dim3A_446], %gather3A_442 : memref<128x128xf32, #tpu.memory_space<vmem>>[vector<16xi32>, vector<16xi32>], vector<16xf32>,
        %broadcast_in_dim3A_447 = arith.constant 6 : i32
        %broadcast_in_dim3A_448 = vector.broadcast %broadcast_in_dim3A_447 : i32 to vector<16xi32>
        %gather3A_449 = tpu.vector_load_idx %arg9[%shift_right_logical3A_359, %broadcast_in_dim3A_448, %add3A_385] : memref<4x64x256xf32, #tpu.memory_space<vmem>>[vector<16xi32>, vector<16xi32>, vector<16xi32>], vector<16xf32>,
        %broadcast_in_dim3A_450 = vector.broadcast %mul3A_403 : i32 to vector<16xi32>
        %add3A_451 = arith.addi %iota3A, %broadcast_in_dim3A_450 : vector<16xi32>
        %broadcast_in_dim3A_452 = arith.constant 6 : i32
        %broadcast_in_dim3A_453 = vector.broadcast %broadcast_in_dim3A_452 : i32 to vector<16xi32>
        tpu.vector_store_idx %arg13[%add3A_451, %broadcast_in_dim3A_453], %gather3A_449 : memref<128x128xf32, #tpu.memory_space<vmem>>[vector<16xi32>, vector<16xi32>], vector<16xf32>,
        %broadcast_in_dim3A_454 = arith.constant 7 : i32
        %broadcast_in_dim3A_455 = vector.broadcast %broadcast_in_dim3A_454 : i32 to vector<16xi32>
        %gather3A_456 = tpu.vector_load_idx %arg9[%shift_right_logical3A_359, %broadcast_in_dim3A_455, %add3A_385] : memref<4x64x256xf32, #tpu.memory_space<vmem>>[vector<16xi32>, vector<16xi32>, vector<16xi32>], vector<16xf32>,
        %broadcast_in_dim3A_457 = vector.broadcast %mul3A_403 : i32 to vector<16xi32>
        %add3A_458 = arith.addi %iota3A, %broadcast_in_dim3A_457 : vector<16xi32>
        %broadcast_in_dim3A_459 = arith.constant 7 : i32
        %broadcast_in_dim3A_460 = vector.broadcast %broadcast_in_dim3A_459 : i32 to vector<16xi32>
        tpu.vector_store_idx %arg13[%add3A_458, %broadcast_in_dim3A_460], %gather3A_456 : memref<128x128xf32, #tpu.memory_space<vmem>>[vector<16xi32>, vector<16xi32>], vector<16xf32>,
        %broadcast_in_dim3A_461 = arith.constant 8 : i32
        %broadcast_in_dim3A_462 = vector.broadcast %broadcast_in_dim3A_461 : i32 to vector<16xi32>
        %gather3A_463 = tpu.vector_load_idx %arg9[%shift_right_logical3A_359, %broadcast_in_dim3A_462, %add3A_385] : memref<4x64x256xf32, #tpu.memory_space<vmem>>[vector<16xi32>, vector<16xi32>, vector<16xi32>], vector<16xf32>,
        %broadcast_in_dim3A_464 = vector.broadcast %mul3A_403 : i32 to vector<16xi32>
        %add3A_465 = arith.addi %iota3A, %broadcast_in_dim3A_464 : vector<16xi32>
        %broadcast_in_dim3A_466 = arith.constant 8 : i32
        %broadcast_in_dim3A_467 = vector.broadcast %broadcast_in_dim3A_466 : i32 to vector<16xi32>
        tpu.vector_store_idx %arg13[%add3A_465, %broadcast_in_dim3A_467], %gather3A_463 : memref<128x128xf32, #tpu.memory_space<vmem>>[vector<16xi32>, vector<16xi32>], vector<16xf32>,
        %broadcast_in_dim3A_468 = arith.constant 9 : i32
        %broadcast_in_dim3A_469 = vector.broadcast %broadcast_in_dim3A_468 : i32 to vector<16xi32>
        %gather3A_470 = tpu.vector_load_idx %arg9[%shift_right_logical3A_359, %broadcast_in_dim3A_469, %add3A_385] : memref<4x64x256xf32, #tpu.memory_space<vmem>>[vector<16xi32>, vector<16xi32>, vector<16xi32>], vector<16xf32>,
        %broadcast_in_dim3A_471 = vector.broadcast %mul3A_403 : i32 to vector<16xi32>
        %add3A_472 = arith.addi %iota3A, %broadcast_in_dim3A_471 : vector<16xi32>
        %broadcast_in_dim3A_473 = arith.constant 9 : i32
        %broadcast_in_dim3A_474 = vector.broadcast %broadcast_in_dim3A_473 : i32 to vector<16xi32>
        tpu.vector_store_idx %arg13[%add3A_472, %broadcast_in_dim3A_474], %gather3A_470 : memref<128x128xf32, #tpu.memory_space<vmem>>[vector<16xi32>, vector<16xi32>], vector<16xf32>,
        %broadcast_in_dim3A_475 = arith.constant 10 : i32
        %broadcast_in_dim3A_476 = vector.broadcast %broadcast_in_dim3A_475 : i32 to vector<16xi32>
        %gather3A_477 = tpu.vector_load_idx %arg9[%shift_right_logical3A_359, %broadcast_in_dim3A_476, %add3A_385] : memref<4x64x256xf32, #tpu.memory_space<vmem>>[vector<16xi32>, vector<16xi32>, vector<16xi32>], vector<16xf32>,
        %broadcast_in_dim3A_478 = vector.broadcast %mul3A_403 : i32 to vector<16xi32>
        %add3A_479 = arith.addi %iota3A, %broadcast_in_dim3A_478 : vector<16xi32>
        %broadcast_in_dim3A_480 = arith.constant 10 : i32
        %broadcast_in_dim3A_481 = vector.broadcast %broadcast_in_dim3A_480 : i32 to vector<16xi32>
        tpu.vector_store_idx %arg13[%add3A_479, %broadcast_in_dim3A_481], %gather3A_477 : memref<128x128xf32, #tpu.memory_space<vmem>>[vector<16xi32>, vector<16xi32>], vector<16xf32>,
        %broadcast_in_dim3A_482 = arith.constant 11 : i32
        %broadcast_in_dim3A_483 = vector.broadcast %broadcast_in_dim3A_482 : i32 to vector<16xi32>
        %gather3A_484 = tpu.vector_load_idx %arg9[%shift_right_logical3A_359, %broadcast_in_dim3A_483, %add3A_385] : memref<4x64x256xf32, #tpu.memory_space<vmem>>[vector<16xi32>, vector<16xi32>, vector<16xi32>], vector<16xf32>,
        %broadcast_in_dim3A_485 = vector.broadcast %mul3A_403 : i32 to vector<16xi32>
        %add3A_486 = arith.addi %iota3A, %broadcast_in_dim3A_485 : vector<16xi32>
        %broadcast_in_dim3A_487 = arith.constant 11 : i32
        %broadcast_in_dim3A_488 = vector.broadcast %broadcast_in_dim3A_487 : i32 to vector<16xi32>
        tpu.vector_store_idx %arg13[%add3A_486, %broadcast_in_dim3A_488], %gather3A_484 : memref<128x128xf32, #tpu.memory_space<vmem>>[vector<16xi32>, vector<16xi32>], vector<16xf32>,
        %broadcast_in_dim3A_489 = arith.constant 12 : i32
        %broadcast_in_dim3A_490 = vector.broadcast %broadcast_in_dim3A_489 : i32 to vector<16xi32>
        %gather3A_491 = tpu.vector_load_idx %arg9[%shift_right_logical3A_359, %broadcast_in_dim3A_490, %add3A_385] : memref<4x64x256xf32, #tpu.memory_space<vmem>>[vector<16xi32>, vector<16xi32>, vector<16xi32>], vector<16xf32>,
        %broadcast_in_dim3A_492 = vector.broadcast %mul3A_403 : i32 to vector<16xi32>
        %add3A_493 = arith.addi %iota3A, %broadcast_in_dim3A_492 : vector<16xi32>
        %broadcast_in_dim3A_494 = arith.constant 12 : i32
        %broadcast_in_dim3A_495 = vector.broadcast %broadcast_in_dim3A_494 : i32 to vector<16xi32>
        tpu.vector_store_idx %arg13[%add3A_493, %broadcast_in_dim3A_495], %gather3A_491 : memref<128x128xf32, #tpu.memory_space<vmem>>[vector<16xi32>, vector<16xi32>], vector<16xf32>,
        %broadcast_in_dim3A_496 = arith.constant 13 : i32
        %broadcast_in_dim3A_497 = vector.broadcast %broadcast_in_dim3A_496 : i32 to vector<16xi32>
        %gather3A_498 = tpu.vector_load_idx %arg9[%shift_right_logical3A_359, %broadcast_in_dim3A_497, %add3A_385] : memref<4x64x256xf32, #tpu.memory_space<vmem>>[vector<16xi32>, vector<16xi32>, vector<16xi32>], vector<16xf32>,
        %broadcast_in_dim3A_499 = vector.broadcast %mul3A_403 : i32 to vector<16xi32>
        %add3A_500 = arith.addi %iota3A, %broadcast_in_dim3A_499 : vector<16xi32>
        %broadcast_in_dim3A_501 = arith.constant 13 : i32
        %broadcast_in_dim3A_502 = vector.broadcast %broadcast_in_dim3A_501 : i32 to vector<16xi32>
        tpu.vector_store_idx %arg13[%add3A_500, %broadcast_in_dim3A_502], %gather3A_498 : memref<128x128xf32, #tpu.memory_space<vmem>>[vector<16xi32>, vector<16xi32>], vector<16xf32>,
        %broadcast_in_dim3A_503 = arith.constant 14 : i32
        %broadcast_in_dim3A_504 = vector.broadcast %broadcast_in_dim3A_503 : i32 to vector<16xi32>
        %gather3A_505 = tpu.vector_load_idx %arg9[%shift_right_logical3A_359, %broadcast_in_dim3A_504, %add3A_385] : memref<4x64x256xf32, #tpu.memory_space<vmem>>[vector<16xi32>, vector<16xi32>, vector<16xi32>], vector<16xf32>,
        %broadcast_in_dim3A_506 = vector.broadcast %mul3A_403 : i32 to vector<16xi32>
        %add3A_507 = arith.addi %iota3A, %broadcast_in_dim3A_506 : vector<16xi32>
        %broadcast_in_dim3A_508 = arith.constant 14 : i32
        %broadcast_in_dim3A_509 = vector.broadcast %broadcast_in_dim3A_508 : i32 to vector<16xi32>
        tpu.vector_store_idx %arg13[%add3A_507, %broadcast_in_dim3A_509], %gather3A_505 : memref<128x128xf32, #tpu.memory_space<vmem>>[vector<16xi32>, vector<16xi32>], vector<16xf32>,
        %broadcast_in_dim3A_510 = arith.constant 15 : i32
        %broadcast_in_dim3A_511 = vector.broadcast %broadcast_in_dim3A_510 : i32 to vector<16xi32>
        %gather3A_512 = tpu.vector_load_idx %arg9[%shift_right_logical3A_359, %broadcast_in_dim3A_511, %add3A_385] : memref<4x64x256xf32, #tpu.memory_space<vmem>>[vector<16xi32>, vector<16xi32>, vector<16xi32>], vector<16xf32>,
        %broadcast_in_dim3A_513 = vector.broadcast %mul3A_403 : i32 to vector<16xi32>
        %add3A_514 = arith.addi %iota3A, %broadcast_in_dim3A_513 : vector<16xi32>
        %broadcast_in_dim3A_515 = arith.constant 15 : i32
        %broadcast_in_dim3A_516 = vector.broadcast %broadcast_in_dim3A_515 : i32 to vector<16xi32>
        tpu.vector_store_idx %arg13[%add3A_514, %broadcast_in_dim3A_516], %gather3A_512 : memref<128x128xf32, #tpu.memory_space<vmem>>[vector<16xi32>, vector<16xi32>], vector<16xf32>,
        %broadcast_in_dim3A_517 = arith.constant 16 : i32
        %broadcast_in_dim3A_518 = vector.broadcast %broadcast_in_dim3A_517 : i32 to vector<16xi32>
        %gather3A_519 = tpu.vector_load_idx %arg9[%shift_right_logical3A_359, %broadcast_in_dim3A_518, %add3A_385] : memref<4x64x256xf32, #tpu.memory_space<vmem>>[vector<16xi32>, vector<16xi32>, vector<16xi32>], vector<16xf32>,
        %broadcast_in_dim3A_520 = vector.broadcast %mul3A_403 : i32 to vector<16xi32>
        %add3A_521 = arith.addi %iota3A, %broadcast_in_dim3A_520 : vector<16xi32>
        %broadcast_in_dim3A_522 = arith.constant 16 : i32
        %broadcast_in_dim3A_523 = vector.broadcast %broadcast_in_dim3A_522 : i32 to vector<16xi32>
        tpu.vector_store_idx %arg13[%add3A_521, %broadcast_in_dim3A_523], %gather3A_519 : memref<128x128xf32, #tpu.memory_space<vmem>>[vector<16xi32>, vector<16xi32>], vector<16xf32>,
        %broadcast_in_dim3A_524 = arith.constant 17 : i32
        %broadcast_in_dim3A_525 = vector.broadcast %broadcast_in_dim3A_524 : i32 to vector<16xi32>
        %gather3A_526 = tpu.vector_load_idx %arg9[%shift_right_logical3A_359, %broadcast_in_dim3A_525, %add3A_385] : memref<4x64x256xf32, #tpu.memory_space<vmem>>[vector<16xi32>, vector<16xi32>, vector<16xi32>], vector<16xf32>,
        %broadcast_in_dim3A_527 = vector.broadcast %mul3A_403 : i32 to vector<16xi32>
        %add3A_528 = arith.addi %iota3A, %broadcast_in_dim3A_527 : vector<16xi32>
        %broadcast_in_dim3A_529 = arith.constant 17 : i32
        %broadcast_in_dim3A_530 = vector.broadcast %broadcast_in_dim3A_529 : i32 to vector<16xi32>
        tpu.vector_store_idx %arg13[%add3A_528, %broadcast_in_dim3A_530], %gather3A_526 : memref<128x128xf32, #tpu.memory_space<vmem>>[vector<16xi32>, vector<16xi32>], vector<16xf32>,
        %broadcast_in_dim3A_531 = arith.constant 18 : i32
        %broadcast_in_dim3A_532 = vector.broadcast %broadcast_in_dim3A_531 : i32 to vector<16xi32>
        %gather3A_533 = tpu.vector_load_idx %arg9[%shift_right_logical3A_359, %broadcast_in_dim3A_532, %add3A_385] : memref<4x64x256xf32, #tpu.memory_space<vmem>>[vector<16xi32>, vector<16xi32>, vector<16xi32>], vector<16xf32>,
        %broadcast_in_dim3A_534 = vector.broadcast %mul3A_403 : i32 to vector<16xi32>
        %add3A_535 = arith.addi %iota3A, %broadcast_in_dim3A_534 : vector<16xi32>
        %broadcast_in_dim3A_536 = arith.constant 18 : i32
        %broadcast_in_dim3A_537 = vector.broadcast %broadcast_in_dim3A_536 : i32 to vector<16xi32>
        tpu.vector_store_idx %arg13[%add3A_535, %broadcast_in_dim3A_537], %gather3A_533 : memref<128x128xf32, #tpu.memory_space<vmem>>[vector<16xi32>, vector<16xi32>], vector<16xf32>,
        %broadcast_in_dim3A_538 = arith.constant 19 : i32
        %broadcast_in_dim3A_539 = vector.broadcast %broadcast_in_dim3A_538 : i32 to vector<16xi32>
        %gather3A_540 = tpu.vector_load_idx %arg9[%shift_right_logical3A_359, %broadcast_in_dim3A_539, %add3A_385] : memref<4x64x256xf32, #tpu.memory_space<vmem>>[vector<16xi32>, vector<16xi32>, vector<16xi32>], vector<16xf32>,
        %broadcast_in_dim3A_541 = vector.broadcast %mul3A_403 : i32 to vector<16xi32>
        %add3A_542 = arith.addi %iota3A, %broadcast_in_dim3A_541 : vector<16xi32>
        %broadcast_in_dim3A_543 = arith.constant 19 : i32
        %broadcast_in_dim3A_544 = vector.broadcast %broadcast_in_dim3A_543 : i32 to vector<16xi32>
        tpu.vector_store_idx %arg13[%add3A_542, %broadcast_in_dim3A_544], %gather3A_540 : memref<128x128xf32, #tpu.memory_space<vmem>>[vector<16xi32>, vector<16xi32>], vector<16xf32>,
        %broadcast_in_dim3A_545 = arith.constant 20 : i32
        %broadcast_in_dim3A_546 = vector.broadcast %broadcast_in_dim3A_545 : i32 to vector<16xi32>
        %gather3A_547 = tpu.vector_load_idx %arg9[%shift_right_logical3A_359, %broadcast_in_dim3A_546, %add3A_385] : memref<4x64x256xf32, #tpu.memory_space<vmem>>[vector<16xi32>, vector<16xi32>, vector<16xi32>], vector<16xf32>,
        %broadcast_in_dim3A_548 = vector.broadcast %mul3A_403 : i32 to vector<16xi32>
        %add3A_549 = arith.addi %iota3A, %broadcast_in_dim3A_548 : vector<16xi32>
        %broadcast_in_dim3A_550 = arith.constant 20 : i32
        %broadcast_in_dim3A_551 = vector.broadcast %broadcast_in_dim3A_550 : i32 to vector<16xi32>
        tpu.vector_store_idx %arg13[%add3A_549, %broadcast_in_dim3A_551], %gather3A_547 : memref<128x128xf32, #tpu.memory_space<vmem>>[vector<16xi32>, vector<16xi32>], vector<16xf32>,
        %broadcast_in_dim3A_552 = arith.constant 21 : i32
        %broadcast_in_dim3A_553 = vector.broadcast %broadcast_in_dim3A_552 : i32 to vector<16xi32>
        %gather3A_554 = tpu.vector_load_idx %arg9[%shift_right_logical3A_359, %broadcast_in_dim3A_553, %add3A_385] : memref<4x64x256xf32, #tpu.memory_space<vmem>>[vector<16xi32>, vector<16xi32>, vector<16xi32>], vector<16xf32>,
        %broadcast_in_dim3A_555 = vector.broadcast %mul3A_403 : i32 to vector<16xi32>
        %add3A_556 = arith.addi %iota3A, %broadcast_in_dim3A_555 : vector<16xi32>
        %broadcast_in_dim3A_557 = arith.constant 21 : i32
        %broadcast_in_dim3A_558 = vector.broadcast %broadcast_in_dim3A_557 : i32 to vector<16xi32>
        tpu.vector_store_idx %arg13[%add3A_556, %broadcast_in_dim3A_558], %gather3A_554 : memref<128x128xf32, #tpu.memory_space<vmem>>[vector<16xi32>, vector<16xi32>], vector<16xf32>,
        %broadcast_in_dim3A_559 = arith.constant 22 : i32
        %broadcast_in_dim3A_560 = vector.broadcast %broadcast_in_dim3A_559 : i32 to vector<16xi32>
        %gather3A_561 = tpu.vector_load_idx %arg9[%shift_right_logical3A_359, %broadcast_in_dim3A_560, %add3A_385] : memref<4x64x256xf32, #tpu.memory_space<vmem>>[vector<16xi32>, vector<16xi32>, vector<16xi32>], vector<16xf32>,
        %broadcast_in_dim3A_562 = vector.broadcast %mul3A_403 : i32 to vector<16xi32>
        %add3A_563 = arith.addi %iota3A, %broadcast_in_dim3A_562 : vector<16xi32>
        %broadcast_in_dim3A_564 = arith.constant 22 : i32
        %broadcast_in_dim3A_565 = vector.broadcast %broadcast_in_dim3A_564 : i32 to vector<16xi32>
        tpu.vector_store_idx %arg13[%add3A_563, %broadcast_in_dim3A_565], %gather3A_561 : memref<128x128xf32, #tpu.memory_space<vmem>>[vector<16xi32>, vector<16xi32>], vector<16xf32>,
        %broadcast_in_dim3A_566 = arith.constant 23 : i32
        %broadcast_in_dim3A_567 = vector.broadcast %broadcast_in_dim3A_566 : i32 to vector<16xi32>
        %gather3A_568 = tpu.vector_load_idx %arg9[%shift_right_logical3A_359, %broadcast_in_dim3A_567, %add3A_385] : memref<4x64x256xf32, #tpu.memory_space<vmem>>[vector<16xi32>, vector<16xi32>, vector<16xi32>], vector<16xf32>,
        %broadcast_in_dim3A_569 = vector.broadcast %mul3A_403 : i32 to vector<16xi32>
        %add3A_570 = arith.addi %iota3A, %broadcast_in_dim3A_569 : vector<16xi32>
        %broadcast_in_dim3A_571 = arith.constant 23 : i32
        %broadcast_in_dim3A_572 = vector.broadcast %broadcast_in_dim3A_571 : i32 to vector<16xi32>
        tpu.vector_store_idx %arg13[%add3A_570, %broadcast_in_dim3A_572], %gather3A_568 : memref<128x128xf32, #tpu.memory_space<vmem>>[vector<16xi32>, vector<16xi32>], vector<16xf32>,
        %broadcast_in_dim3A_573 = arith.constant 24 : i32
        %broadcast_in_dim3A_574 = vector.broadcast %broadcast_in_dim3A_573 : i32 to vector<16xi32>
        %gather3A_575 = tpu.vector_load_idx %arg9[%shift_right_logical3A_359, %broadcast_in_dim3A_574, %add3A_385] : memref<4x64x256xf32, #tpu.memory_space<vmem>>[vector<16xi32>, vector<16xi32>, vector<16xi32>], vector<16xf32>,
        %broadcast_in_dim3A_576 = vector.broadcast %mul3A_403 : i32 to vector<16xi32>
        %add3A_577 = arith.addi %iota3A, %broadcast_in_dim3A_576 : vector<16xi32>
        %broadcast_in_dim3A_578 = arith.constant 24 : i32
        %broadcast_in_dim3A_579 = vector.broadcast %broadcast_in_dim3A_578 : i32 to vector<16xi32>
        tpu.vector_store_idx %arg13[%add3A_577, %broadcast_in_dim3A_579], %gather3A_575 : memref<128x128xf32, #tpu.memory_space<vmem>>[vector<16xi32>, vector<16xi32>], vector<16xf32>,
        %broadcast_in_dim3A_580 = arith.constant 25 : i32
        %broadcast_in_dim3A_581 = vector.broadcast %broadcast_in_dim3A_580 : i32 to vector<16xi32>
        %gather3A_582 = tpu.vector_load_idx %arg9[%shift_right_logical3A_359, %broadcast_in_dim3A_581, %add3A_385] : memref<4x64x256xf32, #tpu.memory_space<vmem>>[vector<16xi32>, vector<16xi32>, vector<16xi32>], vector<16xf32>,
        %broadcast_in_dim3A_583 = vector.broadcast %mul3A_403 : i32 to vector<16xi32>
        %add3A_584 = arith.addi %iota3A, %broadcast_in_dim3A_583 : vector<16xi32>
        %broadcast_in_dim3A_585 = arith.constant 25 : i32
        %broadcast_in_dim3A_586 = vector.broadcast %broadcast_in_dim3A_585 : i32 to vector<16xi32>
        tpu.vector_store_idx %arg13[%add3A_584, %broadcast_in_dim3A_586], %gather3A_582 : memref<128x128xf32, #tpu.memory_space<vmem>>[vector<16xi32>, vector<16xi32>], vector<16xf32>,
        %broadcast_in_dim3A_587 = arith.constant 26 : i32
        %broadcast_in_dim3A_588 = vector.broadcast %broadcast_in_dim3A_587 : i32 to vector<16xi32>
        %gather3A_589 = tpu.vector_load_idx %arg9[%shift_right_logical3A_359, %broadcast_in_dim3A_588, %add3A_385] : memref<4x64x256xf32, #tpu.memory_space<vmem>>[vector<16xi32>, vector<16xi32>, vector<16xi32>], vector<16xf32>,
        %broadcast_in_dim3A_590 = vector.broadcast %mul3A_403 : i32 to vector<16xi32>
        %add3A_591 = arith.addi %iota3A, %broadcast_in_dim3A_590 : vector<16xi32>
        %broadcast_in_dim3A_592 = arith.constant 26 : i32
        %broadcast_in_dim3A_593 = vector.broadcast %broadcast_in_dim3A_592 : i32 to vector<16xi32>
        tpu.vector_store_idx %arg13[%add3A_591, %broadcast_in_dim3A_593], %gather3A_589 : memref<128x128xf32, #tpu.memory_space<vmem>>[vector<16xi32>, vector<16xi32>], vector<16xf32>,
        %broadcast_in_dim3A_594 = arith.constant 27 : i32
        %broadcast_in_dim3A_595 = vector.broadcast %broadcast_in_dim3A_594 : i32 to vector<16xi32>
        %gather3A_596 = tpu.vector_load_idx %arg9[%shift_right_logical3A_359, %broadcast_in_dim3A_595, %add3A_385] : memref<4x64x256xf32, #tpu.memory_space<vmem>>[vector<16xi32>, vector<16xi32>, vector<16xi32>], vector<16xf32>,
        %broadcast_in_dim3A_597 = vector.broadcast %mul3A_403 : i32 to vector<16xi32>
        %add3A_598 = arith.addi %iota3A, %broadcast_in_dim3A_597 : vector<16xi32>
        %broadcast_in_dim3A_599 = arith.constant 27 : i32
        %broadcast_in_dim3A_600 = vector.broadcast %broadcast_in_dim3A_599 : i32 to vector<16xi32>
        tpu.vector_store_idx %arg13[%add3A_598, %broadcast_in_dim3A_600], %gather3A_596 : memref<128x128xf32, #tpu.memory_space<vmem>>[vector<16xi32>, vector<16xi32>], vector<16xf32>,
        %broadcast_in_dim3A_601 = arith.constant 28 : i32
        %broadcast_in_dim3A_602 = vector.broadcast %broadcast_in_dim3A_601 : i32 to vector<16xi32>
        %gather3A_603 = tpu.vector_load_idx %arg9[%shift_right_logical3A_359, %broadcast_in_dim3A_602, %add3A_385] : memref<4x64x256xf32, #tpu.memory_space<vmem>>[vector<16xi32>, vector<16xi32>, vector<16xi32>], vector<16xf32>,
        %broadcast_in_dim3A_604 = vector.broadcast %mul3A_403 : i32 to vector<16xi32>
        %add3A_605 = arith.addi %iota3A, %broadcast_in_dim3A_604 : vector<16xi32>
        %broadcast_in_dim3A_606 = arith.constant 28 : i32
        %broadcast_in_dim3A_607 = vector.broadcast %broadcast_in_dim3A_606 : i32 to vector<16xi32>
        tpu.vector_store_idx %arg13[%add3A_605, %broadcast_in_dim3A_607], %gather3A_603 : memref<128x128xf32, #tpu.memory_space<vmem>>[vector<16xi32>, vector<16xi32>], vector<16xf32>,
        %broadcast_in_dim3A_608 = arith.constant 29 : i32
        %broadcast_in_dim3A_609 = vector.broadcast %broadcast_in_dim3A_608 : i32 to vector<16xi32>
        %gather3A_610 = tpu.vector_load_idx %arg9[%shift_right_logical3A_359, %broadcast_in_dim3A_609, %add3A_385] : memref<4x64x256xf32, #tpu.memory_space<vmem>>[vector<16xi32>, vector<16xi32>, vector<16xi32>], vector<16xf32>,
        %broadcast_in_dim3A_611 = vector.broadcast %mul3A_403 : i32 to vector<16xi32>
        %add3A_612 = arith.addi %iota3A, %broadcast_in_dim3A_611 : vector<16xi32>
        %broadcast_in_dim3A_613 = arith.constant 29 : i32
        %broadcast_in_dim3A_614 = vector.broadcast %broadcast_in_dim3A_613 : i32 to vector<16xi32>
        tpu.vector_store_idx %arg13[%add3A_612, %broadcast_in_dim3A_614], %gather3A_610 : memref<128x128xf32, #tpu.memory_space<vmem>>[vector<16xi32>, vector<16xi32>], vector<16xf32>,
        %broadcast_in_dim3A_615 = arith.constant 30 : i32
        %broadcast_in_dim3A_616 = vector.broadcast %broadcast_in_dim3A_615 : i32 to vector<16xi32>
        %gather3A_617 = tpu.vector_load_idx %arg9[%shift_right_logical3A_359, %broadcast_in_dim3A_616, %add3A_385] : memref<4x64x256xf32, #tpu.memory_space<vmem>>[vector<16xi32>, vector<16xi32>, vector<16xi32>], vector<16xf32>,
        %broadcast_in_dim3A_618 = vector.broadcast %mul3A_403 : i32 to vector<16xi32>
        %add3A_619 = arith.addi %iota3A, %broadcast_in_dim3A_618 : vector<16xi32>
        %broadcast_in_dim3A_620 = arith.constant 30 : i32
        %broadcast_in_dim3A_621 = vector.broadcast %broadcast_in_dim3A_620 : i32 to vector<16xi32>
        tpu.vector_store_idx %arg13[%add3A_619, %broadcast_in_dim3A_621], %gather3A_617 : memref<128x128xf32, #tpu.memory_space<vmem>>[vector<16xi32>, vector<16xi32>], vector<16xf32>,
        %broadcast_in_dim3A_622 = arith.constant 31 : i32
        %broadcast_in_dim3A_623 = vector.broadcast %broadcast_in_dim3A_622 : i32 to vector<16xi32>
        %gather3A_624 = tpu.vector_load_idx %arg9[%shift_right_logical3A_359, %broadcast_in_dim3A_623, %add3A_385] : memref<4x64x256xf32, #tpu.memory_space<vmem>>[vector<16xi32>, vector<16xi32>, vector<16xi32>], vector<16xf32>,
        %broadcast_in_dim3A_625 = vector.broadcast %mul3A_403 : i32 to vector<16xi32>
        %add3A_626 = arith.addi %iota3A, %broadcast_in_dim3A_625 : vector<16xi32>
        %broadcast_in_dim3A_627 = arith.constant 31 : i32
        %broadcast_in_dim3A_628 = vector.broadcast %broadcast_in_dim3A_627 : i32 to vector<16xi32>
        tpu.vector_store_idx %arg13[%add3A_626, %broadcast_in_dim3A_628], %gather3A_624 : memref<128x128xf32, #tpu.memory_space<vmem>>[vector<16xi32>, vector<16xi32>], vector<16xf32>,
        %broadcast_in_dim3A_629 = arith.constant 32 : i32
        %broadcast_in_dim3A_630 = vector.broadcast %broadcast_in_dim3A_629 : i32 to vector<16xi32>
        %gather3A_631 = tpu.vector_load_idx %arg9[%shift_right_logical3A_359, %broadcast_in_dim3A_630, %add3A_385] : memref<4x64x256xf32, #tpu.memory_space<vmem>>[vector<16xi32>, vector<16xi32>, vector<16xi32>], vector<16xf32>,
        %broadcast_in_dim3A_632 = vector.broadcast %mul3A_403 : i32 to vector<16xi32>
        %add3A_633 = arith.addi %iota3A, %broadcast_in_dim3A_632 : vector<16xi32>
        %broadcast_in_dim3A_634 = arith.constant 32 : i32
        %broadcast_in_dim3A_635 = vector.broadcast %broadcast_in_dim3A_634 : i32 to vector<16xi32>
        tpu.vector_store_idx %arg13[%add3A_633, %broadcast_in_dim3A_635], %gather3A_631 : memref<128x128xf32, #tpu.memory_space<vmem>>[vector<16xi32>, vector<16xi32>], vector<16xf32>,
        %broadcast_in_dim3A_636 = arith.constant 33 : i32
        %broadcast_in_dim3A_637 = vector.broadcast %broadcast_in_dim3A_636 : i32 to vector<16xi32>
        %gather3A_638 = tpu.vector_load_idx %arg9[%shift_right_logical3A_359, %broadcast_in_dim3A_637, %add3A_385] : memref<4x64x256xf32, #tpu.memory_space<vmem>>[vector<16xi32>, vector<16xi32>, vector<16xi32>], vector<16xf32>,
        %broadcast_in_dim3A_639 = vector.broadcast %mul3A_403 : i32 to vector<16xi32>
        %add3A_640 = arith.addi %iota3A, %broadcast_in_dim3A_639 : vector<16xi32>
        %broadcast_in_dim3A_641 = arith.constant 33 : i32
        %broadcast_in_dim3A_642 = vector.broadcast %broadcast_in_dim3A_641 : i32 to vector<16xi32>
        tpu.vector_store_idx %arg13[%add3A_640, %broadcast_in_dim3A_642], %gather3A_638 : memref<128x128xf32, #tpu.memory_space<vmem>>[vector<16xi32>, vector<16xi32>], vector<16xf32>,
        %broadcast_in_dim3A_643 = arith.constant 34 : i32
        %broadcast_in_dim3A_644 = vector.broadcast %broadcast_in_dim3A_643 : i32 to vector<16xi32>
        %gather3A_645 = tpu.vector_load_idx %arg9[%shift_right_logical3A_359, %broadcast_in_dim3A_644, %add3A_385] : memref<4x64x256xf32, #tpu.memory_space<vmem>>[vector<16xi32>, vector<16xi32>, vector<16xi32>], vector<16xf32>,
        %broadcast_in_dim3A_646 = vector.broadcast %mul3A_403 : i32 to vector<16xi32>
        %add3A_647 = arith.addi %iota3A, %broadcast_in_dim3A_646 : vector<16xi32>
        %broadcast_in_dim3A_648 = arith.constant 34 : i32
        %broadcast_in_dim3A_649 = vector.broadcast %broadcast_in_dim3A_648 : i32 to vector<16xi32>
        tpu.vector_store_idx %arg13[%add3A_647, %broadcast_in_dim3A_649], %gather3A_645 : memref<128x128xf32, #tpu.memory_space<vmem>>[vector<16xi32>, vector<16xi32>], vector<16xf32>,
        %broadcast_in_dim3A_650 = arith.constant 35 : i32
        %broadcast_in_dim3A_651 = vector.broadcast %broadcast_in_dim3A_650 : i32 to vector<16xi32>
        %gather3A_652 = tpu.vector_load_idx %arg9[%shift_right_logical3A_359, %broadcast_in_dim3A_651, %add3A_385] : memref<4x64x256xf32, #tpu.memory_space<vmem>>[vector<16xi32>, vector<16xi32>, vector<16xi32>], vector<16xf32>,
        %broadcast_in_dim3A_653 = vector.broadcast %mul3A_403 : i32 to vector<16xi32>
        %add3A_654 = arith.addi %iota3A, %broadcast_in_dim3A_653 : vector<16xi32>
        %broadcast_in_dim3A_655 = arith.constant 35 : i32
        %broadcast_in_dim3A_656 = vector.broadcast %broadcast_in_dim3A_655 : i32 to vector<16xi32>
        tpu.vector_store_idx %arg13[%add3A_654, %broadcast_in_dim3A_656], %gather3A_652 : memref<128x128xf32, #tpu.memory_space<vmem>>[vector<16xi32>, vector<16xi32>], vector<16xf32>,
        %broadcast_in_dim3A_657 = arith.constant 36 : i32
        %broadcast_in_dim3A_658 = vector.broadcast %broadcast_in_dim3A_657 : i32 to vector<16xi32>
        %gather3A_659 = tpu.vector_load_idx %arg9[%shift_right_logical3A_359, %broadcast_in_dim3A_658, %add3A_385] : memref<4x64x256xf32, #tpu.memory_space<vmem>>[vector<16xi32>, vector<16xi32>, vector<16xi32>], vector<16xf32>,
        %broadcast_in_dim3A_660 = vector.broadcast %mul3A_403 : i32 to vector<16xi32>
        %add3A_661 = arith.addi %iota3A, %broadcast_in_dim3A_660 : vector<16xi32>
        %broadcast_in_dim3A_662 = arith.constant 36 : i32
        %broadcast_in_dim3A_663 = vector.broadcast %broadcast_in_dim3A_662 : i32 to vector<16xi32>
        tpu.vector_store_idx %arg13[%add3A_661, %broadcast_in_dim3A_663], %gather3A_659 : memref<128x128xf32, #tpu.memory_space<vmem>>[vector<16xi32>, vector<16xi32>], vector<16xf32>,
        %broadcast_in_dim3A_664 = arith.constant 37 : i32
        %broadcast_in_dim3A_665 = vector.broadcast %broadcast_in_dim3A_664 : i32 to vector<16xi32>
        %gather3A_666 = tpu.vector_load_idx %arg9[%shift_right_logical3A_359, %broadcast_in_dim3A_665, %add3A_385] : memref<4x64x256xf32, #tpu.memory_space<vmem>>[vector<16xi32>, vector<16xi32>, vector<16xi32>], vector<16xf32>,
        %broadcast_in_dim3A_667 = vector.broadcast %mul3A_403 : i32 to vector<16xi32>
        %add3A_668 = arith.addi %iota3A, %broadcast_in_dim3A_667 : vector<16xi32>
        %broadcast_in_dim3A_669 = arith.constant 37 : i32
        %broadcast_in_dim3A_670 = vector.broadcast %broadcast_in_dim3A_669 : i32 to vector<16xi32>
        tpu.vector_store_idx %arg13[%add3A_668, %broadcast_in_dim3A_670], %gather3A_666 : memref<128x128xf32, #tpu.memory_space<vmem>>[vector<16xi32>, vector<16xi32>], vector<16xf32>,
        %broadcast_in_dim3A_671 = arith.constant 38 : i32
        %broadcast_in_dim3A_672 = vector.broadcast %broadcast_in_dim3A_671 : i32 to vector<16xi32>
        %gather3A_673 = tpu.vector_load_idx %arg9[%shift_right_logical3A_359, %broadcast_in_dim3A_672, %add3A_385] : memref<4x64x256xf32, #tpu.memory_space<vmem>>[vector<16xi32>, vector<16xi32>, vector<16xi32>], vector<16xf32>,
        %broadcast_in_dim3A_674 = vector.broadcast %mul3A_403 : i32 to vector<16xi32>
        %add3A_675 = arith.addi %iota3A, %broadcast_in_dim3A_674 : vector<16xi32>
        %broadcast_in_dim3A_676 = arith.constant 38 : i32
        %broadcast_in_dim3A_677 = vector.broadcast %broadcast_in_dim3A_676 : i32 to vector<16xi32>
        tpu.vector_store_idx %arg13[%add3A_675, %broadcast_in_dim3A_677], %gather3A_673 : memref<128x128xf32, #tpu.memory_space<vmem>>[vector<16xi32>, vector<16xi32>], vector<16xf32>,
        %broadcast_in_dim3A_678 = arith.constant 39 : i32
        %broadcast_in_dim3A_679 = vector.broadcast %broadcast_in_dim3A_678 : i32 to vector<16xi32>
        %gather3A_680 = tpu.vector_load_idx %arg9[%shift_right_logical3A_359, %broadcast_in_dim3A_679, %add3A_385] : memref<4x64x256xf32, #tpu.memory_space<vmem>>[vector<16xi32>, vector<16xi32>, vector<16xi32>], vector<16xf32>,
        %broadcast_in_dim3A_681 = vector.broadcast %mul3A_403 : i32 to vector<16xi32>
        %add3A_682 = arith.addi %iota3A, %broadcast_in_dim3A_681 : vector<16xi32>
        %broadcast_in_dim3A_683 = arith.constant 39 : i32
        %broadcast_in_dim3A_684 = vector.broadcast %broadcast_in_dim3A_683 : i32 to vector<16xi32>
        tpu.vector_store_idx %arg13[%add3A_682, %broadcast_in_dim3A_684], %gather3A_680 : memref<128x128xf32, #tpu.memory_space<vmem>>[vector<16xi32>, vector<16xi32>], vector<16xf32>,
        %broadcast_in_dim3A_685 = arith.constant 40 : i32
        %broadcast_in_dim3A_686 = vector.broadcast %broadcast_in_dim3A_685 : i32 to vector<16xi32>
        %gather3A_687 = tpu.vector_load_idx %arg9[%shift_right_logical3A_359, %broadcast_in_dim3A_686, %add3A_385] : memref<4x64x256xf32, #tpu.memory_space<vmem>>[vector<16xi32>, vector<16xi32>, vector<16xi32>], vector<16xf32>,
        %broadcast_in_dim3A_688 = vector.broadcast %mul3A_403 : i32 to vector<16xi32>
        %add3A_689 = arith.addi %iota3A, %broadcast_in_dim3A_688 : vector<16xi32>
        %broadcast_in_dim3A_690 = arith.constant 40 : i32
        %broadcast_in_dim3A_691 = vector.broadcast %broadcast_in_dim3A_690 : i32 to vector<16xi32>
        tpu.vector_store_idx %arg13[%add3A_689, %broadcast_in_dim3A_691], %gather3A_687 : memref<128x128xf32, #tpu.memory_space<vmem>>[vector<16xi32>, vector<16xi32>], vector<16xf32>,
        %broadcast_in_dim3A_692 = arith.constant 41 : i32
        %broadcast_in_dim3A_693 = vector.broadcast %broadcast_in_dim3A_692 : i32 to vector<16xi32>
        %gather3A_694 = tpu.vector_load_idx %arg9[%shift_right_logical3A_359, %broadcast_in_dim3A_693, %add3A_385] : memref<4x64x256xf32, #tpu.memory_space<vmem>>[vector<16xi32>, vector<16xi32>, vector<16xi32>], vector<16xf32>,
        %broadcast_in_dim3A_695 = vector.broadcast %mul3A_403 : i32 to vector<16xi32>
        %add3A_696 = arith.addi %iota3A, %broadcast_in_dim3A_695 : vector<16xi32>
        %broadcast_in_dim3A_697 = arith.constant 41 : i32
        %broadcast_in_dim3A_698 = vector.broadcast %broadcast_in_dim3A_697 : i32 to vector<16xi32>
        tpu.vector_store_idx %arg13[%add3A_696, %broadcast_in_dim3A_698], %gather3A_694 : memref<128x128xf32, #tpu.memory_space<vmem>>[vector<16xi32>, vector<16xi32>], vector<16xf32>,
        %broadcast_in_dim3A_699 = arith.constant 42 : i32
        %broadcast_in_dim3A_700 = vector.broadcast %broadcast_in_dim3A_699 : i32 to vector<16xi32>
        %gather3A_701 = tpu.vector_load_idx %arg9[%shift_right_logical3A_359, %broadcast_in_dim3A_700, %add3A_385] : memref<4x64x256xf32, #tpu.memory_space<vmem>>[vector<16xi32>, vector<16xi32>, vector<16xi32>], vector<16xf32>,
        %broadcast_in_dim3A_702 = vector.broadcast %mul3A_403 : i32 to vector<16xi32>
        %add3A_703 = arith.addi %iota3A, %broadcast_in_dim3A_702 : vector<16xi32>
        %broadcast_in_dim3A_704 = arith.constant 42 : i32
        %broadcast_in_dim3A_705 = vector.broadcast %broadcast_in_dim3A_704 : i32 to vector<16xi32>
        tpu.vector_store_idx %arg13[%add3A_703, %broadcast_in_dim3A_705], %gather3A_701 : memref<128x128xf32, #tpu.memory_space<vmem>>[vector<16xi32>, vector<16xi32>], vector<16xf32>,
        %broadcast_in_dim3A_706 = arith.constant 43 : i32
        %broadcast_in_dim3A_707 = vector.broadcast %broadcast_in_dim3A_706 : i32 to vector<16xi32>
        %gather3A_708 = tpu.vector_load_idx %arg9[%shift_right_logical3A_359, %broadcast_in_dim3A_707, %add3A_385] : memref<4x64x256xf32, #tpu.memory_space<vmem>>[vector<16xi32>, vector<16xi32>, vector<16xi32>], vector<16xf32>,
        %broadcast_in_dim3A_709 = vector.broadcast %mul3A_403 : i32 to vector<16xi32>
        %add3A_710 = arith.addi %iota3A, %broadcast_in_dim3A_709 : vector<16xi32>
        %broadcast_in_dim3A_711 = arith.constant 43 : i32
        %broadcast_in_dim3A_712 = vector.broadcast %broadcast_in_dim3A_711 : i32 to vector<16xi32>
        tpu.vector_store_idx %arg13[%add3A_710, %broadcast_in_dim3A_712], %gather3A_708 : memref<128x128xf32, #tpu.memory_space<vmem>>[vector<16xi32>, vector<16xi32>], vector<16xf32>,
        %broadcast_in_dim3A_713 = arith.constant 44 : i32
        %broadcast_in_dim3A_714 = vector.broadcast %broadcast_in_dim3A_713 : i32 to vector<16xi32>
        %gather3A_715 = tpu.vector_load_idx %arg9[%shift_right_logical3A_359, %broadcast_in_dim3A_714, %add3A_385] : memref<4x64x256xf32, #tpu.memory_space<vmem>>[vector<16xi32>, vector<16xi32>, vector<16xi32>], vector<16xf32>,
        %broadcast_in_dim3A_716 = vector.broadcast %mul3A_403 : i32 to vector<16xi32>
        %add3A_717 = arith.addi %iota3A, %broadcast_in_dim3A_716 : vector<16xi32>
        %broadcast_in_dim3A_718 = arith.constant 44 : i32
        %broadcast_in_dim3A_719 = vector.broadcast %broadcast_in_dim3A_718 : i32 to vector<16xi32>
        tpu.vector_store_idx %arg13[%add3A_717, %broadcast_in_dim3A_719], %gather3A_715 : memref<128x128xf32, #tpu.memory_space<vmem>>[vector<16xi32>, vector<16xi32>], vector<16xf32>,
        %broadcast_in_dim3A_720 = arith.constant 45 : i32
        %broadcast_in_dim3A_721 = vector.broadcast %broadcast_in_dim3A_720 : i32 to vector<16xi32>
        %gather3A_722 = tpu.vector_load_idx %arg9[%shift_right_logical3A_359, %broadcast_in_dim3A_721, %add3A_385] : memref<4x64x256xf32, #tpu.memory_space<vmem>>[vector<16xi32>, vector<16xi32>, vector<16xi32>], vector<16xf32>,
        %broadcast_in_dim3A_723 = vector.broadcast %mul3A_403 : i32 to vector<16xi32>
        %add3A_724 = arith.addi %iota3A, %broadcast_in_dim3A_723 : vector<16xi32>
        %broadcast_in_dim3A_725 = arith.constant 45 : i32
        %broadcast_in_dim3A_726 = vector.broadcast %broadcast_in_dim3A_725 : i32 to vector<16xi32>
        tpu.vector_store_idx %arg13[%add3A_724, %broadcast_in_dim3A_726], %gather3A_722 : memref<128x128xf32, #tpu.memory_space<vmem>>[vector<16xi32>, vector<16xi32>], vector<16xf32>,
        %broadcast_in_dim3A_727 = arith.constant 46 : i32
        %broadcast_in_dim3A_728 = vector.broadcast %broadcast_in_dim3A_727 : i32 to vector<16xi32>
        %gather3A_729 = tpu.vector_load_idx %arg9[%shift_right_logical3A_359, %broadcast_in_dim3A_728, %add3A_385] : memref<4x64x256xf32, #tpu.memory_space<vmem>>[vector<16xi32>, vector<16xi32>, vector<16xi32>], vector<16xf32>,
        %broadcast_in_dim3A_730 = vector.broadcast %mul3A_403 : i32 to vector<16xi32>
        %add3A_731 = arith.addi %iota3A, %broadcast_in_dim3A_730 : vector<16xi32>
        %broadcast_in_dim3A_732 = arith.constant 46 : i32
        %broadcast_in_dim3A_733 = vector.broadcast %broadcast_in_dim3A_732 : i32 to vector<16xi32>
        tpu.vector_store_idx %arg13[%add3A_731, %broadcast_in_dim3A_733], %gather3A_729 : memref<128x128xf32, #tpu.memory_space<vmem>>[vector<16xi32>, vector<16xi32>], vector<16xf32>,
        %broadcast_in_dim3A_734 = arith.constant 47 : i32
        %broadcast_in_dim3A_735 = vector.broadcast %broadcast_in_dim3A_734 : i32 to vector<16xi32>
        %gather3A_736 = tpu.vector_load_idx %arg9[%shift_right_logical3A_359, %broadcast_in_dim3A_735, %add3A_385] : memref<4x64x256xf32, #tpu.memory_space<vmem>>[vector<16xi32>, vector<16xi32>, vector<16xi32>], vector<16xf32>,
        %broadcast_in_dim3A_737 = vector.broadcast %mul3A_403 : i32 to vector<16xi32>
        %add3A_738 = arith.addi %iota3A, %broadcast_in_dim3A_737 : vector<16xi32>
        %broadcast_in_dim3A_739 = arith.constant 47 : i32
        %broadcast_in_dim3A_740 = vector.broadcast %broadcast_in_dim3A_739 : i32 to vector<16xi32>
        tpu.vector_store_idx %arg13[%add3A_738, %broadcast_in_dim3A_740], %gather3A_736 : memref<128x128xf32, #tpu.memory_space<vmem>>[vector<16xi32>, vector<16xi32>], vector<16xf32>,
        %broadcast_in_dim3A_741 = arith.constant 48 : i32
        %broadcast_in_dim3A_742 = vector.broadcast %broadcast_in_dim3A_741 : i32 to vector<16xi32>
        %gather3A_743 = tpu.vector_load_idx %arg9[%shift_right_logical3A_359, %broadcast_in_dim3A_742, %add3A_385] : memref<4x64x256xf32, #tpu.memory_space<vmem>>[vector<16xi32>, vector<16xi32>, vector<16xi32>], vector<16xf32>,
        %broadcast_in_dim3A_744 = vector.broadcast %mul3A_403 : i32 to vector<16xi32>
        %add3A_745 = arith.addi %iota3A, %broadcast_in_dim3A_744 : vector<16xi32>
        %broadcast_in_dim3A_746 = arith.constant 48 : i32
        %broadcast_in_dim3A_747 = vector.broadcast %broadcast_in_dim3A_746 : i32 to vector<16xi32>
        tpu.vector_store_idx %arg13[%add3A_745, %broadcast_in_dim3A_747], %gather3A_743 : memref<128x128xf32, #tpu.memory_space<vmem>>[vector<16xi32>, vector<16xi32>], vector<16xf32>,
        %broadcast_in_dim3A_748 = arith.constant 49 : i32
        %broadcast_in_dim3A_749 = vector.broadcast %broadcast_in_dim3A_748 : i32 to vector<16xi32>
        %gather3A_750 = tpu.vector_load_idx %arg9[%shift_right_logical3A_359, %broadcast_in_dim3A_749, %add3A_385] : memref<4x64x256xf32, #tpu.memory_space<vmem>>[vector<16xi32>, vector<16xi32>, vector<16xi32>], vector<16xf32>,
        %broadcast_in_dim3A_751 = vector.broadcast %mul3A_403 : i32 to vector<16xi32>
        %add3A_752 = arith.addi %iota3A, %broadcast_in_dim3A_751 : vector<16xi32>
        %broadcast_in_dim3A_753 = arith.constant 49 : i32
        %broadcast_in_dim3A_754 = vector.broadcast %broadcast_in_dim3A_753 : i32 to vector<16xi32>
        tpu.vector_store_idx %arg13[%add3A_752, %broadcast_in_dim3A_754], %gather3A_750 : memref<128x128xf32, #tpu.memory_space<vmem>>[vector<16xi32>, vector<16xi32>], vector<16xf32>,
        %broadcast_in_dim3A_755 = arith.constant 50 : i32
        %broadcast_in_dim3A_756 = vector.broadcast %broadcast_in_dim3A_755 : i32 to vector<16xi32>
        %gather3A_757 = tpu.vector_load_idx %arg9[%shift_right_logical3A_359, %broadcast_in_dim3A_756, %add3A_385] : memref<4x64x256xf32, #tpu.memory_space<vmem>>[vector<16xi32>, vector<16xi32>, vector<16xi32>], vector<16xf32>,
        %broadcast_in_dim3A_758 = vector.broadcast %mul3A_403 : i32 to vector<16xi32>
        %add3A_759 = arith.addi %iota3A, %broadcast_in_dim3A_758 : vector<16xi32>
        %broadcast_in_dim3A_760 = arith.constant 50 : i32
        %broadcast_in_dim3A_761 = vector.broadcast %broadcast_in_dim3A_760 : i32 to vector<16xi32>
        tpu.vector_store_idx %arg13[%add3A_759, %broadcast_in_dim3A_761], %gather3A_757 : memref<128x128xf32, #tpu.memory_space<vmem>>[vector<16xi32>, vector<16xi32>], vector<16xf32>,
        %broadcast_in_dim3A_762 = arith.constant 51 : i32
        %broadcast_in_dim3A_763 = vector.broadcast %broadcast_in_dim3A_762 : i32 to vector<16xi32>
        %gather3A_764 = tpu.vector_load_idx %arg9[%shift_right_logical3A_359, %broadcast_in_dim3A_763, %add3A_385] : memref<4x64x256xf32, #tpu.memory_space<vmem>>[vector<16xi32>, vector<16xi32>, vector<16xi32>], vector<16xf32>,
        %broadcast_in_dim3A_765 = vector.broadcast %mul3A_403 : i32 to vector<16xi32>
        %add3A_766 = arith.addi %iota3A, %broadcast_in_dim3A_765 : vector<16xi32>
        %broadcast_in_dim3A_767 = arith.constant 51 : i32
        %broadcast_in_dim3A_768 = vector.broadcast %broadcast_in_dim3A_767 : i32 to vector<16xi32>
        tpu.vector_store_idx %arg13[%add3A_766, %broadcast_in_dim3A_768], %gather3A_764 : memref<128x128xf32, #tpu.memory_space<vmem>>[vector<16xi32>, vector<16xi32>], vector<16xf32>,
        %broadcast_in_dim3A_769 = arith.constant 52 : i32
        %broadcast_in_dim3A_770 = vector.broadcast %broadcast_in_dim3A_769 : i32 to vector<16xi32>
        %gather3A_771 = tpu.vector_load_idx %arg9[%shift_right_logical3A_359, %broadcast_in_dim3A_770, %add3A_385] : memref<4x64x256xf32, #tpu.memory_space<vmem>>[vector<16xi32>, vector<16xi32>, vector<16xi32>], vector<16xf32>,
        %broadcast_in_dim3A_772 = vector.broadcast %mul3A_403 : i32 to vector<16xi32>
        %add3A_773 = arith.addi %iota3A, %broadcast_in_dim3A_772 : vector<16xi32>
        %broadcast_in_dim3A_774 = arith.constant 52 : i32
        %broadcast_in_dim3A_775 = vector.broadcast %broadcast_in_dim3A_774 : i32 to vector<16xi32>
        tpu.vector_store_idx %arg13[%add3A_773, %broadcast_in_dim3A_775], %gather3A_771 : memref<128x128xf32, #tpu.memory_space<vmem>>[vector<16xi32>, vector<16xi32>], vector<16xf32>,
        %broadcast_in_dim3A_776 = arith.constant 53 : i32
        %broadcast_in_dim3A_777 = vector.broadcast %broadcast_in_dim3A_776 : i32 to vector<16xi32>
        %gather3A_778 = tpu.vector_load_idx %arg9[%shift_right_logical3A_359, %broadcast_in_dim3A_777, %add3A_385] : memref<4x64x256xf32, #tpu.memory_space<vmem>>[vector<16xi32>, vector<16xi32>, vector<16xi32>], vector<16xf32>,
        %broadcast_in_dim3A_779 = vector.broadcast %mul3A_403 : i32 to vector<16xi32>
        %add3A_780 = arith.addi %iota3A, %broadcast_in_dim3A_779 : vector<16xi32>
        %broadcast_in_dim3A_781 = arith.constant 53 : i32
        %broadcast_in_dim3A_782 = vector.broadcast %broadcast_in_dim3A_781 : i32 to vector<16xi32>
        tpu.vector_store_idx %arg13[%add3A_780, %broadcast_in_dim3A_782], %gather3A_778 : memref<128x128xf32, #tpu.memory_space<vmem>>[vector<16xi32>, vector<16xi32>], vector<16xf32>,
        %broadcast_in_dim3A_783 = arith.constant 54 : i32
        %broadcast_in_dim3A_784 = vector.broadcast %broadcast_in_dim3A_783 : i32 to vector<16xi32>
        %gather3A_785 = tpu.vector_load_idx %arg9[%shift_right_logical3A_359, %broadcast_in_dim3A_784, %add3A_385] : memref<4x64x256xf32, #tpu.memory_space<vmem>>[vector<16xi32>, vector<16xi32>, vector<16xi32>], vector<16xf32>,
        %broadcast_in_dim3A_786 = vector.broadcast %mul3A_403 : i32 to vector<16xi32>
        %add3A_787 = arith.addi %iota3A, %broadcast_in_dim3A_786 : vector<16xi32>
        %broadcast_in_dim3A_788 = arith.constant 54 : i32
        %broadcast_in_dim3A_789 = vector.broadcast %broadcast_in_dim3A_788 : i32 to vector<16xi32>
        tpu.vector_store_idx %arg13[%add3A_787, %broadcast_in_dim3A_789], %gather3A_785 : memref<128x128xf32, #tpu.memory_space<vmem>>[vector<16xi32>, vector<16xi32>], vector<16xf32>,
        %broadcast_in_dim3A_790 = arith.constant 55 : i32
        %broadcast_in_dim3A_791 = vector.broadcast %broadcast_in_dim3A_790 : i32 to vector<16xi32>
        %gather3A_792 = tpu.vector_load_idx %arg9[%shift_right_logical3A_359, %broadcast_in_dim3A_791, %add3A_385] : memref<4x64x256xf32, #tpu.memory_space<vmem>>[vector<16xi32>, vector<16xi32>, vector<16xi32>], vector<16xf32>,
        %broadcast_in_dim3A_793 = vector.broadcast %mul3A_403 : i32 to vector<16xi32>
        %add3A_794 = arith.addi %iota3A, %broadcast_in_dim3A_793 : vector<16xi32>
        %broadcast_in_dim3A_795 = arith.constant 55 : i32
        %broadcast_in_dim3A_796 = vector.broadcast %broadcast_in_dim3A_795 : i32 to vector<16xi32>
        tpu.vector_store_idx %arg13[%add3A_794, %broadcast_in_dim3A_796], %gather3A_792 : memref<128x128xf32, #tpu.memory_space<vmem>>[vector<16xi32>, vector<16xi32>], vector<16xf32>,
        %broadcast_in_dim3A_797 = arith.constant 56 : i32
        %broadcast_in_dim3A_798 = vector.broadcast %broadcast_in_dim3A_797 : i32 to vector<16xi32>
        %gather3A_799 = tpu.vector_load_idx %arg9[%shift_right_logical3A_359, %broadcast_in_dim3A_798, %add3A_385] : memref<4x64x256xf32, #tpu.memory_space<vmem>>[vector<16xi32>, vector<16xi32>, vector<16xi32>], vector<16xf32>,
        %broadcast_in_dim3A_800 = vector.broadcast %mul3A_403 : i32 to vector<16xi32>
        %add3A_801 = arith.addi %iota3A, %broadcast_in_dim3A_800 : vector<16xi32>
        %broadcast_in_dim3A_802 = arith.constant 56 : i32
        %broadcast_in_dim3A_803 = vector.broadcast %broadcast_in_dim3A_802 : i32 to vector<16xi32>
        tpu.vector_store_idx %arg13[%add3A_801, %broadcast_in_dim3A_803], %gather3A_799 : memref<128x128xf32, #tpu.memory_space<vmem>>[vector<16xi32>, vector<16xi32>], vector<16xf32>,
        %broadcast_in_dim3A_804 = arith.constant 57 : i32
        %broadcast_in_dim3A_805 = vector.broadcast %broadcast_in_dim3A_804 : i32 to vector<16xi32>
        %gather3A_806 = tpu.vector_load_idx %arg9[%shift_right_logical3A_359, %broadcast_in_dim3A_805, %add3A_385] : memref<4x64x256xf32, #tpu.memory_space<vmem>>[vector<16xi32>, vector<16xi32>, vector<16xi32>], vector<16xf32>,
        %broadcast_in_dim3A_807 = vector.broadcast %mul3A_403 : i32 to vector<16xi32>
        %add3A_808 = arith.addi %iota3A, %broadcast_in_dim3A_807 : vector<16xi32>
        %broadcast_in_dim3A_809 = arith.constant 57 : i32
        %broadcast_in_dim3A_810 = vector.broadcast %broadcast_in_dim3A_809 : i32 to vector<16xi32>
        tpu.vector_store_idx %arg13[%add3A_808, %broadcast_in_dim3A_810], %gather3A_806 : memref<128x128xf32, #tpu.memory_space<vmem>>[vector<16xi32>, vector<16xi32>], vector<16xf32>,
        %broadcast_in_dim3A_811 = arith.constant 58 : i32
        %broadcast_in_dim3A_812 = vector.broadcast %broadcast_in_dim3A_811 : i32 to vector<16xi32>
        %gather3A_813 = tpu.vector_load_idx %arg9[%shift_right_logical3A_359, %broadcast_in_dim3A_812, %add3A_385] : memref<4x64x256xf32, #tpu.memory_space<vmem>>[vector<16xi32>, vector<16xi32>, vector<16xi32>], vector<16xf32>,
        %broadcast_in_dim3A_814 = vector.broadcast %mul3A_403 : i32 to vector<16xi32>
        %add3A_815 = arith.addi %iota3A, %broadcast_in_dim3A_814 : vector<16xi32>
        %broadcast_in_dim3A_816 = arith.constant 58 : i32
        %broadcast_in_dim3A_817 = vector.broadcast %broadcast_in_dim3A_816 : i32 to vector<16xi32>
        tpu.vector_store_idx %arg13[%add3A_815, %broadcast_in_dim3A_817], %gather3A_813 : memref<128x128xf32, #tpu.memory_space<vmem>>[vector<16xi32>, vector<16xi32>], vector<16xf32>,
        %broadcast_in_dim3A_818 = arith.constant 59 : i32
        %broadcast_in_dim3A_819 = vector.broadcast %broadcast_in_dim3A_818 : i32 to vector<16xi32>
        %gather3A_820 = tpu.vector_load_idx %arg9[%shift_right_logical3A_359, %broadcast_in_dim3A_819, %add3A_385] : memref<4x64x256xf32, #tpu.memory_space<vmem>>[vector<16xi32>, vector<16xi32>, vector<16xi32>], vector<16xf32>,
        %broadcast_in_dim3A_821 = vector.broadcast %mul3A_403 : i32 to vector<16xi32>
        %add3A_822 = arith.addi %iota3A, %broadcast_in_dim3A_821 : vector<16xi32>
        %broadcast_in_dim3A_823 = arith.constant 59 : i32
        %broadcast_in_dim3A_824 = vector.broadcast %broadcast_in_dim3A_823 : i32 to vector<16xi32>
        tpu.vector_store_idx %arg13[%add3A_822, %broadcast_in_dim3A_824], %gather3A_820 : memref<128x128xf32, #tpu.memory_space<vmem>>[vector<16xi32>, vector<16xi32>], vector<16xf32>,
        %broadcast_in_dim3A_825 = arith.constant 60 : i32
        %broadcast_in_dim3A_826 = vector.broadcast %broadcast_in_dim3A_825 : i32 to vector<16xi32>
        %gather3A_827 = tpu.vector_load_idx %arg9[%shift_right_logical3A_359, %broadcast_in_dim3A_826, %add3A_385] : memref<4x64x256xf32, #tpu.memory_space<vmem>>[vector<16xi32>, vector<16xi32>, vector<16xi32>], vector<16xf32>,
        %broadcast_in_dim3A_828 = vector.broadcast %mul3A_403 : i32 to vector<16xi32>
        %add3A_829 = arith.addi %iota3A, %broadcast_in_dim3A_828 : vector<16xi32>
        %broadcast_in_dim3A_830 = arith.constant 60 : i32
        %broadcast_in_dim3A_831 = vector.broadcast %broadcast_in_dim3A_830 : i32 to vector<16xi32>
        tpu.vector_store_idx %arg13[%add3A_829, %broadcast_in_dim3A_831], %gather3A_827 : memref<128x128xf32, #tpu.memory_space<vmem>>[vector<16xi32>, vector<16xi32>], vector<16xf32>,
        %broadcast_in_dim3A_832 = arith.constant 61 : i32
        %broadcast_in_dim3A_833 = vector.broadcast %broadcast_in_dim3A_832 : i32 to vector<16xi32>
        %gather3A_834 = tpu.vector_load_idx %arg9[%shift_right_logical3A_359, %broadcast_in_dim3A_833, %add3A_385] : memref<4x64x256xf32, #tpu.memory_space<vmem>>[vector<16xi32>, vector<16xi32>, vector<16xi32>], vector<16xf32>,
        %broadcast_in_dim3A_835 = vector.broadcast %mul3A_403 : i32 to vector<16xi32>
        %add3A_836 = arith.addi %iota3A, %broadcast_in_dim3A_835 : vector<16xi32>
        %broadcast_in_dim3A_837 = arith.constant 61 : i32
        %broadcast_in_dim3A_838 = vector.broadcast %broadcast_in_dim3A_837 : i32 to vector<16xi32>
        tpu.vector_store_idx %arg13[%add3A_836, %broadcast_in_dim3A_838], %gather3A_834 : memref<128x128xf32, #tpu.memory_space<vmem>>[vector<16xi32>, vector<16xi32>], vector<16xf32>,
        %broadcast_in_dim3A_839 = arith.constant 62 : i32
        %broadcast_in_dim3A_840 = vector.broadcast %broadcast_in_dim3A_839 : i32 to vector<16xi32>
        %gather3A_841 = tpu.vector_load_idx %arg9[%shift_right_logical3A_359, %broadcast_in_dim3A_840, %add3A_385] : memref<4x64x256xf32, #tpu.memory_space<vmem>>[vector<16xi32>, vector<16xi32>, vector<16xi32>], vector<16xf32>,
        %broadcast_in_dim3A_842 = vector.broadcast %mul3A_403 : i32 to vector<16xi32>
        %add3A_843 = arith.addi %iota3A, %broadcast_in_dim3A_842 : vector<16xi32>
        %broadcast_in_dim3A_844 = arith.constant 62 : i32
        %broadcast_in_dim3A_845 = vector.broadcast %broadcast_in_dim3A_844 : i32 to vector<16xi32>
        tpu.vector_store_idx %arg13[%add3A_843, %broadcast_in_dim3A_845], %gather3A_841 : memref<128x128xf32, #tpu.memory_space<vmem>>[vector<16xi32>, vector<16xi32>], vector<16xf32>,
        %broadcast_in_dim3A_846 = arith.constant 63 : i32
        %broadcast_in_dim3A_847 = vector.broadcast %broadcast_in_dim3A_846 : i32 to vector<16xi32>
        %gather3A_848 = tpu.vector_load_idx %arg9[%shift_right_logical3A_359, %broadcast_in_dim3A_847, %add3A_385] : memref<4x64x256xf32, #tpu.memory_space<vmem>>[vector<16xi32>, vector<16xi32>, vector<16xi32>], vector<16xf32>,
        %broadcast_in_dim3A_849 = vector.broadcast %mul3A_403 : i32 to vector<16xi32>
        %add3A_850 = arith.addi %iota3A, %broadcast_in_dim3A_849 : vector<16xi32>
        %broadcast_in_dim3A_851 = arith.constant 63 : i32
        %broadcast_in_dim3A_852 = vector.broadcast %broadcast_in_dim3A_851 : i32 to vector<16xi32>
        tpu.vector_store_idx %arg13[%add3A_850, %broadcast_in_dim3A_852], %gather3A_848 : memref<128x128xf32, #tpu.memory_space<vmem>>[vector<16xi32>, vector<16xi32>], vector<16xf32>,
        %jit3A_853 = arith.constant 8 : i32
        %eq3A_854 = arith.constant 0 : i32
        %eq3A_855 = arith.cmpi eq, %jit3A_853, %eq3A_854 : i32
        %jit3A_856 = arith.constant 1 : i32
        %select_n3A_857 = arith.select %eq3A_855, %jit3A_856, %jit3A_853 : i32
        %rem3A_858 = arith.remsi %while3A_342, %select_n3A_857 : i32
        %ne3A_859 = arith.constant 0 : i32
        %ne3A_860 = arith.cmpi ne, %rem3A_858, %ne3A_859 : i32
        %lt3A_861 = arith.constant 0 : i32
        %lt3A_862 = arith.cmpi slt, %rem3A_858, %lt3A_861 : i32
        %lt3A_863 = arith.constant 0 : i32
        %lt3A_864 = arith.cmpi slt, %select_n3A_857, %lt3A_863 : i32
        %ne3A_865 = arith.xori %lt3A_862, %lt3A_864 : i1
        %and3A_866 = arith.andi %ne3A_865, %ne3A_860 : i1
        %add3A_867 = arith.addi %rem3A_858, %select_n3A_857 : i32
        %select_n3A_868 = arith.select %and3A_866, %add3A_867, %rem3A_858 : i32
        %eq3A_869 = arith.constant 7 : i32
        %eq3A_870 = arith.cmpi eq, %select_n3A_868, %eq3A_869 : i32
        %convert_element_type3A_871 = arith.extui %eq3A_870 : i1 to i32
        %cond3A_872 = arith.constant 0 : i32
        %cond3A_873 = arith.cmpi ne, %convert_element_type3A_871, %cond3A_872 : i32
        scf.if %cond3A_873 {
          %dma_start3A_876 = arith.constant 0 : i32
          %dma_start3A_877 = arith.constant 0 : i32
          %dma_start3A_878 = tpu.memref_slice %arg12[%dma_start3A_876, %dma_start3A_877] : memref<1x128xi32, #tpu.memory_space<vmem>> -> memref<1x128xi32, #tpu.memory_space<vmem>>
          %dma_start3A_879 = tpu.memref_squeeze %dma_start3A_878 : memref<1x128xi32, #tpu.memory_space<vmem>> -> memref<128xi32, #tpu.memory_space<vmem>>
          %dma_start3A_880 = arith.constant 0 : i32
          %dma_start3A_881 = arith.constant 0 : i32
          %dma_start3A_882 = tpu.memref_slice %arg5[%dma_start3A_880, %dma_start3A_881] : memref<106512x128xf32, #tpu.memory_space<hbm>> -> memref<106512x128xf32, #tpu.memory_space<hbm>>
          tpu.enqueue_indirect_dma source(%arg13 : memref<128x128xf32, #tpu.memory_space<vmem>>) target(%dma_start3A_882 : memref<106512x128xf32, #tpu.memory_space<hbm>>) offsets(%dma_start3A_879 : memref<128xi32, #tpu.memory_space<vmem>>) semaphore(%arg15 : memref<!tpu.dma_semaphore, #tpu.memory_space<semaphore_mem>>)
          %dma_wait3A_883 = arith.constant 0 : i32
          %dma_wait3A_884 = arith.constant 0 : i32
          %dma_wait3A_885 = tpu.memref_slice %arg12[%dma_wait3A_883, %dma_wait3A_884] : memref<1x128xi32, #tpu.memory_space<vmem>> -> memref<1x128xi32, #tpu.memory_space<vmem>>
          %dma_wait3A_886 = tpu.memref_squeeze %dma_wait3A_885 : memref<1x128xi32, #tpu.memory_space<vmem>> -> memref<128xi32, #tpu.memory_space<vmem>>
          %dma_wait3A_887 = arith.constant 0 : i32
          %dma_wait3A_888 = arith.constant 0 : i32
          %dma_wait3A_889 = tpu.memref_slice %arg5[%dma_wait3A_887, %dma_wait3A_888] : memref<106512x128xf32, #tpu.memory_space<hbm>> -> memref<106512x128xf32, #tpu.memory_space<hbm>>
          tpu.wait_indirect_dma semaphore(%arg15 : memref<!tpu.dma_semaphore, #tpu.memory_space<semaphore_mem>>) src(%arg13 : memref<128x128xf32, #tpu.memory_space<vmem>>) dst(%dma_wait3A_889 : memref<106512x128xf32, #tpu.memory_space<hbm>>)
        } else {
        }
        %add3A_874 = arith.constant 1 : i32
        %add3A_875 = arith.addi %while3A_342, %add3A_874 : i32
        scf.yield %add3A_875 : i32
      }
      %while3A_339 = arith.constant 1 : i32
      %while3A_340 = scf.for %while3A_341 = %while3A_336 to %while3A_332 step %while3A_339 iter_args(%while3A_342 = %while3A_338) -> (i32)  : i32 {
        %mul3A_343 = arith.constant 16 : i32
        %mul3A_344 = arith.muli %while3A_341, %mul3A_343 : i32
        %get3A = arith.index_cast %mul3A_344 : i32 to index
        %get3A_345 = tpu.vector_load %arg10[%get3A] {strides = array<i32>} : memref<8240xi32, #tpu.memory_space<vmem>>, vector<16xi32>,
        %mul3A_346 = arith.constant 16 : i32
        %mul3A_347 = arith.muli %while3A_341, %mul3A_346 : i32
        %get3A_348 = arith.index_cast %mul3A_347 : i32 to index
        %get3A_349 = tpu.vector_load %arg11[%get3A_348] {strides = array<i32>} : memref<8240xi32, #tpu.memory_space<vmem>>, vector<16xi32>,
        %shift_right_logical3A = arith.constant 7 : i32
        %shift_right_logical3A_350 = vector.broadcast %shift_right_logical3A : i32 to vector<16xi32>
        %shift_right_logical3A_351 = arith.shrui %get3A_345, %shift_right_logical3A_350 : vector<16xi32>
        %mul3A_352 = arith.constant 128 : i32
        %mul3A_353 = vector.broadcast %mul3A_352 : i32 to vector<16xi32>
        %mul3A_354 = arith.muli %shift_right_logical3A_351, %mul3A_353 : vector<16xi32>
        %sub3A_355 = arith.subi %get3A_345, %mul3A_354 : vector<16xi32>
        %sub3A_356 = arith.subi %shift_right_logical3A_351, %broadcast_in_dim3A_220 : vector<16xi32>
        %shift_right_logical3A_357 = arith.constant 1 : i32
        %shift_right_logical3A_358 = vector.broadcast %shift_right_logical3A_357 : i32 to vector<16xi32>
        %shift_right_logical3A_359 = arith.shrui %sub3A_356, %shift_right_logical3A_358 : vector<16xi32>
        %jit3A_360 = arith.constant 2 : i32
        %eq3A_361 = arith.constant 0 : i32
        %eq3A_362 = arith.cmpi eq, %jit3A_360, %eq3A_361 : i32
        %jit3A_363 = arith.constant 1 : i32
        %select_n3A_364 = arith.select %eq3A_362, %jit3A_363, %jit3A_360 : i32
        %rem3A_365 = vector.broadcast %select_n3A_364 : i32 to vector<16xi32>
        %rem3A_366 = arith.remsi %sub3A_356, %rem3A_365 : vector<16xi32>
        %ne3A_367 = arith.constant 0 : i32
        %ne3A_368 = vector.broadcast %ne3A_367 : i32 to vector<16xi32>
        %ne3A_369 = arith.cmpi ne, %rem3A_366, %ne3A_368 : vector<16xi32>
        %lt3A_370 = arith.constant 0 : i32
        %lt3A_371 = vector.broadcast %lt3A_370 : i32 to vector<16xi32>
        %lt3A_372 = arith.cmpi slt, %rem3A_366, %lt3A_371 : vector<16xi32>
        %lt3A_373 = arith.constant 0 : i32
        %lt3A_374 = arith.cmpi slt, %select_n3A_364, %lt3A_373 : i32
        %ne3A_375 = vector.broadcast %lt3A_374 : i1 to vector<16xi1>
        %ne3A_376 = vector.broadcast %ne3A_375 : vector<16xi1> to vector<16xi1>
        %ne3A_377 = arith.xori %lt3A_372, %ne3A_376 : vector<16xi1>
        %and3A_378 = arith.andi %ne3A_377, %ne3A_369 : vector<16xi1>
        %add3A_379 = vector.broadcast %select_n3A_364 : i32 to vector<16xi32>
        %add3A_380 = arith.addi %rem3A_366, %add3A_379 : vector<16xi32>
        %select_n3A_381 = arith.select %and3A_378, %add3A_380, %rem3A_366 : vector<16xi1>, vector<16xi32>
        %mul3A_382 = arith.constant 128 : i32
        %mul3A_383 = vector.broadcast %mul3A_382 : i32 to vector<16xi32>
        %mul3A_384 = arith.muli %select_n3A_381, %mul3A_383 : vector<16xi32>
        %add3A_385 = arith.addi %sub3A_355, %mul3A_384 : vector<16xi32>
        %jit3A_386 = arith.constant 8 : i32
        %eq3A_387 = arith.constant 0 : i32
        %eq3A_388 = arith.cmpi eq, %jit3A_386, %eq3A_387 : i32
        %jit3A_389 = arith.constant 1 : i32
        %select_n3A_390 = arith.select %eq3A_388, %jit3A_389, %jit3A_386 : i32
        %rem3A_391 = arith.remsi %while3A_342, %select_n3A_390 : i32
        %ne3A_392 = arith.constant 0 : i32
        %ne3A_393 = arith.cmpi ne, %rem3A_391, %ne3A_392 : i32
        %lt3A_394 = arith.constant 0 : i32
        %lt3A_395 = arith.cmpi slt, %rem3A_391, %lt3A_394 : i32
        %lt3A_396 = arith.constant 0 : i32
        %lt3A_397 = arith.cmpi slt, %select_n3A_390, %lt3A_396 : i32
        %ne3A_398 = arith.xori %lt3A_395, %lt3A_397 : i1
        %and3A_399 = arith.andi %ne3A_398, %ne3A_393 : i1
        %add3A_400 = arith.addi %rem3A_391, %select_n3A_390 : i32
        %select_n3A_401 = arith.select %and3A_399, %add3A_400, %rem3A_391 : i32
        %mul3A_402 = arith.constant 16 : i32
        %mul3A_403 = arith.muli %select_n3A_401, %mul3A_402 : i32
        %broadcast_in_dim3A_404 = vector.broadcast %mul3A_403 : i32 to vector<16xi32>
        %add3A_405 = arith.addi %iota3A, %broadcast_in_dim3A_404 : vector<16xi32>
        tpu.vector_store_idx %arg12[%broadcast_in_dim3A_329, %add3A_405], %get3A_349 : memref<1x128xi32, #tpu.memory_space<vmem>>[vector<16xi32>, vector<16xi32>], vector<16xi32>,
        %broadcast_in_dim3A_406 = arith.constant 0 : i32
        %broadcast_in_dim3A_407 = vector.broadcast %broadcast_in_dim3A_406 : i32 to vector<16xi32>
        %gather3A = tpu.vector_load_idx %arg9[%shift_right_logical3A_359, %broadcast_in_dim3A_407, %add3A_385] : memref<4x64x256xf32, #tpu.memory_space<vmem>>[vector<16xi32>, vector<16xi32>, vector<16xi32>], vector<16xf32>,
        %broadcast_in_dim3A_408 = vector.broadcast %mul3A_403 : i32 to vector<16xi32>
        %add3A_409 = arith.addi %iota3A, %broadcast_in_dim3A_408 : vector<16xi32>
        %broadcast_in_dim3A_410 = arith.constant 0 : i32
        %broadcast_in_dim3A_411 = vector.broadcast %broadcast_in_dim3A_410 : i32 to vector<16xi32>
        tpu.vector_store_idx %arg13[%add3A_409, %broadcast_in_dim3A_411], %gather3A : memref<128x128xf32, #tpu.memory_space<vmem>>[vector<16xi32>, vector<16xi32>], vector<16xf32>,
        %broadcast_in_dim3A_412 = arith.constant 1 : i32
        %broadcast_in_dim3A_413 = vector.broadcast %broadcast_in_dim3A_412 : i32 to vector<16xi32>
        %gather3A_414 = tpu.vector_load_idx %arg9[%shift_right_logical3A_359, %broadcast_in_dim3A_413, %add3A_385] : memref<4x64x256xf32, #tpu.memory_space<vmem>>[vector<16xi32>, vector<16xi32>, vector<16xi32>], vector<16xf32>,
        %broadcast_in_dim3A_415 = vector.broadcast %mul3A_403 : i32 to vector<16xi32>
        %add3A_416 = arith.addi %iota3A, %broadcast_in_dim3A_415 : vector<16xi32>
        %broadcast_in_dim3A_417 = arith.constant 1 : i32
        %broadcast_in_dim3A_418 = vector.broadcast %broadcast_in_dim3A_417 : i32 to vector<16xi32>
        tpu.vector_store_idx %arg13[%add3A_416, %broadcast_in_dim3A_418], %gather3A_414 : memref<128x128xf32, #tpu.memory_space<vmem>>[vector<16xi32>, vector<16xi32>], vector<16xf32>,
        %broadcast_in_dim3A_419 = arith.constant 2 : i32
        %broadcast_in_dim3A_420 = vector.broadcast %broadcast_in_dim3A_419 : i32 to vector<16xi32>
        %gather3A_421 = tpu.vector_load_idx %arg9[%shift_right_logical3A_359, %broadcast_in_dim3A_420, %add3A_385] : memref<4x64x256xf32, #tpu.memory_space<vmem>>[vector<16xi32>, vector<16xi32>, vector<16xi32>], vector<16xf32>,
        %broadcast_in_dim3A_422 = vector.broadcast %mul3A_403 : i32 to vector<16xi32>
        %add3A_423 = arith.addi %iota3A, %broadcast_in_dim3A_422 : vector<16xi32>
        %broadcast_in_dim3A_424 = arith.constant 2 : i32
        %broadcast_in_dim3A_425 = vector.broadcast %broadcast_in_dim3A_424 : i32 to vector<16xi32>
        tpu.vector_store_idx %arg13[%add3A_423, %broadcast_in_dim3A_425], %gather3A_421 : memref<128x128xf32, #tpu.memory_space<vmem>>[vector<16xi32>, vector<16xi32>], vector<16xf32>,
        %broadcast_in_dim3A_426 = arith.constant 3 : i32
        %broadcast_in_dim3A_427 = vector.broadcast %broadcast_in_dim3A_426 : i32 to vector<16xi32>
        %gather3A_428 = tpu.vector_load_idx %arg9[%shift_right_logical3A_359, %broadcast_in_dim3A_427, %add3A_385] : memref<4x64x256xf32, #tpu.memory_space<vmem>>[vector<16xi32>, vector<16xi32>, vector<16xi32>], vector<16xf32>,
        %broadcast_in_dim3A_429 = vector.broadcast %mul3A_403 : i32 to vector<16xi32>
        %add3A_430 = arith.addi %iota3A, %broadcast_in_dim3A_429 : vector<16xi32>
        %broadcast_in_dim3A_431 = arith.constant 3 : i32
        %broadcast_in_dim3A_432 = vector.broadcast %broadcast_in_dim3A_431 : i32 to vector<16xi32>
        tpu.vector_store_idx %arg13[%add3A_430, %broadcast_in_dim3A_432], %gather3A_428 : memref<128x128xf32, #tpu.memory_space<vmem>>[vector<16xi32>, vector<16xi32>], vector<16xf32>,
        %broadcast_in_dim3A_433 = arith.constant 4 : i32
        %broadcast_in_dim3A_434 = vector.broadcast %broadcast_in_dim3A_433 : i32 to vector<16xi32>
        %gather3A_435 = tpu.vector_load_idx %arg9[%shift_right_logical3A_359, %broadcast_in_dim3A_434, %add3A_385] : memref<4x64x256xf32, #tpu.memory_space<vmem>>[vector<16xi32>, vector<16xi32>, vector<16xi32>], vector<16xf32>,
        %broadcast_in_dim3A_436 = vector.broadcast %mul3A_403 : i32 to vector<16xi32>
        %add3A_437 = arith.addi %iota3A, %broadcast_in_dim3A_436 : vector<16xi32>
        %broadcast_in_dim3A_438 = arith.constant 4 : i32
        %broadcast_in_dim3A_439 = vector.broadcast %broadcast_in_dim3A_438 : i32 to vector<16xi32>
        tpu.vector_store_idx %arg13[%add3A_437, %broadcast_in_dim3A_439], %gather3A_435 : memref<128x128xf32, #tpu.memory_space<vmem>>[vector<16xi32>, vector<16xi32>], vector<16xf32>,
        %broadcast_in_dim3A_440 = arith.constant 5 : i32
        %broadcast_in_dim3A_441 = vector.broadcast %broadcast_in_dim3A_440 : i32 to vector<16xi32>
        %gather3A_442 = tpu.vector_load_idx %arg9[%shift_right_logical3A_359, %broadcast_in_dim3A_441, %add3A_385] : memref<4x64x256xf32, #tpu.memory_space<vmem>>[vector<16xi32>, vector<16xi32>, vector<16xi32>], vector<16xf32>,
        %broadcast_in_dim3A_443 = vector.broadcast %mul3A_403 : i32 to vector<16xi32>
        %add3A_444 = arith.addi %iota3A, %broadcast_in_dim3A_443 : vector<16xi32>
        %broadcast_in_dim3A_445 = arith.constant 5 : i32
        %broadcast_in_dim3A_446 = vector.broadcast %broadcast_in_dim3A_445 : i32 to vector<16xi32>
        tpu.vector_store_idx %arg13[%add3A_444, %broadcast_in_dim3A_446], %gather3A_442 : memref<128x128xf32, #tpu.memory_space<vmem>>[vector<16xi32>, vector<16xi32>], vector<16xf32>,
        %broadcast_in_dim3A_447 = arith.constant 6 : i32
        %broadcast_in_dim3A_448 = vector.broadcast %broadcast_in_dim3A_447 : i32 to vector<16xi32>
        %gather3A_449 = tpu.vector_load_idx %arg9[%shift_right_logical3A_359, %broadcast_in_dim3A_448, %add3A_385] : memref<4x64x256xf32, #tpu.memory_space<vmem>>[vector<16xi32>, vector<16xi32>, vector<16xi32>], vector<16xf32>,
        %broadcast_in_dim3A_450 = vector.broadcast %mul3A_403 : i32 to vector<16xi32>
        %add3A_451 = arith.addi %iota3A, %broadcast_in_dim3A_450 : vector<16xi32>
        %broadcast_in_dim3A_452 = arith.constant 6 : i32
        %broadcast_in_dim3A_453 = vector.broadcast %broadcast_in_dim3A_452 : i32 to vector<16xi32>
        tpu.vector_store_idx %arg13[%add3A_451, %broadcast_in_dim3A_453], %gather3A_449 : memref<128x128xf32, #tpu.memory_space<vmem>>[vector<16xi32>, vector<16xi32>], vector<16xf32>,
        %broadcast_in_dim3A_454 = arith.constant 7 : i32
        %broadcast_in_dim3A_455 = vector.broadcast %broadcast_in_dim3A_454 : i32 to vector<16xi32>
        %gather3A_456 = tpu.vector_load_idx %arg9[%shift_right_logical3A_359, %broadcast_in_dim3A_455, %add3A_385] : memref<4x64x256xf32, #tpu.memory_space<vmem>>[vector<16xi32>, vector<16xi32>, vector<16xi32>], vector<16xf32>,
        %broadcast_in_dim3A_457 = vector.broadcast %mul3A_403 : i32 to vector<16xi32>
        %add3A_458 = arith.addi %iota3A, %broadcast_in_dim3A_457 : vector<16xi32>
        %broadcast_in_dim3A_459 = arith.constant 7 : i32
        %broadcast_in_dim3A_460 = vector.broadcast %broadcast_in_dim3A_459 : i32 to vector<16xi32>
        tpu.vector_store_idx %arg13[%add3A_458, %broadcast_in_dim3A_460], %gather3A_456 : memref<128x128xf32, #tpu.memory_space<vmem>>[vector<16xi32>, vector<16xi32>], vector<16xf32>,
        %broadcast_in_dim3A_461 = arith.constant 8 : i32
        %broadcast_in_dim3A_462 = vector.broadcast %broadcast_in_dim3A_461 : i32 to vector<16xi32>
        %gather3A_463 = tpu.vector_load_idx %arg9[%shift_right_logical3A_359, %broadcast_in_dim3A_462, %add3A_385] : memref<4x64x256xf32, #tpu.memory_space<vmem>>[vector<16xi32>, vector<16xi32>, vector<16xi32>], vector<16xf32>,
        %broadcast_in_dim3A_464 = vector.broadcast %mul3A_403 : i32 to vector<16xi32>
        %add3A_465 = arith.addi %iota3A, %broadcast_in_dim3A_464 : vector<16xi32>
        %broadcast_in_dim3A_466 = arith.constant 8 : i32
        %broadcast_in_dim3A_467 = vector.broadcast %broadcast_in_dim3A_466 : i32 to vector<16xi32>
        tpu.vector_store_idx %arg13[%add3A_465, %broadcast_in_dim3A_467], %gather3A_463 : memref<128x128xf32, #tpu.memory_space<vmem>>[vector<16xi32>, vector<16xi32>], vector<16xf32>,
        %broadcast_in_dim3A_468 = arith.constant 9 : i32
        %broadcast_in_dim3A_469 = vector.broadcast %broadcast_in_dim3A_468 : i32 to vector<16xi32>
        %gather3A_470 = tpu.vector_load_idx %arg9[%shift_right_logical3A_359, %broadcast_in_dim3A_469, %add3A_385] : memref<4x64x256xf32, #tpu.memory_space<vmem>>[vector<16xi32>, vector<16xi32>, vector<16xi32>], vector<16xf32>,
        %broadcast_in_dim3A_471 = vector.broadcast %mul3A_403 : i32 to vector<16xi32>
        %add3A_472 = arith.addi %iota3A, %broadcast_in_dim3A_471 : vector<16xi32>
        %broadcast_in_dim3A_473 = arith.constant 9 : i32
        %broadcast_in_dim3A_474 = vector.broadcast %broadcast_in_dim3A_473 : i32 to vector<16xi32>
        tpu.vector_store_idx %arg13[%add3A_472, %broadcast_in_dim3A_474], %gather3A_470 : memref<128x128xf32, #tpu.memory_space<vmem>>[vector<16xi32>, vector<16xi32>], vector<16xf32>,
        %broadcast_in_dim3A_475 = arith.constant 10 : i32
        %broadcast_in_dim3A_476 = vector.broadcast %broadcast_in_dim3A_475 : i32 to vector<16xi32>
        %gather3A_477 = tpu.vector_load_idx %arg9[%shift_right_logical3A_359, %broadcast_in_dim3A_476, %add3A_385] : memref<4x64x256xf32, #tpu.memory_space<vmem>>[vector<16xi32>, vector<16xi32>, vector<16xi32>], vector<16xf32>,
        %broadcast_in_dim3A_478 = vector.broadcast %mul3A_403 : i32 to vector<16xi32>
        %add3A_479 = arith.addi %iota3A, %broadcast_in_dim3A_478 : vector<16xi32>
        %broadcast_in_dim3A_480 = arith.constant 10 : i32
        %broadcast_in_dim3A_481 = vector.broadcast %broadcast_in_dim3A_480 : i32 to vector<16xi32>
        tpu.vector_store_idx %arg13[%add3A_479, %broadcast_in_dim3A_481], %gather3A_477 : memref<128x128xf32, #tpu.memory_space<vmem>>[vector<16xi32>, vector<16xi32>], vector<16xf32>,
        %broadcast_in_dim3A_482 = arith.constant 11 : i32
        %broadcast_in_dim3A_483 = vector.broadcast %broadcast_in_dim3A_482 : i32 to vector<16xi32>
        %gather3A_484 = tpu.vector_load_idx %arg9[%shift_right_logical3A_359, %broadcast_in_dim3A_483, %add3A_385] : memref<4x64x256xf32, #tpu.memory_space<vmem>>[vector<16xi32>, vector<16xi32>, vector<16xi32>], vector<16xf32>,
        %broadcast_in_dim3A_485 = vector.broadcast %mul3A_403 : i32 to vector<16xi32>
        %add3A_486 = arith.addi %iota3A, %broadcast_in_dim3A_485 : vector<16xi32>
        %broadcast_in_dim3A_487 = arith.constant 11 : i32
        %broadcast_in_dim3A_488 = vector.broadcast %broadcast_in_dim3A_487 : i32 to vector<16xi32>
        tpu.vector_store_idx %arg13[%add3A_486, %broadcast_in_dim3A_488], %gather3A_484 : memref<128x128xf32, #tpu.memory_space<vmem>>[vector<16xi32>, vector<16xi32>], vector<16xf32>,
        %broadcast_in_dim3A_489 = arith.constant 12 : i32
        %broadcast_in_dim3A_490 = vector.broadcast %broadcast_in_dim3A_489 : i32 to vector<16xi32>
        %gather3A_491 = tpu.vector_load_idx %arg9[%shift_right_logical3A_359, %broadcast_in_dim3A_490, %add3A_385] : memref<4x64x256xf32, #tpu.memory_space<vmem>>[vector<16xi32>, vector<16xi32>, vector<16xi32>], vector<16xf32>,
        %broadcast_in_dim3A_492 = vector.broadcast %mul3A_403 : i32 to vector<16xi32>
        %add3A_493 = arith.addi %iota3A, %broadcast_in_dim3A_492 : vector<16xi32>
        %broadcast_in_dim3A_494 = arith.constant 12 : i32
        %broadcast_in_dim3A_495 = vector.broadcast %broadcast_in_dim3A_494 : i32 to vector<16xi32>
        tpu.vector_store_idx %arg13[%add3A_493, %broadcast_in_dim3A_495], %gather3A_491 : memref<128x128xf32, #tpu.memory_space<vmem>>[vector<16xi32>, vector<16xi32>], vector<16xf32>,
        %broadcast_in_dim3A_496 = arith.constant 13 : i32
        %broadcast_in_dim3A_497 = vector.broadcast %broadcast_in_dim3A_496 : i32 to vector<16xi32>
        %gather3A_498 = tpu.vector_load_idx %arg9[%shift_right_logical3A_359, %broadcast_in_dim3A_497, %add3A_385] : memref<4x64x256xf32, #tpu.memory_space<vmem>>[vector<16xi32>, vector<16xi32>, vector<16xi32>], vector<16xf32>,
        %broadcast_in_dim3A_499 = vector.broadcast %mul3A_403 : i32 to vector<16xi32>
        %add3A_500 = arith.addi %iota3A, %broadcast_in_dim3A_499 : vector<16xi32>
        %broadcast_in_dim3A_501 = arith.constant 13 : i32
        %broadcast_in_dim3A_502 = vector.broadcast %broadcast_in_dim3A_501 : i32 to vector<16xi32>
        tpu.vector_store_idx %arg13[%add3A_500, %broadcast_in_dim3A_502], %gather3A_498 : memref<128x128xf32, #tpu.memory_space<vmem>>[vector<16xi32>, vector<16xi32>], vector<16xf32>,
        %broadcast_in_dim3A_503 = arith.constant 14 : i32
        %broadcast_in_dim3A_504 = vector.broadcast %broadcast_in_dim3A_503 : i32 to vector<16xi32>
        %gather3A_505 = tpu.vector_load_idx %arg9[%shift_right_logical3A_359, %broadcast_in_dim3A_504, %add3A_385] : memref<4x64x256xf32, #tpu.memory_space<vmem>>[vector<16xi32>, vector<16xi32>, vector<16xi32>], vector<16xf32>,
        %broadcast_in_dim3A_506 = vector.broadcast %mul3A_403 : i32 to vector<16xi32>
        %add3A_507 = arith.addi %iota3A, %broadcast_in_dim3A_506 : vector<16xi32>
        %broadcast_in_dim3A_508 = arith.constant 14 : i32
        %broadcast_in_dim3A_509 = vector.broadcast %broadcast_in_dim3A_508 : i32 to vector<16xi32>
        tpu.vector_store_idx %arg13[%add3A_507, %broadcast_in_dim3A_509], %gather3A_505 : memref<128x128xf32, #tpu.memory_space<vmem>>[vector<16xi32>, vector<16xi32>], vector<16xf32>,
        %broadcast_in_dim3A_510 = arith.constant 15 : i32
        %broadcast_in_dim3A_511 = vector.broadcast %broadcast_in_dim3A_510 : i32 to vector<16xi32>
        %gather3A_512 = tpu.vector_load_idx %arg9[%shift_right_logical3A_359, %broadcast_in_dim3A_511, %add3A_385] : memref<4x64x256xf32, #tpu.memory_space<vmem>>[vector<16xi32>, vector<16xi32>, vector<16xi32>], vector<16xf32>,
        %broadcast_in_dim3A_513 = vector.broadcast %mul3A_403 : i32 to vector<16xi32>
        %add3A_514 = arith.addi %iota3A, %broadcast_in_dim3A_513 : vector<16xi32>
        %broadcast_in_dim3A_515 = arith.constant 15 : i32
        %broadcast_in_dim3A_516 = vector.broadcast %broadcast_in_dim3A_515 : i32 to vector<16xi32>
        tpu.vector_store_idx %arg13[%add3A_514, %broadcast_in_dim3A_516], %gather3A_512 : memref<128x128xf32, #tpu.memory_space<vmem>>[vector<16xi32>, vector<16xi32>], vector<16xf32>,
        %broadcast_in_dim3A_517 = arith.constant 16 : i32
        %broadcast_in_dim3A_518 = vector.broadcast %broadcast_in_dim3A_517 : i32 to vector<16xi32>
        %gather3A_519 = tpu.vector_load_idx %arg9[%shift_right_logical3A_359, %broadcast_in_dim3A_518, %add3A_385] : memref<4x64x256xf32, #tpu.memory_space<vmem>>[vector<16xi32>, vector<16xi32>, vector<16xi32>], vector<16xf32>,
        %broadcast_in_dim3A_520 = vector.broadcast %mul3A_403 : i32 to vector<16xi32>
        %add3A_521 = arith.addi %iota3A, %broadcast_in_dim3A_520 : vector<16xi32>
        %broadcast_in_dim3A_522 = arith.constant 16 : i32
        %broadcast_in_dim3A_523 = vector.broadcast %broadcast_in_dim3A_522 : i32 to vector<16xi32>
        tpu.vector_store_idx %arg13[%add3A_521, %broadcast_in_dim3A_523], %gather3A_519 : memref<128x128xf32, #tpu.memory_space<vmem>>[vector<16xi32>, vector<16xi32>], vector<16xf32>,
        %broadcast_in_dim3A_524 = arith.constant 17 : i32
        %broadcast_in_dim3A_525 = vector.broadcast %broadcast_in_dim3A_524 : i32 to vector<16xi32>
        %gather3A_526 = tpu.vector_load_idx %arg9[%shift_right_logical3A_359, %broadcast_in_dim3A_525, %add3A_385] : memref<4x64x256xf32, #tpu.memory_space<vmem>>[vector<16xi32>, vector<16xi32>, vector<16xi32>], vector<16xf32>,
        %broadcast_in_dim3A_527 = vector.broadcast %mul3A_403 : i32 to vector<16xi32>
        %add3A_528 = arith.addi %iota3A, %broadcast_in_dim3A_527 : vector<16xi32>
        %broadcast_in_dim3A_529 = arith.constant 17 : i32
        %broadcast_in_dim3A_530 = vector.broadcast %broadcast_in_dim3A_529 : i32 to vector<16xi32>
        tpu.vector_store_idx %arg13[%add3A_528, %broadcast_in_dim3A_530], %gather3A_526 : memref<128x128xf32, #tpu.memory_space<vmem>>[vector<16xi32>, vector<16xi32>], vector<16xf32>,
        %broadcast_in_dim3A_531 = arith.constant 18 : i32
        %broadcast_in_dim3A_532 = vector.broadcast %broadcast_in_dim3A_531 : i32 to vector<16xi32>
        %gather3A_533 = tpu.vector_load_idx %arg9[%shift_right_logical3A_359, %broadcast_in_dim3A_532, %add3A_385] : memref<4x64x256xf32, #tpu.memory_space<vmem>>[vector<16xi32>, vector<16xi32>, vector<16xi32>], vector<16xf32>,
        %broadcast_in_dim3A_534 = vector.broadcast %mul3A_403 : i32 to vector<16xi32>
        %add3A_535 = arith.addi %iota3A, %broadcast_in_dim3A_534 : vector<16xi32>
        %broadcast_in_dim3A_536 = arith.constant 18 : i32
        %broadcast_in_dim3A_537 = vector.broadcast %broadcast_in_dim3A_536 : i32 to vector<16xi32>
        tpu.vector_store_idx %arg13[%add3A_535, %broadcast_in_dim3A_537], %gather3A_533 : memref<128x128xf32, #tpu.memory_space<vmem>>[vector<16xi32>, vector<16xi32>], vector<16xf32>,
        %broadcast_in_dim3A_538 = arith.constant 19 : i32
        %broadcast_in_dim3A_539 = vector.broadcast %broadcast_in_dim3A_538 : i32 to vector<16xi32>
        %gather3A_540 = tpu.vector_load_idx %arg9[%shift_right_logical3A_359, %broadcast_in_dim3A_539, %add3A_385] : memref<4x64x256xf32, #tpu.memory_space<vmem>>[vector<16xi32>, vector<16xi32>, vector<16xi32>], vector<16xf32>,
        %broadcast_in_dim3A_541 = vector.broadcast %mul3A_403 : i32 to vector<16xi32>
        %add3A_542 = arith.addi %iota3A, %broadcast_in_dim3A_541 : vector<16xi32>
        %broadcast_in_dim3A_543 = arith.constant 19 : i32
        %broadcast_in_dim3A_544 = vector.broadcast %broadcast_in_dim3A_543 : i32 to vector<16xi32>
        tpu.vector_store_idx %arg13[%add3A_542, %broadcast_in_dim3A_544], %gather3A_540 : memref<128x128xf32, #tpu.memory_space<vmem>>[vector<16xi32>, vector<16xi32>], vector<16xf32>,
        %broadcast_in_dim3A_545 = arith.constant 20 : i32
        %broadcast_in_dim3A_546 = vector.broadcast %broadcast_in_dim3A_545 : i32 to vector<16xi32>
        %gather3A_547 = tpu.vector_load_idx %arg9[%shift_right_logical3A_359, %broadcast_in_dim3A_546, %add3A_385] : memref<4x64x256xf32, #tpu.memory_space<vmem>>[vector<16xi32>, vector<16xi32>, vector<16xi32>], vector<16xf32>,
        %broadcast_in_dim3A_548 = vector.broadcast %mul3A_403 : i32 to vector<16xi32>
        %add3A_549 = arith.addi %iota3A, %broadcast_in_dim3A_548 : vector<16xi32>
        %broadcast_in_dim3A_550 = arith.constant 20 : i32
        %broadcast_in_dim3A_551 = vector.broadcast %broadcast_in_dim3A_550 : i32 to vector<16xi32>
        tpu.vector_store_idx %arg13[%add3A_549, %broadcast_in_dim3A_551], %gather3A_547 : memref<128x128xf32, #tpu.memory_space<vmem>>[vector<16xi32>, vector<16xi32>], vector<16xf32>,
        %broadcast_in_dim3A_552 = arith.constant 21 : i32
        %broadcast_in_dim3A_553 = vector.broadcast %broadcast_in_dim3A_552 : i32 to vector<16xi32>
        %gather3A_554 = tpu.vector_load_idx %arg9[%shift_right_logical3A_359, %broadcast_in_dim3A_553, %add3A_385] : memref<4x64x256xf32, #tpu.memory_space<vmem>>[vector<16xi32>, vector<16xi32>, vector<16xi32>], vector<16xf32>,
        %broadcast_in_dim3A_555 = vector.broadcast %mul3A_403 : i32 to vector<16xi32>
        %add3A_556 = arith.addi %iota3A, %broadcast_in_dim3A_555 : vector<16xi32>
        %broadcast_in_dim3A_557 = arith.constant 21 : i32
        %broadcast_in_dim3A_558 = vector.broadcast %broadcast_in_dim3A_557 : i32 to vector<16xi32>
        tpu.vector_store_idx %arg13[%add3A_556, %broadcast_in_dim3A_558], %gather3A_554 : memref<128x128xf32, #tpu.memory_space<vmem>>[vector<16xi32>, vector<16xi32>], vector<16xf32>,
        %broadcast_in_dim3A_559 = arith.constant 22 : i32
        %broadcast_in_dim3A_560 = vector.broadcast %broadcast_in_dim3A_559 : i32 to vector<16xi32>
        %gather3A_561 = tpu.vector_load_idx %arg9[%shift_right_logical3A_359, %broadcast_in_dim3A_560, %add3A_385] : memref<4x64x256xf32, #tpu.memory_space<vmem>>[vector<16xi32>, vector<16xi32>, vector<16xi32>], vector<16xf32>,
        %broadcast_in_dim3A_562 = vector.broadcast %mul3A_403 : i32 to vector<16xi32>
        %add3A_563 = arith.addi %iota3A, %broadcast_in_dim3A_562 : vector<16xi32>
        %broadcast_in_dim3A_564 = arith.constant 22 : i32
        %broadcast_in_dim3A_565 = vector.broadcast %broadcast_in_dim3A_564 : i32 to vector<16xi32>
        tpu.vector_store_idx %arg13[%add3A_563, %broadcast_in_dim3A_565], %gather3A_561 : memref<128x128xf32, #tpu.memory_space<vmem>>[vector<16xi32>, vector<16xi32>], vector<16xf32>,
        %broadcast_in_dim3A_566 = arith.constant 23 : i32
        %broadcast_in_dim3A_567 = vector.broadcast %broadcast_in_dim3A_566 : i32 to vector<16xi32>
        %gather3A_568 = tpu.vector_load_idx %arg9[%shift_right_logical3A_359, %broadcast_in_dim3A_567, %add3A_385] : memref<4x64x256xf32, #tpu.memory_space<vmem>>[vector<16xi32>, vector<16xi32>, vector<16xi32>], vector<16xf32>,
        %broadcast_in_dim3A_569 = vector.broadcast %mul3A_403 : i32 to vector<16xi32>
        %add3A_570 = arith.addi %iota3A, %broadcast_in_dim3A_569 : vector<16xi32>
        %broadcast_in_dim3A_571 = arith.constant 23 : i32
        %broadcast_in_dim3A_572 = vector.broadcast %broadcast_in_dim3A_571 : i32 to vector<16xi32>
        tpu.vector_store_idx %arg13[%add3A_570, %broadcast_in_dim3A_572], %gather3A_568 : memref<128x128xf32, #tpu.memory_space<vmem>>[vector<16xi32>, vector<16xi32>], vector<16xf32>,
        %broadcast_in_dim3A_573 = arith.constant 24 : i32
        %broadcast_in_dim3A_574 = vector.broadcast %broadcast_in_dim3A_573 : i32 to vector<16xi32>
        %gather3A_575 = tpu.vector_load_idx %arg9[%shift_right_logical3A_359, %broadcast_in_dim3A_574, %add3A_385] : memref<4x64x256xf32, #tpu.memory_space<vmem>>[vector<16xi32>, vector<16xi32>, vector<16xi32>], vector<16xf32>,
        %broadcast_in_dim3A_576 = vector.broadcast %mul3A_403 : i32 to vector<16xi32>
        %add3A_577 = arith.addi %iota3A, %broadcast_in_dim3A_576 : vector<16xi32>
        %broadcast_in_dim3A_578 = arith.constant 24 : i32
        %broadcast_in_dim3A_579 = vector.broadcast %broadcast_in_dim3A_578 : i32 to vector<16xi32>
        tpu.vector_store_idx %arg13[%add3A_577, %broadcast_in_dim3A_579], %gather3A_575 : memref<128x128xf32, #tpu.memory_space<vmem>>[vector<16xi32>, vector<16xi32>], vector<16xf32>,
        %broadcast_in_dim3A_580 = arith.constant 25 : i32
        %broadcast_in_dim3A_581 = vector.broadcast %broadcast_in_dim3A_580 : i32 to vector<16xi32>
        %gather3A_582 = tpu.vector_load_idx %arg9[%shift_right_logical3A_359, %broadcast_in_dim3A_581, %add3A_385] : memref<4x64x256xf32, #tpu.memory_space<vmem>>[vector<16xi32>, vector<16xi32>, vector<16xi32>], vector<16xf32>,
        %broadcast_in_dim3A_583 = vector.broadcast %mul3A_403 : i32 to vector<16xi32>
        %add3A_584 = arith.addi %iota3A, %broadcast_in_dim3A_583 : vector<16xi32>
        %broadcast_in_dim3A_585 = arith.constant 25 : i32
        %broadcast_in_dim3A_586 = vector.broadcast %broadcast_in_dim3A_585 : i32 to vector<16xi32>
        tpu.vector_store_idx %arg13[%add3A_584, %broadcast_in_dim3A_586], %gather3A_582 : memref<128x128xf32, #tpu.memory_space<vmem>>[vector<16xi32>, vector<16xi32>], vector<16xf32>,
        %broadcast_in_dim3A_587 = arith.constant 26 : i32
        %broadcast_in_dim3A_588 = vector.broadcast %broadcast_in_dim3A_587 : i32 to vector<16xi32>
        %gather3A_589 = tpu.vector_load_idx %arg9[%shift_right_logical3A_359, %broadcast_in_dim3A_588, %add3A_385] : memref<4x64x256xf32, #tpu.memory_space<vmem>>[vector<16xi32>, vector<16xi32>, vector<16xi32>], vector<16xf32>,
        %broadcast_in_dim3A_590 = vector.broadcast %mul3A_403 : i32 to vector<16xi32>
        %add3A_591 = arith.addi %iota3A, %broadcast_in_dim3A_590 : vector<16xi32>
        %broadcast_in_dim3A_592 = arith.constant 26 : i32
        %broadcast_in_dim3A_593 = vector.broadcast %broadcast_in_dim3A_592 : i32 to vector<16xi32>
        tpu.vector_store_idx %arg13[%add3A_591, %broadcast_in_dim3A_593], %gather3A_589 : memref<128x128xf32, #tpu.memory_space<vmem>>[vector<16xi32>, vector<16xi32>], vector<16xf32>,
        %broadcast_in_dim3A_594 = arith.constant 27 : i32
        %broadcast_in_dim3A_595 = vector.broadcast %broadcast_in_dim3A_594 : i32 to vector<16xi32>
        %gather3A_596 = tpu.vector_load_idx %arg9[%shift_right_logical3A_359, %broadcast_in_dim3A_595, %add3A_385] : memref<4x64x256xf32, #tpu.memory_space<vmem>>[vector<16xi32>, vector<16xi32>, vector<16xi32>], vector<16xf32>,
        %broadcast_in_dim3A_597 = vector.broadcast %mul3A_403 : i32 to vector<16xi32>
        %add3A_598 = arith.addi %iota3A, %broadcast_in_dim3A_597 : vector<16xi32>
        %broadcast_in_dim3A_599 = arith.constant 27 : i32
        %broadcast_in_dim3A_600 = vector.broadcast %broadcast_in_dim3A_599 : i32 to vector<16xi32>
        tpu.vector_store_idx %arg13[%add3A_598, %broadcast_in_dim3A_600], %gather3A_596 : memref<128x128xf32, #tpu.memory_space<vmem>>[vector<16xi32>, vector<16xi32>], vector<16xf32>,
        %broadcast_in_dim3A_601 = arith.constant 28 : i32
        %broadcast_in_dim3A_602 = vector.broadcast %broadcast_in_dim3A_601 : i32 to vector<16xi32>
        %gather3A_603 = tpu.vector_load_idx %arg9[%shift_right_logical3A_359, %broadcast_in_dim3A_602, %add3A_385] : memref<4x64x256xf32, #tpu.memory_space<vmem>>[vector<16xi32>, vector<16xi32>, vector<16xi32>], vector<16xf32>,
        %broadcast_in_dim3A_604 = vector.broadcast %mul3A_403 : i32 to vector<16xi32>
        %add3A_605 = arith.addi %iota3A, %broadcast_in_dim3A_604 : vector<16xi32>
        %broadcast_in_dim3A_606 = arith.constant 28 : i32
        %broadcast_in_dim3A_607 = vector.broadcast %broadcast_in_dim3A_606 : i32 to vector<16xi32>
        tpu.vector_store_idx %arg13[%add3A_605, %broadcast_in_dim3A_607], %gather3A_603 : memref<128x128xf32, #tpu.memory_space<vmem>>[vector<16xi32>, vector<16xi32>], vector<16xf32>,
        %broadcast_in_dim3A_608 = arith.constant 29 : i32
        %broadcast_in_dim3A_609 = vector.broadcast %broadcast_in_dim3A_608 : i32 to vector<16xi32>
        %gather3A_610 = tpu.vector_load_idx %arg9[%shift_right_logical3A_359, %broadcast_in_dim3A_609, %add3A_385] : memref<4x64x256xf32, #tpu.memory_space<vmem>>[vector<16xi32>, vector<16xi32>, vector<16xi32>], vector<16xf32>,
        %broadcast_in_dim3A_611 = vector.broadcast %mul3A_403 : i32 to vector<16xi32>
        %add3A_612 = arith.addi %iota3A, %broadcast_in_dim3A_611 : vector<16xi32>
        %broadcast_in_dim3A_613 = arith.constant 29 : i32
        %broadcast_in_dim3A_614 = vector.broadcast %broadcast_in_dim3A_613 : i32 to vector<16xi32>
        tpu.vector_store_idx %arg13[%add3A_612, %broadcast_in_dim3A_614], %gather3A_610 : memref<128x128xf32, #tpu.memory_space<vmem>>[vector<16xi32>, vector<16xi32>], vector<16xf32>,
        %broadcast_in_dim3A_615 = arith.constant 30 : i32
        %broadcast_in_dim3A_616 = vector.broadcast %broadcast_in_dim3A_615 : i32 to vector<16xi32>
        %gather3A_617 = tpu.vector_load_idx %arg9[%shift_right_logical3A_359, %broadcast_in_dim3A_616, %add3A_385] : memref<4x64x256xf32, #tpu.memory_space<vmem>>[vector<16xi32>, vector<16xi32>, vector<16xi32>], vector<16xf32>,
        %broadcast_in_dim3A_618 = vector.broadcast %mul3A_403 : i32 to vector<16xi32>
        %add3A_619 = arith.addi %iota3A, %broadcast_in_dim3A_618 : vector<16xi32>
        %broadcast_in_dim3A_620 = arith.constant 30 : i32
        %broadcast_in_dim3A_621 = vector.broadcast %broadcast_in_dim3A_620 : i32 to vector<16xi32>
        tpu.vector_store_idx %arg13[%add3A_619, %broadcast_in_dim3A_621], %gather3A_617 : memref<128x128xf32, #tpu.memory_space<vmem>>[vector<16xi32>, vector<16xi32>], vector<16xf32>,
        %broadcast_in_dim3A_622 = arith.constant 31 : i32
        %broadcast_in_dim3A_623 = vector.broadcast %broadcast_in_dim3A_622 : i32 to vector<16xi32>
        %gather3A_624 = tpu.vector_load_idx %arg9[%shift_right_logical3A_359, %broadcast_in_dim3A_623, %add3A_385] : memref<4x64x256xf32, #tpu.memory_space<vmem>>[vector<16xi32>, vector<16xi32>, vector<16xi32>], vector<16xf32>,
        %broadcast_in_dim3A_625 = vector.broadcast %mul3A_403 : i32 to vector<16xi32>
        %add3A_626 = arith.addi %iota3A, %broadcast_in_dim3A_625 : vector<16xi32>
        %broadcast_in_dim3A_627 = arith.constant 31 : i32
        %broadcast_in_dim3A_628 = vector.broadcast %broadcast_in_dim3A_627 : i32 to vector<16xi32>
        tpu.vector_store_idx %arg13[%add3A_626, %broadcast_in_dim3A_628], %gather3A_624 : memref<128x128xf32, #tpu.memory_space<vmem>>[vector<16xi32>, vector<16xi32>], vector<16xf32>,
        %broadcast_in_dim3A_629 = arith.constant 32 : i32
        %broadcast_in_dim3A_630 = vector.broadcast %broadcast_in_dim3A_629 : i32 to vector<16xi32>
        %gather3A_631 = tpu.vector_load_idx %arg9[%shift_right_logical3A_359, %broadcast_in_dim3A_630, %add3A_385] : memref<4x64x256xf32, #tpu.memory_space<vmem>>[vector<16xi32>, vector<16xi32>, vector<16xi32>], vector<16xf32>,
        %broadcast_in_dim3A_632 = vector.broadcast %mul3A_403 : i32 to vector<16xi32>
        %add3A_633 = arith.addi %iota3A, %broadcast_in_dim3A_632 : vector<16xi32>
        %broadcast_in_dim3A_634 = arith.constant 32 : i32
        %broadcast_in_dim3A_635 = vector.broadcast %broadcast_in_dim3A_634 : i32 to vector<16xi32>
        tpu.vector_store_idx %arg13[%add3A_633, %broadcast_in_dim3A_635], %gather3A_631 : memref<128x128xf32, #tpu.memory_space<vmem>>[vector<16xi32>, vector<16xi32>], vector<16xf32>,
        %broadcast_in_dim3A_636 = arith.constant 33 : i32
        %broadcast_in_dim3A_637 = vector.broadcast %broadcast_in_dim3A_636 : i32 to vector<16xi32>
        %gather3A_638 = tpu.vector_load_idx %arg9[%shift_right_logical3A_359, %broadcast_in_dim3A_637, %add3A_385] : memref<4x64x256xf32, #tpu.memory_space<vmem>>[vector<16xi32>, vector<16xi32>, vector<16xi32>], vector<16xf32>,
        %broadcast_in_dim3A_639 = vector.broadcast %mul3A_403 : i32 to vector<16xi32>
        %add3A_640 = arith.addi %iota3A, %broadcast_in_dim3A_639 : vector<16xi32>
        %broadcast_in_dim3A_641 = arith.constant 33 : i32
        %broadcast_in_dim3A_642 = vector.broadcast %broadcast_in_dim3A_641 : i32 to vector<16xi32>
        tpu.vector_store_idx %arg13[%add3A_640, %broadcast_in_dim3A_642], %gather3A_638 : memref<128x128xf32, #tpu.memory_space<vmem>>[vector<16xi32>, vector<16xi32>], vector<16xf32>,
        %broadcast_in_dim3A_643 = arith.constant 34 : i32
        %broadcast_in_dim3A_644 = vector.broadcast %broadcast_in_dim3A_643 : i32 to vector<16xi32>
        %gather3A_645 = tpu.vector_load_idx %arg9[%shift_right_logical3A_359, %broadcast_in_dim3A_644, %add3A_385] : memref<4x64x256xf32, #tpu.memory_space<vmem>>[vector<16xi32>, vector<16xi32>, vector<16xi32>], vector<16xf32>,
        %broadcast_in_dim3A_646 = vector.broadcast %mul3A_403 : i32 to vector<16xi32>
        %add3A_647 = arith.addi %iota3A, %broadcast_in_dim3A_646 : vector<16xi32>
        %broadcast_in_dim3A_648 = arith.constant 34 : i32
        %broadcast_in_dim3A_649 = vector.broadcast %broadcast_in_dim3A_648 : i32 to vector<16xi32>
        tpu.vector_store_idx %arg13[%add3A_647, %broadcast_in_dim3A_649], %gather3A_645 : memref<128x128xf32, #tpu.memory_space<vmem>>[vector<16xi32>, vector<16xi32>], vector<16xf32>,
        %broadcast_in_dim3A_650 = arith.constant 35 : i32
        %broadcast_in_dim3A_651 = vector.broadcast %broadcast_in_dim3A_650 : i32 to vector<16xi32>
        %gather3A_652 = tpu.vector_load_idx %arg9[%shift_right_logical3A_359, %broadcast_in_dim3A_651, %add3A_385] : memref<4x64x256xf32, #tpu.memory_space<vmem>>[vector<16xi32>, vector<16xi32>, vector<16xi32>], vector<16xf32>,
        %broadcast_in_dim3A_653 = vector.broadcast %mul3A_403 : i32 to vector<16xi32>
        %add3A_654 = arith.addi %iota3A, %broadcast_in_dim3A_653 : vector<16xi32>
        %broadcast_in_dim3A_655 = arith.constant 35 : i32
        %broadcast_in_dim3A_656 = vector.broadcast %broadcast_in_dim3A_655 : i32 to vector<16xi32>
        tpu.vector_store_idx %arg13[%add3A_654, %broadcast_in_dim3A_656], %gather3A_652 : memref<128x128xf32, #tpu.memory_space<vmem>>[vector<16xi32>, vector<16xi32>], vector<16xf32>,
        %broadcast_in_dim3A_657 = arith.constant 36 : i32
        %broadcast_in_dim3A_658 = vector.broadcast %broadcast_in_dim3A_657 : i32 to vector<16xi32>
        %gather3A_659 = tpu.vector_load_idx %arg9[%shift_right_logical3A_359, %broadcast_in_dim3A_658, %add3A_385] : memref<4x64x256xf32, #tpu.memory_space<vmem>>[vector<16xi32>, vector<16xi32>, vector<16xi32>], vector<16xf32>,
        %broadcast_in_dim3A_660 = vector.broadcast %mul3A_403 : i32 to vector<16xi32>
        %add3A_661 = arith.addi %iota3A, %broadcast_in_dim3A_660 : vector<16xi32>
        %broadcast_in_dim3A_662 = arith.constant 36 : i32
        %broadcast_in_dim3A_663 = vector.broadcast %broadcast_in_dim3A_662 : i32 to vector<16xi32>
        tpu.vector_store_idx %arg13[%add3A_661, %broadcast_in_dim3A_663], %gather3A_659 : memref<128x128xf32, #tpu.memory_space<vmem>>[vector<16xi32>, vector<16xi32>], vector<16xf32>,
        %broadcast_in_dim3A_664 = arith.constant 37 : i32
        %broadcast_in_dim3A_665 = vector.broadcast %broadcast_in_dim3A_664 : i32 to vector<16xi32>
        %gather3A_666 = tpu.vector_load_idx %arg9[%shift_right_logical3A_359, %broadcast_in_dim3A_665, %add3A_385] : memref<4x64x256xf32, #tpu.memory_space<vmem>>[vector<16xi32>, vector<16xi32>, vector<16xi32>], vector<16xf32>,
        %broadcast_in_dim3A_667 = vector.broadcast %mul3A_403 : i32 to vector<16xi32>
        %add3A_668 = arith.addi %iota3A, %broadcast_in_dim3A_667 : vector<16xi32>
        %broadcast_in_dim3A_669 = arith.constant 37 : i32
        %broadcast_in_dim3A_670 = vector.broadcast %broadcast_in_dim3A_669 : i32 to vector<16xi32>
        tpu.vector_store_idx %arg13[%add3A_668, %broadcast_in_dim3A_670], %gather3A_666 : memref<128x128xf32, #tpu.memory_space<vmem>>[vector<16xi32>, vector<16xi32>], vector<16xf32>,
        %broadcast_in_dim3A_671 = arith.constant 38 : i32
        %broadcast_in_dim3A_672 = vector.broadcast %broadcast_in_dim3A_671 : i32 to vector<16xi32>
        %gather3A_673 = tpu.vector_load_idx %arg9[%shift_right_logical3A_359, %broadcast_in_dim3A_672, %add3A_385] : memref<4x64x256xf32, #tpu.memory_space<vmem>>[vector<16xi32>, vector<16xi32>, vector<16xi32>], vector<16xf32>,
        %broadcast_in_dim3A_674 = vector.broadcast %mul3A_403 : i32 to vector<16xi32>
        %add3A_675 = arith.addi %iota3A, %broadcast_in_dim3A_674 : vector<16xi32>
        %broadcast_in_dim3A_676 = arith.constant 38 : i32
        %broadcast_in_dim3A_677 = vector.broadcast %broadcast_in_dim3A_676 : i32 to vector<16xi32>
        tpu.vector_store_idx %arg13[%add3A_675, %broadcast_in_dim3A_677], %gather3A_673 : memref<128x128xf32, #tpu.memory_space<vmem>>[vector<16xi32>, vector<16xi32>], vector<16xf32>,
        %broadcast_in_dim3A_678 = arith.constant 39 : i32
        %broadcast_in_dim3A_679 = vector.broadcast %broadcast_in_dim3A_678 : i32 to vector<16xi32>
        %gather3A_680 = tpu.vector_load_idx %arg9[%shift_right_logical3A_359, %broadcast_in_dim3A_679, %add3A_385] : memref<4x64x256xf32, #tpu.memory_space<vmem>>[vector<16xi32>, vector<16xi32>, vector<16xi32>], vector<16xf32>,
        %broadcast_in_dim3A_681 = vector.broadcast %mul3A_403 : i32 to vector<16xi32>
        %add3A_682 = arith.addi %iota3A, %broadcast_in_dim3A_681 : vector<16xi32>
        %broadcast_in_dim3A_683 = arith.constant 39 : i32
        %broadcast_in_dim3A_684 = vector.broadcast %broadcast_in_dim3A_683 : i32 to vector<16xi32>
        tpu.vector_store_idx %arg13[%add3A_682, %broadcast_in_dim3A_684], %gather3A_680 : memref<128x128xf32, #tpu.memory_space<vmem>>[vector<16xi32>, vector<16xi32>], vector<16xf32>,
        %broadcast_in_dim3A_685 = arith.constant 40 : i32
        %broadcast_in_dim3A_686 = vector.broadcast %broadcast_in_dim3A_685 : i32 to vector<16xi32>
        %gather3A_687 = tpu.vector_load_idx %arg9[%shift_right_logical3A_359, %broadcast_in_dim3A_686, %add3A_385] : memref<4x64x256xf32, #tpu.memory_space<vmem>>[vector<16xi32>, vector<16xi32>, vector<16xi32>], vector<16xf32>,
        %broadcast_in_dim3A_688 = vector.broadcast %mul3A_403 : i32 to vector<16xi32>
        %add3A_689 = arith.addi %iota3A, %broadcast_in_dim3A_688 : vector<16xi32>
        %broadcast_in_dim3A_690 = arith.constant 40 : i32
        %broadcast_in_dim3A_691 = vector.broadcast %broadcast_in_dim3A_690 : i32 to vector<16xi32>
        tpu.vector_store_idx %arg13[%add3A_689, %broadcast_in_dim3A_691], %gather3A_687 : memref<128x128xf32, #tpu.memory_space<vmem>>[vector<16xi32>, vector<16xi32>], vector<16xf32>,
        %broadcast_in_dim3A_692 = arith.constant 41 : i32
        %broadcast_in_dim3A_693 = vector.broadcast %broadcast_in_dim3A_692 : i32 to vector<16xi32>
        %gather3A_694 = tpu.vector_load_idx %arg9[%shift_right_logical3A_359, %broadcast_in_dim3A_693, %add3A_385] : memref<4x64x256xf32, #tpu.memory_space<vmem>>[vector<16xi32>, vector<16xi32>, vector<16xi32>], vector<16xf32>,
        %broadcast_in_dim3A_695 = vector.broadcast %mul3A_403 : i32 to vector<16xi32>
        %add3A_696 = arith.addi %iota3A, %broadcast_in_dim3A_695 : vector<16xi32>
        %broadcast_in_dim3A_697 = arith.constant 41 : i32
        %broadcast_in_dim3A_698 = vector.broadcast %broadcast_in_dim3A_697 : i32 to vector<16xi32>
        tpu.vector_store_idx %arg13[%add3A_696, %broadcast_in_dim3A_698], %gather3A_694 : memref<128x128xf32, #tpu.memory_space<vmem>>[vector<16xi32>, vector<16xi32>], vector<16xf32>,
        %broadcast_in_dim3A_699 = arith.constant 42 : i32
        %broadcast_in_dim3A_700 = vector.broadcast %broadcast_in_dim3A_699 : i32 to vector<16xi32>
        %gather3A_701 = tpu.vector_load_idx %arg9[%shift_right_logical3A_359, %broadcast_in_dim3A_700, %add3A_385] : memref<4x64x256xf32, #tpu.memory_space<vmem>>[vector<16xi32>, vector<16xi32>, vector<16xi32>], vector<16xf32>,
        %broadcast_in_dim3A_702 = vector.broadcast %mul3A_403 : i32 to vector<16xi32>
        %add3A_703 = arith.addi %iota3A, %broadcast_in_dim3A_702 : vector<16xi32>
        %broadcast_in_dim3A_704 = arith.constant 42 : i32
        %broadcast_in_dim3A_705 = vector.broadcast %broadcast_in_dim3A_704 : i32 to vector<16xi32>
        tpu.vector_store_idx %arg13[%add3A_703, %broadcast_in_dim3A_705], %gather3A_701 : memref<128x128xf32, #tpu.memory_space<vmem>>[vector<16xi32>, vector<16xi32>], vector<16xf32>,
        %broadcast_in_dim3A_706 = arith.constant 43 : i32
        %broadcast_in_dim3A_707 = vector.broadcast %broadcast_in_dim3A_706 : i32 to vector<16xi32>
        %gather3A_708 = tpu.vector_load_idx %arg9[%shift_right_logical3A_359, %broadcast_in_dim3A_707, %add3A_385] : memref<4x64x256xf32, #tpu.memory_space<vmem>>[vector<16xi32>, vector<16xi32>, vector<16xi32>], vector<16xf32>,
        %broadcast_in_dim3A_709 = vector.broadcast %mul3A_403 : i32 to vector<16xi32>
        %add3A_710 = arith.addi %iota3A, %broadcast_in_dim3A_709 : vector<16xi32>
        %broadcast_in_dim3A_711 = arith.constant 43 : i32
        %broadcast_in_dim3A_712 = vector.broadcast %broadcast_in_dim3A_711 : i32 to vector<16xi32>
        tpu.vector_store_idx %arg13[%add3A_710, %broadcast_in_dim3A_712], %gather3A_708 : memref<128x128xf32, #tpu.memory_space<vmem>>[vector<16xi32>, vector<16xi32>], vector<16xf32>,
        %broadcast_in_dim3A_713 = arith.constant 44 : i32
        %broadcast_in_dim3A_714 = vector.broadcast %broadcast_in_dim3A_713 : i32 to vector<16xi32>
        %gather3A_715 = tpu.vector_load_idx %arg9[%shift_right_logical3A_359, %broadcast_in_dim3A_714, %add3A_385] : memref<4x64x256xf32, #tpu.memory_space<vmem>>[vector<16xi32>, vector<16xi32>, vector<16xi32>], vector<16xf32>,
        %broadcast_in_dim3A_716 = vector.broadcast %mul3A_403 : i32 to vector<16xi32>
        %add3A_717 = arith.addi %iota3A, %broadcast_in_dim3A_716 : vector<16xi32>
        %broadcast_in_dim3A_718 = arith.constant 44 : i32
        %broadcast_in_dim3A_719 = vector.broadcast %broadcast_in_dim3A_718 : i32 to vector<16xi32>
        tpu.vector_store_idx %arg13[%add3A_717, %broadcast_in_dim3A_719], %gather3A_715 : memref<128x128xf32, #tpu.memory_space<vmem>>[vector<16xi32>, vector<16xi32>], vector<16xf32>,
        %broadcast_in_dim3A_720 = arith.constant 45 : i32
        %broadcast_in_dim3A_721 = vector.broadcast %broadcast_in_dim3A_720 : i32 to vector<16xi32>
        %gather3A_722 = tpu.vector_load_idx %arg9[%shift_right_logical3A_359, %broadcast_in_dim3A_721, %add3A_385] : memref<4x64x256xf32, #tpu.memory_space<vmem>>[vector<16xi32>, vector<16xi32>, vector<16xi32>], vector<16xf32>,
        %broadcast_in_dim3A_723 = vector.broadcast %mul3A_403 : i32 to vector<16xi32>
        %add3A_724 = arith.addi %iota3A, %broadcast_in_dim3A_723 : vector<16xi32>
        %broadcast_in_dim3A_725 = arith.constant 45 : i32
        %broadcast_in_dim3A_726 = vector.broadcast %broadcast_in_dim3A_725 : i32 to vector<16xi32>
        tpu.vector_store_idx %arg13[%add3A_724, %broadcast_in_dim3A_726], %gather3A_722 : memref<128x128xf32, #tpu.memory_space<vmem>>[vector<16xi32>, vector<16xi32>], vector<16xf32>,
        %broadcast_in_dim3A_727 = arith.constant 46 : i32
        %broadcast_in_dim3A_728 = vector.broadcast %broadcast_in_dim3A_727 : i32 to vector<16xi32>
        %gather3A_729 = tpu.vector_load_idx %arg9[%shift_right_logical3A_359, %broadcast_in_dim3A_728, %add3A_385] : memref<4x64x256xf32, #tpu.memory_space<vmem>>[vector<16xi32>, vector<16xi32>, vector<16xi32>], vector<16xf32>,
        %broadcast_in_dim3A_730 = vector.broadcast %mul3A_403 : i32 to vector<16xi32>
        %add3A_731 = arith.addi %iota3A, %broadcast_in_dim3A_730 : vector<16xi32>
        %broadcast_in_dim3A_732 = arith.constant 46 : i32
        %broadcast_in_dim3A_733 = vector.broadcast %broadcast_in_dim3A_732 : i32 to vector<16xi32>
        tpu.vector_store_idx %arg13[%add3A_731, %broadcast_in_dim3A_733], %gather3A_729 : memref<128x128xf32, #tpu.memory_space<vmem>>[vector<16xi32>, vector<16xi32>], vector<16xf32>,
        %broadcast_in_dim3A_734 = arith.constant 47 : i32
        %broadcast_in_dim3A_735 = vector.broadcast %broadcast_in_dim3A_734 : i32 to vector<16xi32>
        %gather3A_736 = tpu.vector_load_idx %arg9[%shift_right_logical3A_359, %broadcast_in_dim3A_735, %add3A_385] : memref<4x64x256xf32, #tpu.memory_space<vmem>>[vector<16xi32>, vector<16xi32>, vector<16xi32>], vector<16xf32>,
        %broadcast_in_dim3A_737 = vector.broadcast %mul3A_403 : i32 to vector<16xi32>
        %add3A_738 = arith.addi %iota3A, %broadcast_in_dim3A_737 : vector<16xi32>
        %broadcast_in_dim3A_739 = arith.constant 47 : i32
        %broadcast_in_dim3A_740 = vector.broadcast %broadcast_in_dim3A_739 : i32 to vector<16xi32>
        tpu.vector_store_idx %arg13[%add3A_738, %broadcast_in_dim3A_740], %gather3A_736 : memref<128x128xf32, #tpu.memory_space<vmem>>[vector<16xi32>, vector<16xi32>], vector<16xf32>,
        %broadcast_in_dim3A_741 = arith.constant 48 : i32
        %broadcast_in_dim3A_742 = vector.broadcast %broadcast_in_dim3A_741 : i32 to vector<16xi32>
        %gather3A_743 = tpu.vector_load_idx %arg9[%shift_right_logical3A_359, %broadcast_in_dim3A_742, %add3A_385] : memref<4x64x256xf32, #tpu.memory_space<vmem>>[vector<16xi32>, vector<16xi32>, vector<16xi32>], vector<16xf32>,
        %broadcast_in_dim3A_744 = vector.broadcast %mul3A_403 : i32 to vector<16xi32>
        %add3A_745 = arith.addi %iota3A, %broadcast_in_dim3A_744 : vector<16xi32>
        %broadcast_in_dim3A_746 = arith.constant 48 : i32
        %broadcast_in_dim3A_747 = vector.broadcast %broadcast_in_dim3A_746 : i32 to vector<16xi32>
        tpu.vector_store_idx %arg13[%add3A_745, %broadcast_in_dim3A_747], %gather3A_743 : memref<128x128xf32, #tpu.memory_space<vmem>>[vector<16xi32>, vector<16xi32>], vector<16xf32>,
        %broadcast_in_dim3A_748 = arith.constant 49 : i32
        %broadcast_in_dim3A_749 = vector.broadcast %broadcast_in_dim3A_748 : i32 to vector<16xi32>
        %gather3A_750 = tpu.vector_load_idx %arg9[%shift_right_logical3A_359, %broadcast_in_dim3A_749, %add3A_385] : memref<4x64x256xf32, #tpu.memory_space<vmem>>[vector<16xi32>, vector<16xi32>, vector<16xi32>], vector<16xf32>,
        %broadcast_in_dim3A_751 = vector.broadcast %mul3A_403 : i32 to vector<16xi32>
        %add3A_752 = arith.addi %iota3A, %broadcast_in_dim3A_751 : vector<16xi32>
        %broadcast_in_dim3A_753 = arith.constant 49 : i32
        %broadcast_in_dim3A_754 = vector.broadcast %broadcast_in_dim3A_753 : i32 to vector<16xi32>
        tpu.vector_store_idx %arg13[%add3A_752, %broadcast_in_dim3A_754], %gather3A_750 : memref<128x128xf32, #tpu.memory_space<vmem>>[vector<16xi32>, vector<16xi32>], vector<16xf32>,
        %broadcast_in_dim3A_755 = arith.constant 50 : i32
        %broadcast_in_dim3A_756 = vector.broadcast %broadcast_in_dim3A_755 : i32 to vector<16xi32>
        %gather3A_757 = tpu.vector_load_idx %arg9[%shift_right_logical3A_359, %broadcast_in_dim3A_756, %add3A_385] : memref<4x64x256xf32, #tpu.memory_space<vmem>>[vector<16xi32>, vector<16xi32>, vector<16xi32>], vector<16xf32>,
        %broadcast_in_dim3A_758 = vector.broadcast %mul3A_403 : i32 to vector<16xi32>
        %add3A_759 = arith.addi %iota3A, %broadcast_in_dim3A_758 : vector<16xi32>
        %broadcast_in_dim3A_760 = arith.constant 50 : i32
        %broadcast_in_dim3A_761 = vector.broadcast %broadcast_in_dim3A_760 : i32 to vector<16xi32>
        tpu.vector_store_idx %arg13[%add3A_759, %broadcast_in_dim3A_761], %gather3A_757 : memref<128x128xf32, #tpu.memory_space<vmem>>[vector<16xi32>, vector<16xi32>], vector<16xf32>,
        %broadcast_in_dim3A_762 = arith.constant 51 : i32
        %broadcast_in_dim3A_763 = vector.broadcast %broadcast_in_dim3A_762 : i32 to vector<16xi32>
        %gather3A_764 = tpu.vector_load_idx %arg9[%shift_right_logical3A_359, %broadcast_in_dim3A_763, %add3A_385] : memref<4x64x256xf32, #tpu.memory_space<vmem>>[vector<16xi32>, vector<16xi32>, vector<16xi32>], vector<16xf32>,
        %broadcast_in_dim3A_765 = vector.broadcast %mul3A_403 : i32 to vector<16xi32>
        %add3A_766 = arith.addi %iota3A, %broadcast_in_dim3A_765 : vector<16xi32>
        %broadcast_in_dim3A_767 = arith.constant 51 : i32
        %broadcast_in_dim3A_768 = vector.broadcast %broadcast_in_dim3A_767 : i32 to vector<16xi32>
        tpu.vector_store_idx %arg13[%add3A_766, %broadcast_in_dim3A_768], %gather3A_764 : memref<128x128xf32, #tpu.memory_space<vmem>>[vector<16xi32>, vector<16xi32>], vector<16xf32>,
        %broadcast_in_dim3A_769 = arith.constant 52 : i32
        %broadcast_in_dim3A_770 = vector.broadcast %broadcast_in_dim3A_769 : i32 to vector<16xi32>
        %gather3A_771 = tpu.vector_load_idx %arg9[%shift_right_logical3A_359, %broadcast_in_dim3A_770, %add3A_385] : memref<4x64x256xf32, #tpu.memory_space<vmem>>[vector<16xi32>, vector<16xi32>, vector<16xi32>], vector<16xf32>,
        %broadcast_in_dim3A_772 = vector.broadcast %mul3A_403 : i32 to vector<16xi32>
        %add3A_773 = arith.addi %iota3A, %broadcast_in_dim3A_772 : vector<16xi32>
        %broadcast_in_dim3A_774 = arith.constant 52 : i32
        %broadcast_in_dim3A_775 = vector.broadcast %broadcast_in_dim3A_774 : i32 to vector<16xi32>
        tpu.vector_store_idx %arg13[%add3A_773, %broadcast_in_dim3A_775], %gather3A_771 : memref<128x128xf32, #tpu.memory_space<vmem>>[vector<16xi32>, vector<16xi32>], vector<16xf32>,
        %broadcast_in_dim3A_776 = arith.constant 53 : i32
        %broadcast_in_dim3A_777 = vector.broadcast %broadcast_in_dim3A_776 : i32 to vector<16xi32>
        %gather3A_778 = tpu.vector_load_idx %arg9[%shift_right_logical3A_359, %broadcast_in_dim3A_777, %add3A_385] : memref<4x64x256xf32, #tpu.memory_space<vmem>>[vector<16xi32>, vector<16xi32>, vector<16xi32>], vector<16xf32>,
        %broadcast_in_dim3A_779 = vector.broadcast %mul3A_403 : i32 to vector<16xi32>
        %add3A_780 = arith.addi %iota3A, %broadcast_in_dim3A_779 : vector<16xi32>
        %broadcast_in_dim3A_781 = arith.constant 53 : i32
        %broadcast_in_dim3A_782 = vector.broadcast %broadcast_in_dim3A_781 : i32 to vector<16xi32>
        tpu.vector_store_idx %arg13[%add3A_780, %broadcast_in_dim3A_782], %gather3A_778 : memref<128x128xf32, #tpu.memory_space<vmem>>[vector<16xi32>, vector<16xi32>], vector<16xf32>,
        %broadcast_in_dim3A_783 = arith.constant 54 : i32
        %broadcast_in_dim3A_784 = vector.broadcast %broadcast_in_dim3A_783 : i32 to vector<16xi32>
        %gather3A_785 = tpu.vector_load_idx %arg9[%shift_right_logical3A_359, %broadcast_in_dim3A_784, %add3A_385] : memref<4x64x256xf32, #tpu.memory_space<vmem>>[vector<16xi32>, vector<16xi32>, vector<16xi32>], vector<16xf32>,
        %broadcast_in_dim3A_786 = vector.broadcast %mul3A_403 : i32 to vector<16xi32>
        %add3A_787 = arith.addi %iota3A, %broadcast_in_dim3A_786 : vector<16xi32>
        %broadcast_in_dim3A_788 = arith.constant 54 : i32
        %broadcast_in_dim3A_789 = vector.broadcast %broadcast_in_dim3A_788 : i32 to vector<16xi32>
        tpu.vector_store_idx %arg13[%add3A_787, %broadcast_in_dim3A_789], %gather3A_785 : memref<128x128xf32, #tpu.memory_space<vmem>>[vector<16xi32>, vector<16xi32>], vector<16xf32>,
        %broadcast_in_dim3A_790 = arith.constant 55 : i32
        %broadcast_in_dim3A_791 = vector.broadcast %broadcast_in_dim3A_790 : i32 to vector<16xi32>
        %gather3A_792 = tpu.vector_load_idx %arg9[%shift_right_logical3A_359, %broadcast_in_dim3A_791, %add3A_385] : memref<4x64x256xf32, #tpu.memory_space<vmem>>[vector<16xi32>, vector<16xi32>, vector<16xi32>], vector<16xf32>,
        %broadcast_in_dim3A_793 = vector.broadcast %mul3A_403 : i32 to vector<16xi32>
        %add3A_794 = arith.addi %iota3A, %broadcast_in_dim3A_793 : vector<16xi32>
        %broadcast_in_dim3A_795 = arith.constant 55 : i32
        %broadcast_in_dim3A_796 = vector.broadcast %broadcast_in_dim3A_795 : i32 to vector<16xi32>
        tpu.vector_store_idx %arg13[%add3A_794, %broadcast_in_dim3A_796], %gather3A_792 : memref<128x128xf32, #tpu.memory_space<vmem>>[vector<16xi32>, vector<16xi32>], vector<16xf32>,
        %broadcast_in_dim3A_797 = arith.constant 56 : i32
        %broadcast_in_dim3A_798 = vector.broadcast %broadcast_in_dim3A_797 : i32 to vector<16xi32>
        %gather3A_799 = tpu.vector_load_idx %arg9[%shift_right_logical3A_359, %broadcast_in_dim3A_798, %add3A_385] : memref<4x64x256xf32, #tpu.memory_space<vmem>>[vector<16xi32>, vector<16xi32>, vector<16xi32>], vector<16xf32>,
        %broadcast_in_dim3A_800 = vector.broadcast %mul3A_403 : i32 to vector<16xi32>
        %add3A_801 = arith.addi %iota3A, %broadcast_in_dim3A_800 : vector<16xi32>
        %broadcast_in_dim3A_802 = arith.constant 56 : i32
        %broadcast_in_dim3A_803 = vector.broadcast %broadcast_in_dim3A_802 : i32 to vector<16xi32>
        tpu.vector_store_idx %arg13[%add3A_801, %broadcast_in_dim3A_803], %gather3A_799 : memref<128x128xf32, #tpu.memory_space<vmem>>[vector<16xi32>, vector<16xi32>], vector<16xf32>,
        %broadcast_in_dim3A_804 = arith.constant 57 : i32
        %broadcast_in_dim3A_805 = vector.broadcast %broadcast_in_dim3A_804 : i32 to vector<16xi32>
        %gather3A_806 = tpu.vector_load_idx %arg9[%shift_right_logical3A_359, %broadcast_in_dim3A_805, %add3A_385] : memref<4x64x256xf32, #tpu.memory_space<vmem>>[vector<16xi32>, vector<16xi32>, vector<16xi32>], vector<16xf32>,
        %broadcast_in_dim3A_807 = vector.broadcast %mul3A_403 : i32 to vector<16xi32>
        %add3A_808 = arith.addi %iota3A, %broadcast_in_dim3A_807 : vector<16xi32>
        %broadcast_in_dim3A_809 = arith.constant 57 : i32
        %broadcast_in_dim3A_810 = vector.broadcast %broadcast_in_dim3A_809 : i32 to vector<16xi32>
        tpu.vector_store_idx %arg13[%add3A_808, %broadcast_in_dim3A_810], %gather3A_806 : memref<128x128xf32, #tpu.memory_space<vmem>>[vector<16xi32>, vector<16xi32>], vector<16xf32>,
        %broadcast_in_dim3A_811 = arith.constant 58 : i32
        %broadcast_in_dim3A_812 = vector.broadcast %broadcast_in_dim3A_811 : i32 to vector<16xi32>
        %gather3A_813 = tpu.vector_load_idx %arg9[%shift_right_logical3A_359, %broadcast_in_dim3A_812, %add3A_385] : memref<4x64x256xf32, #tpu.memory_space<vmem>>[vector<16xi32>, vector<16xi32>, vector<16xi32>], vector<16xf32>,
        %broadcast_in_dim3A_814 = vector.broadcast %mul3A_403 : i32 to vector<16xi32>
        %add3A_815 = arith.addi %iota3A, %broadcast_in_dim3A_814 : vector<16xi32>
        %broadcast_in_dim3A_816 = arith.constant 58 : i32
        %broadcast_in_dim3A_817 = vector.broadcast %broadcast_in_dim3A_816 : i32 to vector<16xi32>
        tpu.vector_store_idx %arg13[%add3A_815, %broadcast_in_dim3A_817], %gather3A_813 : memref<128x128xf32, #tpu.memory_space<vmem>>[vector<16xi32>, vector<16xi32>], vector<16xf32>,
        %broadcast_in_dim3A_818 = arith.constant 59 : i32
        %broadcast_in_dim3A_819 = vector.broadcast %broadcast_in_dim3A_818 : i32 to vector<16xi32>
        %gather3A_820 = tpu.vector_load_idx %arg9[%shift_right_logical3A_359, %broadcast_in_dim3A_819, %add3A_385] : memref<4x64x256xf32, #tpu.memory_space<vmem>>[vector<16xi32>, vector<16xi32>, vector<16xi32>], vector<16xf32>,
        %broadcast_in_dim3A_821 = vector.broadcast %mul3A_403 : i32 to vector<16xi32>
        %add3A_822 = arith.addi %iota3A, %broadcast_in_dim3A_821 : vector<16xi32>
        %broadcast_in_dim3A_823 = arith.constant 59 : i32
        %broadcast_in_dim3A_824 = vector.broadcast %broadcast_in_dim3A_823 : i32 to vector<16xi32>
        tpu.vector_store_idx %arg13[%add3A_822, %broadcast_in_dim3A_824], %gather3A_820 : memref<128x128xf32, #tpu.memory_space<vmem>>[vector<16xi32>, vector<16xi32>], vector<16xf32>,
        %broadcast_in_dim3A_825 = arith.constant 60 : i32
        %broadcast_in_dim3A_826 = vector.broadcast %broadcast_in_dim3A_825 : i32 to vector<16xi32>
        %gather3A_827 = tpu.vector_load_idx %arg9[%shift_right_logical3A_359, %broadcast_in_dim3A_826, %add3A_385] : memref<4x64x256xf32, #tpu.memory_space<vmem>>[vector<16xi32>, vector<16xi32>, vector<16xi32>], vector<16xf32>,
        %broadcast_in_dim3A_828 = vector.broadcast %mul3A_403 : i32 to vector<16xi32>
        %add3A_829 = arith.addi %iota3A, %broadcast_in_dim3A_828 : vector<16xi32>
        %broadcast_in_dim3A_830 = arith.constant 60 : i32
        %broadcast_in_dim3A_831 = vector.broadcast %broadcast_in_dim3A_830 : i32 to vector<16xi32>
        tpu.vector_store_idx %arg13[%add3A_829, %broadcast_in_dim3A_831], %gather3A_827 : memref<128x128xf32, #tpu.memory_space<vmem>>[vector<16xi32>, vector<16xi32>], vector<16xf32>,
        %broadcast_in_dim3A_832 = arith.constant 61 : i32
        %broadcast_in_dim3A_833 = vector.broadcast %broadcast_in_dim3A_832 : i32 to vector<16xi32>
        %gather3A_834 = tpu.vector_load_idx %arg9[%shift_right_logical3A_359, %broadcast_in_dim3A_833, %add3A_385] : memref<4x64x256xf32, #tpu.memory_space<vmem>>[vector<16xi32>, vector<16xi32>, vector<16xi32>], vector<16xf32>,
        %broadcast_in_dim3A_835 = vector.broadcast %mul3A_403 : i32 to vector<16xi32>
        %add3A_836 = arith.addi %iota3A, %broadcast_in_dim3A_835 : vector<16xi32>
        %broadcast_in_dim3A_837 = arith.constant 61 : i32
        %broadcast_in_dim3A_838 = vector.broadcast %broadcast_in_dim3A_837 : i32 to vector<16xi32>
        tpu.vector_store_idx %arg13[%add3A_836, %broadcast_in_dim3A_838], %gather3A_834 : memref<128x128xf32, #tpu.memory_space<vmem>>[vector<16xi32>, vector<16xi32>], vector<16xf32>,
        %broadcast_in_dim3A_839 = arith.constant 62 : i32
        %broadcast_in_dim3A_840 = vector.broadcast %broadcast_in_dim3A_839 : i32 to vector<16xi32>
        %gather3A_841 = tpu.vector_load_idx %arg9[%shift_right_logical3A_359, %broadcast_in_dim3A_840, %add3A_385] : memref<4x64x256xf32, #tpu.memory_space<vmem>>[vector<16xi32>, vector<16xi32>, vector<16xi32>], vector<16xf32>,
        %broadcast_in_dim3A_842 = vector.broadcast %mul3A_403 : i32 to vector<16xi32>
        %add3A_843 = arith.addi %iota3A, %broadcast_in_dim3A_842 : vector<16xi32>
        %broadcast_in_dim3A_844 = arith.constant 62 : i32
        %broadcast_in_dim3A_845 = vector.broadcast %broadcast_in_dim3A_844 : i32 to vector<16xi32>
        tpu.vector_store_idx %arg13[%add3A_843, %broadcast_in_dim3A_845], %gather3A_841 : memref<128x128xf32, #tpu.memory_space<vmem>>[vector<16xi32>, vector<16xi32>], vector<16xf32>,
        %broadcast_in_dim3A_846 = arith.constant 63 : i32
        %broadcast_in_dim3A_847 = vector.broadcast %broadcast_in_dim3A_846 : i32 to vector<16xi32>
        %gather3A_848 = tpu.vector_load_idx %arg9[%shift_right_logical3A_359, %broadcast_in_dim3A_847, %add3A_385] : memref<4x64x256xf32, #tpu.memory_space<vmem>>[vector<16xi32>, vector<16xi32>, vector<16xi32>], vector<16xf32>,
        %broadcast_in_dim3A_849 = vector.broadcast %mul3A_403 : i32 to vector<16xi32>
        %add3A_850 = arith.addi %iota3A, %broadcast_in_dim3A_849 : vector<16xi32>
        %broadcast_in_dim3A_851 = arith.constant 63 : i32
        %broadcast_in_dim3A_852 = vector.broadcast %broadcast_in_dim3A_851 : i32 to vector<16xi32>
        tpu.vector_store_idx %arg13[%add3A_850, %broadcast_in_dim3A_852], %gather3A_848 : memref<128x128xf32, #tpu.memory_space<vmem>>[vector<16xi32>, vector<16xi32>], vector<16xf32>,
        %jit3A_853 = arith.constant 8 : i32
        %eq3A_854 = arith.constant 0 : i32
        %eq3A_855 = arith.cmpi eq, %jit3A_853, %eq3A_854 : i32
        %jit3A_856 = arith.constant 1 : i32
        %select_n3A_857 = arith.select %eq3A_855, %jit3A_856, %jit3A_853 : i32
        %rem3A_858 = arith.remsi %while3A_342, %select_n3A_857 : i32
        %ne3A_859 = arith.constant 0 : i32
        %ne3A_860 = arith.cmpi ne, %rem3A_858, %ne3A_859 : i32
        %lt3A_861 = arith.constant 0 : i32
        %lt3A_862 = arith.cmpi slt, %rem3A_858, %lt3A_861 : i32
        %lt3A_863 = arith.constant 0 : i32
        %lt3A_864 = arith.cmpi slt, %select_n3A_857, %lt3A_863 : i32
        %ne3A_865 = arith.xori %lt3A_862, %lt3A_864 : i1
        %and3A_866 = arith.andi %ne3A_865, %ne3A_860 : i1
        %add3A_867 = arith.addi %rem3A_858, %select_n3A_857 : i32
        %select_n3A_868 = arith.select %and3A_866, %add3A_867, %rem3A_858 : i32
        %eq3A_869 = arith.constant 7 : i32
        %eq3A_870 = arith.cmpi eq, %select_n3A_868, %eq3A_869 : i32
        %convert_element_type3A_871 = arith.extui %eq3A_870 : i1 to i32
        %cond3A_872 = arith.constant 0 : i32
        %cond3A_873 = arith.cmpi ne, %convert_element_type3A_871, %cond3A_872 : i32
        scf.if %cond3A_873 {
          %dma_start3A_876 = arith.constant 0 : i32
          %dma_start3A_877 = arith.constant 0 : i32
          %dma_start3A_878 = tpu.memref_slice %arg12[%dma_start3A_876, %dma_start3A_877] : memref<1x128xi32, #tpu.memory_space<vmem>> -> memref<1x128xi32, #tpu.memory_space<vmem>>
          %dma_start3A_879 = tpu.memref_squeeze %dma_start3A_878 : memref<1x128xi32, #tpu.memory_space<vmem>> -> memref<128xi32, #tpu.memory_space<vmem>>
          %dma_start3A_880 = arith.constant 0 : i32
          %dma_start3A_881 = arith.constant 0 : i32
          %dma_start3A_882 = tpu.memref_slice %arg5[%dma_start3A_880, %dma_start3A_881] : memref<106512x128xf32, #tpu.memory_space<hbm>> -> memref<106512x128xf32, #tpu.memory_space<hbm>>
          tpu.enqueue_indirect_dma source(%arg13 : memref<128x128xf32, #tpu.memory_space<vmem>>) target(%dma_start3A_882 : memref<106512x128xf32, #tpu.memory_space<hbm>>) offsets(%dma_start3A_879 : memref<128xi32, #tpu.memory_space<vmem>>) semaphore(%arg15 : memref<!tpu.dma_semaphore, #tpu.memory_space<semaphore_mem>>)
          %dma_wait3A_883 = arith.constant 0 : i32
          %dma_wait3A_884 = arith.constant 0 : i32
          %dma_wait3A_885 = tpu.memref_slice %arg12[%dma_wait3A_883, %dma_wait3A_884] : memref<1x128xi32, #tpu.memory_space<vmem>> -> memref<1x128xi32, #tpu.memory_space<vmem>>
          %dma_wait3A_886 = tpu.memref_squeeze %dma_wait3A_885 : memref<1x128xi32, #tpu.memory_space<vmem>> -> memref<128xi32, #tpu.memory_space<vmem>>
          %dma_wait3A_887 = arith.constant 0 : i32
          %dma_wait3A_888 = arith.constant 0 : i32
          %dma_wait3A_889 = tpu.memref_slice %arg5[%dma_wait3A_887, %dma_wait3A_888] : memref<106512x128xf32, #tpu.memory_space<hbm>> -> memref<106512x128xf32, #tpu.memory_space<hbm>>
          tpu.wait_indirect_dma semaphore(%arg15 : memref<!tpu.dma_semaphore, #tpu.memory_space<semaphore_mem>>) src(%arg13 : memref<128x128xf32, #tpu.memory_space<vmem>>) dst(%dma_wait3A_889 : memref<106512x128xf32, #tpu.memory_space<hbm>>)
        } else {
        }
        %add3A_874 = arith.constant 1 : i32
        %add3A_875 = arith.addi %while3A_342, %add3A_874 : i32
        scf.yield %add3A_875 : i32
      }
      scf.yield %while3A_340 : i32
    }
    %while3A_132 = arith.constant 1 : i32
    %while3A_133 = scf.for %while3A_146 = %while3A_129 to %while3A_125 step %while3A_132 iter_args(%while3A_147 = %while3A_131) -> (i32)  : i32 {
      %mul3A_148 = arith.constant 8 : i32
      %mul3A_149 = arith.muli %while3A_146, %mul3A_148 : i32
      %add3A_150 = arith.addi %add3A_4, %mul3A_149 : i32
      %mul3A_151 = arith.constant 8 : i32
      %mul3A_152 = arith.muli %while3A_146, %mul3A_151 : i32
      %sub3A_153 = arith.subi %add3A_8, %mul3A_152 : i32
      %min3A_154 = arith.constant 8 : i32
      %min3A_155 = arith.minsi %sub3A_153, %min3A_154 : i32
      %add3A_156 = arith.addi %add3A_150, %min3A_155 : i32
      %eq3A = arith.constant 20313 : i32
      %eq3A_157 = arith.cmpi eq, %add3A_156, %eq3A : i32
      %jit3A_158 = arith.constant 1 : i32
      %jit3A_159 = arith.constant 0 : i32
      %select_n3A_160 = arith.select %eq3A_157, %jit3A_158, %jit3A_159 : i32
      %sub3A_161 = arith.subi %min3A_155, %select_n3A_160 : i32
      %jit3A_162 = arith.constant 2 : i32
      %div3A_163 = arith.divsi %sub3A_161, %jit3A_162 : i32
      %sign3A_164 = arith.constant 0 : i32
      %sign3A_165 = arith.cmpi sgt, %sub3A_161, %sign3A_164 : i32
      %sign3A_166 = arith.extui %sign3A_165 : i1 to i32
      %sign3A_167 = arith.constant 0 : i32
      %sign3A_168 = arith.cmpi slt, %sub3A_161, %sign3A_167 : i32
      %sign3A_169 = arith.extui %sign3A_168 : i1 to i32
      %sign3A_170 = arith.subi %sign3A_166, %sign3A_169 : i32
      %sign3A_171 = arith.constant 0 : i32
      %sign3A_172 = arith.cmpi sgt, %jit3A_162, %sign3A_171 : i32
      %sign3A_173 = arith.extui %sign3A_172 : i1 to i32
      %sign3A_174 = arith.constant 0 : i32
      %sign3A_175 = arith.cmpi slt, %jit3A_162, %sign3A_174 : i32
      %sign3A_176 = arith.extui %sign3A_175 : i1 to i32
      %sign3A_177 = arith.subi %sign3A_173, %sign3A_176 : i32
      %ne3A_178 = arith.cmpi ne, %sign3A_170, %sign3A_177 : i32
      %rem3A_179 = arith.remsi %sub3A_161, %jit3A_162 : i32
      %ne3A_180 = arith.constant 0 : i32
      %ne3A_181 = arith.cmpi ne, %rem3A_179, %ne3A_180 : i32
      %and3A_182 = arith.andi %ne3A_178, %ne3A_181 : i1
      %sub3A_183 = arith.constant 1 : i32
      %sub3A_184 = arith.subi %div3A_163, %sub3A_183 : i32
      %select_n3A_185 = arith.select %and3A_182, %sub3A_184, %div3A_163 : i32
      %while3A_186 = arith.constant 0 : i32
      %while3A_187 = arith.constant 0 : i32
      %while3A_188 = arith.subi %select_n3A_185, %while3A_186 : i32
      %while3A_189 = arith.addi %while3A_186, %while3A_188 : i32
      %while3A_190 = arith.constant 1 : i32
      %while3A_191 = arith.divsi %while3A_188, %while3A_190 : i32
      %while3A_192 = arith.muli %while3A_191, %while3A_190 : i32
      %while3A_193 = arith.addi %while3A_186, %while3A_192 : i32
      %while3A_194 = arith.constant 1 : i32
      %while3A_195 = scf.for %while3A_341 = %while3A_186 to %while3A_193 step %while3A_194 iter_args(%while3A_342 = %while3A_187) -> (i32)  : i32 {
        %mul3A_343 = arith.constant 2 : i32
        %mul3A_344 = arith.muli %mul3A_343, %while3A_341 : i32
        %add3A_345 = arith.addi %add3A_150, %mul3A_344 : i32
        %mul3A_346 = arith.constant 128 : i32
        %mul3A_347 = arith.muli %add3A_345, %mul3A_346 : i32
        %dma_start3A_348 = arith.constant 0 : i32
        %dma_start3A_349 = arith.constant 0 : i32
        %dma_start3A_350 = tpu.memref_slice %arg9[%while3A_341, %dma_start3A_348, %dma_start3A_349] : memref<4x64x256xf32, #tpu.memory_space<vmem>> -> memref<1x64x256xf32, #tpu.memory_space<vmem>>
        %dma_start3A_351 = tpu.memref_squeeze %dma_start3A_350 : memref<1x64x256xf32, #tpu.memory_space<vmem>> -> memref<64x256xf32, #tpu.memory_space<vmem>>
        %dma_start3A_352 = arith.constant 0 : i32
        %dma_start3A_353 = tpu.memref_slice %arg2[%dma_start3A_352, %mul3A_347] : memref<64x2600000xf32, #tpu.memory_space<hbm>> -> memref<64x256xf32, #tpu.memory_space<hbm>>
        %dma_start3A_354 = arith.constant 0 : i32
        %dma_start3A_355 = arith.constant 0 : i32
        %dma_start3A_356 = tpu.memref_slice %arg9[%while3A_341, %dma_start3A_354, %dma_start3A_355] : memref<4x64x256xf32, #tpu.memory_space<vmem>> -> memref<1x64x256xf32, #tpu.memory_space<vmem>>
        %dma_start3A_357 = tpu.memref_squeeze %dma_start3A_356 : memref<1x64x256xf32, #tpu.memory_space<vmem>> -> memref<64x256xf32, #tpu.memory_space<vmem>>
        %dma_start3A_358 = arith.constant 0 : i32
        %dma_start3A_359 = tpu.memref_slice %arg2[%dma_start3A_358, %mul3A_347] : memref<64x2600000xf32, #tpu.memory_space<hbm>> -> memref<64x256xf32, #tpu.memory_space<hbm>>
        tpu.enqueue_dma source(%dma_start3A_359 : memref<64x256xf32, #tpu.memory_space<hbm>>) target(%dma_start3A_357 : memref<64x256xf32, #tpu.memory_space<vmem>>) target_semaphore(%arg14 : memref<!tpu.dma_semaphore, #tpu.memory_space<semaphore_mem>>)
        %while3A_360 = arith.constant 0 : i32
        scf.yield %while3A_360 : i32
      }
      %while3A_196 = arith.constant 1 : i32
      %while3A_197 = scf.for %while3A_341 = %while3A_193 to %while3A_189 step %while3A_196 iter_args(%while3A_342 = %while3A_195) -> (i32)  : i32 {
        %mul3A_343 = arith.constant 2 : i32
        %mul3A_344 = arith.muli %mul3A_343, %while3A_341 : i32
        %add3A_345 = arith.addi %add3A_150, %mul3A_344 : i32
        %mul3A_346 = arith.constant 128 : i32
        %mul3A_347 = arith.muli %add3A_345, %mul3A_346 : i32
        %dma_start3A_348 = arith.constant 0 : i32
        %dma_start3A_349 = arith.constant 0 : i32
        %dma_start3A_350 = tpu.memref_slice %arg9[%while3A_341, %dma_start3A_348, %dma_start3A_349] : memref<4x64x256xf32, #tpu.memory_space<vmem>> -> memref<1x64x256xf32, #tpu.memory_space<vmem>>
        %dma_start3A_351 = tpu.memref_squeeze %dma_start3A_350 : memref<1x64x256xf32, #tpu.memory_space<vmem>> -> memref<64x256xf32, #tpu.memory_space<vmem>>
        %dma_start3A_352 = arith.constant 0 : i32
        %dma_start3A_353 = tpu.memref_slice %arg2[%dma_start3A_352, %mul3A_347] : memref<64x2600000xf32, #tpu.memory_space<hbm>> -> memref<64x256xf32, #tpu.memory_space<hbm>>
        %dma_start3A_354 = arith.constant 0 : i32
        %dma_start3A_355 = arith.constant 0 : i32
        %dma_start3A_356 = tpu.memref_slice %arg9[%while3A_341, %dma_start3A_354, %dma_start3A_355] : memref<4x64x256xf32, #tpu.memory_space<vmem>> -> memref<1x64x256xf32, #tpu.memory_space<vmem>>
        %dma_start3A_357 = tpu.memref_squeeze %dma_start3A_356 : memref<1x64x256xf32, #tpu.memory_space<vmem>> -> memref<64x256xf32, #tpu.memory_space<vmem>>
        %dma_start3A_358 = arith.constant 0 : i32
        %dma_start3A_359 = tpu.memref_slice %arg2[%dma_start3A_358, %mul3A_347] : memref<64x2600000xf32, #tpu.memory_space<hbm>> -> memref<64x256xf32, #tpu.memory_space<hbm>>
        tpu.enqueue_dma source(%dma_start3A_359 : memref<64x256xf32, #tpu.memory_space<hbm>>) target(%dma_start3A_357 : memref<64x256xf32, #tpu.memory_space<vmem>>) target_semaphore(%arg14 : memref<!tpu.dma_semaphore, #tpu.memory_space<semaphore_mem>>)
        %while3A_360 = arith.constant 0 : i32
        scf.yield %while3A_360 : i32
      }
      %jit3A_198 = arith.constant 2 : i32
      %eq3A_199 = arith.constant 0 : i32
      %eq3A_200 = arith.cmpi eq, %jit3A_198, %eq3A_199 : i32
      %jit3A_201 = arith.constant 1 : i32
      %select_n3A_202 = arith.select %eq3A_200, %jit3A_201, %jit3A_198 : i32
      %rem3A_203 = arith.remsi %sub3A_161, %select_n3A_202 : i32
      %ne3A_204 = arith.constant 0 : i32
      %ne3A_205 = arith.cmpi ne, %rem3A_203, %ne3A_204 : i32
      %lt3A_206 = arith.constant 0 : i32
      %lt3A_207 = arith.cmpi slt, %rem3A_203, %lt3A_206 : i32
      %lt3A_208 = arith.constant 0 : i32
      %lt3A_209 = arith.cmpi slt, %select_n3A_202, %lt3A_208 : i32
      %ne3A_210 = arith.xori %lt3A_207, %lt3A_209 : i1
      %and3A_211 = arith.andi %ne3A_210, %ne3A_205 : i1
      %add3A_212 = arith.addi %rem3A_203, %select_n3A_202 : i32
      %select_n3A_213 = arith.select %and3A_211, %add3A_212, %rem3A_203 : i32
      %eq3A_214 = arith.constant 1 : i32
      %eq3A_215 = arith.cmpi eq, %select_n3A_213, %eq3A_214 : i32
      %convert_element_type3A = arith.extui %eq3A_215 : i1 to i32
      %cond3A = arith.constant 0 : i32
      %cond3A_216 = arith.cmpi ne, %convert_element_type3A, %cond3A : i32
      scf.if %cond3A_216 {
        %add3A_341 = arith.addi %add3A_150, %sub3A_161 : i32
        %sub3A_342 = arith.constant 1 : i32
        %sub3A_343 = arith.subi %add3A_341, %sub3A_342 : i32
        %mul3A_344 = arith.constant 128 : i32
        %mul3A_345 = arith.muli %sub3A_343, %mul3A_344 : i32
        %jit3A_346 = arith.constant 2 : i32
        %div3A_347 = arith.divsi %sub3A_161, %jit3A_346 : i32
        %sign3A_348 = arith.constant 0 : i32
        %sign3A_349 = arith.cmpi sgt, %sub3A_161, %sign3A_348 : i32
        %sign3A_350 = arith.extui %sign3A_349 : i1 to i32
        %sign3A_351 = arith.constant 0 : i32
        %sign3A_352 = arith.cmpi slt, %sub3A_161, %sign3A_351 : i32
        %sign3A_353 = arith.extui %sign3A_352 : i1 to i32
        %sign3A_354 = arith.subi %sign3A_350, %sign3A_353 : i32
        %sign3A_355 = arith.constant 0 : i32
        %sign3A_356 = arith.cmpi sgt, %jit3A_346, %sign3A_355 : i32
        %sign3A_357 = arith.extui %sign3A_356 : i1 to i32
        %sign3A_358 = arith.constant 0 : i32
        %sign3A_359 = arith.cmpi slt, %jit3A_346, %sign3A_358 : i32
        %sign3A_360 = arith.extui %sign3A_359 : i1 to i32
        %sign3A_361 = arith.subi %sign3A_357, %sign3A_360 : i32
        %ne3A_362 = arith.cmpi ne, %sign3A_354, %sign3A_361 : i32
        %rem3A_363 = arith.remsi %sub3A_161, %jit3A_346 : i32
        %ne3A_364 = arith.constant 0 : i32
        %ne3A_365 = arith.cmpi ne, %rem3A_363, %ne3A_364 : i32
        %and3A_366 = arith.andi %ne3A_362, %ne3A_365 : i1
        %sub3A_367 = arith.constant 1 : i32
        %sub3A_368 = arith.subi %div3A_347, %sub3A_367 : i32
        %select_n3A_369 = arith.select %and3A_366, %sub3A_368, %div3A_347 : i32
        %dma_start3A_370 = arith.constant 0 : i32
        %dma_start3A_371 = arith.constant 0 : i32
        %dma_start3A_372 = tpu.memref_slice %arg9[%select_n3A_369, %dma_start3A_370, %dma_start3A_371] : memref<4x64x256xf32, #tpu.memory_space<vmem>> -> memref<1x64x128xf32, #tpu.memory_space<vmem>>
        %dma_start3A_373 = tpu.memref_squeeze %dma_start3A_372 : memref<1x64x128xf32, #tpu.memory_space<vmem>> -> memref<64x128xf32, #tpu.memory_space<vmem>>
        %dma_start3A_374 = arith.constant 0 : i32
        %dma_start3A_375 = tpu.memref_slice %arg2[%dma_start3A_374, %mul3A_345] : memref<64x2600000xf32, #tpu.memory_space<hbm>> -> memref<64x128xf32, #tpu.memory_space<hbm>>
        %dma_start3A_376 = arith.constant 0 : i32
        %dma_start3A_377 = arith.constant 0 : i32
        %dma_start3A_378 = tpu.memref_slice %arg9[%select_n3A_369, %dma_start3A_376, %dma_start3A_377] : memref<4x64x256xf32, #tpu.memory_space<vmem>> -> memref<1x64x128xf32, #tpu.memory_space<vmem>>
        %dma_start3A_379 = tpu.memref_squeeze %dma_start3A_378 : memref<1x64x128xf32, #tpu.memory_space<vmem>> -> memref<64x128xf32, #tpu.memory_space<vmem>>
        %dma_start3A_380 = arith.constant 0 : i32
        %dma_start3A_381 = tpu.memref_slice %arg2[%dma_start3A_380, %mul3A_345] : memref<64x2600000xf32, #tpu.memory_space<hbm>> -> memref<64x128xf32, #tpu.memory_space<hbm>>
        tpu.enqueue_dma source(%dma_start3A_381 : memref<64x128xf32, #tpu.memory_space<hbm>>) target(%dma_start3A_379 : memref<64x128xf32, #tpu.memory_space<vmem>>) target_semaphore(%arg14 : memref<!tpu.dma_semaphore, #tpu.memory_space<semaphore_mem>>)
      } else {
      }
      %convert_element_type3A_217 = arith.extui %eq3A_157 : i1 to i32
      %cond3A_218 = arith.constant 0 : i32
      %cond3A_219 = arith.cmpi ne, %convert_element_type3A_217, %cond3A_218 : i32
      scf.if %cond3A_219 {
        %jit3A_341 = arith.constant 2 : i32
        %div3A_342 = arith.divsi %sub3A_161, %jit3A_341 : i32
        %sign3A_343 = arith.constant 0 : i32
        %sign3A_344 = arith.cmpi sgt, %sub3A_161, %sign3A_343 : i32
        %sign3A_345 = arith.extui %sign3A_344 : i1 to i32
        %sign3A_346 = arith.constant 0 : i32
        %sign3A_347 = arith.cmpi slt, %sub3A_161, %sign3A_346 : i32
        %sign3A_348 = arith.extui %sign3A_347 : i1 to i32
        %sign3A_349 = arith.subi %sign3A_345, %sign3A_348 : i32
        %sign3A_350 = arith.constant 0 : i32
        %sign3A_351 = arith.cmpi sgt, %jit3A_341, %sign3A_350 : i32
        %sign3A_352 = arith.extui %sign3A_351 : i1 to i32
        %sign3A_353 = arith.constant 0 : i32
        %sign3A_354 = arith.cmpi slt, %jit3A_341, %sign3A_353 : i32
        %sign3A_355 = arith.extui %sign3A_354 : i1 to i32
        %sign3A_356 = arith.subi %sign3A_352, %sign3A_355 : i32
        %ne3A_357 = arith.cmpi ne, %sign3A_349, %sign3A_356 : i32
        %rem3A_358 = arith.remsi %sub3A_161, %jit3A_341 : i32
        %ne3A_359 = arith.constant 0 : i32
        %ne3A_360 = arith.cmpi ne, %rem3A_358, %ne3A_359 : i32
        %and3A_361 = arith.andi %ne3A_357, %ne3A_360 : i1
        %sub3A_362 = arith.constant 1 : i32
        %sub3A_363 = arith.subi %div3A_342, %sub3A_362 : i32
        %select_n3A_364 = arith.select %and3A_361, %sub3A_363, %div3A_342 : i32
        %jit3A_365 = arith.constant 2 : i32
        %eq3A_366 = arith.constant 0 : i32
        %eq3A_367 = arith.cmpi eq, %jit3A_365, %eq3A_366 : i32
        %jit3A_368 = arith.constant 1 : i32
        %select_n3A_369 = arith.select %eq3A_367, %jit3A_368, %jit3A_365 : i32
        %rem3A_370 = arith.remsi %sub3A_161, %select_n3A_369 : i32
        %ne3A_371 = arith.constant 0 : i32
        %ne3A_372 = arith.cmpi ne, %rem3A_370, %ne3A_371 : i32
        %lt3A_373 = arith.constant 0 : i32
        %lt3A_374 = arith.cmpi slt, %rem3A_370, %lt3A_373 : i32
        %lt3A_375 = arith.constant 0 : i32
        %lt3A_376 = arith.cmpi slt, %select_n3A_369, %lt3A_375 : i32
        %ne3A_377 = arith.xori %lt3A_374, %lt3A_376 : i1
        %and3A_378 = arith.andi %ne3A_377, %ne3A_372 : i1
        %add3A_379 = arith.addi %rem3A_370, %select_n3A_369 : i32
        %select_n3A_380 = arith.select %and3A_378, %add3A_379, %rem3A_370 : i32
        %mul3A_381 = arith.constant 128 : i32
        %mul3A_382 = arith.muli %select_n3A_380, %mul3A_381 : i32
        "tpu.region"() ({
          %run_scoped3A_383 = tpu.sem_alloc : memref<!tpu.dma_semaphore, #tpu.memory_space<semaphore_mem>>
          %dma_start3A_384 = arith.constant 0 : i32
          %dma_start3A_385 = tpu.memref_slice %arg9[%select_n3A_364, %dma_start3A_384, %mul3A_382] : memref<4x64x256xf32, #tpu.memory_space<vmem>> -> memref<1x64x128xf32, #tpu.memory_space<vmem>>
          %dma_start3A_386 = tpu.memref_squeeze %dma_start3A_385 : memref<1x64x128xf32, #tpu.memory_space<vmem>> -> memref<64x128xf32, #tpu.memory_space<vmem>>
          %dma_start3A_387 = arith.constant 0 : i32
          %dma_start3A_388 = tpu.memref_slice %arg9[%select_n3A_364, %dma_start3A_387, %mul3A_382] : memref<4x64x256xf32, #tpu.memory_space<vmem>> -> memref<1x64x128xf32, #tpu.memory_space<vmem>>
          %dma_start3A_389 = tpu.memref_squeeze %dma_start3A_388 : memref<1x64x128xf32, #tpu.memory_space<vmem>> -> memref<64x128xf32, #tpu.memory_space<vmem>>
          tpu.enqueue_dma source(%arg4 : memref<64x128xf32, #tpu.memory_space<hbm>>) target(%dma_start3A_389 : memref<64x128xf32, #tpu.memory_space<vmem>>) target_semaphore(%run_scoped3A_383 : memref<!tpu.dma_semaphore, #tpu.memory_space<semaphore_mem>>)
          %dma_wait3A_390 = arith.constant 0 : i32
          %dma_wait3A_391 = tpu.memref_slice %arg9[%select_n3A_364, %dma_wait3A_390, %mul3A_382] : memref<4x64x256xf32, #tpu.memory_space<vmem>> -> memref<1x64x128xf32, #tpu.memory_space<vmem>>
          %dma_wait3A_392 = tpu.memref_squeeze %dma_wait3A_391 : memref<1x64x128xf32, #tpu.memory_space<vmem>> -> memref<64x128xf32, #tpu.memory_space<vmem>>
          %dma_wait3A_393 = arith.constant 0 : i32
          %dma_wait3A_394 = tpu.memref_slice %arg9[%select_n3A_364, %dma_wait3A_393, %mul3A_382] : memref<4x64x256xf32, #tpu.memory_space<vmem>> -> memref<1x64x128xf32, #tpu.memory_space<vmem>>
          %dma_wait3A_395 = tpu.memref_squeeze %dma_wait3A_394 : memref<1x64x128xf32, #tpu.memory_space<vmem>> -> memref<64x128xf32, #tpu.memory_space<vmem>>
          tpu.wait_dma2 semaphore(%run_scoped3A_383 : memref<!tpu.dma_semaphore, #tpu.memory_space<semaphore_mem>>) src(%arg4 : memref<64x128xf32, #tpu.memory_space<hbm>>) dst(%dma_wait3A_395 : memref<64x128xf32, #tpu.memory_space<vmem>>)
          tpu.yield
        }) : () -> ()
      } else {
      }
      %broadcast_in_dim3A_220 = vector.broadcast %add3A_150 : i32 to vector<16xi32>
      %add3A_221 = arith.addi %add3A_150, %min3A_155 : i32
      %broadcast_in_dim3A_222 = vector.broadcast %add3A_221 : i32 to vector<16xi32>
      %while3A_223 = arith.constant 0 : i32
      %while3A_224 = arith.constant 0 : i32
      %while3A_225 = arith.subi %select_n3A_87, %while3A_223 : i32
      %while3A_226 = arith.addi %while3A_223, %while3A_225 : i32
      %while3A_227 = arith.constant 1 : i32
      %while3A_228 = arith.divsi %while3A_225, %while3A_227 : i32
      %while3A_229 = arith.muli %while3A_228, %while3A_227 : i32
      %while3A_230 = arith.addi %while3A_223, %while3A_229 : i32
      %while3A_231 = arith.constant 1 : i32
      %while3A_232 = scf.for %while3A_341 = %while3A_223 to %while3A_230 step %while3A_231 iter_args(%while3A_342 = %while3A_224) -> (i32)  : i32 {
        %mul3A_343 = arith.constant 16 : i32
        %mul3A_344 = arith.muli %while3A_341, %mul3A_343 : i32
        %get3A = arith.index_cast %mul3A_344 : i32 to index
        %get3A_345 = tpu.vector_load %arg7[%get3A] {strides = array<i32>} : memref<8240xi32, #tpu.memory_space<vmem>>, vector<16xi32>,
        %shift_right_logical3A = arith.constant 7 : i32
        %shift_right_logical3A_346 = vector.broadcast %shift_right_logical3A : i32 to vector<16xi32>
        %shift_right_logical3A_347 = arith.shrui %get3A_345, %shift_right_logical3A_346 : vector<16xi32>
        %ge3A = arith.cmpi sge, %shift_right_logical3A_347, %broadcast_in_dim3A_220 : vector<16xi32>
        %lt3A_348 = arith.cmpi slt, %shift_right_logical3A_347, %broadcast_in_dim3A_222 : vector<16xi32>
        %and3A_349 = arith.andi %ge3A, %lt3A_348 : vector<16xi1>
        %all_reduce_population_count3A = tpu.all_reduce %and3A_349 {dim = 0 : i64, kind = #tpu.reduction_kind<sum>} : vector<16xi1> -> vector<16xi32>
        %slice3A = vector.extract_strided_slice %all_reduce_population_count3A {offsets = [0], sizes = [1], strides = [1]} : vector<16xi32> to vector<1xi32>
        %squeeze3A = vector.extract %slice3A[0] : i32 from vector<1xi32>
        %gt3A = arith.constant 0 : i32
        %gt3A_350 = arith.cmpi sgt, %squeeze3A, %gt3A : i32
        %convert_element_type3A_351 = arith.extui %gt3A_350 : i1 to i32
        %cond3A_352 = arith.constant 0 : i32
        %cond3A_353 = arith.cmpi ne, %convert_element_type3A_351, %cond3A_352 : i32
        scf.if %cond3A_353 {
          %mul3A_355 = arith.constant 16 : i32
          %mul3A_356 = arith.muli %while3A_341, %mul3A_355 : i32
          %get3A_357 = arith.index_cast %mul3A_356 : i32 to index
          %get3A_358 = tpu.vector_load %arg8[%get3A_357] {strides = array<i32>} : memref<8240xi32, #tpu.memory_space<vmem>>, vector<16xi32>,
          %convert_element_type3A_359 = arith.extui %and3A_349 : vector<16xi1> to vector<16xi32>
          %broadcast_in_dim3A_360 = arith.constant true
          %broadcast_in_dim3A_361 = vector.broadcast %broadcast_in_dim3A_360 : i1 to vector<16xi1>
          %masked_cumsum3A = tpu.scan <sum>, %convert_element_type3A_359 masked %broadcast_in_dim3A_361 : vector<16xi32>, vector<16xi1> -> vector<16xi32>
          %broadcast_in_dim3A_362 = vector.broadcast %while3A_342 : i32 to vector<16xi32>
          %add3A_363 = arith.addi %broadcast_in_dim3A_362, %masked_cumsum3A : vector<16xi32>
          %sub3A_364 = arith.subi %add3A_363, %convert_element_type3A_359 : vector<16xi32>
          %broadcast_in_dim3A_365 = arith.constant 8239 : i32
          %broadcast_in_dim3A_366 = vector.broadcast %broadcast_in_dim3A_365 : i32 to vector<16xi32>
          %select_n3A_367 = arith.select %and3A_349, %sub3A_364, %broadcast_in_dim3A_366 : vector<16xi1>, vector<16xi32>
          tpu.vector_store_idx %arg10[%select_n3A_367], %get3A_345 : memref<8240xi32, #tpu.memory_space<vmem>>[vector<16xi32>], vector<16xi32>,
          tpu.vector_store_idx %arg11[%select_n3A_367], %get3A_358 : memref<8240xi32, #tpu.memory_space<vmem>>[vector<16xi32>], vector<16xi32>,
        } else {
        }
        %add3A_354 = arith.addi %while3A_342, %squeeze3A : i32
        scf.yield %add3A_354 : i32
      }
      %while3A_233 = arith.constant 1 : i32
      %while3A_234 = scf.for %while3A_341 = %while3A_230 to %while3A_226 step %while3A_233 iter_args(%while3A_342 = %while3A_232) -> (i32)  : i32 {
        %mul3A_343 = arith.constant 16 : i32
        %mul3A_344 = arith.muli %while3A_341, %mul3A_343 : i32
        %get3A = arith.index_cast %mul3A_344 : i32 to index
        %get3A_345 = tpu.vector_load %arg7[%get3A] {strides = array<i32>} : memref<8240xi32, #tpu.memory_space<vmem>>, vector<16xi32>,
        %shift_right_logical3A = arith.constant 7 : i32
        %shift_right_logical3A_346 = vector.broadcast %shift_right_logical3A : i32 to vector<16xi32>
        %shift_right_logical3A_347 = arith.shrui %get3A_345, %shift_right_logical3A_346 : vector<16xi32>
        %ge3A = arith.cmpi sge, %shift_right_logical3A_347, %broadcast_in_dim3A_220 : vector<16xi32>
        %lt3A_348 = arith.cmpi slt, %shift_right_logical3A_347, %broadcast_in_dim3A_222 : vector<16xi32>
        %and3A_349 = arith.andi %ge3A, %lt3A_348 : vector<16xi1>
        %all_reduce_population_count3A = tpu.all_reduce %and3A_349 {dim = 0 : i64, kind = #tpu.reduction_kind<sum>} : vector<16xi1> -> vector<16xi32>
        %slice3A = vector.extract_strided_slice %all_reduce_population_count3A {offsets = [0], sizes = [1], strides = [1]} : vector<16xi32> to vector<1xi32>
        %squeeze3A = vector.extract %slice3A[0] : i32 from vector<1xi32>
        %gt3A = arith.constant 0 : i32
        %gt3A_350 = arith.cmpi sgt, %squeeze3A, %gt3A : i32
        %convert_element_type3A_351 = arith.extui %gt3A_350 : i1 to i32
        %cond3A_352 = arith.constant 0 : i32
        %cond3A_353 = arith.cmpi ne, %convert_element_type3A_351, %cond3A_352 : i32
        scf.if %cond3A_353 {
          %mul3A_355 = arith.constant 16 : i32
          %mul3A_356 = arith.muli %while3A_341, %mul3A_355 : i32
          %get3A_357 = arith.index_cast %mul3A_356 : i32 to index
          %get3A_358 = tpu.vector_load %arg8[%get3A_357] {strides = array<i32>} : memref<8240xi32, #tpu.memory_space<vmem>>, vector<16xi32>,
          %convert_element_type3A_359 = arith.extui %and3A_349 : vector<16xi1> to vector<16xi32>
          %broadcast_in_dim3A_360 = arith.constant true
          %broadcast_in_dim3A_361 = vector.broadcast %broadcast_in_dim3A_360 : i1 to vector<16xi1>
          %masked_cumsum3A = tpu.scan <sum>, %convert_element_type3A_359 masked %broadcast_in_dim3A_361 : vector<16xi32>, vector<16xi1> -> vector<16xi32>
          %broadcast_in_dim3A_362 = vector.broadcast %while3A_342 : i32 to vector<16xi32>
          %add3A_363 = arith.addi %broadcast_in_dim3A_362, %masked_cumsum3A : vector<16xi32>
          %sub3A_364 = arith.subi %add3A_363, %convert_element_type3A_359 : vector<16xi32>
          %broadcast_in_dim3A_365 = arith.constant 8239 : i32
          %broadcast_in_dim3A_366 = vector.broadcast %broadcast_in_dim3A_365 : i32 to vector<16xi32>
          %select_n3A_367 = arith.select %and3A_349, %sub3A_364, %broadcast_in_dim3A_366 : vector<16xi1>, vector<16xi32>
          tpu.vector_store_idx %arg10[%select_n3A_367], %get3A_345 : memref<8240xi32, #tpu.memory_space<vmem>>[vector<16xi32>], vector<16xi32>,
          tpu.vector_store_idx %arg11[%select_n3A_367], %get3A_358 : memref<8240xi32, #tpu.memory_space<vmem>>[vector<16xi32>], vector<16xi32>,
        } else {
        }
        %add3A_354 = arith.addi %while3A_342, %squeeze3A : i32
        scf.yield %add3A_354 : i32
      }
      %mul3A_235 = arith.constant 128 : i32
      %mul3A_236 = arith.muli %add3A_150, %mul3A_235 : i32
      %broadcast_in_dim3A_237 = vector.broadcast %mul3A_236 : i32 to vector<16xi32>
      %swap3A_238 = arith.index_cast %while3A_234 : i32 to index
      %swap3A_239 = tpu.vector_load %arg10[%swap3A_238] {strides = array<i32>} : memref<8240xi32, #tpu.memory_space<vmem>>, vector<16xi32>,
      tpu.vector_store %arg10[%swap3A_238], %broadcast_in_dim3A_237 {strides = array<i32>} : memref<8240xi32, #tpu.memory_space<vmem>>, vector<16xi32>,
      %broadcast_in_dim3A_240 = arith.constant 106496 : i32
      %broadcast_in_dim3A_241 = vector.broadcast %broadcast_in_dim3A_240 : i32 to vector<16xi32>
      %add3A_242 = arith.addi %broadcast_in_dim3A_241, %iota3A : vector<16xi32>
      %swap3A_243 = arith.index_cast %while3A_234 : i32 to index
      %swap3A_244 = tpu.vector_load %arg11[%swap3A_243] {strides = array<i32>} : memref<8240xi32, #tpu.memory_space<vmem>>, vector<16xi32>,
      tpu.vector_store %arg11[%swap3A_243], %add3A_242 {strides = array<i32>} : memref<8240xi32, #tpu.memory_space<vmem>>, vector<16xi32>,
      %jit3A_245 = arith.constant 2 : i32
      %div3A_246 = arith.divsi %sub3A_161, %jit3A_245 : i32
      %sign3A_247 = arith.constant 0 : i32
      %sign3A_248 = arith.cmpi sgt, %sub3A_161, %sign3A_247 : i32
      %sign3A_249 = arith.extui %sign3A_248 : i1 to i32
      %sign3A_250 = arith.constant 0 : i32
      %sign3A_251 = arith.cmpi slt, %sub3A_161, %sign3A_250 : i32
      %sign3A_252 = arith.extui %sign3A_251 : i1 to i32
      %sign3A_253 = arith.subi %sign3A_249, %sign3A_252 : i32
      %sign3A_254 = arith.constant 0 : i32
      %sign3A_255 = arith.cmpi sgt, %jit3A_245, %sign3A_254 : i32
      %sign3A_256 = arith.extui %sign3A_255 : i1 to i32
      %sign3A_257 = arith.constant 0 : i32
      %sign3A_258 = arith.cmpi slt, %jit3A_245, %sign3A_257 : i32
      %sign3A_259 = arith.extui %sign3A_258 : i1 to i32
      %sign3A_260 = arith.subi %sign3A_256, %sign3A_259 : i32
      %ne3A_261 = arith.cmpi ne, %sign3A_253, %sign3A_260 : i32
      %rem3A_262 = arith.remsi %sub3A_161, %jit3A_245 : i32
      %ne3A_263 = arith.constant 0 : i32
      %ne3A_264 = arith.cmpi ne, %rem3A_262, %ne3A_263 : i32
      %and3A_265 = arith.andi %ne3A_261, %ne3A_264 : i1
      %sub3A_266 = arith.constant 1 : i32
      %sub3A_267 = arith.subi %div3A_246, %sub3A_266 : i32
      %select_n3A_268 = arith.select %and3A_265, %sub3A_267, %div3A_246 : i32
      %while3A_269 = arith.constant 0 : i32
      %while3A_270 = arith.constant 0 : i32
      %while3A_271 = arith.subi %select_n3A_268, %while3A_269 : i32
      %while3A_272 = arith.addi %while3A_269, %while3A_271 : i32
      %while3A_273 = arith.constant 1 : i32
      %while3A_274 = arith.divsi %while3A_271, %while3A_273 : i32
      %while3A_275 = arith.muli %while3A_274, %while3A_273 : i32
      %while3A_276 = arith.addi %while3A_269, %while3A_275 : i32
      %while3A_277 = arith.constant 1 : i32
      %while3A_278 = scf.for %while3A_341 = %while3A_269 to %while3A_276 step %while3A_277 iter_args(%while3A_342 = %while3A_270) -> (i32)  : i32 {
        %dma_wait3A_343 = arith.constant 0 : i32
        %dma_wait3A_344 = arith.constant 0 : i32
        %dma_wait3A_345 = arith.constant 0 : i32
        %dma_wait3A_346 = tpu.memref_slice %arg9[%dma_wait3A_343, %dma_wait3A_344, %dma_wait3A_345] : memref<4x64x256xf32, #tpu.memory_space<vmem>> -> memref<1x64x256xf32, #tpu.memory_space<vmem>>
        %dma_wait3A_347 = tpu.memref_squeeze %dma_wait3A_346 : memref<1x64x256xf32, #tpu.memory_space<vmem>> -> memref<64x256xf32, #tpu.memory_space<vmem>>
        %dma_wait3A_348 = arith.constant 0 : i32
        %dma_wait3A_349 = arith.constant 0 : i32
        %dma_wait3A_350 = tpu.memref_slice %arg2[%dma_wait3A_348, %dma_wait3A_349] : memref<64x2600000xf32, #tpu.memory_space<hbm>> -> memref<64x256xf32, #tpu.memory_space<hbm>>
        %dma_wait3A_351 = arith.constant 0 : i32
        %dma_wait3A_352 = arith.constant 0 : i32
        %dma_wait3A_353 = tpu.memref_slice %arg9[%dma_wait3A_343, %dma_wait3A_351, %dma_wait3A_352] : memref<4x64x256xf32, #tpu.memory_space<vmem>> -> memref<1x64x256xf32, #tpu.memory_space<vmem>>
        %dma_wait3A_354 = tpu.memref_squeeze %dma_wait3A_353 : memref<1x64x256xf32, #tpu.memory_space<vmem>> -> memref<64x256xf32, #tpu.memory_space<vmem>>
        %dma_wait3A_355 = arith.constant 0 : i32
        %dma_wait3A_356 = arith.constant 0 : i32
        %dma_wait3A_357 = tpu.memref_slice %arg2[%dma_wait3A_355, %dma_wait3A_356] : memref<64x2600000xf32, #tpu.memory_space<hbm>> -> memref<64x256xf32, #tpu.memory_space<hbm>>
        tpu.wait_dma2 semaphore(%arg14 : memref<!tpu.dma_semaphore, #tpu.memory_space<semaphore_mem>>) src(%dma_wait3A_357 : memref<64x256xf32, #tpu.memory_space<hbm>>) dst(%dma_wait3A_354 : memref<64x256xf32, #tpu.memory_space<vmem>>)
        %while3A_358 = arith.constant 0 : i32
        scf.yield %while3A_358 : i32
      }
      %while3A_279 = arith.constant 1 : i32
      %while3A_280 = scf.for %while3A_341 = %while3A_276 to %while3A_272 step %while3A_279 iter_args(%while3A_342 = %while3A_278) -> (i32)  : i32 {
        %dma_wait3A_343 = arith.constant 0 : i32
        %dma_wait3A_344 = arith.constant 0 : i32
        %dma_wait3A_345 = arith.constant 0 : i32
        %dma_wait3A_346 = tpu.memref_slice %arg9[%dma_wait3A_343, %dma_wait3A_344, %dma_wait3A_345] : memref<4x64x256xf32, #tpu.memory_space<vmem>> -> memref<1x64x256xf32, #tpu.memory_space<vmem>>
        %dma_wait3A_347 = tpu.memref_squeeze %dma_wait3A_346 : memref<1x64x256xf32, #tpu.memory_space<vmem>> -> memref<64x256xf32, #tpu.memory_space<vmem>>
        %dma_wait3A_348 = arith.constant 0 : i32
        %dma_wait3A_349 = arith.constant 0 : i32
        %dma_wait3A_350 = tpu.memref_slice %arg2[%dma_wait3A_348, %dma_wait3A_349] : memref<64x2600000xf32, #tpu.memory_space<hbm>> -> memref<64x256xf32, #tpu.memory_space<hbm>>
        %dma_wait3A_351 = arith.constant 0 : i32
        %dma_wait3A_352 = arith.constant 0 : i32
        %dma_wait3A_353 = tpu.memref_slice %arg9[%dma_wait3A_343, %dma_wait3A_351, %dma_wait3A_352] : memref<4x64x256xf32, #tpu.memory_space<vmem>> -> memref<1x64x256xf32, #tpu.memory_space<vmem>>
        %dma_wait3A_354 = tpu.memref_squeeze %dma_wait3A_353 : memref<1x64x256xf32, #tpu.memory_space<vmem>> -> memref<64x256xf32, #tpu.memory_space<vmem>>
        %dma_wait3A_355 = arith.constant 0 : i32
        %dma_wait3A_356 = arith.constant 0 : i32
        %dma_wait3A_357 = tpu.memref_slice %arg2[%dma_wait3A_355, %dma_wait3A_356] : memref<64x2600000xf32, #tpu.memory_space<hbm>> -> memref<64x256xf32, #tpu.memory_space<hbm>>
        tpu.wait_dma2 semaphore(%arg14 : memref<!tpu.dma_semaphore, #tpu.memory_space<semaphore_mem>>) src(%dma_wait3A_357 : memref<64x256xf32, #tpu.memory_space<hbm>>) dst(%dma_wait3A_354 : memref<64x256xf32, #tpu.memory_space<vmem>>)
        %while3A_358 = arith.constant 0 : i32
        scf.yield %while3A_358 : i32
      }
      %jit3A_281 = arith.constant 2 : i32
      %eq3A_282 = arith.constant 0 : i32
      %eq3A_283 = arith.cmpi eq, %jit3A_281, %eq3A_282 : i32
      %jit3A_284 = arith.constant 1 : i32
      %select_n3A_285 = arith.select %eq3A_283, %jit3A_284, %jit3A_281 : i32
      %rem3A_286 = arith.remsi %sub3A_161, %select_n3A_285 : i32
      %ne3A_287 = arith.constant 0 : i32
      %ne3A_288 = arith.cmpi ne, %rem3A_286, %ne3A_287 : i32
      %lt3A_289 = arith.constant 0 : i32
      %lt3A_290 = arith.cmpi slt, %rem3A_286, %lt3A_289 : i32
      %lt3A_291 = arith.constant 0 : i32
      %lt3A_292 = arith.cmpi slt, %select_n3A_285, %lt3A_291 : i32
      %ne3A_293 = arith.xori %lt3A_290, %lt3A_292 : i1
      %and3A_294 = arith.andi %ne3A_293, %ne3A_288 : i1
      %add3A_295 = arith.addi %rem3A_286, %select_n3A_285 : i32
      %select_n3A_296 = arith.select %and3A_294, %add3A_295, %rem3A_286 : i32
      %eq3A_297 = arith.constant 1 : i32
      %eq3A_298 = arith.cmpi eq, %select_n3A_296, %eq3A_297 : i32
      %convert_element_type3A_299 = arith.extui %eq3A_298 : i1 to i32
      %cond3A_300 = arith.constant 0 : i32
      %cond3A_301 = arith.cmpi ne, %convert_element_type3A_299, %cond3A_300 : i32
      scf.if %cond3A_301 {
        %dma_wait3A_341 = arith.constant 0 : i32
        %dma_wait3A_342 = arith.constant 0 : i32
        %dma_wait3A_343 = arith.constant 0 : i32
        %dma_wait3A_344 = tpu.memref_slice %arg9[%dma_wait3A_341, %dma_wait3A_342, %dma_wait3A_343] : memref<4x64x256xf32, #tpu.memory_space<vmem>> -> memref<1x64x128xf32, #tpu.memory_space<vmem>>
        %dma_wait3A_345 = tpu.memref_squeeze %dma_wait3A_344 : memref<1x64x128xf32, #tpu.memory_space<vmem>> -> memref<64x128xf32, #tpu.memory_space<vmem>>
        %dma_wait3A_346 = arith.constant 0 : i32
        %dma_wait3A_347 = arith.constant 0 : i32
        %dma_wait3A_348 = tpu.memref_slice %arg2[%dma_wait3A_346, %dma_wait3A_347] : memref<64x2600000xf32, #tpu.memory_space<hbm>> -> memref<64x128xf32, #tpu.memory_space<hbm>>
        %dma_wait3A_349 = arith.constant 0 : i32
        %dma_wait3A_350 = arith.constant 0 : i32
        %dma_wait3A_351 = tpu.memref_slice %arg9[%dma_wait3A_341, %dma_wait3A_349, %dma_wait3A_350] : memref<4x64x256xf32, #tpu.memory_space<vmem>> -> memref<1x64x128xf32, #tpu.memory_space<vmem>>
        %dma_wait3A_352 = tpu.memref_squeeze %dma_wait3A_351 : memref<1x64x128xf32, #tpu.memory_space<vmem>> -> memref<64x128xf32, #tpu.memory_space<vmem>>
        %dma_wait3A_353 = arith.constant 0 : i32
        %dma_wait3A_354 = arith.constant 0 : i32
        %dma_wait3A_355 = tpu.memref_slice %arg2[%dma_wait3A_353, %dma_wait3A_354] : memref<64x2600000xf32, #tpu.memory_space<hbm>> -> memref<64x128xf32, #tpu.memory_space<hbm>>
        tpu.wait_dma2 semaphore(%arg14 : memref<!tpu.dma_semaphore, #tpu.memory_space<semaphore_mem>>) src(%dma_wait3A_355 : memref<64x128xf32, #tpu.memory_space<hbm>>) dst(%dma_wait3A_352 : memref<64x128xf32, #tpu.memory_space<vmem>>)
      } else {
      }
      %add3A_302 = arith.constant 15 : i32
      %add3A_303 = arith.addi %while3A_234, %add3A_302 : i32
      %jit3A_304 = arith.constant 16 : i32
      %div3A_305 = arith.divsi %add3A_303, %jit3A_304 : i32
      %sign3A_306 = arith.constant 0 : i32
      %sign3A_307 = arith.cmpi sgt, %add3A_303, %sign3A_306 : i32
      %sign3A_308 = arith.extui %sign3A_307 : i1 to i32
      %sign3A_309 = arith.constant 0 : i32
      %sign3A_310 = arith.cmpi slt, %add3A_303, %sign3A_309 : i32
      %sign3A_311 = arith.extui %sign3A_310 : i1 to i32
      %sign3A_312 = arith.subi %sign3A_308, %sign3A_311 : i32
      %sign3A_313 = arith.constant 0 : i32
      %sign3A_314 = arith.cmpi sgt, %jit3A_304, %sign3A_313 : i32
      %sign3A_315 = arith.extui %sign3A_314 : i1 to i32
      %sign3A_316 = arith.constant 0 : i32
      %sign3A_317 = arith.cmpi slt, %jit3A_304, %sign3A_316 : i32
      %sign3A_318 = arith.extui %sign3A_317 : i1 to i32
      %sign3A_319 = arith.subi %sign3A_315, %sign3A_318 : i32
      %ne3A_320 = arith.cmpi ne, %sign3A_312, %sign3A_319 : i32
      %rem3A_321 = arith.remsi %add3A_303, %jit3A_304 : i32
      %ne3A_322 = arith.constant 0 : i32
      %ne3A_323 = arith.cmpi ne, %rem3A_321, %ne3A_322 : i32
      %and3A_324 = arith.andi %ne3A_320, %ne3A_323 : i1
      %sub3A_325 = arith.constant 1 : i32
      %sub3A_326 = arith.subi %div3A_305, %sub3A_325 : i32
      %select_n3A_327 = arith.select %and3A_324, %sub3A_326, %div3A_305 : i32
      %broadcast_in_dim3A_328 = arith.constant 0 : i32
      %broadcast_in_dim3A_329 = vector.broadcast %broadcast_in_dim3A_328 : i32 to vector<16xi32>
      %while3A_330 = arith.constant 0 : i32
      %while3A_331 = arith.subi %select_n3A_327, %while3A_330 : i32
      %while3A_332 = arith.addi %while3A_330, %while3A_331 : i32
      %while3A_333 = arith.constant 1 : i32
      %while3A_334 = arith.divsi %while3A_331, %while3A_333 : i32
      %while3A_335 = arith.muli %while3A_334, %while3A_333 : i32
      %while3A_336 = arith.addi %while3A_330, %while3A_335 : i32
      %while3A_337 = arith.constant 1 : i32
      %while3A_338 = scf.for %while3A_341 = %while3A_330 to %while3A_336 step %while3A_337 iter_args(%while3A_342 = %while3A_147) -> (i32)  : i32 {
        %mul3A_343 = arith.constant 16 : i32
        %mul3A_344 = arith.muli %while3A_341, %mul3A_343 : i32
        %get3A = arith.index_cast %mul3A_344 : i32 to index
        %get3A_345 = tpu.vector_load %arg10[%get3A] {strides = array<i32>} : memref<8240xi32, #tpu.memory_space<vmem>>, vector<16xi32>,
        %mul3A_346 = arith.constant 16 : i32
        %mul3A_347 = arith.muli %while3A_341, %mul3A_346 : i32
        %get3A_348 = arith.index_cast %mul3A_347 : i32 to index
        %get3A_349 = tpu.vector_load %arg11[%get3A_348] {strides = array<i32>} : memref<8240xi32, #tpu.memory_space<vmem>>, vector<16xi32>,
        %shift_right_logical3A = arith.constant 7 : i32
        %shift_right_logical3A_350 = vector.broadcast %shift_right_logical3A : i32 to vector<16xi32>
        %shift_right_logical3A_351 = arith.shrui %get3A_345, %shift_right_logical3A_350 : vector<16xi32>
        %mul3A_352 = arith.constant 128 : i32
        %mul3A_353 = vector.broadcast %mul3A_352 : i32 to vector<16xi32>
        %mul3A_354 = arith.muli %shift_right_logical3A_351, %mul3A_353 : vector<16xi32>
        %sub3A_355 = arith.subi %get3A_345, %mul3A_354 : vector<16xi32>
        %sub3A_356 = arith.subi %shift_right_logical3A_351, %broadcast_in_dim3A_220 : vector<16xi32>
        %shift_right_logical3A_357 = arith.constant 1 : i32
        %shift_right_logical3A_358 = vector.broadcast %shift_right_logical3A_357 : i32 to vector<16xi32>
        %shift_right_logical3A_359 = arith.shrui %sub3A_356, %shift_right_logical3A_358 : vector<16xi32>
        %jit3A_360 = arith.constant 2 : i32
        %eq3A_361 = arith.constant 0 : i32
        %eq3A_362 = arith.cmpi eq, %jit3A_360, %eq3A_361 : i32
        %jit3A_363 = arith.constant 1 : i32
        %select_n3A_364 = arith.select %eq3A_362, %jit3A_363, %jit3A_360 : i32
        %rem3A_365 = vector.broadcast %select_n3A_364 : i32 to vector<16xi32>
        %rem3A_366 = arith.remsi %sub3A_356, %rem3A_365 : vector<16xi32>
        %ne3A_367 = arith.constant 0 : i32
        %ne3A_368 = vector.broadcast %ne3A_367 : i32 to vector<16xi32>
        %ne3A_369 = arith.cmpi ne, %rem3A_366, %ne3A_368 : vector<16xi32>
        %lt3A_370 = arith.constant 0 : i32
        %lt3A_371 = vector.broadcast %lt3A_370 : i32 to vector<16xi32>
        %lt3A_372 = arith.cmpi slt, %rem3A_366, %lt3A_371 : vector<16xi32>
        %lt3A_373 = arith.constant 0 : i32
        %lt3A_374 = arith.cmpi slt, %select_n3A_364, %lt3A_373 : i32
        %ne3A_375 = vector.broadcast %lt3A_374 : i1 to vector<16xi1>
        %ne3A_376 = vector.broadcast %ne3A_375 : vector<16xi1> to vector<16xi1>
        %ne3A_377 = arith.xori %lt3A_372, %ne3A_376 : vector<16xi1>
        %and3A_378 = arith.andi %ne3A_377, %ne3A_369 : vector<16xi1>
        %add3A_379 = vector.broadcast %select_n3A_364 : i32 to vector<16xi32>
        %add3A_380 = arith.addi %rem3A_366, %add3A_379 : vector<16xi32>
        %select_n3A_381 = arith.select %and3A_378, %add3A_380, %rem3A_366 : vector<16xi1>, vector<16xi32>
        %mul3A_382 = arith.constant 128 : i32
        %mul3A_383 = vector.broadcast %mul3A_382 : i32 to vector<16xi32>
        %mul3A_384 = arith.muli %select_n3A_381, %mul3A_383 : vector<16xi32>
        %add3A_385 = arith.addi %sub3A_355, %mul3A_384 : vector<16xi32>
        %jit3A_386 = arith.constant 8 : i32
        %eq3A_387 = arith.constant 0 : i32
        %eq3A_388 = arith.cmpi eq, %jit3A_386, %eq3A_387 : i32
        %jit3A_389 = arith.constant 1 : i32
        %select_n3A_390 = arith.select %eq3A_388, %jit3A_389, %jit3A_386 : i32
        %rem3A_391 = arith.remsi %while3A_342, %select_n3A_390 : i32
        %ne3A_392 = arith.constant 0 : i32
        %ne3A_393 = arith.cmpi ne, %rem3A_391, %ne3A_392 : i32
        %lt3A_394 = arith.constant 0 : i32
        %lt3A_395 = arith.cmpi slt, %rem3A_391, %lt3A_394 : i32
        %lt3A_396 = arith.constant 0 : i32
        %lt3A_397 = arith.cmpi slt, %select_n3A_390, %lt3A_396 : i32
        %ne3A_398 = arith.xori %lt3A_395, %lt3A_397 : i1
        %and3A_399 = arith.andi %ne3A_398, %ne3A_393 : i1
        %add3A_400 = arith.addi %rem3A_391, %select_n3A_390 : i32
        %select_n3A_401 = arith.select %and3A_399, %add3A_400, %rem3A_391 : i32
        %mul3A_402 = arith.constant 16 : i32
        %mul3A_403 = arith.muli %select_n3A_401, %mul3A_402 : i32
        %broadcast_in_dim3A_404 = vector.broadcast %mul3A_403 : i32 to vector<16xi32>
        %add3A_405 = arith.addi %iota3A, %broadcast_in_dim3A_404 : vector<16xi32>
        tpu.vector_store_idx %arg12[%broadcast_in_dim3A_329, %add3A_405], %get3A_349 : memref<1x128xi32, #tpu.memory_space<vmem>>[vector<16xi32>, vector<16xi32>], vector<16xi32>,
        %broadcast_in_dim3A_406 = arith.constant 0 : i32
        %broadcast_in_dim3A_407 = vector.broadcast %broadcast_in_dim3A_406 : i32 to vector<16xi32>
        %gather3A = tpu.vector_load_idx %arg9[%shift_right_logical3A_359, %broadcast_in_dim3A_407, %add3A_385] : memref<4x64x256xf32, #tpu.memory_space<vmem>>[vector<16xi32>, vector<16xi32>, vector<16xi32>], vector<16xf32>,
        %broadcast_in_dim3A_408 = vector.broadcast %mul3A_403 : i32 to vector<16xi32>
        %add3A_409 = arith.addi %iota3A, %broadcast_in_dim3A_408 : vector<16xi32>
        %broadcast_in_dim3A_410 = arith.constant 0 : i32
        %broadcast_in_dim3A_411 = vector.broadcast %broadcast_in_dim3A_410 : i32 to vector<16xi32>
        tpu.vector_store_idx %arg13[%add3A_409, %broadcast_in_dim3A_411], %gather3A : memref<128x128xf32, #tpu.memory_space<vmem>>[vector<16xi32>, vector<16xi32>], vector<16xf32>,
        %broadcast_in_dim3A_412 = arith.constant 1 : i32
        %broadcast_in_dim3A_413 = vector.broadcast %broadcast_in_dim3A_412 : i32 to vector<16xi32>
        %gather3A_414 = tpu.vector_load_idx %arg9[%shift_right_logical3A_359, %broadcast_in_dim3A_413, %add3A_385] : memref<4x64x256xf32, #tpu.memory_space<vmem>>[vector<16xi32>, vector<16xi32>, vector<16xi32>], vector<16xf32>,
        %broadcast_in_dim3A_415 = vector.broadcast %mul3A_403 : i32 to vector<16xi32>
        %add3A_416 = arith.addi %iota3A, %broadcast_in_dim3A_415 : vector<16xi32>
        %broadcast_in_dim3A_417 = arith.constant 1 : i32
        %broadcast_in_dim3A_418 = vector.broadcast %broadcast_in_dim3A_417 : i32 to vector<16xi32>
        tpu.vector_store_idx %arg13[%add3A_416, %broadcast_in_dim3A_418], %gather3A_414 : memref<128x128xf32, #tpu.memory_space<vmem>>[vector<16xi32>, vector<16xi32>], vector<16xf32>,
        %broadcast_in_dim3A_419 = arith.constant 2 : i32
        %broadcast_in_dim3A_420 = vector.broadcast %broadcast_in_dim3A_419 : i32 to vector<16xi32>
        %gather3A_421 = tpu.vector_load_idx %arg9[%shift_right_logical3A_359, %broadcast_in_dim3A_420, %add3A_385] : memref<4x64x256xf32, #tpu.memory_space<vmem>>[vector<16xi32>, vector<16xi32>, vector<16xi32>], vector<16xf32>,
        %broadcast_in_dim3A_422 = vector.broadcast %mul3A_403 : i32 to vector<16xi32>
        %add3A_423 = arith.addi %iota3A, %broadcast_in_dim3A_422 : vector<16xi32>
        %broadcast_in_dim3A_424 = arith.constant 2 : i32
        %broadcast_in_dim3A_425 = vector.broadcast %broadcast_in_dim3A_424 : i32 to vector<16xi32>
        tpu.vector_store_idx %arg13[%add3A_423, %broadcast_in_dim3A_425], %gather3A_421 : memref<128x128xf32, #tpu.memory_space<vmem>>[vector<16xi32>, vector<16xi32>], vector<16xf32>,
        %broadcast_in_dim3A_426 = arith.constant 3 : i32
        %broadcast_in_dim3A_427 = vector.broadcast %broadcast_in_dim3A_426 : i32 to vector<16xi32>
        %gather3A_428 = tpu.vector_load_idx %arg9[%shift_right_logical3A_359, %broadcast_in_dim3A_427, %add3A_385] : memref<4x64x256xf32, #tpu.memory_space<vmem>>[vector<16xi32>, vector<16xi32>, vector<16xi32>], vector<16xf32>,
        %broadcast_in_dim3A_429 = vector.broadcast %mul3A_403 : i32 to vector<16xi32>
        %add3A_430 = arith.addi %iota3A, %broadcast_in_dim3A_429 : vector<16xi32>
        %broadcast_in_dim3A_431 = arith.constant 3 : i32
        %broadcast_in_dim3A_432 = vector.broadcast %broadcast_in_dim3A_431 : i32 to vector<16xi32>
        tpu.vector_store_idx %arg13[%add3A_430, %broadcast_in_dim3A_432], %gather3A_428 : memref<128x128xf32, #tpu.memory_space<vmem>>[vector<16xi32>, vector<16xi32>], vector<16xf32>,
        %broadcast_in_dim3A_433 = arith.constant 4 : i32
        %broadcast_in_dim3A_434 = vector.broadcast %broadcast_in_dim3A_433 : i32 to vector<16xi32>
        %gather3A_435 = tpu.vector_load_idx %arg9[%shift_right_logical3A_359, %broadcast_in_dim3A_434, %add3A_385] : memref<4x64x256xf32, #tpu.memory_space<vmem>>[vector<16xi32>, vector<16xi32>, vector<16xi32>], vector<16xf32>,
        %broadcast_in_dim3A_436 = vector.broadcast %mul3A_403 : i32 to vector<16xi32>
        %add3A_437 = arith.addi %iota3A, %broadcast_in_dim3A_436 : vector<16xi32>
        %broadcast_in_dim3A_438 = arith.constant 4 : i32
        %broadcast_in_dim3A_439 = vector.broadcast %broadcast_in_dim3A_438 : i32 to vector<16xi32>
        tpu.vector_store_idx %arg13[%add3A_437, %broadcast_in_dim3A_439], %gather3A_435 : memref<128x128xf32, #tpu.memory_space<vmem>>[vector<16xi32>, vector<16xi32>], vector<16xf32>,
        %broadcast_in_dim3A_440 = arith.constant 5 : i32
        %broadcast_in_dim3A_441 = vector.broadcast %broadcast_in_dim3A_440 : i32 to vector<16xi32>
        %gather3A_442 = tpu.vector_load_idx %arg9[%shift_right_logical3A_359, %broadcast_in_dim3A_441, %add3A_385] : memref<4x64x256xf32, #tpu.memory_space<vmem>>[vector<16xi32>, vector<16xi32>, vector<16xi32>], vector<16xf32>,
        %broadcast_in_dim3A_443 = vector.broadcast %mul3A_403 : i32 to vector<16xi32>
        %add3A_444 = arith.addi %iota3A, %broadcast_in_dim3A_443 : vector<16xi32>
        %broadcast_in_dim3A_445 = arith.constant 5 : i32
        %broadcast_in_dim3A_446 = vector.broadcast %broadcast_in_dim3A_445 : i32 to vector<16xi32>
        tpu.vector_store_idx %arg13[%add3A_444, %broadcast_in_dim3A_446], %gather3A_442 : memref<128x128xf32, #tpu.memory_space<vmem>>[vector<16xi32>, vector<16xi32>], vector<16xf32>,
        %broadcast_in_dim3A_447 = arith.constant 6 : i32
        %broadcast_in_dim3A_448 = vector.broadcast %broadcast_in_dim3A_447 : i32 to vector<16xi32>
        %gather3A_449 = tpu.vector_load_idx %arg9[%shift_right_logical3A_359, %broadcast_in_dim3A_448, %add3A_385] : memref<4x64x256xf32, #tpu.memory_space<vmem>>[vector<16xi32>, vector<16xi32>, vector<16xi32>], vector<16xf32>,
        %broadcast_in_dim3A_450 = vector.broadcast %mul3A_403 : i32 to vector<16xi32>
        %add3A_451 = arith.addi %iota3A, %broadcast_in_dim3A_450 : vector<16xi32>
        %broadcast_in_dim3A_452 = arith.constant 6 : i32
        %broadcast_in_dim3A_453 = vector.broadcast %broadcast_in_dim3A_452 : i32 to vector<16xi32>
        tpu.vector_store_idx %arg13[%add3A_451, %broadcast_in_dim3A_453], %gather3A_449 : memref<128x128xf32, #tpu.memory_space<vmem>>[vector<16xi32>, vector<16xi32>], vector<16xf32>,
        %broadcast_in_dim3A_454 = arith.constant 7 : i32
        %broadcast_in_dim3A_455 = vector.broadcast %broadcast_in_dim3A_454 : i32 to vector<16xi32>
        %gather3A_456 = tpu.vector_load_idx %arg9[%shift_right_logical3A_359, %broadcast_in_dim3A_455, %add3A_385] : memref<4x64x256xf32, #tpu.memory_space<vmem>>[vector<16xi32>, vector<16xi32>, vector<16xi32>], vector<16xf32>,
        %broadcast_in_dim3A_457 = vector.broadcast %mul3A_403 : i32 to vector<16xi32>
        %add3A_458 = arith.addi %iota3A, %broadcast_in_dim3A_457 : vector<16xi32>
        %broadcast_in_dim3A_459 = arith.constant 7 : i32
        %broadcast_in_dim3A_460 = vector.broadcast %broadcast_in_dim3A_459 : i32 to vector<16xi32>
        tpu.vector_store_idx %arg13[%add3A_458, %broadcast_in_dim3A_460], %gather3A_456 : memref<128x128xf32, #tpu.memory_space<vmem>>[vector<16xi32>, vector<16xi32>], vector<16xf32>,
        %broadcast_in_dim3A_461 = arith.constant 8 : i32
        %broadcast_in_dim3A_462 = vector.broadcast %broadcast_in_dim3A_461 : i32 to vector<16xi32>
        %gather3A_463 = tpu.vector_load_idx %arg9[%shift_right_logical3A_359, %broadcast_in_dim3A_462, %add3A_385] : memref<4x64x256xf32, #tpu.memory_space<vmem>>[vector<16xi32>, vector<16xi32>, vector<16xi32>], vector<16xf32>,
        %broadcast_in_dim3A_464 = vector.broadcast %mul3A_403 : i32 to vector<16xi32>
        %add3A_465 = arith.addi %iota3A, %broadcast_in_dim3A_464 : vector<16xi32>
        %broadcast_in_dim3A_466 = arith.constant 8 : i32
        %broadcast_in_dim3A_467 = vector.broadcast %broadcast_in_dim3A_466 : i32 to vector<16xi32>
        tpu.vector_store_idx %arg13[%add3A_465, %broadcast_in_dim3A_467], %gather3A_463 : memref<128x128xf32, #tpu.memory_space<vmem>>[vector<16xi32>, vector<16xi32>], vector<16xf32>,
        %broadcast_in_dim3A_468 = arith.constant 9 : i32
        %broadcast_in_dim3A_469 = vector.broadcast %broadcast_in_dim3A_468 : i32 to vector<16xi32>
        %gather3A_470 = tpu.vector_load_idx %arg9[%shift_right_logical3A_359, %broadcast_in_dim3A_469, %add3A_385] : memref<4x64x256xf32, #tpu.memory_space<vmem>>[vector<16xi32>, vector<16xi32>, vector<16xi32>], vector<16xf32>,
        %broadcast_in_dim3A_471 = vector.broadcast %mul3A_403 : i32 to vector<16xi32>
        %add3A_472 = arith.addi %iota3A, %broadcast_in_dim3A_471 : vector<16xi32>
        %broadcast_in_dim3A_473 = arith.constant 9 : i32
        %broadcast_in_dim3A_474 = vector.broadcast %broadcast_in_dim3A_473 : i32 to vector<16xi32>
        tpu.vector_store_idx %arg13[%add3A_472, %broadcast_in_dim3A_474], %gather3A_470 : memref<128x128xf32, #tpu.memory_space<vmem>>[vector<16xi32>, vector<16xi32>], vector<16xf32>,
        %broadcast_in_dim3A_475 = arith.constant 10 : i32
        %broadcast_in_dim3A_476 = vector.broadcast %broadcast_in_dim3A_475 : i32 to vector<16xi32>
        %gather3A_477 = tpu.vector_load_idx %arg9[%shift_right_logical3A_359, %broadcast_in_dim3A_476, %add3A_385] : memref<4x64x256xf32, #tpu.memory_space<vmem>>[vector<16xi32>, vector<16xi32>, vector<16xi32>], vector<16xf32>,
        %broadcast_in_dim3A_478 = vector.broadcast %mul3A_403 : i32 to vector<16xi32>
        %add3A_479 = arith.addi %iota3A, %broadcast_in_dim3A_478 : vector<16xi32>
        %broadcast_in_dim3A_480 = arith.constant 10 : i32
        %broadcast_in_dim3A_481 = vector.broadcast %broadcast_in_dim3A_480 : i32 to vector<16xi32>
        tpu.vector_store_idx %arg13[%add3A_479, %broadcast_in_dim3A_481], %gather3A_477 : memref<128x128xf32, #tpu.memory_space<vmem>>[vector<16xi32>, vector<16xi32>], vector<16xf32>,
        %broadcast_in_dim3A_482 = arith.constant 11 : i32
        %broadcast_in_dim3A_483 = vector.broadcast %broadcast_in_dim3A_482 : i32 to vector<16xi32>
        %gather3A_484 = tpu.vector_load_idx %arg9[%shift_right_logical3A_359, %broadcast_in_dim3A_483, %add3A_385] : memref<4x64x256xf32, #tpu.memory_space<vmem>>[vector<16xi32>, vector<16xi32>, vector<16xi32>], vector<16xf32>,
        %broadcast_in_dim3A_485 = vector.broadcast %mul3A_403 : i32 to vector<16xi32>
        %add3A_486 = arith.addi %iota3A, %broadcast_in_dim3A_485 : vector<16xi32>
        %broadcast_in_dim3A_487 = arith.constant 11 : i32
        %broadcast_in_dim3A_488 = vector.broadcast %broadcast_in_dim3A_487 : i32 to vector<16xi32>
        tpu.vector_store_idx %arg13[%add3A_486, %broadcast_in_dim3A_488], %gather3A_484 : memref<128x128xf32, #tpu.memory_space<vmem>>[vector<16xi32>, vector<16xi32>], vector<16xf32>,
        %broadcast_in_dim3A_489 = arith.constant 12 : i32
        %broadcast_in_dim3A_490 = vector.broadcast %broadcast_in_dim3A_489 : i32 to vector<16xi32>
        %gather3A_491 = tpu.vector_load_idx %arg9[%shift_right_logical3A_359, %broadcast_in_dim3A_490, %add3A_385] : memref<4x64x256xf32, #tpu.memory_space<vmem>>[vector<16xi32>, vector<16xi32>, vector<16xi32>], vector<16xf32>,
        %broadcast_in_dim3A_492 = vector.broadcast %mul3A_403 : i32 to vector<16xi32>
        %add3A_493 = arith.addi %iota3A, %broadcast_in_dim3A_492 : vector<16xi32>
        %broadcast_in_dim3A_494 = arith.constant 12 : i32
        %broadcast_in_dim3A_495 = vector.broadcast %broadcast_in_dim3A_494 : i32 to vector<16xi32>
        tpu.vector_store_idx %arg13[%add3A_493, %broadcast_in_dim3A_495], %gather3A_491 : memref<128x128xf32, #tpu.memory_space<vmem>>[vector<16xi32>, vector<16xi32>], vector<16xf32>,
        %broadcast_in_dim3A_496 = arith.constant 13 : i32
        %broadcast_in_dim3A_497 = vector.broadcast %broadcast_in_dim3A_496 : i32 to vector<16xi32>
        %gather3A_498 = tpu.vector_load_idx %arg9[%shift_right_logical3A_359, %broadcast_in_dim3A_497, %add3A_385] : memref<4x64x256xf32, #tpu.memory_space<vmem>>[vector<16xi32>, vector<16xi32>, vector<16xi32>], vector<16xf32>,
        %broadcast_in_dim3A_499 = vector.broadcast %mul3A_403 : i32 to vector<16xi32>
        %add3A_500 = arith.addi %iota3A, %broadcast_in_dim3A_499 : vector<16xi32>
        %broadcast_in_dim3A_501 = arith.constant 13 : i32
        %broadcast_in_dim3A_502 = vector.broadcast %broadcast_in_dim3A_501 : i32 to vector<16xi32>
        tpu.vector_store_idx %arg13[%add3A_500, %broadcast_in_dim3A_502], %gather3A_498 : memref<128x128xf32, #tpu.memory_space<vmem>>[vector<16xi32>, vector<16xi32>], vector<16xf32>,
        %broadcast_in_dim3A_503 = arith.constant 14 : i32
        %broadcast_in_dim3A_504 = vector.broadcast %broadcast_in_dim3A_503 : i32 to vector<16xi32>
        %gather3A_505 = tpu.vector_load_idx %arg9[%shift_right_logical3A_359, %broadcast_in_dim3A_504, %add3A_385] : memref<4x64x256xf32, #tpu.memory_space<vmem>>[vector<16xi32>, vector<16xi32>, vector<16xi32>], vector<16xf32>,
        %broadcast_in_dim3A_506 = vector.broadcast %mul3A_403 : i32 to vector<16xi32>
        %add3A_507 = arith.addi %iota3A, %broadcast_in_dim3A_506 : vector<16xi32>
        %broadcast_in_dim3A_508 = arith.constant 14 : i32
        %broadcast_in_dim3A_509 = vector.broadcast %broadcast_in_dim3A_508 : i32 to vector<16xi32>
        tpu.vector_store_idx %arg13[%add3A_507, %broadcast_in_dim3A_509], %gather3A_505 : memref<128x128xf32, #tpu.memory_space<vmem>>[vector<16xi32>, vector<16xi32>], vector<16xf32>,
        %broadcast_in_dim3A_510 = arith.constant 15 : i32
        %broadcast_in_dim3A_511 = vector.broadcast %broadcast_in_dim3A_510 : i32 to vector<16xi32>
        %gather3A_512 = tpu.vector_load_idx %arg9[%shift_right_logical3A_359, %broadcast_in_dim3A_511, %add3A_385] : memref<4x64x256xf32, #tpu.memory_space<vmem>>[vector<16xi32>, vector<16xi32>, vector<16xi32>], vector<16xf32>,
        %broadcast_in_dim3A_513 = vector.broadcast %mul3A_403 : i32 to vector<16xi32>
        %add3A_514 = arith.addi %iota3A, %broadcast_in_dim3A_513 : vector<16xi32>
        %broadcast_in_dim3A_515 = arith.constant 15 : i32
        %broadcast_in_dim3A_516 = vector.broadcast %broadcast_in_dim3A_515 : i32 to vector<16xi32>
        tpu.vector_store_idx %arg13[%add3A_514, %broadcast_in_dim3A_516], %gather3A_512 : memref<128x128xf32, #tpu.memory_space<vmem>>[vector<16xi32>, vector<16xi32>], vector<16xf32>,
        %broadcast_in_dim3A_517 = arith.constant 16 : i32
        %broadcast_in_dim3A_518 = vector.broadcast %broadcast_in_dim3A_517 : i32 to vector<16xi32>
        %gather3A_519 = tpu.vector_load_idx %arg9[%shift_right_logical3A_359, %broadcast_in_dim3A_518, %add3A_385] : memref<4x64x256xf32, #tpu.memory_space<vmem>>[vector<16xi32>, vector<16xi32>, vector<16xi32>], vector<16xf32>,
        %broadcast_in_dim3A_520 = vector.broadcast %mul3A_403 : i32 to vector<16xi32>
        %add3A_521 = arith.addi %iota3A, %broadcast_in_dim3A_520 : vector<16xi32>
        %broadcast_in_dim3A_522 = arith.constant 16 : i32
        %broadcast_in_dim3A_523 = vector.broadcast %broadcast_in_dim3A_522 : i32 to vector<16xi32>
        tpu.vector_store_idx %arg13[%add3A_521, %broadcast_in_dim3A_523], %gather3A_519 : memref<128x128xf32, #tpu.memory_space<vmem>>[vector<16xi32>, vector<16xi32>], vector<16xf32>,
        %broadcast_in_dim3A_524 = arith.constant 17 : i32
        %broadcast_in_dim3A_525 = vector.broadcast %broadcast_in_dim3A_524 : i32 to vector<16xi32>
        %gather3A_526 = tpu.vector_load_idx %arg9[%shift_right_logical3A_359, %broadcast_in_dim3A_525, %add3A_385] : memref<4x64x256xf32, #tpu.memory_space<vmem>>[vector<16xi32>, vector<16xi32>, vector<16xi32>], vector<16xf32>,
        %broadcast_in_dim3A_527 = vector.broadcast %mul3A_403 : i32 to vector<16xi32>
        %add3A_528 = arith.addi %iota3A, %broadcast_in_dim3A_527 : vector<16xi32>
        %broadcast_in_dim3A_529 = arith.constant 17 : i32
        %broadcast_in_dim3A_530 = vector.broadcast %broadcast_in_dim3A_529 : i32 to vector<16xi32>
        tpu.vector_store_idx %arg13[%add3A_528, %broadcast_in_dim3A_530], %gather3A_526 : memref<128x128xf32, #tpu.memory_space<vmem>>[vector<16xi32>, vector<16xi32>], vector<16xf32>,
        %broadcast_in_dim3A_531 = arith.constant 18 : i32
        %broadcast_in_dim3A_532 = vector.broadcast %broadcast_in_dim3A_531 : i32 to vector<16xi32>
        %gather3A_533 = tpu.vector_load_idx %arg9[%shift_right_logical3A_359, %broadcast_in_dim3A_532, %add3A_385] : memref<4x64x256xf32, #tpu.memory_space<vmem>>[vector<16xi32>, vector<16xi32>, vector<16xi32>], vector<16xf32>,
        %broadcast_in_dim3A_534 = vector.broadcast %mul3A_403 : i32 to vector<16xi32>
        %add3A_535 = arith.addi %iota3A, %broadcast_in_dim3A_534 : vector<16xi32>
        %broadcast_in_dim3A_536 = arith.constant 18 : i32
        %broadcast_in_dim3A_537 = vector.broadcast %broadcast_in_dim3A_536 : i32 to vector<16xi32>
        tpu.vector_store_idx %arg13[%add3A_535, %broadcast_in_dim3A_537], %gather3A_533 : memref<128x128xf32, #tpu.memory_space<vmem>>[vector<16xi32>, vector<16xi32>], vector<16xf32>,
        %broadcast_in_dim3A_538 = arith.constant 19 : i32
        %broadcast_in_dim3A_539 = vector.broadcast %broadcast_in_dim3A_538 : i32 to vector<16xi32>
        %gather3A_540 = tpu.vector_load_idx %arg9[%shift_right_logical3A_359, %broadcast_in_dim3A_539, %add3A_385] : memref<4x64x256xf32, #tpu.memory_space<vmem>>[vector<16xi32>, vector<16xi32>, vector<16xi32>], vector<16xf32>,
        %broadcast_in_dim3A_541 = vector.broadcast %mul3A_403 : i32 to vector<16xi32>
        %add3A_542 = arith.addi %iota3A, %broadcast_in_dim3A_541 : vector<16xi32>
        %broadcast_in_dim3A_543 = arith.constant 19 : i32
        %broadcast_in_dim3A_544 = vector.broadcast %broadcast_in_dim3A_543 : i32 to vector<16xi32>
        tpu.vector_store_idx %arg13[%add3A_542, %broadcast_in_dim3A_544], %gather3A_540 : memref<128x128xf32, #tpu.memory_space<vmem>>[vector<16xi32>, vector<16xi32>], vector<16xf32>,
        %broadcast_in_dim3A_545 = arith.constant 20 : i32
        %broadcast_in_dim3A_546 = vector.broadcast %broadcast_in_dim3A_545 : i32 to vector<16xi32>
        %gather3A_547 = tpu.vector_load_idx %arg9[%shift_right_logical3A_359, %broadcast_in_dim3A_546, %add3A_385] : memref<4x64x256xf32, #tpu.memory_space<vmem>>[vector<16xi32>, vector<16xi32>, vector<16xi32>], vector<16xf32>,
        %broadcast_in_dim3A_548 = vector.broadcast %mul3A_403 : i32 to vector<16xi32>
        %add3A_549 = arith.addi %iota3A, %broadcast_in_dim3A_548 : vector<16xi32>
        %broadcast_in_dim3A_550 = arith.constant 20 : i32
        %broadcast_in_dim3A_551 = vector.broadcast %broadcast_in_dim3A_550 : i32 to vector<16xi32>
        tpu.vector_store_idx %arg13[%add3A_549, %broadcast_in_dim3A_551], %gather3A_547 : memref<128x128xf32, #tpu.memory_space<vmem>>[vector<16xi32>, vector<16xi32>], vector<16xf32>,
        %broadcast_in_dim3A_552 = arith.constant 21 : i32
        %broadcast_in_dim3A_553 = vector.broadcast %broadcast_in_dim3A_552 : i32 to vector<16xi32>
        %gather3A_554 = tpu.vector_load_idx %arg9[%shift_right_logical3A_359, %broadcast_in_dim3A_553, %add3A_385] : memref<4x64x256xf32, #tpu.memory_space<vmem>>[vector<16xi32>, vector<16xi32>, vector<16xi32>], vector<16xf32>,
        %broadcast_in_dim3A_555 = vector.broadcast %mul3A_403 : i32 to vector<16xi32>
        %add3A_556 = arith.addi %iota3A, %broadcast_in_dim3A_555 : vector<16xi32>
        %broadcast_in_dim3A_557 = arith.constant 21 : i32
        %broadcast_in_dim3A_558 = vector.broadcast %broadcast_in_dim3A_557 : i32 to vector<16xi32>
        tpu.vector_store_idx %arg13[%add3A_556, %broadcast_in_dim3A_558], %gather3A_554 : memref<128x128xf32, #tpu.memory_space<vmem>>[vector<16xi32>, vector<16xi32>], vector<16xf32>,
        %broadcast_in_dim3A_559 = arith.constant 22 : i32
        %broadcast_in_dim3A_560 = vector.broadcast %broadcast_in_dim3A_559 : i32 to vector<16xi32>
        %gather3A_561 = tpu.vector_load_idx %arg9[%shift_right_logical3A_359, %broadcast_in_dim3A_560, %add3A_385] : memref<4x64x256xf32, #tpu.memory_space<vmem>>[vector<16xi32>, vector<16xi32>, vector<16xi32>], vector<16xf32>,
        %broadcast_in_dim3A_562 = vector.broadcast %mul3A_403 : i32 to vector<16xi32>
        %add3A_563 = arith.addi %iota3A, %broadcast_in_dim3A_562 : vector<16xi32>
        %broadcast_in_dim3A_564 = arith.constant 22 : i32
        %broadcast_in_dim3A_565 = vector.broadcast %broadcast_in_dim3A_564 : i32 to vector<16xi32>
        tpu.vector_store_idx %arg13[%add3A_563, %broadcast_in_dim3A_565], %gather3A_561 : memref<128x128xf32, #tpu.memory_space<vmem>>[vector<16xi32>, vector<16xi32>], vector<16xf32>,
        %broadcast_in_dim3A_566 = arith.constant 23 : i32
        %broadcast_in_dim3A_567 = vector.broadcast %broadcast_in_dim3A_566 : i32 to vector<16xi32>
        %gather3A_568 = tpu.vector_load_idx %arg9[%shift_right_logical3A_359, %broadcast_in_dim3A_567, %add3A_385] : memref<4x64x256xf32, #tpu.memory_space<vmem>>[vector<16xi32>, vector<16xi32>, vector<16xi32>], vector<16xf32>,
        %broadcast_in_dim3A_569 = vector.broadcast %mul3A_403 : i32 to vector<16xi32>
        %add3A_570 = arith.addi %iota3A, %broadcast_in_dim3A_569 : vector<16xi32>
        %broadcast_in_dim3A_571 = arith.constant 23 : i32
        %broadcast_in_dim3A_572 = vector.broadcast %broadcast_in_dim3A_571 : i32 to vector<16xi32>
        tpu.vector_store_idx %arg13[%add3A_570, %broadcast_in_dim3A_572], %gather3A_568 : memref<128x128xf32, #tpu.memory_space<vmem>>[vector<16xi32>, vector<16xi32>], vector<16xf32>,
        %broadcast_in_dim3A_573 = arith.constant 24 : i32
        %broadcast_in_dim3A_574 = vector.broadcast %broadcast_in_dim3A_573 : i32 to vector<16xi32>
        %gather3A_575 = tpu.vector_load_idx %arg9[%shift_right_logical3A_359, %broadcast_in_dim3A_574, %add3A_385] : memref<4x64x256xf32, #tpu.memory_space<vmem>>[vector<16xi32>, vector<16xi32>, vector<16xi32>], vector<16xf32>,
        %broadcast_in_dim3A_576 = vector.broadcast %mul3A_403 : i32 to vector<16xi32>
        %add3A_577 = arith.addi %iota3A, %broadcast_in_dim3A_576 : vector<16xi32>
        %broadcast_in_dim3A_578 = arith.constant 24 : i32
        %broadcast_in_dim3A_579 = vector.broadcast %broadcast_in_dim3A_578 : i32 to vector<16xi32>
        tpu.vector_store_idx %arg13[%add3A_577, %broadcast_in_dim3A_579], %gather3A_575 : memref<128x128xf32, #tpu.memory_space<vmem>>[vector<16xi32>, vector<16xi32>], vector<16xf32>,
        %broadcast_in_dim3A_580 = arith.constant 25 : i32
        %broadcast_in_dim3A_581 = vector.broadcast %broadcast_in_dim3A_580 : i32 to vector<16xi32>
        %gather3A_582 = tpu.vector_load_idx %arg9[%shift_right_logical3A_359, %broadcast_in_dim3A_581, %add3A_385] : memref<4x64x256xf32, #tpu.memory_space<vmem>>[vector<16xi32>, vector<16xi32>, vector<16xi32>], vector<16xf32>,
        %broadcast_in_dim3A_583 = vector.broadcast %mul3A_403 : i32 to vector<16xi32>
        %add3A_584 = arith.addi %iota3A, %broadcast_in_dim3A_583 : vector<16xi32>
        %broadcast_in_dim3A_585 = arith.constant 25 : i32
        %broadcast_in_dim3A_586 = vector.broadcast %broadcast_in_dim3A_585 : i32 to vector<16xi32>
        tpu.vector_store_idx %arg13[%add3A_584, %broadcast_in_dim3A_586], %gather3A_582 : memref<128x128xf32, #tpu.memory_space<vmem>>[vector<16xi32>, vector<16xi32>], vector<16xf32>,
        %broadcast_in_dim3A_587 = arith.constant 26 : i32
        %broadcast_in_dim3A_588 = vector.broadcast %broadcast_in_dim3A_587 : i32 to vector<16xi32>
        %gather3A_589 = tpu.vector_load_idx %arg9[%shift_right_logical3A_359, %broadcast_in_dim3A_588, %add3A_385] : memref<4x64x256xf32, #tpu.memory_space<vmem>>[vector<16xi32>, vector<16xi32>, vector<16xi32>], vector<16xf32>,
        %broadcast_in_dim3A_590 = vector.broadcast %mul3A_403 : i32 to vector<16xi32>
        %add3A_591 = arith.addi %iota3A, %broadcast_in_dim3A_590 : vector<16xi32>
        %broadcast_in_dim3A_592 = arith.constant 26 : i32
        %broadcast_in_dim3A_593 = vector.broadcast %broadcast_in_dim3A_592 : i32 to vector<16xi32>
        tpu.vector_store_idx %arg13[%add3A_591, %broadcast_in_dim3A_593], %gather3A_589 : memref<128x128xf32, #tpu.memory_space<vmem>>[vector<16xi32>, vector<16xi32>], vector<16xf32>,
        %broadcast_in_dim3A_594 = arith.constant 27 : i32
        %broadcast_in_dim3A_595 = vector.broadcast %broadcast_in_dim3A_594 : i32 to vector<16xi32>
        %gather3A_596 = tpu.vector_load_idx %arg9[%shift_right_logical3A_359, %broadcast_in_dim3A_595, %add3A_385] : memref<4x64x256xf32, #tpu.memory_space<vmem>>[vector<16xi32>, vector<16xi32>, vector<16xi32>], vector<16xf32>,
        %broadcast_in_dim3A_597 = vector.broadcast %mul3A_403 : i32 to vector<16xi32>
        %add3A_598 = arith.addi %iota3A, %broadcast_in_dim3A_597 : vector<16xi32>
        %broadcast_in_dim3A_599 = arith.constant 27 : i32
        %broadcast_in_dim3A_600 = vector.broadcast %broadcast_in_dim3A_599 : i32 to vector<16xi32>
        tpu.vector_store_idx %arg13[%add3A_598, %broadcast_in_dim3A_600], %gather3A_596 : memref<128x128xf32, #tpu.memory_space<vmem>>[vector<16xi32>, vector<16xi32>], vector<16xf32>,
        %broadcast_in_dim3A_601 = arith.constant 28 : i32
        %broadcast_in_dim3A_602 = vector.broadcast %broadcast_in_dim3A_601 : i32 to vector<16xi32>
        %gather3A_603 = tpu.vector_load_idx %arg9[%shift_right_logical3A_359, %broadcast_in_dim3A_602, %add3A_385] : memref<4x64x256xf32, #tpu.memory_space<vmem>>[vector<16xi32>, vector<16xi32>, vector<16xi32>], vector<16xf32>,
        %broadcast_in_dim3A_604 = vector.broadcast %mul3A_403 : i32 to vector<16xi32>
        %add3A_605 = arith.addi %iota3A, %broadcast_in_dim3A_604 : vector<16xi32>
        %broadcast_in_dim3A_606 = arith.constant 28 : i32
        %broadcast_in_dim3A_607 = vector.broadcast %broadcast_in_dim3A_606 : i32 to vector<16xi32>
        tpu.vector_store_idx %arg13[%add3A_605, %broadcast_in_dim3A_607], %gather3A_603 : memref<128x128xf32, #tpu.memory_space<vmem>>[vector<16xi32>, vector<16xi32>], vector<16xf32>,
        %broadcast_in_dim3A_608 = arith.constant 29 : i32
        %broadcast_in_dim3A_609 = vector.broadcast %broadcast_in_dim3A_608 : i32 to vector<16xi32>
        %gather3A_610 = tpu.vector_load_idx %arg9[%shift_right_logical3A_359, %broadcast_in_dim3A_609, %add3A_385] : memref<4x64x256xf32, #tpu.memory_space<vmem>>[vector<16xi32>, vector<16xi32>, vector<16xi32>], vector<16xf32>,
        %broadcast_in_dim3A_611 = vector.broadcast %mul3A_403 : i32 to vector<16xi32>
        %add3A_612 = arith.addi %iota3A, %broadcast_in_dim3A_611 : vector<16xi32>
        %broadcast_in_dim3A_613 = arith.constant 29 : i32
        %broadcast_in_dim3A_614 = vector.broadcast %broadcast_in_dim3A_613 : i32 to vector<16xi32>
        tpu.vector_store_idx %arg13[%add3A_612, %broadcast_in_dim3A_614], %gather3A_610 : memref<128x128xf32, #tpu.memory_space<vmem>>[vector<16xi32>, vector<16xi32>], vector<16xf32>,
        %broadcast_in_dim3A_615 = arith.constant 30 : i32
        %broadcast_in_dim3A_616 = vector.broadcast %broadcast_in_dim3A_615 : i32 to vector<16xi32>
        %gather3A_617 = tpu.vector_load_idx %arg9[%shift_right_logical3A_359, %broadcast_in_dim3A_616, %add3A_385] : memref<4x64x256xf32, #tpu.memory_space<vmem>>[vector<16xi32>, vector<16xi32>, vector<16xi32>], vector<16xf32>,
        %broadcast_in_dim3A_618 = vector.broadcast %mul3A_403 : i32 to vector<16xi32>
        %add3A_619 = arith.addi %iota3A, %broadcast_in_dim3A_618 : vector<16xi32>
        %broadcast_in_dim3A_620 = arith.constant 30 : i32
        %broadcast_in_dim3A_621 = vector.broadcast %broadcast_in_dim3A_620 : i32 to vector<16xi32>
        tpu.vector_store_idx %arg13[%add3A_619, %broadcast_in_dim3A_621], %gather3A_617 : memref<128x128xf32, #tpu.memory_space<vmem>>[vector<16xi32>, vector<16xi32>], vector<16xf32>,
        %broadcast_in_dim3A_622 = arith.constant 31 : i32
        %broadcast_in_dim3A_623 = vector.broadcast %broadcast_in_dim3A_622 : i32 to vector<16xi32>
        %gather3A_624 = tpu.vector_load_idx %arg9[%shift_right_logical3A_359, %broadcast_in_dim3A_623, %add3A_385] : memref<4x64x256xf32, #tpu.memory_space<vmem>>[vector<16xi32>, vector<16xi32>, vector<16xi32>], vector<16xf32>,
        %broadcast_in_dim3A_625 = vector.broadcast %mul3A_403 : i32 to vector<16xi32>
        %add3A_626 = arith.addi %iota3A, %broadcast_in_dim3A_625 : vector<16xi32>
        %broadcast_in_dim3A_627 = arith.constant 31 : i32
        %broadcast_in_dim3A_628 = vector.broadcast %broadcast_in_dim3A_627 : i32 to vector<16xi32>
        tpu.vector_store_idx %arg13[%add3A_626, %broadcast_in_dim3A_628], %gather3A_624 : memref<128x128xf32, #tpu.memory_space<vmem>>[vector<16xi32>, vector<16xi32>], vector<16xf32>,
        %broadcast_in_dim3A_629 = arith.constant 32 : i32
        %broadcast_in_dim3A_630 = vector.broadcast %broadcast_in_dim3A_629 : i32 to vector<16xi32>
        %gather3A_631 = tpu.vector_load_idx %arg9[%shift_right_logical3A_359, %broadcast_in_dim3A_630, %add3A_385] : memref<4x64x256xf32, #tpu.memory_space<vmem>>[vector<16xi32>, vector<16xi32>, vector<16xi32>], vector<16xf32>,
        %broadcast_in_dim3A_632 = vector.broadcast %mul3A_403 : i32 to vector<16xi32>
        %add3A_633 = arith.addi %iota3A, %broadcast_in_dim3A_632 : vector<16xi32>
        %broadcast_in_dim3A_634 = arith.constant 32 : i32
        %broadcast_in_dim3A_635 = vector.broadcast %broadcast_in_dim3A_634 : i32 to vector<16xi32>
        tpu.vector_store_idx %arg13[%add3A_633, %broadcast_in_dim3A_635], %gather3A_631 : memref<128x128xf32, #tpu.memory_space<vmem>>[vector<16xi32>, vector<16xi32>], vector<16xf32>,
        %broadcast_in_dim3A_636 = arith.constant 33 : i32
        %broadcast_in_dim3A_637 = vector.broadcast %broadcast_in_dim3A_636 : i32 to vector<16xi32>
        %gather3A_638 = tpu.vector_load_idx %arg9[%shift_right_logical3A_359, %broadcast_in_dim3A_637, %add3A_385] : memref<4x64x256xf32, #tpu.memory_space<vmem>>[vector<16xi32>, vector<16xi32>, vector<16xi32>], vector<16xf32>,
        %broadcast_in_dim3A_639 = vector.broadcast %mul3A_403 : i32 to vector<16xi32>
        %add3A_640 = arith.addi %iota3A, %broadcast_in_dim3A_639 : vector<16xi32>
        %broadcast_in_dim3A_641 = arith.constant 33 : i32
        %broadcast_in_dim3A_642 = vector.broadcast %broadcast_in_dim3A_641 : i32 to vector<16xi32>
        tpu.vector_store_idx %arg13[%add3A_640, %broadcast_in_dim3A_642], %gather3A_638 : memref<128x128xf32, #tpu.memory_space<vmem>>[vector<16xi32>, vector<16xi32>], vector<16xf32>,
        %broadcast_in_dim3A_643 = arith.constant 34 : i32
        %broadcast_in_dim3A_644 = vector.broadcast %broadcast_in_dim3A_643 : i32 to vector<16xi32>
        %gather3A_645 = tpu.vector_load_idx %arg9[%shift_right_logical3A_359, %broadcast_in_dim3A_644, %add3A_385] : memref<4x64x256xf32, #tpu.memory_space<vmem>>[vector<16xi32>, vector<16xi32>, vector<16xi32>], vector<16xf32>,
        %broadcast_in_dim3A_646 = vector.broadcast %mul3A_403 : i32 to vector<16xi32>
        %add3A_647 = arith.addi %iota3A, %broadcast_in_dim3A_646 : vector<16xi32>
        %broadcast_in_dim3A_648 = arith.constant 34 : i32
        %broadcast_in_dim3A_649 = vector.broadcast %broadcast_in_dim3A_648 : i32 to vector<16xi32>
        tpu.vector_store_idx %arg13[%add3A_647, %broadcast_in_dim3A_649], %gather3A_645 : memref<128x128xf32, #tpu.memory_space<vmem>>[vector<16xi32>, vector<16xi32>], vector<16xf32>,
        %broadcast_in_dim3A_650 = arith.constant 35 : i32
        %broadcast_in_dim3A_651 = vector.broadcast %broadcast_in_dim3A_650 : i32 to vector<16xi32>
        %gather3A_652 = tpu.vector_load_idx %arg9[%shift_right_logical3A_359, %broadcast_in_dim3A_651, %add3A_385] : memref<4x64x256xf32, #tpu.memory_space<vmem>>[vector<16xi32>, vector<16xi32>, vector<16xi32>], vector<16xf32>,
        %broadcast_in_dim3A_653 = vector.broadcast %mul3A_403 : i32 to vector<16xi32>
        %add3A_654 = arith.addi %iota3A, %broadcast_in_dim3A_653 : vector<16xi32>
        %broadcast_in_dim3A_655 = arith.constant 35 : i32
        %broadcast_in_dim3A_656 = vector.broadcast %broadcast_in_dim3A_655 : i32 to vector<16xi32>
        tpu.vector_store_idx %arg13[%add3A_654, %broadcast_in_dim3A_656], %gather3A_652 : memref<128x128xf32, #tpu.memory_space<vmem>>[vector<16xi32>, vector<16xi32>], vector<16xf32>,
        %broadcast_in_dim3A_657 = arith.constant 36 : i32
        %broadcast_in_dim3A_658 = vector.broadcast %broadcast_in_dim3A_657 : i32 to vector<16xi32>
        %gather3A_659 = tpu.vector_load_idx %arg9[%shift_right_logical3A_359, %broadcast_in_dim3A_658, %add3A_385] : memref<4x64x256xf32, #tpu.memory_space<vmem>>[vector<16xi32>, vector<16xi32>, vector<16xi32>], vector<16xf32>,
        %broadcast_in_dim3A_660 = vector.broadcast %mul3A_403 : i32 to vector<16xi32>
        %add3A_661 = arith.addi %iota3A, %broadcast_in_dim3A_660 : vector<16xi32>
        %broadcast_in_dim3A_662 = arith.constant 36 : i32
        %broadcast_in_dim3A_663 = vector.broadcast %broadcast_in_dim3A_662 : i32 to vector<16xi32>
        tpu.vector_store_idx %arg13[%add3A_661, %broadcast_in_dim3A_663], %gather3A_659 : memref<128x128xf32, #tpu.memory_space<vmem>>[vector<16xi32>, vector<16xi32>], vector<16xf32>,
        %broadcast_in_dim3A_664 = arith.constant 37 : i32
        %broadcast_in_dim3A_665 = vector.broadcast %broadcast_in_dim3A_664 : i32 to vector<16xi32>
        %gather3A_666 = tpu.vector_load_idx %arg9[%shift_right_logical3A_359, %broadcast_in_dim3A_665, %add3A_385] : memref<4x64x256xf32, #tpu.memory_space<vmem>>[vector<16xi32>, vector<16xi32>, vector<16xi32>], vector<16xf32>,
        %broadcast_in_dim3A_667 = vector.broadcast %mul3A_403 : i32 to vector<16xi32>
        %add3A_668 = arith.addi %iota3A, %broadcast_in_dim3A_667 : vector<16xi32>
        %broadcast_in_dim3A_669 = arith.constant 37 : i32
        %broadcast_in_dim3A_670 = vector.broadcast %broadcast_in_dim3A_669 : i32 to vector<16xi32>
        tpu.vector_store_idx %arg13[%add3A_668, %broadcast_in_dim3A_670], %gather3A_666 : memref<128x128xf32, #tpu.memory_space<vmem>>[vector<16xi32>, vector<16xi32>], vector<16xf32>,
        %broadcast_in_dim3A_671 = arith.constant 38 : i32
        %broadcast_in_dim3A_672 = vector.broadcast %broadcast_in_dim3A_671 : i32 to vector<16xi32>
        %gather3A_673 = tpu.vector_load_idx %arg9[%shift_right_logical3A_359, %broadcast_in_dim3A_672, %add3A_385] : memref<4x64x256xf32, #tpu.memory_space<vmem>>[vector<16xi32>, vector<16xi32>, vector<16xi32>], vector<16xf32>,
        %broadcast_in_dim3A_674 = vector.broadcast %mul3A_403 : i32 to vector<16xi32>
        %add3A_675 = arith.addi %iota3A, %broadcast_in_dim3A_674 : vector<16xi32>
        %broadcast_in_dim3A_676 = arith.constant 38 : i32
        %broadcast_in_dim3A_677 = vector.broadcast %broadcast_in_dim3A_676 : i32 to vector<16xi32>
        tpu.vector_store_idx %arg13[%add3A_675, %broadcast_in_dim3A_677], %gather3A_673 : memref<128x128xf32, #tpu.memory_space<vmem>>[vector<16xi32>, vector<16xi32>], vector<16xf32>,
        %broadcast_in_dim3A_678 = arith.constant 39 : i32
        %broadcast_in_dim3A_679 = vector.broadcast %broadcast_in_dim3A_678 : i32 to vector<16xi32>
        %gather3A_680 = tpu.vector_load_idx %arg9[%shift_right_logical3A_359, %broadcast_in_dim3A_679, %add3A_385] : memref<4x64x256xf32, #tpu.memory_space<vmem>>[vector<16xi32>, vector<16xi32>, vector<16xi32>], vector<16xf32>,
        %broadcast_in_dim3A_681 = vector.broadcast %mul3A_403 : i32 to vector<16xi32>
        %add3A_682 = arith.addi %iota3A, %broadcast_in_dim3A_681 : vector<16xi32>
        %broadcast_in_dim3A_683 = arith.constant 39 : i32
        %broadcast_in_dim3A_684 = vector.broadcast %broadcast_in_dim3A_683 : i32 to vector<16xi32>
        tpu.vector_store_idx %arg13[%add3A_682, %broadcast_in_dim3A_684], %gather3A_680 : memref<128x128xf32, #tpu.memory_space<vmem>>[vector<16xi32>, vector<16xi32>], vector<16xf32>,
        %broadcast_in_dim3A_685 = arith.constant 40 : i32
        %broadcast_in_dim3A_686 = vector.broadcast %broadcast_in_dim3A_685 : i32 to vector<16xi32>
        %gather3A_687 = tpu.vector_load_idx %arg9[%shift_right_logical3A_359, %broadcast_in_dim3A_686, %add3A_385] : memref<4x64x256xf32, #tpu.memory_space<vmem>>[vector<16xi32>, vector<16xi32>, vector<16xi32>], vector<16xf32>,
        %broadcast_in_dim3A_688 = vector.broadcast %mul3A_403 : i32 to vector<16xi32>
        %add3A_689 = arith.addi %iota3A, %broadcast_in_dim3A_688 : vector<16xi32>
        %broadcast_in_dim3A_690 = arith.constant 40 : i32
        %broadcast_in_dim3A_691 = vector.broadcast %broadcast_in_dim3A_690 : i32 to vector<16xi32>
        tpu.vector_store_idx %arg13[%add3A_689, %broadcast_in_dim3A_691], %gather3A_687 : memref<128x128xf32, #tpu.memory_space<vmem>>[vector<16xi32>, vector<16xi32>], vector<16xf32>,
        %broadcast_in_dim3A_692 = arith.constant 41 : i32
        %broadcast_in_dim3A_693 = vector.broadcast %broadcast_in_dim3A_692 : i32 to vector<16xi32>
        %gather3A_694 = tpu.vector_load_idx %arg9[%shift_right_logical3A_359, %broadcast_in_dim3A_693, %add3A_385] : memref<4x64x256xf32, #tpu.memory_space<vmem>>[vector<16xi32>, vector<16xi32>, vector<16xi32>], vector<16xf32>,
        %broadcast_in_dim3A_695 = vector.broadcast %mul3A_403 : i32 to vector<16xi32>
        %add3A_696 = arith.addi %iota3A, %broadcast_in_dim3A_695 : vector<16xi32>
        %broadcast_in_dim3A_697 = arith.constant 41 : i32
        %broadcast_in_dim3A_698 = vector.broadcast %broadcast_in_dim3A_697 : i32 to vector<16xi32>
        tpu.vector_store_idx %arg13[%add3A_696, %broadcast_in_dim3A_698], %gather3A_694 : memref<128x128xf32, #tpu.memory_space<vmem>>[vector<16xi32>, vector<16xi32>], vector<16xf32>,
        %broadcast_in_dim3A_699 = arith.constant 42 : i32
        %broadcast_in_dim3A_700 = vector.broadcast %broadcast_in_dim3A_699 : i32 to vector<16xi32>
        %gather3A_701 = tpu.vector_load_idx %arg9[%shift_right_logical3A_359, %broadcast_in_dim3A_700, %add3A_385] : memref<4x64x256xf32, #tpu.memory_space<vmem>>[vector<16xi32>, vector<16xi32>, vector<16xi32>], vector<16xf32>,
        %broadcast_in_dim3A_702 = vector.broadcast %mul3A_403 : i32 to vector<16xi32>
        %add3A_703 = arith.addi %iota3A, %broadcast_in_dim3A_702 : vector<16xi32>
        %broadcast_in_dim3A_704 = arith.constant 42 : i32
        %broadcast_in_dim3A_705 = vector.broadcast %broadcast_in_dim3A_704 : i32 to vector<16xi32>
        tpu.vector_store_idx %arg13[%add3A_703, %broadcast_in_dim3A_705], %gather3A_701 : memref<128x128xf32, #tpu.memory_space<vmem>>[vector<16xi32>, vector<16xi32>], vector<16xf32>,
        %broadcast_in_dim3A_706 = arith.constant 43 : i32
        %broadcast_in_dim3A_707 = vector.broadcast %broadcast_in_dim3A_706 : i32 to vector<16xi32>
        %gather3A_708 = tpu.vector_load_idx %arg9[%shift_right_logical3A_359, %broadcast_in_dim3A_707, %add3A_385] : memref<4x64x256xf32, #tpu.memory_space<vmem>>[vector<16xi32>, vector<16xi32>, vector<16xi32>], vector<16xf32>,
        %broadcast_in_dim3A_709 = vector.broadcast %mul3A_403 : i32 to vector<16xi32>
        %add3A_710 = arith.addi %iota3A, %broadcast_in_dim3A_709 : vector<16xi32>
        %broadcast_in_dim3A_711 = arith.constant 43 : i32
        %broadcast_in_dim3A_712 = vector.broadcast %broadcast_in_dim3A_711 : i32 to vector<16xi32>
        tpu.vector_store_idx %arg13[%add3A_710, %broadcast_in_dim3A_712], %gather3A_708 : memref<128x128xf32, #tpu.memory_space<vmem>>[vector<16xi32>, vector<16xi32>], vector<16xf32>,
        %broadcast_in_dim3A_713 = arith.constant 44 : i32
        %broadcast_in_dim3A_714 = vector.broadcast %broadcast_in_dim3A_713 : i32 to vector<16xi32>
        %gather3A_715 = tpu.vector_load_idx %arg9[%shift_right_logical3A_359, %broadcast_in_dim3A_714, %add3A_385] : memref<4x64x256xf32, #tpu.memory_space<vmem>>[vector<16xi32>, vector<16xi32>, vector<16xi32>], vector<16xf32>,
        %broadcast_in_dim3A_716 = vector.broadcast %mul3A_403 : i32 to vector<16xi32>
        %add3A_717 = arith.addi %iota3A, %broadcast_in_dim3A_716 : vector<16xi32>
        %broadcast_in_dim3A_718 = arith.constant 44 : i32
        %broadcast_in_dim3A_719 = vector.broadcast %broadcast_in_dim3A_718 : i32 to vector<16xi32>
        tpu.vector_store_idx %arg13[%add3A_717, %broadcast_in_dim3A_719], %gather3A_715 : memref<128x128xf32, #tpu.memory_space<vmem>>[vector<16xi32>, vector<16xi32>], vector<16xf32>,
        %broadcast_in_dim3A_720 = arith.constant 45 : i32
        %broadcast_in_dim3A_721 = vector.broadcast %broadcast_in_dim3A_720 : i32 to vector<16xi32>
        %gather3A_722 = tpu.vector_load_idx %arg9[%shift_right_logical3A_359, %broadcast_in_dim3A_721, %add3A_385] : memref<4x64x256xf32, #tpu.memory_space<vmem>>[vector<16xi32>, vector<16xi32>, vector<16xi32>], vector<16xf32>,
        %broadcast_in_dim3A_723 = vector.broadcast %mul3A_403 : i32 to vector<16xi32>
        %add3A_724 = arith.addi %iota3A, %broadcast_in_dim3A_723 : vector<16xi32>
        %broadcast_in_dim3A_725 = arith.constant 45 : i32
        %broadcast_in_dim3A_726 = vector.broadcast %broadcast_in_dim3A_725 : i32 to vector<16xi32>
        tpu.vector_store_idx %arg13[%add3A_724, %broadcast_in_dim3A_726], %gather3A_722 : memref<128x128xf32, #tpu.memory_space<vmem>>[vector<16xi32>, vector<16xi32>], vector<16xf32>,
        %broadcast_in_dim3A_727 = arith.constant 46 : i32
        %broadcast_in_dim3A_728 = vector.broadcast %broadcast_in_dim3A_727 : i32 to vector<16xi32>
        %gather3A_729 = tpu.vector_load_idx %arg9[%shift_right_logical3A_359, %broadcast_in_dim3A_728, %add3A_385] : memref<4x64x256xf32, #tpu.memory_space<vmem>>[vector<16xi32>, vector<16xi32>, vector<16xi32>], vector<16xf32>,
        %broadcast_in_dim3A_730 = vector.broadcast %mul3A_403 : i32 to vector<16xi32>
        %add3A_731 = arith.addi %iota3A, %broadcast_in_dim3A_730 : vector<16xi32>
        %broadcast_in_dim3A_732 = arith.constant 46 : i32
        %broadcast_in_dim3A_733 = vector.broadcast %broadcast_in_dim3A_732 : i32 to vector<16xi32>
        tpu.vector_store_idx %arg13[%add3A_731, %broadcast_in_dim3A_733], %gather3A_729 : memref<128x128xf32, #tpu.memory_space<vmem>>[vector<16xi32>, vector<16xi32>], vector<16xf32>,
        %broadcast_in_dim3A_734 = arith.constant 47 : i32
        %broadcast_in_dim3A_735 = vector.broadcast %broadcast_in_dim3A_734 : i32 to vector<16xi32>
        %gather3A_736 = tpu.vector_load_idx %arg9[%shift_right_logical3A_359, %broadcast_in_dim3A_735, %add3A_385] : memref<4x64x256xf32, #tpu.memory_space<vmem>>[vector<16xi32>, vector<16xi32>, vector<16xi32>], vector<16xf32>,
        %broadcast_in_dim3A_737 = vector.broadcast %mul3A_403 : i32 to vector<16xi32>
        %add3A_738 = arith.addi %iota3A, %broadcast_in_dim3A_737 : vector<16xi32>
        %broadcast_in_dim3A_739 = arith.constant 47 : i32
        %broadcast_in_dim3A_740 = vector.broadcast %broadcast_in_dim3A_739 : i32 to vector<16xi32>
        tpu.vector_store_idx %arg13[%add3A_738, %broadcast_in_dim3A_740], %gather3A_736 : memref<128x128xf32, #tpu.memory_space<vmem>>[vector<16xi32>, vector<16xi32>], vector<16xf32>,
        %broadcast_in_dim3A_741 = arith.constant 48 : i32
        %broadcast_in_dim3A_742 = vector.broadcast %broadcast_in_dim3A_741 : i32 to vector<16xi32>
        %gather3A_743 = tpu.vector_load_idx %arg9[%shift_right_logical3A_359, %broadcast_in_dim3A_742, %add3A_385] : memref<4x64x256xf32, #tpu.memory_space<vmem>>[vector<16xi32>, vector<16xi32>, vector<16xi32>], vector<16xf32>,
        %broadcast_in_dim3A_744 = vector.broadcast %mul3A_403 : i32 to vector<16xi32>
        %add3A_745 = arith.addi %iota3A, %broadcast_in_dim3A_744 : vector<16xi32>
        %broadcast_in_dim3A_746 = arith.constant 48 : i32
        %broadcast_in_dim3A_747 = vector.broadcast %broadcast_in_dim3A_746 : i32 to vector<16xi32>
        tpu.vector_store_idx %arg13[%add3A_745, %broadcast_in_dim3A_747], %gather3A_743 : memref<128x128xf32, #tpu.memory_space<vmem>>[vector<16xi32>, vector<16xi32>], vector<16xf32>,
        %broadcast_in_dim3A_748 = arith.constant 49 : i32
        %broadcast_in_dim3A_749 = vector.broadcast %broadcast_in_dim3A_748 : i32 to vector<16xi32>
        %gather3A_750 = tpu.vector_load_idx %arg9[%shift_right_logical3A_359, %broadcast_in_dim3A_749, %add3A_385] : memref<4x64x256xf32, #tpu.memory_space<vmem>>[vector<16xi32>, vector<16xi32>, vector<16xi32>], vector<16xf32>,
        %broadcast_in_dim3A_751 = vector.broadcast %mul3A_403 : i32 to vector<16xi32>
        %add3A_752 = arith.addi %iota3A, %broadcast_in_dim3A_751 : vector<16xi32>
        %broadcast_in_dim3A_753 = arith.constant 49 : i32
        %broadcast_in_dim3A_754 = vector.broadcast %broadcast_in_dim3A_753 : i32 to vector<16xi32>
        tpu.vector_store_idx %arg13[%add3A_752, %broadcast_in_dim3A_754], %gather3A_750 : memref<128x128xf32, #tpu.memory_space<vmem>>[vector<16xi32>, vector<16xi32>], vector<16xf32>,
        %broadcast_in_dim3A_755 = arith.constant 50 : i32
        %broadcast_in_dim3A_756 = vector.broadcast %broadcast_in_dim3A_755 : i32 to vector<16xi32>
        %gather3A_757 = tpu.vector_load_idx %arg9[%shift_right_logical3A_359, %broadcast_in_dim3A_756, %add3A_385] : memref<4x64x256xf32, #tpu.memory_space<vmem>>[vector<16xi32>, vector<16xi32>, vector<16xi32>], vector<16xf32>,
        %broadcast_in_dim3A_758 = vector.broadcast %mul3A_403 : i32 to vector<16xi32>
        %add3A_759 = arith.addi %iota3A, %broadcast_in_dim3A_758 : vector<16xi32>
        %broadcast_in_dim3A_760 = arith.constant 50 : i32
        %broadcast_in_dim3A_761 = vector.broadcast %broadcast_in_dim3A_760 : i32 to vector<16xi32>
        tpu.vector_store_idx %arg13[%add3A_759, %broadcast_in_dim3A_761], %gather3A_757 : memref<128x128xf32, #tpu.memory_space<vmem>>[vector<16xi32>, vector<16xi32>], vector<16xf32>,
        %broadcast_in_dim3A_762 = arith.constant 51 : i32
        %broadcast_in_dim3A_763 = vector.broadcast %broadcast_in_dim3A_762 : i32 to vector<16xi32>
        %gather3A_764 = tpu.vector_load_idx %arg9[%shift_right_logical3A_359, %broadcast_in_dim3A_763, %add3A_385] : memref<4x64x256xf32, #tpu.memory_space<vmem>>[vector<16xi32>, vector<16xi32>, vector<16xi32>], vector<16xf32>,
        %broadcast_in_dim3A_765 = vector.broadcast %mul3A_403 : i32 to vector<16xi32>
        %add3A_766 = arith.addi %iota3A, %broadcast_in_dim3A_765 : vector<16xi32>
        %broadcast_in_dim3A_767 = arith.constant 51 : i32
        %broadcast_in_dim3A_768 = vector.broadcast %broadcast_in_dim3A_767 : i32 to vector<16xi32>
        tpu.vector_store_idx %arg13[%add3A_766, %broadcast_in_dim3A_768], %gather3A_764 : memref<128x128xf32, #tpu.memory_space<vmem>>[vector<16xi32>, vector<16xi32>], vector<16xf32>,
        %broadcast_in_dim3A_769 = arith.constant 52 : i32
        %broadcast_in_dim3A_770 = vector.broadcast %broadcast_in_dim3A_769 : i32 to vector<16xi32>
        %gather3A_771 = tpu.vector_load_idx %arg9[%shift_right_logical3A_359, %broadcast_in_dim3A_770, %add3A_385] : memref<4x64x256xf32, #tpu.memory_space<vmem>>[vector<16xi32>, vector<16xi32>, vector<16xi32>], vector<16xf32>,
        %broadcast_in_dim3A_772 = vector.broadcast %mul3A_403 : i32 to vector<16xi32>
        %add3A_773 = arith.addi %iota3A, %broadcast_in_dim3A_772 : vector<16xi32>
        %broadcast_in_dim3A_774 = arith.constant 52 : i32
        %broadcast_in_dim3A_775 = vector.broadcast %broadcast_in_dim3A_774 : i32 to vector<16xi32>
        tpu.vector_store_idx %arg13[%add3A_773, %broadcast_in_dim3A_775], %gather3A_771 : memref<128x128xf32, #tpu.memory_space<vmem>>[vector<16xi32>, vector<16xi32>], vector<16xf32>,
        %broadcast_in_dim3A_776 = arith.constant 53 : i32
        %broadcast_in_dim3A_777 = vector.broadcast %broadcast_in_dim3A_776 : i32 to vector<16xi32>
        %gather3A_778 = tpu.vector_load_idx %arg9[%shift_right_logical3A_359, %broadcast_in_dim3A_777, %add3A_385] : memref<4x64x256xf32, #tpu.memory_space<vmem>>[vector<16xi32>, vector<16xi32>, vector<16xi32>], vector<16xf32>,
        %broadcast_in_dim3A_779 = vector.broadcast %mul3A_403 : i32 to vector<16xi32>
        %add3A_780 = arith.addi %iota3A, %broadcast_in_dim3A_779 : vector<16xi32>
        %broadcast_in_dim3A_781 = arith.constant 53 : i32
        %broadcast_in_dim3A_782 = vector.broadcast %broadcast_in_dim3A_781 : i32 to vector<16xi32>
        tpu.vector_store_idx %arg13[%add3A_780, %broadcast_in_dim3A_782], %gather3A_778 : memref<128x128xf32, #tpu.memory_space<vmem>>[vector<16xi32>, vector<16xi32>], vector<16xf32>,
        %broadcast_in_dim3A_783 = arith.constant 54 : i32
        %broadcast_in_dim3A_784 = vector.broadcast %broadcast_in_dim3A_783 : i32 to vector<16xi32>
        %gather3A_785 = tpu.vector_load_idx %arg9[%shift_right_logical3A_359, %broadcast_in_dim3A_784, %add3A_385] : memref<4x64x256xf32, #tpu.memory_space<vmem>>[vector<16xi32>, vector<16xi32>, vector<16xi32>], vector<16xf32>,
        %broadcast_in_dim3A_786 = vector.broadcast %mul3A_403 : i32 to vector<16xi32>
        %add3A_787 = arith.addi %iota3A, %broadcast_in_dim3A_786 : vector<16xi32>
        %broadcast_in_dim3A_788 = arith.constant 54 : i32
        %broadcast_in_dim3A_789 = vector.broadcast %broadcast_in_dim3A_788 : i32 to vector<16xi32>
        tpu.vector_store_idx %arg13[%add3A_787, %broadcast_in_dim3A_789], %gather3A_785 : memref<128x128xf32, #tpu.memory_space<vmem>>[vector<16xi32>, vector<16xi32>], vector<16xf32>,
        %broadcast_in_dim3A_790 = arith.constant 55 : i32
        %broadcast_in_dim3A_791 = vector.broadcast %broadcast_in_dim3A_790 : i32 to vector<16xi32>
        %gather3A_792 = tpu.vector_load_idx %arg9[%shift_right_logical3A_359, %broadcast_in_dim3A_791, %add3A_385] : memref<4x64x256xf32, #tpu.memory_space<vmem>>[vector<16xi32>, vector<16xi32>, vector<16xi32>], vector<16xf32>,
        %broadcast_in_dim3A_793 = vector.broadcast %mul3A_403 : i32 to vector<16xi32>
        %add3A_794 = arith.addi %iota3A, %broadcast_in_dim3A_793 : vector<16xi32>
        %broadcast_in_dim3A_795 = arith.constant 55 : i32
        %broadcast_in_dim3A_796 = vector.broadcast %broadcast_in_dim3A_795 : i32 to vector<16xi32>
        tpu.vector_store_idx %arg13[%add3A_794, %broadcast_in_dim3A_796], %gather3A_792 : memref<128x128xf32, #tpu.memory_space<vmem>>[vector<16xi32>, vector<16xi32>], vector<16xf32>,
        %broadcast_in_dim3A_797 = arith.constant 56 : i32
        %broadcast_in_dim3A_798 = vector.broadcast %broadcast_in_dim3A_797 : i32 to vector<16xi32>
        %gather3A_799 = tpu.vector_load_idx %arg9[%shift_right_logical3A_359, %broadcast_in_dim3A_798, %add3A_385] : memref<4x64x256xf32, #tpu.memory_space<vmem>>[vector<16xi32>, vector<16xi32>, vector<16xi32>], vector<16xf32>,
        %broadcast_in_dim3A_800 = vector.broadcast %mul3A_403 : i32 to vector<16xi32>
        %add3A_801 = arith.addi %iota3A, %broadcast_in_dim3A_800 : vector<16xi32>
        %broadcast_in_dim3A_802 = arith.constant 56 : i32
        %broadcast_in_dim3A_803 = vector.broadcast %broadcast_in_dim3A_802 : i32 to vector<16xi32>
        tpu.vector_store_idx %arg13[%add3A_801, %broadcast_in_dim3A_803], %gather3A_799 : memref<128x128xf32, #tpu.memory_space<vmem>>[vector<16xi32>, vector<16xi32>], vector<16xf32>,
        %broadcast_in_dim3A_804 = arith.constant 57 : i32
        %broadcast_in_dim3A_805 = vector.broadcast %broadcast_in_dim3A_804 : i32 to vector<16xi32>
        %gather3A_806 = tpu.vector_load_idx %arg9[%shift_right_logical3A_359, %broadcast_in_dim3A_805, %add3A_385] : memref<4x64x256xf32, #tpu.memory_space<vmem>>[vector<16xi32>, vector<16xi32>, vector<16xi32>], vector<16xf32>,
        %broadcast_in_dim3A_807 = vector.broadcast %mul3A_403 : i32 to vector<16xi32>
        %add3A_808 = arith.addi %iota3A, %broadcast_in_dim3A_807 : vector<16xi32>
        %broadcast_in_dim3A_809 = arith.constant 57 : i32
        %broadcast_in_dim3A_810 = vector.broadcast %broadcast_in_dim3A_809 : i32 to vector<16xi32>
        tpu.vector_store_idx %arg13[%add3A_808, %broadcast_in_dim3A_810], %gather3A_806 : memref<128x128xf32, #tpu.memory_space<vmem>>[vector<16xi32>, vector<16xi32>], vector<16xf32>,
        %broadcast_in_dim3A_811 = arith.constant 58 : i32
        %broadcast_in_dim3A_812 = vector.broadcast %broadcast_in_dim3A_811 : i32 to vector<16xi32>
        %gather3A_813 = tpu.vector_load_idx %arg9[%shift_right_logical3A_359, %broadcast_in_dim3A_812, %add3A_385] : memref<4x64x256xf32, #tpu.memory_space<vmem>>[vector<16xi32>, vector<16xi32>, vector<16xi32>], vector<16xf32>,
        %broadcast_in_dim3A_814 = vector.broadcast %mul3A_403 : i32 to vector<16xi32>
        %add3A_815 = arith.addi %iota3A, %broadcast_in_dim3A_814 : vector<16xi32>
        %broadcast_in_dim3A_816 = arith.constant 58 : i32
        %broadcast_in_dim3A_817 = vector.broadcast %broadcast_in_dim3A_816 : i32 to vector<16xi32>
        tpu.vector_store_idx %arg13[%add3A_815, %broadcast_in_dim3A_817], %gather3A_813 : memref<128x128xf32, #tpu.memory_space<vmem>>[vector<16xi32>, vector<16xi32>], vector<16xf32>,
        %broadcast_in_dim3A_818 = arith.constant 59 : i32
        %broadcast_in_dim3A_819 = vector.broadcast %broadcast_in_dim3A_818 : i32 to vector<16xi32>
        %gather3A_820 = tpu.vector_load_idx %arg9[%shift_right_logical3A_359, %broadcast_in_dim3A_819, %add3A_385] : memref<4x64x256xf32, #tpu.memory_space<vmem>>[vector<16xi32>, vector<16xi32>, vector<16xi32>], vector<16xf32>,
        %broadcast_in_dim3A_821 = vector.broadcast %mul3A_403 : i32 to vector<16xi32>
        %add3A_822 = arith.addi %iota3A, %broadcast_in_dim3A_821 : vector<16xi32>
        %broadcast_in_dim3A_823 = arith.constant 59 : i32
        %broadcast_in_dim3A_824 = vector.broadcast %broadcast_in_dim3A_823 : i32 to vector<16xi32>
        tpu.vector_store_idx %arg13[%add3A_822, %broadcast_in_dim3A_824], %gather3A_820 : memref<128x128xf32, #tpu.memory_space<vmem>>[vector<16xi32>, vector<16xi32>], vector<16xf32>,
        %broadcast_in_dim3A_825 = arith.constant 60 : i32
        %broadcast_in_dim3A_826 = vector.broadcast %broadcast_in_dim3A_825 : i32 to vector<16xi32>
        %gather3A_827 = tpu.vector_load_idx %arg9[%shift_right_logical3A_359, %broadcast_in_dim3A_826, %add3A_385] : memref<4x64x256xf32, #tpu.memory_space<vmem>>[vector<16xi32>, vector<16xi32>, vector<16xi32>], vector<16xf32>,
        %broadcast_in_dim3A_828 = vector.broadcast %mul3A_403 : i32 to vector<16xi32>
        %add3A_829 = arith.addi %iota3A, %broadcast_in_dim3A_828 : vector<16xi32>
        %broadcast_in_dim3A_830 = arith.constant 60 : i32
        %broadcast_in_dim3A_831 = vector.broadcast %broadcast_in_dim3A_830 : i32 to vector<16xi32>
        tpu.vector_store_idx %arg13[%add3A_829, %broadcast_in_dim3A_831], %gather3A_827 : memref<128x128xf32, #tpu.memory_space<vmem>>[vector<16xi32>, vector<16xi32>], vector<16xf32>,
        %broadcast_in_dim3A_832 = arith.constant 61 : i32
        %broadcast_in_dim3A_833 = vector.broadcast %broadcast_in_dim3A_832 : i32 to vector<16xi32>
        %gather3A_834 = tpu.vector_load_idx %arg9[%shift_right_logical3A_359, %broadcast_in_dim3A_833, %add3A_385] : memref<4x64x256xf32, #tpu.memory_space<vmem>>[vector<16xi32>, vector<16xi32>, vector<16xi32>], vector<16xf32>,
        %broadcast_in_dim3A_835 = vector.broadcast %mul3A_403 : i32 to vector<16xi32>
        %add3A_836 = arith.addi %iota3A, %broadcast_in_dim3A_835 : vector<16xi32>
        %broadcast_in_dim3A_837 = arith.constant 61 : i32
        %broadcast_in_dim3A_838 = vector.broadcast %broadcast_in_dim3A_837 : i32 to vector<16xi32>
        tpu.vector_store_idx %arg13[%add3A_836, %broadcast_in_dim3A_838], %gather3A_834 : memref<128x128xf32, #tpu.memory_space<vmem>>[vector<16xi32>, vector<16xi32>], vector<16xf32>,
        %broadcast_in_dim3A_839 = arith.constant 62 : i32
        %broadcast_in_dim3A_840 = vector.broadcast %broadcast_in_dim3A_839 : i32 to vector<16xi32>
        %gather3A_841 = tpu.vector_load_idx %arg9[%shift_right_logical3A_359, %broadcast_in_dim3A_840, %add3A_385] : memref<4x64x256xf32, #tpu.memory_space<vmem>>[vector<16xi32>, vector<16xi32>, vector<16xi32>], vector<16xf32>,
        %broadcast_in_dim3A_842 = vector.broadcast %mul3A_403 : i32 to vector<16xi32>
        %add3A_843 = arith.addi %iota3A, %broadcast_in_dim3A_842 : vector<16xi32>
        %broadcast_in_dim3A_844 = arith.constant 62 : i32
        %broadcast_in_dim3A_845 = vector.broadcast %broadcast_in_dim3A_844 : i32 to vector<16xi32>
        tpu.vector_store_idx %arg13[%add3A_843, %broadcast_in_dim3A_845], %gather3A_841 : memref<128x128xf32, #tpu.memory_space<vmem>>[vector<16xi32>, vector<16xi32>], vector<16xf32>,
        %broadcast_in_dim3A_846 = arith.constant 63 : i32
        %broadcast_in_dim3A_847 = vector.broadcast %broadcast_in_dim3A_846 : i32 to vector<16xi32>
        %gather3A_848 = tpu.vector_load_idx %arg9[%shift_right_logical3A_359, %broadcast_in_dim3A_847, %add3A_385] : memref<4x64x256xf32, #tpu.memory_space<vmem>>[vector<16xi32>, vector<16xi32>, vector<16xi32>], vector<16xf32>,
        %broadcast_in_dim3A_849 = vector.broadcast %mul3A_403 : i32 to vector<16xi32>
        %add3A_850 = arith.addi %iota3A, %broadcast_in_dim3A_849 : vector<16xi32>
        %broadcast_in_dim3A_851 = arith.constant 63 : i32
        %broadcast_in_dim3A_852 = vector.broadcast %broadcast_in_dim3A_851 : i32 to vector<16xi32>
        tpu.vector_store_idx %arg13[%add3A_850, %broadcast_in_dim3A_852], %gather3A_848 : memref<128x128xf32, #tpu.memory_space<vmem>>[vector<16xi32>, vector<16xi32>], vector<16xf32>,
        %jit3A_853 = arith.constant 8 : i32
        %eq3A_854 = arith.constant 0 : i32
        %eq3A_855 = arith.cmpi eq, %jit3A_853, %eq3A_854 : i32
        %jit3A_856 = arith.constant 1 : i32
        %select_n3A_857 = arith.select %eq3A_855, %jit3A_856, %jit3A_853 : i32
        %rem3A_858 = arith.remsi %while3A_342, %select_n3A_857 : i32
        %ne3A_859 = arith.constant 0 : i32
        %ne3A_860 = arith.cmpi ne, %rem3A_858, %ne3A_859 : i32
        %lt3A_861 = arith.constant 0 : i32
        %lt3A_862 = arith.cmpi slt, %rem3A_858, %lt3A_861 : i32
        %lt3A_863 = arith.constant 0 : i32
        %lt3A_864 = arith.cmpi slt, %select_n3A_857, %lt3A_863 : i32
        %ne3A_865 = arith.xori %lt3A_862, %lt3A_864 : i1
        %and3A_866 = arith.andi %ne3A_865, %ne3A_860 : i1
        %add3A_867 = arith.addi %rem3A_858, %select_n3A_857 : i32
        %select_n3A_868 = arith.select %and3A_866, %add3A_867, %rem3A_858 : i32
        %eq3A_869 = arith.constant 7 : i32
        %eq3A_870 = arith.cmpi eq, %select_n3A_868, %eq3A_869 : i32
        %convert_element_type3A_871 = arith.extui %eq3A_870 : i1 to i32
        %cond3A_872 = arith.constant 0 : i32
        %cond3A_873 = arith.cmpi ne, %convert_element_type3A_871, %cond3A_872 : i32
        scf.if %cond3A_873 {
          %dma_start3A_876 = arith.constant 0 : i32
          %dma_start3A_877 = arith.constant 0 : i32
          %dma_start3A_878 = tpu.memref_slice %arg12[%dma_start3A_876, %dma_start3A_877] : memref<1x128xi32, #tpu.memory_space<vmem>> -> memref<1x128xi32, #tpu.memory_space<vmem>>
          %dma_start3A_879 = tpu.memref_squeeze %dma_start3A_878 : memref<1x128xi32, #tpu.memory_space<vmem>> -> memref<128xi32, #tpu.memory_space<vmem>>
          %dma_start3A_880 = arith.constant 0 : i32
          %dma_start3A_881 = arith.constant 0 : i32
          %dma_start3A_882 = tpu.memref_slice %arg5[%dma_start3A_880, %dma_start3A_881] : memref<106512x128xf32, #tpu.memory_space<hbm>> -> memref<106512x128xf32, #tpu.memory_space<hbm>>
          tpu.enqueue_indirect_dma source(%arg13 : memref<128x128xf32, #tpu.memory_space<vmem>>) target(%dma_start3A_882 : memref<106512x128xf32, #tpu.memory_space<hbm>>) offsets(%dma_start3A_879 : memref<128xi32, #tpu.memory_space<vmem>>) semaphore(%arg15 : memref<!tpu.dma_semaphore, #tpu.memory_space<semaphore_mem>>)
          %dma_wait3A_883 = arith.constant 0 : i32
          %dma_wait3A_884 = arith.constant 0 : i32
          %dma_wait3A_885 = tpu.memref_slice %arg12[%dma_wait3A_883, %dma_wait3A_884] : memref<1x128xi32, #tpu.memory_space<vmem>> -> memref<1x128xi32, #tpu.memory_space<vmem>>
          %dma_wait3A_886 = tpu.memref_squeeze %dma_wait3A_885 : memref<1x128xi32, #tpu.memory_space<vmem>> -> memref<128xi32, #tpu.memory_space<vmem>>
          %dma_wait3A_887 = arith.constant 0 : i32
          %dma_wait3A_888 = arith.constant 0 : i32
          %dma_wait3A_889 = tpu.memref_slice %arg5[%dma_wait3A_887, %dma_wait3A_888] : memref<106512x128xf32, #tpu.memory_space<hbm>> -> memref<106512x128xf32, #tpu.memory_space<hbm>>
          tpu.wait_indirect_dma semaphore(%arg15 : memref<!tpu.dma_semaphore, #tpu.memory_space<semaphore_mem>>) src(%arg13 : memref<128x128xf32, #tpu.memory_space<vmem>>) dst(%dma_wait3A_889 : memref<106512x128xf32, #tpu.memory_space<hbm>>)
        } else {
        }
        %add3A_874 = arith.constant 1 : i32
        %add3A_875 = arith.addi %while3A_342, %add3A_874 : i32
        scf.yield %add3A_875 : i32
      }
      %while3A_339 = arith.constant 1 : i32
      %while3A_340 = scf.for %while3A_341 = %while3A_336 to %while3A_332 step %while3A_339 iter_args(%while3A_342 = %while3A_338) -> (i32)  : i32 {
        %mul3A_343 = arith.constant 16 : i32
        %mul3A_344 = arith.muli %while3A_341, %mul3A_343 : i32
        %get3A = arith.index_cast %mul3A_344 : i32 to index
        %get3A_345 = tpu.vector_load %arg10[%get3A] {strides = array<i32>} : memref<8240xi32, #tpu.memory_space<vmem>>, vector<16xi32>,
        %mul3A_346 = arith.constant 16 : i32
        %mul3A_347 = arith.muli %while3A_341, %mul3A_346 : i32
        %get3A_348 = arith.index_cast %mul3A_347 : i32 to index
        %get3A_349 = tpu.vector_load %arg11[%get3A_348] {strides = array<i32>} : memref<8240xi32, #tpu.memory_space<vmem>>, vector<16xi32>,
        %shift_right_logical3A = arith.constant 7 : i32
        %shift_right_logical3A_350 = vector.broadcast %shift_right_logical3A : i32 to vector<16xi32>
        %shift_right_logical3A_351 = arith.shrui %get3A_345, %shift_right_logical3A_350 : vector<16xi32>
        %mul3A_352 = arith.constant 128 : i32
        %mul3A_353 = vector.broadcast %mul3A_352 : i32 to vector<16xi32>
        %mul3A_354 = arith.muli %shift_right_logical3A_351, %mul3A_353 : vector<16xi32>
        %sub3A_355 = arith.subi %get3A_345, %mul3A_354 : vector<16xi32>
        %sub3A_356 = arith.subi %shift_right_logical3A_351, %broadcast_in_dim3A_220 : vector<16xi32>
        %shift_right_logical3A_357 = arith.constant 1 : i32
        %shift_right_logical3A_358 = vector.broadcast %shift_right_logical3A_357 : i32 to vector<16xi32>
        %shift_right_logical3A_359 = arith.shrui %sub3A_356, %shift_right_logical3A_358 : vector<16xi32>
        %jit3A_360 = arith.constant 2 : i32
        %eq3A_361 = arith.constant 0 : i32
        %eq3A_362 = arith.cmpi eq, %jit3A_360, %eq3A_361 : i32
        %jit3A_363 = arith.constant 1 : i32
        %select_n3A_364 = arith.select %eq3A_362, %jit3A_363, %jit3A_360 : i32
        %rem3A_365 = vector.broadcast %select_n3A_364 : i32 to vector<16xi32>
        %rem3A_366 = arith.remsi %sub3A_356, %rem3A_365 : vector<16xi32>
        %ne3A_367 = arith.constant 0 : i32
        %ne3A_368 = vector.broadcast %ne3A_367 : i32 to vector<16xi32>
        %ne3A_369 = arith.cmpi ne, %rem3A_366, %ne3A_368 : vector<16xi32>
        %lt3A_370 = arith.constant 0 : i32
        %lt3A_371 = vector.broadcast %lt3A_370 : i32 to vector<16xi32>
        %lt3A_372 = arith.cmpi slt, %rem3A_366, %lt3A_371 : vector<16xi32>
        %lt3A_373 = arith.constant 0 : i32
        %lt3A_374 = arith.cmpi slt, %select_n3A_364, %lt3A_373 : i32
        %ne3A_375 = vector.broadcast %lt3A_374 : i1 to vector<16xi1>
        %ne3A_376 = vector.broadcast %ne3A_375 : vector<16xi1> to vector<16xi1>
        %ne3A_377 = arith.xori %lt3A_372, %ne3A_376 : vector<16xi1>
        %and3A_378 = arith.andi %ne3A_377, %ne3A_369 : vector<16xi1>
        %add3A_379 = vector.broadcast %select_n3A_364 : i32 to vector<16xi32>
        %add3A_380 = arith.addi %rem3A_366, %add3A_379 : vector<16xi32>
        %select_n3A_381 = arith.select %and3A_378, %add3A_380, %rem3A_366 : vector<16xi1>, vector<16xi32>
        %mul3A_382 = arith.constant 128 : i32
        %mul3A_383 = vector.broadcast %mul3A_382 : i32 to vector<16xi32>
        %mul3A_384 = arith.muli %select_n3A_381, %mul3A_383 : vector<16xi32>
        %add3A_385 = arith.addi %sub3A_355, %mul3A_384 : vector<16xi32>
        %jit3A_386 = arith.constant 8 : i32
        %eq3A_387 = arith.constant 0 : i32
        %eq3A_388 = arith.cmpi eq, %jit3A_386, %eq3A_387 : i32
        %jit3A_389 = arith.constant 1 : i32
        %select_n3A_390 = arith.select %eq3A_388, %jit3A_389, %jit3A_386 : i32
        %rem3A_391 = arith.remsi %while3A_342, %select_n3A_390 : i32
        %ne3A_392 = arith.constant 0 : i32
        %ne3A_393 = arith.cmpi ne, %rem3A_391, %ne3A_392 : i32
        %lt3A_394 = arith.constant 0 : i32
        %lt3A_395 = arith.cmpi slt, %rem3A_391, %lt3A_394 : i32
        %lt3A_396 = arith.constant 0 : i32
        %lt3A_397 = arith.cmpi slt, %select_n3A_390, %lt3A_396 : i32
        %ne3A_398 = arith.xori %lt3A_395, %lt3A_397 : i1
        %and3A_399 = arith.andi %ne3A_398, %ne3A_393 : i1
        %add3A_400 = arith.addi %rem3A_391, %select_n3A_390 : i32
        %select_n3A_401 = arith.select %and3A_399, %add3A_400, %rem3A_391 : i32
        %mul3A_402 = arith.constant 16 : i32
        %mul3A_403 = arith.muli %select_n3A_401, %mul3A_402 : i32
        %broadcast_in_dim3A_404 = vector.broadcast %mul3A_403 : i32 to vector<16xi32>
        %add3A_405 = arith.addi %iota3A, %broadcast_in_dim3A_404 : vector<16xi32>
        tpu.vector_store_idx %arg12[%broadcast_in_dim3A_329, %add3A_405], %get3A_349 : memref<1x128xi32, #tpu.memory_space<vmem>>[vector<16xi32>, vector<16xi32>], vector<16xi32>,
        %broadcast_in_dim3A_406 = arith.constant 0 : i32
        %broadcast_in_dim3A_407 = vector.broadcast %broadcast_in_dim3A_406 : i32 to vector<16xi32>
        %gather3A = tpu.vector_load_idx %arg9[%shift_right_logical3A_359, %broadcast_in_dim3A_407, %add3A_385] : memref<4x64x256xf32, #tpu.memory_space<vmem>>[vector<16xi32>, vector<16xi32>, vector<16xi32>], vector<16xf32>,
        %broadcast_in_dim3A_408 = vector.broadcast %mul3A_403 : i32 to vector<16xi32>
        %add3A_409 = arith.addi %iota3A, %broadcast_in_dim3A_408 : vector<16xi32>
        %broadcast_in_dim3A_410 = arith.constant 0 : i32
        %broadcast_in_dim3A_411 = vector.broadcast %broadcast_in_dim3A_410 : i32 to vector<16xi32>
        tpu.vector_store_idx %arg13[%add3A_409, %broadcast_in_dim3A_411], %gather3A : memref<128x128xf32, #tpu.memory_space<vmem>>[vector<16xi32>, vector<16xi32>], vector<16xf32>,
        %broadcast_in_dim3A_412 = arith.constant 1 : i32
        %broadcast_in_dim3A_413 = vector.broadcast %broadcast_in_dim3A_412 : i32 to vector<16xi32>
        %gather3A_414 = tpu.vector_load_idx %arg9[%shift_right_logical3A_359, %broadcast_in_dim3A_413, %add3A_385] : memref<4x64x256xf32, #tpu.memory_space<vmem>>[vector<16xi32>, vector<16xi32>, vector<16xi32>], vector<16xf32>,
        %broadcast_in_dim3A_415 = vector.broadcast %mul3A_403 : i32 to vector<16xi32>
        %add3A_416 = arith.addi %iota3A, %broadcast_in_dim3A_415 : vector<16xi32>
        %broadcast_in_dim3A_417 = arith.constant 1 : i32
        %broadcast_in_dim3A_418 = vector.broadcast %broadcast_in_dim3A_417 : i32 to vector<16xi32>
        tpu.vector_store_idx %arg13[%add3A_416, %broadcast_in_dim3A_418], %gather3A_414 : memref<128x128xf32, #tpu.memory_space<vmem>>[vector<16xi32>, vector<16xi32>], vector<16xf32>,
        %broadcast_in_dim3A_419 = arith.constant 2 : i32
        %broadcast_in_dim3A_420 = vector.broadcast %broadcast_in_dim3A_419 : i32 to vector<16xi32>
        %gather3A_421 = tpu.vector_load_idx %arg9[%shift_right_logical3A_359, %broadcast_in_dim3A_420, %add3A_385] : memref<4x64x256xf32, #tpu.memory_space<vmem>>[vector<16xi32>, vector<16xi32>, vector<16xi32>], vector<16xf32>,
        %broadcast_in_dim3A_422 = vector.broadcast %mul3A_403 : i32 to vector<16xi32>
        %add3A_423 = arith.addi %iota3A, %broadcast_in_dim3A_422 : vector<16xi32>
        %broadcast_in_dim3A_424 = arith.constant 2 : i32
        %broadcast_in_dim3A_425 = vector.broadcast %broadcast_in_dim3A_424 : i32 to vector<16xi32>
        tpu.vector_store_idx %arg13[%add3A_423, %broadcast_in_dim3A_425], %gather3A_421 : memref<128x128xf32, #tpu.memory_space<vmem>>[vector<16xi32>, vector<16xi32>], vector<16xf32>,
        %broadcast_in_dim3A_426 = arith.constant 3 : i32
        %broadcast_in_dim3A_427 = vector.broadcast %broadcast_in_dim3A_426 : i32 to vector<16xi32>
        %gather3A_428 = tpu.vector_load_idx %arg9[%shift_right_logical3A_359, %broadcast_in_dim3A_427, %add3A_385] : memref<4x64x256xf32, #tpu.memory_space<vmem>>[vector<16xi32>, vector<16xi32>, vector<16xi32>], vector<16xf32>,
        %broadcast_in_dim3A_429 = vector.broadcast %mul3A_403 : i32 to vector<16xi32>
        %add3A_430 = arith.addi %iota3A, %broadcast_in_dim3A_429 : vector<16xi32>
        %broadcast_in_dim3A_431 = arith.constant 3 : i32
        %broadcast_in_dim3A_432 = vector.broadcast %broadcast_in_dim3A_431 : i32 to vector<16xi32>
        tpu.vector_store_idx %arg13[%add3A_430, %broadcast_in_dim3A_432], %gather3A_428 : memref<128x128xf32, #tpu.memory_space<vmem>>[vector<16xi32>, vector<16xi32>], vector<16xf32>,
        %broadcast_in_dim3A_433 = arith.constant 4 : i32
        %broadcast_in_dim3A_434 = vector.broadcast %broadcast_in_dim3A_433 : i32 to vector<16xi32>
        %gather3A_435 = tpu.vector_load_idx %arg9[%shift_right_logical3A_359, %broadcast_in_dim3A_434, %add3A_385] : memref<4x64x256xf32, #tpu.memory_space<vmem>>[vector<16xi32>, vector<16xi32>, vector<16xi32>], vector<16xf32>,
        %broadcast_in_dim3A_436 = vector.broadcast %mul3A_403 : i32 to vector<16xi32>
        %add3A_437 = arith.addi %iota3A, %broadcast_in_dim3A_436 : vector<16xi32>
        %broadcast_in_dim3A_438 = arith.constant 4 : i32
        %broadcast_in_dim3A_439 = vector.broadcast %broadcast_in_dim3A_438 : i32 to vector<16xi32>
        tpu.vector_store_idx %arg13[%add3A_437, %broadcast_in_dim3A_439], %gather3A_435 : memref<128x128xf32, #tpu.memory_space<vmem>>[vector<16xi32>, vector<16xi32>], vector<16xf32>,
        %broadcast_in_dim3A_440 = arith.constant 5 : i32
        %broadcast_in_dim3A_441 = vector.broadcast %broadcast_in_dim3A_440 : i32 to vector<16xi32>
        %gather3A_442 = tpu.vector_load_idx %arg9[%shift_right_logical3A_359, %broadcast_in_dim3A_441, %add3A_385] : memref<4x64x256xf32, #tpu.memory_space<vmem>>[vector<16xi32>, vector<16xi32>, vector<16xi32>], vector<16xf32>,
        %broadcast_in_dim3A_443 = vector.broadcast %mul3A_403 : i32 to vector<16xi32>
        %add3A_444 = arith.addi %iota3A, %broadcast_in_dim3A_443 : vector<16xi32>
        %broadcast_in_dim3A_445 = arith.constant 5 : i32
        %broadcast_in_dim3A_446 = vector.broadcast %broadcast_in_dim3A_445 : i32 to vector<16xi32>
        tpu.vector_store_idx %arg13[%add3A_444, %broadcast_in_dim3A_446], %gather3A_442 : memref<128x128xf32, #tpu.memory_space<vmem>>[vector<16xi32>, vector<16xi32>], vector<16xf32>,
        %broadcast_in_dim3A_447 = arith.constant 6 : i32
        %broadcast_in_dim3A_448 = vector.broadcast %broadcast_in_dim3A_447 : i32 to vector<16xi32>
        %gather3A_449 = tpu.vector_load_idx %arg9[%shift_right_logical3A_359, %broadcast_in_dim3A_448, %add3A_385] : memref<4x64x256xf32, #tpu.memory_space<vmem>>[vector<16xi32>, vector<16xi32>, vector<16xi32>], vector<16xf32>,
        %broadcast_in_dim3A_450 = vector.broadcast %mul3A_403 : i32 to vector<16xi32>
        %add3A_451 = arith.addi %iota3A, %broadcast_in_dim3A_450 : vector<16xi32>
        %broadcast_in_dim3A_452 = arith.constant 6 : i32
        %broadcast_in_dim3A_453 = vector.broadcast %broadcast_in_dim3A_452 : i32 to vector<16xi32>
        tpu.vector_store_idx %arg13[%add3A_451, %broadcast_in_dim3A_453], %gather3A_449 : memref<128x128xf32, #tpu.memory_space<vmem>>[vector<16xi32>, vector<16xi32>], vector<16xf32>,
        %broadcast_in_dim3A_454 = arith.constant 7 : i32
        %broadcast_in_dim3A_455 = vector.broadcast %broadcast_in_dim3A_454 : i32 to vector<16xi32>
        %gather3A_456 = tpu.vector_load_idx %arg9[%shift_right_logical3A_359, %broadcast_in_dim3A_455, %add3A_385] : memref<4x64x256xf32, #tpu.memory_space<vmem>>[vector<16xi32>, vector<16xi32>, vector<16xi32>], vector<16xf32>,
        %broadcast_in_dim3A_457 = vector.broadcast %mul3A_403 : i32 to vector<16xi32>
        %add3A_458 = arith.addi %iota3A, %broadcast_in_dim3A_457 : vector<16xi32>
        %broadcast_in_dim3A_459 = arith.constant 7 : i32
        %broadcast_in_dim3A_460 = vector.broadcast %broadcast_in_dim3A_459 : i32 to vector<16xi32>
        tpu.vector_store_idx %arg13[%add3A_458, %broadcast_in_dim3A_460], %gather3A_456 : memref<128x128xf32, #tpu.memory_space<vmem>>[vector<16xi32>, vector<16xi32>], vector<16xf32>,
        %broadcast_in_dim3A_461 = arith.constant 8 : i32
        %broadcast_in_dim3A_462 = vector.broadcast %broadcast_in_dim3A_461 : i32 to vector<16xi32>
        %gather3A_463 = tpu.vector_load_idx %arg9[%shift_right_logical3A_359, %broadcast_in_dim3A_462, %add3A_385] : memref<4x64x256xf32, #tpu.memory_space<vmem>>[vector<16xi32>, vector<16xi32>, vector<16xi32>], vector<16xf32>,
        %broadcast_in_dim3A_464 = vector.broadcast %mul3A_403 : i32 to vector<16xi32>
        %add3A_465 = arith.addi %iota3A, %broadcast_in_dim3A_464 : vector<16xi32>
        %broadcast_in_dim3A_466 = arith.constant 8 : i32
        %broadcast_in_dim3A_467 = vector.broadcast %broadcast_in_dim3A_466 : i32 to vector<16xi32>
        tpu.vector_store_idx %arg13[%add3A_465, %broadcast_in_dim3A_467], %gather3A_463 : memref<128x128xf32, #tpu.memory_space<vmem>>[vector<16xi32>, vector<16xi32>], vector<16xf32>,
        %broadcast_in_dim3A_468 = arith.constant 9 : i32
        %broadcast_in_dim3A_469 = vector.broadcast %broadcast_in_dim3A_468 : i32 to vector<16xi32>
        %gather3A_470 = tpu.vector_load_idx %arg9[%shift_right_logical3A_359, %broadcast_in_dim3A_469, %add3A_385] : memref<4x64x256xf32, #tpu.memory_space<vmem>>[vector<16xi32>, vector<16xi32>, vector<16xi32>], vector<16xf32>,
        %broadcast_in_dim3A_471 = vector.broadcast %mul3A_403 : i32 to vector<16xi32>
        %add3A_472 = arith.addi %iota3A, %broadcast_in_dim3A_471 : vector<16xi32>
        %broadcast_in_dim3A_473 = arith.constant 9 : i32
        %broadcast_in_dim3A_474 = vector.broadcast %broadcast_in_dim3A_473 : i32 to vector<16xi32>
        tpu.vector_store_idx %arg13[%add3A_472, %broadcast_in_dim3A_474], %gather3A_470 : memref<128x128xf32, #tpu.memory_space<vmem>>[vector<16xi32>, vector<16xi32>], vector<16xf32>,
        %broadcast_in_dim3A_475 = arith.constant 10 : i32
        %broadcast_in_dim3A_476 = vector.broadcast %broadcast_in_dim3A_475 : i32 to vector<16xi32>
        %gather3A_477 = tpu.vector_load_idx %arg9[%shift_right_logical3A_359, %broadcast_in_dim3A_476, %add3A_385] : memref<4x64x256xf32, #tpu.memory_space<vmem>>[vector<16xi32>, vector<16xi32>, vector<16xi32>], vector<16xf32>,
        %broadcast_in_dim3A_478 = vector.broadcast %mul3A_403 : i32 to vector<16xi32>
        %add3A_479 = arith.addi %iota3A, %broadcast_in_dim3A_478 : vector<16xi32>
        %broadcast_in_dim3A_480 = arith.constant 10 : i32
        %broadcast_in_dim3A_481 = vector.broadcast %broadcast_in_dim3A_480 : i32 to vector<16xi32>
        tpu.vector_store_idx %arg13[%add3A_479, %broadcast_in_dim3A_481], %gather3A_477 : memref<128x128xf32, #tpu.memory_space<vmem>>[vector<16xi32>, vector<16xi32>], vector<16xf32>,
        %broadcast_in_dim3A_482 = arith.constant 11 : i32
        %broadcast_in_dim3A_483 = vector.broadcast %broadcast_in_dim3A_482 : i32 to vector<16xi32>
        %gather3A_484 = tpu.vector_load_idx %arg9[%shift_right_logical3A_359, %broadcast_in_dim3A_483, %add3A_385] : memref<4x64x256xf32, #tpu.memory_space<vmem>>[vector<16xi32>, vector<16xi32>, vector<16xi32>], vector<16xf32>,
        %broadcast_in_dim3A_485 = vector.broadcast %mul3A_403 : i32 to vector<16xi32>
        %add3A_486 = arith.addi %iota3A, %broadcast_in_dim3A_485 : vector<16xi32>
        %broadcast_in_dim3A_487 = arith.constant 11 : i32
        %broadcast_in_dim3A_488 = vector.broadcast %broadcast_in_dim3A_487 : i32 to vector<16xi32>
        tpu.vector_store_idx %arg13[%add3A_486, %broadcast_in_dim3A_488], %gather3A_484 : memref<128x128xf32, #tpu.memory_space<vmem>>[vector<16xi32>, vector<16xi32>], vector<16xf32>,
        %broadcast_in_dim3A_489 = arith.constant 12 : i32
        %broadcast_in_dim3A_490 = vector.broadcast %broadcast_in_dim3A_489 : i32 to vector<16xi32>
        %gather3A_491 = tpu.vector_load_idx %arg9[%shift_right_logical3A_359, %broadcast_in_dim3A_490, %add3A_385] : memref<4x64x256xf32, #tpu.memory_space<vmem>>[vector<16xi32>, vector<16xi32>, vector<16xi32>], vector<16xf32>,
        %broadcast_in_dim3A_492 = vector.broadcast %mul3A_403 : i32 to vector<16xi32>
        %add3A_493 = arith.addi %iota3A, %broadcast_in_dim3A_492 : vector<16xi32>
        %broadcast_in_dim3A_494 = arith.constant 12 : i32
        %broadcast_in_dim3A_495 = vector.broadcast %broadcast_in_dim3A_494 : i32 to vector<16xi32>
        tpu.vector_store_idx %arg13[%add3A_493, %broadcast_in_dim3A_495], %gather3A_491 : memref<128x128xf32, #tpu.memory_space<vmem>>[vector<16xi32>, vector<16xi32>], vector<16xf32>,
        %broadcast_in_dim3A_496 = arith.constant 13 : i32
        %broadcast_in_dim3A_497 = vector.broadcast %broadcast_in_dim3A_496 : i32 to vector<16xi32>
        %gather3A_498 = tpu.vector_load_idx %arg9[%shift_right_logical3A_359, %broadcast_in_dim3A_497, %add3A_385] : memref<4x64x256xf32, #tpu.memory_space<vmem>>[vector<16xi32>, vector<16xi32>, vector<16xi32>], vector<16xf32>,
        %broadcast_in_dim3A_499 = vector.broadcast %mul3A_403 : i32 to vector<16xi32>
        %add3A_500 = arith.addi %iota3A, %broadcast_in_dim3A_499 : vector<16xi32>
        %broadcast_in_dim3A_501 = arith.constant 13 : i32
        %broadcast_in_dim3A_502 = vector.broadcast %broadcast_in_dim3A_501 : i32 to vector<16xi32>
        tpu.vector_store_idx %arg13[%add3A_500, %broadcast_in_dim3A_502], %gather3A_498 : memref<128x128xf32, #tpu.memory_space<vmem>>[vector<16xi32>, vector<16xi32>], vector<16xf32>,
        %broadcast_in_dim3A_503 = arith.constant 14 : i32
        %broadcast_in_dim3A_504 = vector.broadcast %broadcast_in_dim3A_503 : i32 to vector<16xi32>
        %gather3A_505 = tpu.vector_load_idx %arg9[%shift_right_logical3A_359, %broadcast_in_dim3A_504, %add3A_385] : memref<4x64x256xf32, #tpu.memory_space<vmem>>[vector<16xi32>, vector<16xi32>, vector<16xi32>], vector<16xf32>,
        %broadcast_in_dim3A_506 = vector.broadcast %mul3A_403 : i32 to vector<16xi32>
        %add3A_507 = arith.addi %iota3A, %broadcast_in_dim3A_506 : vector<16xi32>
        %broadcast_in_dim3A_508 = arith.constant 14 : i32
        %broadcast_in_dim3A_509 = vector.broadcast %broadcast_in_dim3A_508 : i32 to vector<16xi32>
        tpu.vector_store_idx %arg13[%add3A_507, %broadcast_in_dim3A_509], %gather3A_505 : memref<128x128xf32, #tpu.memory_space<vmem>>[vector<16xi32>, vector<16xi32>], vector<16xf32>,
        %broadcast_in_dim3A_510 = arith.constant 15 : i32
        %broadcast_in_dim3A_511 = vector.broadcast %broadcast_in_dim3A_510 : i32 to vector<16xi32>
        %gather3A_512 = tpu.vector_load_idx %arg9[%shift_right_logical3A_359, %broadcast_in_dim3A_511, %add3A_385] : memref<4x64x256xf32, #tpu.memory_space<vmem>>[vector<16xi32>, vector<16xi32>, vector<16xi32>], vector<16xf32>,
        %broadcast_in_dim3A_513 = vector.broadcast %mul3A_403 : i32 to vector<16xi32>
        %add3A_514 = arith.addi %iota3A, %broadcast_in_dim3A_513 : vector<16xi32>
        %broadcast_in_dim3A_515 = arith.constant 15 : i32
        %broadcast_in_dim3A_516 = vector.broadcast %broadcast_in_dim3A_515 : i32 to vector<16xi32>
        tpu.vector_store_idx %arg13[%add3A_514, %broadcast_in_dim3A_516], %gather3A_512 : memref<128x128xf32, #tpu.memory_space<vmem>>[vector<16xi32>, vector<16xi32>], vector<16xf32>,
        %broadcast_in_dim3A_517 = arith.constant 16 : i32
        %broadcast_in_dim3A_518 = vector.broadcast %broadcast_in_dim3A_517 : i32 to vector<16xi32>
        %gather3A_519 = tpu.vector_load_idx %arg9[%shift_right_logical3A_359, %broadcast_in_dim3A_518, %add3A_385] : memref<4x64x256xf32, #tpu.memory_space<vmem>>[vector<16xi32>, vector<16xi32>, vector<16xi32>], vector<16xf32>,
        %broadcast_in_dim3A_520 = vector.broadcast %mul3A_403 : i32 to vector<16xi32>
        %add3A_521 = arith.addi %iota3A, %broadcast_in_dim3A_520 : vector<16xi32>
        %broadcast_in_dim3A_522 = arith.constant 16 : i32
        %broadcast_in_dim3A_523 = vector.broadcast %broadcast_in_dim3A_522 : i32 to vector<16xi32>
        tpu.vector_store_idx %arg13[%add3A_521, %broadcast_in_dim3A_523], %gather3A_519 : memref<128x128xf32, #tpu.memory_space<vmem>>[vector<16xi32>, vector<16xi32>], vector<16xf32>,
        %broadcast_in_dim3A_524 = arith.constant 17 : i32
        %broadcast_in_dim3A_525 = vector.broadcast %broadcast_in_dim3A_524 : i32 to vector<16xi32>
        %gather3A_526 = tpu.vector_load_idx %arg9[%shift_right_logical3A_359, %broadcast_in_dim3A_525, %add3A_385] : memref<4x64x256xf32, #tpu.memory_space<vmem>>[vector<16xi32>, vector<16xi32>, vector<16xi32>], vector<16xf32>,
        %broadcast_in_dim3A_527 = vector.broadcast %mul3A_403 : i32 to vector<16xi32>
        %add3A_528 = arith.addi %iota3A, %broadcast_in_dim3A_527 : vector<16xi32>
        %broadcast_in_dim3A_529 = arith.constant 17 : i32
        %broadcast_in_dim3A_530 = vector.broadcast %broadcast_in_dim3A_529 : i32 to vector<16xi32>
        tpu.vector_store_idx %arg13[%add3A_528, %broadcast_in_dim3A_530], %gather3A_526 : memref<128x128xf32, #tpu.memory_space<vmem>>[vector<16xi32>, vector<16xi32>], vector<16xf32>,
        %broadcast_in_dim3A_531 = arith.constant 18 : i32
        %broadcast_in_dim3A_532 = vector.broadcast %broadcast_in_dim3A_531 : i32 to vector<16xi32>
        %gather3A_533 = tpu.vector_load_idx %arg9[%shift_right_logical3A_359, %broadcast_in_dim3A_532, %add3A_385] : memref<4x64x256xf32, #tpu.memory_space<vmem>>[vector<16xi32>, vector<16xi32>, vector<16xi32>], vector<16xf32>,
        %broadcast_in_dim3A_534 = vector.broadcast %mul3A_403 : i32 to vector<16xi32>
        %add3A_535 = arith.addi %iota3A, %broadcast_in_dim3A_534 : vector<16xi32>
        %broadcast_in_dim3A_536 = arith.constant 18 : i32
        %broadcast_in_dim3A_537 = vector.broadcast %broadcast_in_dim3A_536 : i32 to vector<16xi32>
        tpu.vector_store_idx %arg13[%add3A_535, %broadcast_in_dim3A_537], %gather3A_533 : memref<128x128xf32, #tpu.memory_space<vmem>>[vector<16xi32>, vector<16xi32>], vector<16xf32>,
        %broadcast_in_dim3A_538 = arith.constant 19 : i32
        %broadcast_in_dim3A_539 = vector.broadcast %broadcast_in_dim3A_538 : i32 to vector<16xi32>
        %gather3A_540 = tpu.vector_load_idx %arg9[%shift_right_logical3A_359, %broadcast_in_dim3A_539, %add3A_385] : memref<4x64x256xf32, #tpu.memory_space<vmem>>[vector<16xi32>, vector<16xi32>, vector<16xi32>], vector<16xf32>,
        %broadcast_in_dim3A_541 = vector.broadcast %mul3A_403 : i32 to vector<16xi32>
        %add3A_542 = arith.addi %iota3A, %broadcast_in_dim3A_541 : vector<16xi32>
        %broadcast_in_dim3A_543 = arith.constant 19 : i32
        %broadcast_in_dim3A_544 = vector.broadcast %broadcast_in_dim3A_543 : i32 to vector<16xi32>
        tpu.vector_store_idx %arg13[%add3A_542, %broadcast_in_dim3A_544], %gather3A_540 : memref<128x128xf32, #tpu.memory_space<vmem>>[vector<16xi32>, vector<16xi32>], vector<16xf32>,
        %broadcast_in_dim3A_545 = arith.constant 20 : i32
        %broadcast_in_dim3A_546 = vector.broadcast %broadcast_in_dim3A_545 : i32 to vector<16xi32>
        %gather3A_547 = tpu.vector_load_idx %arg9[%shift_right_logical3A_359, %broadcast_in_dim3A_546, %add3A_385] : memref<4x64x256xf32, #tpu.memory_space<vmem>>[vector<16xi32>, vector<16xi32>, vector<16xi32>], vector<16xf32>,
        %broadcast_in_dim3A_548 = vector.broadcast %mul3A_403 : i32 to vector<16xi32>
        %add3A_549 = arith.addi %iota3A, %broadcast_in_dim3A_548 : vector<16xi32>
        %broadcast_in_dim3A_550 = arith.constant 20 : i32
        %broadcast_in_dim3A_551 = vector.broadcast %broadcast_in_dim3A_550 : i32 to vector<16xi32>
        tpu.vector_store_idx %arg13[%add3A_549, %broadcast_in_dim3A_551], %gather3A_547 : memref<128x128xf32, #tpu.memory_space<vmem>>[vector<16xi32>, vector<16xi32>], vector<16xf32>,
        %broadcast_in_dim3A_552 = arith.constant 21 : i32
        %broadcast_in_dim3A_553 = vector.broadcast %broadcast_in_dim3A_552 : i32 to vector<16xi32>
        %gather3A_554 = tpu.vector_load_idx %arg9[%shift_right_logical3A_359, %broadcast_in_dim3A_553, %add3A_385] : memref<4x64x256xf32, #tpu.memory_space<vmem>>[vector<16xi32>, vector<16xi32>, vector<16xi32>], vector<16xf32>,
        %broadcast_in_dim3A_555 = vector.broadcast %mul3A_403 : i32 to vector<16xi32>
        %add3A_556 = arith.addi %iota3A, %broadcast_in_dim3A_555 : vector<16xi32>
        %broadcast_in_dim3A_557 = arith.constant 21 : i32
        %broadcast_in_dim3A_558 = vector.broadcast %broadcast_in_dim3A_557 : i32 to vector<16xi32>
        tpu.vector_store_idx %arg13[%add3A_556, %broadcast_in_dim3A_558], %gather3A_554 : memref<128x128xf32, #tpu.memory_space<vmem>>[vector<16xi32>, vector<16xi32>], vector<16xf32>,
        %broadcast_in_dim3A_559 = arith.constant 22 : i32
        %broadcast_in_dim3A_560 = vector.broadcast %broadcast_in_dim3A_559 : i32 to vector<16xi32>
        %gather3A_561 = tpu.vector_load_idx %arg9[%shift_right_logical3A_359, %broadcast_in_dim3A_560, %add3A_385] : memref<4x64x256xf32, #tpu.memory_space<vmem>>[vector<16xi32>, vector<16xi32>, vector<16xi32>], vector<16xf32>,
        %broadcast_in_dim3A_562 = vector.broadcast %mul3A_403 : i32 to vector<16xi32>
        %add3A_563 = arith.addi %iota3A, %broadcast_in_dim3A_562 : vector<16xi32>
        %broadcast_in_dim3A_564 = arith.constant 22 : i32
        %broadcast_in_dim3A_565 = vector.broadcast %broadcast_in_dim3A_564 : i32 to vector<16xi32>
        tpu.vector_store_idx %arg13[%add3A_563, %broadcast_in_dim3A_565], %gather3A_561 : memref<128x128xf32, #tpu.memory_space<vmem>>[vector<16xi32>, vector<16xi32>], vector<16xf32>,
        %broadcast_in_dim3A_566 = arith.constant 23 : i32
        %broadcast_in_dim3A_567 = vector.broadcast %broadcast_in_dim3A_566 : i32 to vector<16xi32>
        %gather3A_568 = tpu.vector_load_idx %arg9[%shift_right_logical3A_359, %broadcast_in_dim3A_567, %add3A_385] : memref<4x64x256xf32, #tpu.memory_space<vmem>>[vector<16xi32>, vector<16xi32>, vector<16xi32>], vector<16xf32>,
        %broadcast_in_dim3A_569 = vector.broadcast %mul3A_403 : i32 to vector<16xi32>
        %add3A_570 = arith.addi %iota3A, %broadcast_in_dim3A_569 : vector<16xi32>
        %broadcast_in_dim3A_571 = arith.constant 23 : i32
        %broadcast_in_dim3A_572 = vector.broadcast %broadcast_in_dim3A_571 : i32 to vector<16xi32>
        tpu.vector_store_idx %arg13[%add3A_570, %broadcast_in_dim3A_572], %gather3A_568 : memref<128x128xf32, #tpu.memory_space<vmem>>[vector<16xi32>, vector<16xi32>], vector<16xf32>,
        %broadcast_in_dim3A_573 = arith.constant 24 : i32
        %broadcast_in_dim3A_574 = vector.broadcast %broadcast_in_dim3A_573 : i32 to vector<16xi32>
        %gather3A_575 = tpu.vector_load_idx %arg9[%shift_right_logical3A_359, %broadcast_in_dim3A_574, %add3A_385] : memref<4x64x256xf32, #tpu.memory_space<vmem>>[vector<16xi32>, vector<16xi32>, vector<16xi32>], vector<16xf32>,
        %broadcast_in_dim3A_576 = vector.broadcast %mul3A_403 : i32 to vector<16xi32>
        %add3A_577 = arith.addi %iota3A, %broadcast_in_dim3A_576 : vector<16xi32>
        %broadcast_in_dim3A_578 = arith.constant 24 : i32
        %broadcast_in_dim3A_579 = vector.broadcast %broadcast_in_dim3A_578 : i32 to vector<16xi32>
        tpu.vector_store_idx %arg13[%add3A_577, %broadcast_in_dim3A_579], %gather3A_575 : memref<128x128xf32, #tpu.memory_space<vmem>>[vector<16xi32>, vector<16xi32>], vector<16xf32>,
        %broadcast_in_dim3A_580 = arith.constant 25 : i32
        %broadcast_in_dim3A_581 = vector.broadcast %broadcast_in_dim3A_580 : i32 to vector<16xi32>
        %gather3A_582 = tpu.vector_load_idx %arg9[%shift_right_logical3A_359, %broadcast_in_dim3A_581, %add3A_385] : memref<4x64x256xf32, #tpu.memory_space<vmem>>[vector<16xi32>, vector<16xi32>, vector<16xi32>], vector<16xf32>,
        %broadcast_in_dim3A_583 = vector.broadcast %mul3A_403 : i32 to vector<16xi32>
        %add3A_584 = arith.addi %iota3A, %broadcast_in_dim3A_583 : vector<16xi32>
        %broadcast_in_dim3A_585 = arith.constant 25 : i32
        %broadcast_in_dim3A_586 = vector.broadcast %broadcast_in_dim3A_585 : i32 to vector<16xi32>
        tpu.vector_store_idx %arg13[%add3A_584, %broadcast_in_dim3A_586], %gather3A_582 : memref<128x128xf32, #tpu.memory_space<vmem>>[vector<16xi32>, vector<16xi32>], vector<16xf32>,
        %broadcast_in_dim3A_587 = arith.constant 26 : i32
        %broadcast_in_dim3A_588 = vector.broadcast %broadcast_in_dim3A_587 : i32 to vector<16xi32>
        %gather3A_589 = tpu.vector_load_idx %arg9[%shift_right_logical3A_359, %broadcast_in_dim3A_588, %add3A_385] : memref<4x64x256xf32, #tpu.memory_space<vmem>>[vector<16xi32>, vector<16xi32>, vector<16xi32>], vector<16xf32>,
        %broadcast_in_dim3A_590 = vector.broadcast %mul3A_403 : i32 to vector<16xi32>
        %add3A_591 = arith.addi %iota3A, %broadcast_in_dim3A_590 : vector<16xi32>
        %broadcast_in_dim3A_592 = arith.constant 26 : i32
        %broadcast_in_dim3A_593 = vector.broadcast %broadcast_in_dim3A_592 : i32 to vector<16xi32>
        tpu.vector_store_idx %arg13[%add3A_591, %broadcast_in_dim3A_593], %gather3A_589 : memref<128x128xf32, #tpu.memory_space<vmem>>[vector<16xi32>, vector<16xi32>], vector<16xf32>,
        %broadcast_in_dim3A_594 = arith.constant 27 : i32
        %broadcast_in_dim3A_595 = vector.broadcast %broadcast_in_dim3A_594 : i32 to vector<16xi32>
        %gather3A_596 = tpu.vector_load_idx %arg9[%shift_right_logical3A_359, %broadcast_in_dim3A_595, %add3A_385] : memref<4x64x256xf32, #tpu.memory_space<vmem>>[vector<16xi32>, vector<16xi32>, vector<16xi32>], vector<16xf32>,
        %broadcast_in_dim3A_597 = vector.broadcast %mul3A_403 : i32 to vector<16xi32>
        %add3A_598 = arith.addi %iota3A, %broadcast_in_dim3A_597 : vector<16xi32>
        %broadcast_in_dim3A_599 = arith.constant 27 : i32
        %broadcast_in_dim3A_600 = vector.broadcast %broadcast_in_dim3A_599 : i32 to vector<16xi32>
        tpu.vector_store_idx %arg13[%add3A_598, %broadcast_in_dim3A_600], %gather3A_596 : memref<128x128xf32, #tpu.memory_space<vmem>>[vector<16xi32>, vector<16xi32>], vector<16xf32>,
        %broadcast_in_dim3A_601 = arith.constant 28 : i32
        %broadcast_in_dim3A_602 = vector.broadcast %broadcast_in_dim3A_601 : i32 to vector<16xi32>
        %gather3A_603 = tpu.vector_load_idx %arg9[%shift_right_logical3A_359, %broadcast_in_dim3A_602, %add3A_385] : memref<4x64x256xf32, #tpu.memory_space<vmem>>[vector<16xi32>, vector<16xi32>, vector<16xi32>], vector<16xf32>,
        %broadcast_in_dim3A_604 = vector.broadcast %mul3A_403 : i32 to vector<16xi32>
        %add3A_605 = arith.addi %iota3A, %broadcast_in_dim3A_604 : vector<16xi32>
        %broadcast_in_dim3A_606 = arith.constant 28 : i32
        %broadcast_in_dim3A_607 = vector.broadcast %broadcast_in_dim3A_606 : i32 to vector<16xi32>
        tpu.vector_store_idx %arg13[%add3A_605, %broadcast_in_dim3A_607], %gather3A_603 : memref<128x128xf32, #tpu.memory_space<vmem>>[vector<16xi32>, vector<16xi32>], vector<16xf32>,
        %broadcast_in_dim3A_608 = arith.constant 29 : i32
        %broadcast_in_dim3A_609 = vector.broadcast %broadcast_in_dim3A_608 : i32 to vector<16xi32>
        %gather3A_610 = tpu.vector_load_idx %arg9[%shift_right_logical3A_359, %broadcast_in_dim3A_609, %add3A_385] : memref<4x64x256xf32, #tpu.memory_space<vmem>>[vector<16xi32>, vector<16xi32>, vector<16xi32>], vector<16xf32>,
        %broadcast_in_dim3A_611 = vector.broadcast %mul3A_403 : i32 to vector<16xi32>
        %add3A_612 = arith.addi %iota3A, %broadcast_in_dim3A_611 : vector<16xi32>
        %broadcast_in_dim3A_613 = arith.constant 29 : i32
        %broadcast_in_dim3A_614 = vector.broadcast %broadcast_in_dim3A_613 : i32 to vector<16xi32>
        tpu.vector_store_idx %arg13[%add3A_612, %broadcast_in_dim3A_614], %gather3A_610 : memref<128x128xf32, #tpu.memory_space<vmem>>[vector<16xi32>, vector<16xi32>], vector<16xf32>,
        %broadcast_in_dim3A_615 = arith.constant 30 : i32
        %broadcast_in_dim3A_616 = vector.broadcast %broadcast_in_dim3A_615 : i32 to vector<16xi32>
        %gather3A_617 = tpu.vector_load_idx %arg9[%shift_right_logical3A_359, %broadcast_in_dim3A_616, %add3A_385] : memref<4x64x256xf32, #tpu.memory_space<vmem>>[vector<16xi32>, vector<16xi32>, vector<16xi32>], vector<16xf32>,
        %broadcast_in_dim3A_618 = vector.broadcast %mul3A_403 : i32 to vector<16xi32>
        %add3A_619 = arith.addi %iota3A, %broadcast_in_dim3A_618 : vector<16xi32>
        %broadcast_in_dim3A_620 = arith.constant 30 : i32
        %broadcast_in_dim3A_621 = vector.broadcast %broadcast_in_dim3A_620 : i32 to vector<16xi32>
        tpu.vector_store_idx %arg13[%add3A_619, %broadcast_in_dim3A_621], %gather3A_617 : memref<128x128xf32, #tpu.memory_space<vmem>>[vector<16xi32>, vector<16xi32>], vector<16xf32>,
        %broadcast_in_dim3A_622 = arith.constant 31 : i32
        %broadcast_in_dim3A_623 = vector.broadcast %broadcast_in_dim3A_622 : i32 to vector<16xi32>
        %gather3A_624 = tpu.vector_load_idx %arg9[%shift_right_logical3A_359, %broadcast_in_dim3A_623, %add3A_385] : memref<4x64x256xf32, #tpu.memory_space<vmem>>[vector<16xi32>, vector<16xi32>, vector<16xi32>], vector<16xf32>,
        %broadcast_in_dim3A_625 = vector.broadcast %mul3A_403 : i32 to vector<16xi32>
        %add3A_626 = arith.addi %iota3A, %broadcast_in_dim3A_625 : vector<16xi32>
        %broadcast_in_dim3A_627 = arith.constant 31 : i32
        %broadcast_in_dim3A_628 = vector.broadcast %broadcast_in_dim3A_627 : i32 to vector<16xi32>
        tpu.vector_store_idx %arg13[%add3A_626, %broadcast_in_dim3A_628], %gather3A_624 : memref<128x128xf32, #tpu.memory_space<vmem>>[vector<16xi32>, vector<16xi32>], vector<16xf32>,
        %broadcast_in_dim3A_629 = arith.constant 32 : i32
        %broadcast_in_dim3A_630 = vector.broadcast %broadcast_in_dim3A_629 : i32 to vector<16xi32>
        %gather3A_631 = tpu.vector_load_idx %arg9[%shift_right_logical3A_359, %broadcast_in_dim3A_630, %add3A_385] : memref<4x64x256xf32, #tpu.memory_space<vmem>>[vector<16xi32>, vector<16xi32>, vector<16xi32>], vector<16xf32>,
        %broadcast_in_dim3A_632 = vector.broadcast %mul3A_403 : i32 to vector<16xi32>
        %add3A_633 = arith.addi %iota3A, %broadcast_in_dim3A_632 : vector<16xi32>
        %broadcast_in_dim3A_634 = arith.constant 32 : i32
        %broadcast_in_dim3A_635 = vector.broadcast %broadcast_in_dim3A_634 : i32 to vector<16xi32>
        tpu.vector_store_idx %arg13[%add3A_633, %broadcast_in_dim3A_635], %gather3A_631 : memref<128x128xf32, #tpu.memory_space<vmem>>[vector<16xi32>, vector<16xi32>], vector<16xf32>,
        %broadcast_in_dim3A_636 = arith.constant 33 : i32
        %broadcast_in_dim3A_637 = vector.broadcast %broadcast_in_dim3A_636 : i32 to vector<16xi32>
        %gather3A_638 = tpu.vector_load_idx %arg9[%shift_right_logical3A_359, %broadcast_in_dim3A_637, %add3A_385] : memref<4x64x256xf32, #tpu.memory_space<vmem>>[vector<16xi32>, vector<16xi32>, vector<16xi32>], vector<16xf32>,
        %broadcast_in_dim3A_639 = vector.broadcast %mul3A_403 : i32 to vector<16xi32>
        %add3A_640 = arith.addi %iota3A, %broadcast_in_dim3A_639 : vector<16xi32>
        %broadcast_in_dim3A_641 = arith.constant 33 : i32
        %broadcast_in_dim3A_642 = vector.broadcast %broadcast_in_dim3A_641 : i32 to vector<16xi32>
        tpu.vector_store_idx %arg13[%add3A_640, %broadcast_in_dim3A_642], %gather3A_638 : memref<128x128xf32, #tpu.memory_space<vmem>>[vector<16xi32>, vector<16xi32>], vector<16xf32>,
        %broadcast_in_dim3A_643 = arith.constant 34 : i32
        %broadcast_in_dim3A_644 = vector.broadcast %broadcast_in_dim3A_643 : i32 to vector<16xi32>
        %gather3A_645 = tpu.vector_load_idx %arg9[%shift_right_logical3A_359, %broadcast_in_dim3A_644, %add3A_385] : memref<4x64x256xf32, #tpu.memory_space<vmem>>[vector<16xi32>, vector<16xi32>, vector<16xi32>], vector<16xf32>,
        %broadcast_in_dim3A_646 = vector.broadcast %mul3A_403 : i32 to vector<16xi32>
        %add3A_647 = arith.addi %iota3A, %broadcast_in_dim3A_646 : vector<16xi32>
        %broadcast_in_dim3A_648 = arith.constant 34 : i32
        %broadcast_in_dim3A_649 = vector.broadcast %broadcast_in_dim3A_648 : i32 to vector<16xi32>
        tpu.vector_store_idx %arg13[%add3A_647, %broadcast_in_dim3A_649], %gather3A_645 : memref<128x128xf32, #tpu.memory_space<vmem>>[vector<16xi32>, vector<16xi32>], vector<16xf32>,
        %broadcast_in_dim3A_650 = arith.constant 35 : i32
        %broadcast_in_dim3A_651 = vector.broadcast %broadcast_in_dim3A_650 : i32 to vector<16xi32>
        %gather3A_652 = tpu.vector_load_idx %arg9[%shift_right_logical3A_359, %broadcast_in_dim3A_651, %add3A_385] : memref<4x64x256xf32, #tpu.memory_space<vmem>>[vector<16xi32>, vector<16xi32>, vector<16xi32>], vector<16xf32>,
        %broadcast_in_dim3A_653 = vector.broadcast %mul3A_403 : i32 to vector<16xi32>
        %add3A_654 = arith.addi %iota3A, %broadcast_in_dim3A_653 : vector<16xi32>
        %broadcast_in_dim3A_655 = arith.constant 35 : i32
        %broadcast_in_dim3A_656 = vector.broadcast %broadcast_in_dim3A_655 : i32 to vector<16xi32>
        tpu.vector_store_idx %arg13[%add3A_654, %broadcast_in_dim3A_656], %gather3A_652 : memref<128x128xf32, #tpu.memory_space<vmem>>[vector<16xi32>, vector<16xi32>], vector<16xf32>,
        %broadcast_in_dim3A_657 = arith.constant 36 : i32
        %broadcast_in_dim3A_658 = vector.broadcast %broadcast_in_dim3A_657 : i32 to vector<16xi32>
        %gather3A_659 = tpu.vector_load_idx %arg9[%shift_right_logical3A_359, %broadcast_in_dim3A_658, %add3A_385] : memref<4x64x256xf32, #tpu.memory_space<vmem>>[vector<16xi32>, vector<16xi32>, vector<16xi32>], vector<16xf32>,
        %broadcast_in_dim3A_660 = vector.broadcast %mul3A_403 : i32 to vector<16xi32>
        %add3A_661 = arith.addi %iota3A, %broadcast_in_dim3A_660 : vector<16xi32>
        %broadcast_in_dim3A_662 = arith.constant 36 : i32
        %broadcast_in_dim3A_663 = vector.broadcast %broadcast_in_dim3A_662 : i32 to vector<16xi32>
        tpu.vector_store_idx %arg13[%add3A_661, %broadcast_in_dim3A_663], %gather3A_659 : memref<128x128xf32, #tpu.memory_space<vmem>>[vector<16xi32>, vector<16xi32>], vector<16xf32>,
        %broadcast_in_dim3A_664 = arith.constant 37 : i32
        %broadcast_in_dim3A_665 = vector.broadcast %broadcast_in_dim3A_664 : i32 to vector<16xi32>
        %gather3A_666 = tpu.vector_load_idx %arg9[%shift_right_logical3A_359, %broadcast_in_dim3A_665, %add3A_385] : memref<4x64x256xf32, #tpu.memory_space<vmem>>[vector<16xi32>, vector<16xi32>, vector<16xi32>], vector<16xf32>,
        %broadcast_in_dim3A_667 = vector.broadcast %mul3A_403 : i32 to vector<16xi32>
        %add3A_668 = arith.addi %iota3A, %broadcast_in_dim3A_667 : vector<16xi32>
        %broadcast_in_dim3A_669 = arith.constant 37 : i32
        %broadcast_in_dim3A_670 = vector.broadcast %broadcast_in_dim3A_669 : i32 to vector<16xi32>
        tpu.vector_store_idx %arg13[%add3A_668, %broadcast_in_dim3A_670], %gather3A_666 : memref<128x128xf32, #tpu.memory_space<vmem>>[vector<16xi32>, vector<16xi32>], vector<16xf32>,
        %broadcast_in_dim3A_671 = arith.constant 38 : i32
        %broadcast_in_dim3A_672 = vector.broadcast %broadcast_in_dim3A_671 : i32 to vector<16xi32>
        %gather3A_673 = tpu.vector_load_idx %arg9[%shift_right_logical3A_359, %broadcast_in_dim3A_672, %add3A_385] : memref<4x64x256xf32, #tpu.memory_space<vmem>>[vector<16xi32>, vector<16xi32>, vector<16xi32>], vector<16xf32>,
        %broadcast_in_dim3A_674 = vector.broadcast %mul3A_403 : i32 to vector<16xi32>
        %add3A_675 = arith.addi %iota3A, %broadcast_in_dim3A_674 : vector<16xi32>
        %broadcast_in_dim3A_676 = arith.constant 38 : i32
        %broadcast_in_dim3A_677 = vector.broadcast %broadcast_in_dim3A_676 : i32 to vector<16xi32>
        tpu.vector_store_idx %arg13[%add3A_675, %broadcast_in_dim3A_677], %gather3A_673 : memref<128x128xf32, #tpu.memory_space<vmem>>[vector<16xi32>, vector<16xi32>], vector<16xf32>,
        %broadcast_in_dim3A_678 = arith.constant 39 : i32
        %broadcast_in_dim3A_679 = vector.broadcast %broadcast_in_dim3A_678 : i32 to vector<16xi32>
        %gather3A_680 = tpu.vector_load_idx %arg9[%shift_right_logical3A_359, %broadcast_in_dim3A_679, %add3A_385] : memref<4x64x256xf32, #tpu.memory_space<vmem>>[vector<16xi32>, vector<16xi32>, vector<16xi32>], vector<16xf32>,
        %broadcast_in_dim3A_681 = vector.broadcast %mul3A_403 : i32 to vector<16xi32>
        %add3A_682 = arith.addi %iota3A, %broadcast_in_dim3A_681 : vector<16xi32>
        %broadcast_in_dim3A_683 = arith.constant 39 : i32
        %broadcast_in_dim3A_684 = vector.broadcast %broadcast_in_dim3A_683 : i32 to vector<16xi32>
        tpu.vector_store_idx %arg13[%add3A_682, %broadcast_in_dim3A_684], %gather3A_680 : memref<128x128xf32, #tpu.memory_space<vmem>>[vector<16xi32>, vector<16xi32>], vector<16xf32>,
        %broadcast_in_dim3A_685 = arith.constant 40 : i32
        %broadcast_in_dim3A_686 = vector.broadcast %broadcast_in_dim3A_685 : i32 to vector<16xi32>
        %gather3A_687 = tpu.vector_load_idx %arg9[%shift_right_logical3A_359, %broadcast_in_dim3A_686, %add3A_385] : memref<4x64x256xf32, #tpu.memory_space<vmem>>[vector<16xi32>, vector<16xi32>, vector<16xi32>], vector<16xf32>,
        %broadcast_in_dim3A_688 = vector.broadcast %mul3A_403 : i32 to vector<16xi32>
        %add3A_689 = arith.addi %iota3A, %broadcast_in_dim3A_688 : vector<16xi32>
        %broadcast_in_dim3A_690 = arith.constant 40 : i32
        %broadcast_in_dim3A_691 = vector.broadcast %broadcast_in_dim3A_690 : i32 to vector<16xi32>
        tpu.vector_store_idx %arg13[%add3A_689, %broadcast_in_dim3A_691], %gather3A_687 : memref<128x128xf32, #tpu.memory_space<vmem>>[vector<16xi32>, vector<16xi32>], vector<16xf32>,
        %broadcast_in_dim3A_692 = arith.constant 41 : i32
        %broadcast_in_dim3A_693 = vector.broadcast %broadcast_in_dim3A_692 : i32 to vector<16xi32>
        %gather3A_694 = tpu.vector_load_idx %arg9[%shift_right_logical3A_359, %broadcast_in_dim3A_693, %add3A_385] : memref<4x64x256xf32, #tpu.memory_space<vmem>>[vector<16xi32>, vector<16xi32>, vector<16xi32>], vector<16xf32>,
        %broadcast_in_dim3A_695 = vector.broadcast %mul3A_403 : i32 to vector<16xi32>
        %add3A_696 = arith.addi %iota3A, %broadcast_in_dim3A_695 : vector<16xi32>
        %broadcast_in_dim3A_697 = arith.constant 41 : i32
        %broadcast_in_dim3A_698 = vector.broadcast %broadcast_in_dim3A_697 : i32 to vector<16xi32>
        tpu.vector_store_idx %arg13[%add3A_696, %broadcast_in_dim3A_698], %gather3A_694 : memref<128x128xf32, #tpu.memory_space<vmem>>[vector<16xi32>, vector<16xi32>], vector<16xf32>,
        %broadcast_in_dim3A_699 = arith.constant 42 : i32
        %broadcast_in_dim3A_700 = vector.broadcast %broadcast_in_dim3A_699 : i32 to vector<16xi32>
        %gather3A_701 = tpu.vector_load_idx %arg9[%shift_right_logical3A_359, %broadcast_in_dim3A_700, %add3A_385] : memref<4x64x256xf32, #tpu.memory_space<vmem>>[vector<16xi32>, vector<16xi32>, vector<16xi32>], vector<16xf32>,
        %broadcast_in_dim3A_702 = vector.broadcast %mul3A_403 : i32 to vector<16xi32>
        %add3A_703 = arith.addi %iota3A, %broadcast_in_dim3A_702 : vector<16xi32>
        %broadcast_in_dim3A_704 = arith.constant 42 : i32
        %broadcast_in_dim3A_705 = vector.broadcast %broadcast_in_dim3A_704 : i32 to vector<16xi32>
        tpu.vector_store_idx %arg13[%add3A_703, %broadcast_in_dim3A_705], %gather3A_701 : memref<128x128xf32, #tpu.memory_space<vmem>>[vector<16xi32>, vector<16xi32>], vector<16xf32>,
        %broadcast_in_dim3A_706 = arith.constant 43 : i32
        %broadcast_in_dim3A_707 = vector.broadcast %broadcast_in_dim3A_706 : i32 to vector<16xi32>
        %gather3A_708 = tpu.vector_load_idx %arg9[%shift_right_logical3A_359, %broadcast_in_dim3A_707, %add3A_385] : memref<4x64x256xf32, #tpu.memory_space<vmem>>[vector<16xi32>, vector<16xi32>, vector<16xi32>], vector<16xf32>,
        %broadcast_in_dim3A_709 = vector.broadcast %mul3A_403 : i32 to vector<16xi32>
        %add3A_710 = arith.addi %iota3A, %broadcast_in_dim3A_709 : vector<16xi32>
        %broadcast_in_dim3A_711 = arith.constant 43 : i32
        %broadcast_in_dim3A_712 = vector.broadcast %broadcast_in_dim3A_711 : i32 to vector<16xi32>
        tpu.vector_store_idx %arg13[%add3A_710, %broadcast_in_dim3A_712], %gather3A_708 : memref<128x128xf32, #tpu.memory_space<vmem>>[vector<16xi32>, vector<16xi32>], vector<16xf32>,
        %broadcast_in_dim3A_713 = arith.constant 44 : i32
        %broadcast_in_dim3A_714 = vector.broadcast %broadcast_in_dim3A_713 : i32 to vector<16xi32>
        %gather3A_715 = tpu.vector_load_idx %arg9[%shift_right_logical3A_359, %broadcast_in_dim3A_714, %add3A_385] : memref<4x64x256xf32, #tpu.memory_space<vmem>>[vector<16xi32>, vector<16xi32>, vector<16xi32>], vector<16xf32>,
        %broadcast_in_dim3A_716 = vector.broadcast %mul3A_403 : i32 to vector<16xi32>
        %add3A_717 = arith.addi %iota3A, %broadcast_in_dim3A_716 : vector<16xi32>
        %broadcast_in_dim3A_718 = arith.constant 44 : i32
        %broadcast_in_dim3A_719 = vector.broadcast %broadcast_in_dim3A_718 : i32 to vector<16xi32>
        tpu.vector_store_idx %arg13[%add3A_717, %broadcast_in_dim3A_719], %gather3A_715 : memref<128x128xf32, #tpu.memory_space<vmem>>[vector<16xi32>, vector<16xi32>], vector<16xf32>,
        %broadcast_in_dim3A_720 = arith.constant 45 : i32
        %broadcast_in_dim3A_721 = vector.broadcast %broadcast_in_dim3A_720 : i32 to vector<16xi32>
        %gather3A_722 = tpu.vector_load_idx %arg9[%shift_right_logical3A_359, %broadcast_in_dim3A_721, %add3A_385] : memref<4x64x256xf32, #tpu.memory_space<vmem>>[vector<16xi32>, vector<16xi32>, vector<16xi32>], vector<16xf32>,
        %broadcast_in_dim3A_723 = vector.broadcast %mul3A_403 : i32 to vector<16xi32>
        %add3A_724 = arith.addi %iota3A, %broadcast_in_dim3A_723 : vector<16xi32>
        %broadcast_in_dim3A_725 = arith.constant 45 : i32
        %broadcast_in_dim3A_726 = vector.broadcast %broadcast_in_dim3A_725 : i32 to vector<16xi32>
        tpu.vector_store_idx %arg13[%add3A_724, %broadcast_in_dim3A_726], %gather3A_722 : memref<128x128xf32, #tpu.memory_space<vmem>>[vector<16xi32>, vector<16xi32>], vector<16xf32>,
        %broadcast_in_dim3A_727 = arith.constant 46 : i32
        %broadcast_in_dim3A_728 = vector.broadcast %broadcast_in_dim3A_727 : i32 to vector<16xi32>
        %gather3A_729 = tpu.vector_load_idx %arg9[%shift_right_logical3A_359, %broadcast_in_dim3A_728, %add3A_385] : memref<4x64x256xf32, #tpu.memory_space<vmem>>[vector<16xi32>, vector<16xi32>, vector<16xi32>], vector<16xf32>,
        %broadcast_in_dim3A_730 = vector.broadcast %mul3A_403 : i32 to vector<16xi32>
        %add3A_731 = arith.addi %iota3A, %broadcast_in_dim3A_730 : vector<16xi32>
        %broadcast_in_dim3A_732 = arith.constant 46 : i32
        %broadcast_in_dim3A_733 = vector.broadcast %broadcast_in_dim3A_732 : i32 to vector<16xi32>
        tpu.vector_store_idx %arg13[%add3A_731, %broadcast_in_dim3A_733], %gather3A_729 : memref<128x128xf32, #tpu.memory_space<vmem>>[vector<16xi32>, vector<16xi32>], vector<16xf32>,
        %broadcast_in_dim3A_734 = arith.constant 47 : i32
        %broadcast_in_dim3A_735 = vector.broadcast %broadcast_in_dim3A_734 : i32 to vector<16xi32>
        %gather3A_736 = tpu.vector_load_idx %arg9[%shift_right_logical3A_359, %broadcast_in_dim3A_735, %add3A_385] : memref<4x64x256xf32, #tpu.memory_space<vmem>>[vector<16xi32>, vector<16xi32>, vector<16xi32>], vector<16xf32>,
        %broadcast_in_dim3A_737 = vector.broadcast %mul3A_403 : i32 to vector<16xi32>
        %add3A_738 = arith.addi %iota3A, %broadcast_in_dim3A_737 : vector<16xi32>
        %broadcast_in_dim3A_739 = arith.constant 47 : i32
        %broadcast_in_dim3A_740 = vector.broadcast %broadcast_in_dim3A_739 : i32 to vector<16xi32>
        tpu.vector_store_idx %arg13[%add3A_738, %broadcast_in_dim3A_740], %gather3A_736 : memref<128x128xf32, #tpu.memory_space<vmem>>[vector<16xi32>, vector<16xi32>], vector<16xf32>,
        %broadcast_in_dim3A_741 = arith.constant 48 : i32
        %broadcast_in_dim3A_742 = vector.broadcast %broadcast_in_dim3A_741 : i32 to vector<16xi32>
        %gather3A_743 = tpu.vector_load_idx %arg9[%shift_right_logical3A_359, %broadcast_in_dim3A_742, %add3A_385] : memref<4x64x256xf32, #tpu.memory_space<vmem>>[vector<16xi32>, vector<16xi32>, vector<16xi32>], vector<16xf32>,
        %broadcast_in_dim3A_744 = vector.broadcast %mul3A_403 : i32 to vector<16xi32>
        %add3A_745 = arith.addi %iota3A, %broadcast_in_dim3A_744 : vector<16xi32>
        %broadcast_in_dim3A_746 = arith.constant 48 : i32
        %broadcast_in_dim3A_747 = vector.broadcast %broadcast_in_dim3A_746 : i32 to vector<16xi32>
        tpu.vector_store_idx %arg13[%add3A_745, %broadcast_in_dim3A_747], %gather3A_743 : memref<128x128xf32, #tpu.memory_space<vmem>>[vector<16xi32>, vector<16xi32>], vector<16xf32>,
        %broadcast_in_dim3A_748 = arith.constant 49 : i32
        %broadcast_in_dim3A_749 = vector.broadcast %broadcast_in_dim3A_748 : i32 to vector<16xi32>
        %gather3A_750 = tpu.vector_load_idx %arg9[%shift_right_logical3A_359, %broadcast_in_dim3A_749, %add3A_385] : memref<4x64x256xf32, #tpu.memory_space<vmem>>[vector<16xi32>, vector<16xi32>, vector<16xi32>], vector<16xf32>,
        %broadcast_in_dim3A_751 = vector.broadcast %mul3A_403 : i32 to vector<16xi32>
        %add3A_752 = arith.addi %iota3A, %broadcast_in_dim3A_751 : vector<16xi32>
        %broadcast_in_dim3A_753 = arith.constant 49 : i32
        %broadcast_in_dim3A_754 = vector.broadcast %broadcast_in_dim3A_753 : i32 to vector<16xi32>
        tpu.vector_store_idx %arg13[%add3A_752, %broadcast_in_dim3A_754], %gather3A_750 : memref<128x128xf32, #tpu.memory_space<vmem>>[vector<16xi32>, vector<16xi32>], vector<16xf32>,
        %broadcast_in_dim3A_755 = arith.constant 50 : i32
        %broadcast_in_dim3A_756 = vector.broadcast %broadcast_in_dim3A_755 : i32 to vector<16xi32>
        %gather3A_757 = tpu.vector_load_idx %arg9[%shift_right_logical3A_359, %broadcast_in_dim3A_756, %add3A_385] : memref<4x64x256xf32, #tpu.memory_space<vmem>>[vector<16xi32>, vector<16xi32>, vector<16xi32>], vector<16xf32>,
        %broadcast_in_dim3A_758 = vector.broadcast %mul3A_403 : i32 to vector<16xi32>
        %add3A_759 = arith.addi %iota3A, %broadcast_in_dim3A_758 : vector<16xi32>
        %broadcast_in_dim3A_760 = arith.constant 50 : i32
        %broadcast_in_dim3A_761 = vector.broadcast %broadcast_in_dim3A_760 : i32 to vector<16xi32>
        tpu.vector_store_idx %arg13[%add3A_759, %broadcast_in_dim3A_761], %gather3A_757 : memref<128x128xf32, #tpu.memory_space<vmem>>[vector<16xi32>, vector<16xi32>], vector<16xf32>,
        %broadcast_in_dim3A_762 = arith.constant 51 : i32
        %broadcast_in_dim3A_763 = vector.broadcast %broadcast_in_dim3A_762 : i32 to vector<16xi32>
        %gather3A_764 = tpu.vector_load_idx %arg9[%shift_right_logical3A_359, %broadcast_in_dim3A_763, %add3A_385] : memref<4x64x256xf32, #tpu.memory_space<vmem>>[vector<16xi32>, vector<16xi32>, vector<16xi32>], vector<16xf32>,
        %broadcast_in_dim3A_765 = vector.broadcast %mul3A_403 : i32 to vector<16xi32>
        %add3A_766 = arith.addi %iota3A, %broadcast_in_dim3A_765 : vector<16xi32>
        %broadcast_in_dim3A_767 = arith.constant 51 : i32
        %broadcast_in_dim3A_768 = vector.broadcast %broadcast_in_dim3A_767 : i32 to vector<16xi32>
        tpu.vector_store_idx %arg13[%add3A_766, %broadcast_in_dim3A_768], %gather3A_764 : memref<128x128xf32, #tpu.memory_space<vmem>>[vector<16xi32>, vector<16xi32>], vector<16xf32>,
        %broadcast_in_dim3A_769 = arith.constant 52 : i32
        %broadcast_in_dim3A_770 = vector.broadcast %broadcast_in_dim3A_769 : i32 to vector<16xi32>
        %gather3A_771 = tpu.vector_load_idx %arg9[%shift_right_logical3A_359, %broadcast_in_dim3A_770, %add3A_385] : memref<4x64x256xf32, #tpu.memory_space<vmem>>[vector<16xi32>, vector<16xi32>, vector<16xi32>], vector<16xf32>,
        %broadcast_in_dim3A_772 = vector.broadcast %mul3A_403 : i32 to vector<16xi32>
        %add3A_773 = arith.addi %iota3A, %broadcast_in_dim3A_772 : vector<16xi32>
        %broadcast_in_dim3A_774 = arith.constant 52 : i32
        %broadcast_in_dim3A_775 = vector.broadcast %broadcast_in_dim3A_774 : i32 to vector<16xi32>
        tpu.vector_store_idx %arg13[%add3A_773, %broadcast_in_dim3A_775], %gather3A_771 : memref<128x128xf32, #tpu.memory_space<vmem>>[vector<16xi32>, vector<16xi32>], vector<16xf32>,
        %broadcast_in_dim3A_776 = arith.constant 53 : i32
        %broadcast_in_dim3A_777 = vector.broadcast %broadcast_in_dim3A_776 : i32 to vector<16xi32>
        %gather3A_778 = tpu.vector_load_idx %arg9[%shift_right_logical3A_359, %broadcast_in_dim3A_777, %add3A_385] : memref<4x64x256xf32, #tpu.memory_space<vmem>>[vector<16xi32>, vector<16xi32>, vector<16xi32>], vector<16xf32>,
        %broadcast_in_dim3A_779 = vector.broadcast %mul3A_403 : i32 to vector<16xi32>
        %add3A_780 = arith.addi %iota3A, %broadcast_in_dim3A_779 : vector<16xi32>
        %broadcast_in_dim3A_781 = arith.constant 53 : i32
        %broadcast_in_dim3A_782 = vector.broadcast %broadcast_in_dim3A_781 : i32 to vector<16xi32>
        tpu.vector_store_idx %arg13[%add3A_780, %broadcast_in_dim3A_782], %gather3A_778 : memref<128x128xf32, #tpu.memory_space<vmem>>[vector<16xi32>, vector<16xi32>], vector<16xf32>,
        %broadcast_in_dim3A_783 = arith.constant 54 : i32
        %broadcast_in_dim3A_784 = vector.broadcast %broadcast_in_dim3A_783 : i32 to vector<16xi32>
        %gather3A_785 = tpu.vector_load_idx %arg9[%shift_right_logical3A_359, %broadcast_in_dim3A_784, %add3A_385] : memref<4x64x256xf32, #tpu.memory_space<vmem>>[vector<16xi32>, vector<16xi32>, vector<16xi32>], vector<16xf32>,
        %broadcast_in_dim3A_786 = vector.broadcast %mul3A_403 : i32 to vector<16xi32>
        %add3A_787 = arith.addi %iota3A, %broadcast_in_dim3A_786 : vector<16xi32>
        %broadcast_in_dim3A_788 = arith.constant 54 : i32
        %broadcast_in_dim3A_789 = vector.broadcast %broadcast_in_dim3A_788 : i32 to vector<16xi32>
        tpu.vector_store_idx %arg13[%add3A_787, %broadcast_in_dim3A_789], %gather3A_785 : memref<128x128xf32, #tpu.memory_space<vmem>>[vector<16xi32>, vector<16xi32>], vector<16xf32>,
        %broadcast_in_dim3A_790 = arith.constant 55 : i32
        %broadcast_in_dim3A_791 = vector.broadcast %broadcast_in_dim3A_790 : i32 to vector<16xi32>
        %gather3A_792 = tpu.vector_load_idx %arg9[%shift_right_logical3A_359, %broadcast_in_dim3A_791, %add3A_385] : memref<4x64x256xf32, #tpu.memory_space<vmem>>[vector<16xi32>, vector<16xi32>, vector<16xi32>], vector<16xf32>,
        %broadcast_in_dim3A_793 = vector.broadcast %mul3A_403 : i32 to vector<16xi32>
        %add3A_794 = arith.addi %iota3A, %broadcast_in_dim3A_793 : vector<16xi32>
        %broadcast_in_dim3A_795 = arith.constant 55 : i32
        %broadcast_in_dim3A_796 = vector.broadcast %broadcast_in_dim3A_795 : i32 to vector<16xi32>
        tpu.vector_store_idx %arg13[%add3A_794, %broadcast_in_dim3A_796], %gather3A_792 : memref<128x128xf32, #tpu.memory_space<vmem>>[vector<16xi32>, vector<16xi32>], vector<16xf32>,
        %broadcast_in_dim3A_797 = arith.constant 56 : i32
        %broadcast_in_dim3A_798 = vector.broadcast %broadcast_in_dim3A_797 : i32 to vector<16xi32>
        %gather3A_799 = tpu.vector_load_idx %arg9[%shift_right_logical3A_359, %broadcast_in_dim3A_798, %add3A_385] : memref<4x64x256xf32, #tpu.memory_space<vmem>>[vector<16xi32>, vector<16xi32>, vector<16xi32>], vector<16xf32>,
        %broadcast_in_dim3A_800 = vector.broadcast %mul3A_403 : i32 to vector<16xi32>
        %add3A_801 = arith.addi %iota3A, %broadcast_in_dim3A_800 : vector<16xi32>
        %broadcast_in_dim3A_802 = arith.constant 56 : i32
        %broadcast_in_dim3A_803 = vector.broadcast %broadcast_in_dim3A_802 : i32 to vector<16xi32>
        tpu.vector_store_idx %arg13[%add3A_801, %broadcast_in_dim3A_803], %gather3A_799 : memref<128x128xf32, #tpu.memory_space<vmem>>[vector<16xi32>, vector<16xi32>], vector<16xf32>,
        %broadcast_in_dim3A_804 = arith.constant 57 : i32
        %broadcast_in_dim3A_805 = vector.broadcast %broadcast_in_dim3A_804 : i32 to vector<16xi32>
        %gather3A_806 = tpu.vector_load_idx %arg9[%shift_right_logical3A_359, %broadcast_in_dim3A_805, %add3A_385] : memref<4x64x256xf32, #tpu.memory_space<vmem>>[vector<16xi32>, vector<16xi32>, vector<16xi32>], vector<16xf32>,
        %broadcast_in_dim3A_807 = vector.broadcast %mul3A_403 : i32 to vector<16xi32>
        %add3A_808 = arith.addi %iota3A, %broadcast_in_dim3A_807 : vector<16xi32>
        %broadcast_in_dim3A_809 = arith.constant 57 : i32
        %broadcast_in_dim3A_810 = vector.broadcast %broadcast_in_dim3A_809 : i32 to vector<16xi32>
        tpu.vector_store_idx %arg13[%add3A_808, %broadcast_in_dim3A_810], %gather3A_806 : memref<128x128xf32, #tpu.memory_space<vmem>>[vector<16xi32>, vector<16xi32>], vector<16xf32>,
        %broadcast_in_dim3A_811 = arith.constant 58 : i32
        %broadcast_in_dim3A_812 = vector.broadcast %broadcast_in_dim3A_811 : i32 to vector<16xi32>
        %gather3A_813 = tpu.vector_load_idx %arg9[%shift_right_logical3A_359, %broadcast_in_dim3A_812, %add3A_385] : memref<4x64x256xf32, #tpu.memory_space<vmem>>[vector<16xi32>, vector<16xi32>, vector<16xi32>], vector<16xf32>,
        %broadcast_in_dim3A_814 = vector.broadcast %mul3A_403 : i32 to vector<16xi32>
        %add3A_815 = arith.addi %iota3A, %broadcast_in_dim3A_814 : vector<16xi32>
        %broadcast_in_dim3A_816 = arith.constant 58 : i32
        %broadcast_in_dim3A_817 = vector.broadcast %broadcast_in_dim3A_816 : i32 to vector<16xi32>
        tpu.vector_store_idx %arg13[%add3A_815, %broadcast_in_dim3A_817], %gather3A_813 : memref<128x128xf32, #tpu.memory_space<vmem>>[vector<16xi32>, vector<16xi32>], vector<16xf32>,
        %broadcast_in_dim3A_818 = arith.constant 59 : i32
        %broadcast_in_dim3A_819 = vector.broadcast %broadcast_in_dim3A_818 : i32 to vector<16xi32>
        %gather3A_820 = tpu.vector_load_idx %arg9[%shift_right_logical3A_359, %broadcast_in_dim3A_819, %add3A_385] : memref<4x64x256xf32, #tpu.memory_space<vmem>>[vector<16xi32>, vector<16xi32>, vector<16xi32>], vector<16xf32>,
        %broadcast_in_dim3A_821 = vector.broadcast %mul3A_403 : i32 to vector<16xi32>
        %add3A_822 = arith.addi %iota3A, %broadcast_in_dim3A_821 : vector<16xi32>
        %broadcast_in_dim3A_823 = arith.constant 59 : i32
        %broadcast_in_dim3A_824 = vector.broadcast %broadcast_in_dim3A_823 : i32 to vector<16xi32>
        tpu.vector_store_idx %arg13[%add3A_822, %broadcast_in_dim3A_824], %gather3A_820 : memref<128x128xf32, #tpu.memory_space<vmem>>[vector<16xi32>, vector<16xi32>], vector<16xf32>,
        %broadcast_in_dim3A_825 = arith.constant 60 : i32
        %broadcast_in_dim3A_826 = vector.broadcast %broadcast_in_dim3A_825 : i32 to vector<16xi32>
        %gather3A_827 = tpu.vector_load_idx %arg9[%shift_right_logical3A_359, %broadcast_in_dim3A_826, %add3A_385] : memref<4x64x256xf32, #tpu.memory_space<vmem>>[vector<16xi32>, vector<16xi32>, vector<16xi32>], vector<16xf32>,
        %broadcast_in_dim3A_828 = vector.broadcast %mul3A_403 : i32 to vector<16xi32>
        %add3A_829 = arith.addi %iota3A, %broadcast_in_dim3A_828 : vector<16xi32>
        %broadcast_in_dim3A_830 = arith.constant 60 : i32
        %broadcast_in_dim3A_831 = vector.broadcast %broadcast_in_dim3A_830 : i32 to vector<16xi32>
        tpu.vector_store_idx %arg13[%add3A_829, %broadcast_in_dim3A_831], %gather3A_827 : memref<128x128xf32, #tpu.memory_space<vmem>>[vector<16xi32>, vector<16xi32>], vector<16xf32>,
        %broadcast_in_dim3A_832 = arith.constant 61 : i32
        %broadcast_in_dim3A_833 = vector.broadcast %broadcast_in_dim3A_832 : i32 to vector<16xi32>
        %gather3A_834 = tpu.vector_load_idx %arg9[%shift_right_logical3A_359, %broadcast_in_dim3A_833, %add3A_385] : memref<4x64x256xf32, #tpu.memory_space<vmem>>[vector<16xi32>, vector<16xi32>, vector<16xi32>], vector<16xf32>,
        %broadcast_in_dim3A_835 = vector.broadcast %mul3A_403 : i32 to vector<16xi32>
        %add3A_836 = arith.addi %iota3A, %broadcast_in_dim3A_835 : vector<16xi32>
        %broadcast_in_dim3A_837 = arith.constant 61 : i32
        %broadcast_in_dim3A_838 = vector.broadcast %broadcast_in_dim3A_837 : i32 to vector<16xi32>
        tpu.vector_store_idx %arg13[%add3A_836, %broadcast_in_dim3A_838], %gather3A_834 : memref<128x128xf32, #tpu.memory_space<vmem>>[vector<16xi32>, vector<16xi32>], vector<16xf32>,
        %broadcast_in_dim3A_839 = arith.constant 62 : i32
        %broadcast_in_dim3A_840 = vector.broadcast %broadcast_in_dim3A_839 : i32 to vector<16xi32>
        %gather3A_841 = tpu.vector_load_idx %arg9[%shift_right_logical3A_359, %broadcast_in_dim3A_840, %add3A_385] : memref<4x64x256xf32, #tpu.memory_space<vmem>>[vector<16xi32>, vector<16xi32>, vector<16xi32>], vector<16xf32>,
        %broadcast_in_dim3A_842 = vector.broadcast %mul3A_403 : i32 to vector<16xi32>
        %add3A_843 = arith.addi %iota3A, %broadcast_in_dim3A_842 : vector<16xi32>
        %broadcast_in_dim3A_844 = arith.constant 62 : i32
        %broadcast_in_dim3A_845 = vector.broadcast %broadcast_in_dim3A_844 : i32 to vector<16xi32>
        tpu.vector_store_idx %arg13[%add3A_843, %broadcast_in_dim3A_845], %gather3A_841 : memref<128x128xf32, #tpu.memory_space<vmem>>[vector<16xi32>, vector<16xi32>], vector<16xf32>,
        %broadcast_in_dim3A_846 = arith.constant 63 : i32
        %broadcast_in_dim3A_847 = vector.broadcast %broadcast_in_dim3A_846 : i32 to vector<16xi32>
        %gather3A_848 = tpu.vector_load_idx %arg9[%shift_right_logical3A_359, %broadcast_in_dim3A_847, %add3A_385] : memref<4x64x256xf32, #tpu.memory_space<vmem>>[vector<16xi32>, vector<16xi32>, vector<16xi32>], vector<16xf32>,
        %broadcast_in_dim3A_849 = vector.broadcast %mul3A_403 : i32 to vector<16xi32>
        %add3A_850 = arith.addi %iota3A, %broadcast_in_dim3A_849 : vector<16xi32>
        %broadcast_in_dim3A_851 = arith.constant 63 : i32
        %broadcast_in_dim3A_852 = vector.broadcast %broadcast_in_dim3A_851 : i32 to vector<16xi32>
        tpu.vector_store_idx %arg13[%add3A_850, %broadcast_in_dim3A_852], %gather3A_848 : memref<128x128xf32, #tpu.memory_space<vmem>>[vector<16xi32>, vector<16xi32>], vector<16xf32>,
        %jit3A_853 = arith.constant 8 : i32
        %eq3A_854 = arith.constant 0 : i32
        %eq3A_855 = arith.cmpi eq, %jit3A_853, %eq3A_854 : i32
        %jit3A_856 = arith.constant 1 : i32
        %select_n3A_857 = arith.select %eq3A_855, %jit3A_856, %jit3A_853 : i32
        %rem3A_858 = arith.remsi %while3A_342, %select_n3A_857 : i32
        %ne3A_859 = arith.constant 0 : i32
        %ne3A_860 = arith.cmpi ne, %rem3A_858, %ne3A_859 : i32
        %lt3A_861 = arith.constant 0 : i32
        %lt3A_862 = arith.cmpi slt, %rem3A_858, %lt3A_861 : i32
        %lt3A_863 = arith.constant 0 : i32
        %lt3A_864 = arith.cmpi slt, %select_n3A_857, %lt3A_863 : i32
        %ne3A_865 = arith.xori %lt3A_862, %lt3A_864 : i1
        %and3A_866 = arith.andi %ne3A_865, %ne3A_860 : i1
        %add3A_867 = arith.addi %rem3A_858, %select_n3A_857 : i32
        %select_n3A_868 = arith.select %and3A_866, %add3A_867, %rem3A_858 : i32
        %eq3A_869 = arith.constant 7 : i32
        %eq3A_870 = arith.cmpi eq, %select_n3A_868, %eq3A_869 : i32
        %convert_element_type3A_871 = arith.extui %eq3A_870 : i1 to i32
        %cond3A_872 = arith.constant 0 : i32
        %cond3A_873 = arith.cmpi ne, %convert_element_type3A_871, %cond3A_872 : i32
        scf.if %cond3A_873 {
          %dma_start3A_876 = arith.constant 0 : i32
          %dma_start3A_877 = arith.constant 0 : i32
          %dma_start3A_878 = tpu.memref_slice %arg12[%dma_start3A_876, %dma_start3A_877] : memref<1x128xi32, #tpu.memory_space<vmem>> -> memref<1x128xi32, #tpu.memory_space<vmem>>
          %dma_start3A_879 = tpu.memref_squeeze %dma_start3A_878 : memref<1x128xi32, #tpu.memory_space<vmem>> -> memref<128xi32, #tpu.memory_space<vmem>>
          %dma_start3A_880 = arith.constant 0 : i32
          %dma_start3A_881 = arith.constant 0 : i32
          %dma_start3A_882 = tpu.memref_slice %arg5[%dma_start3A_880, %dma_start3A_881] : memref<106512x128xf32, #tpu.memory_space<hbm>> -> memref<106512x128xf32, #tpu.memory_space<hbm>>
          tpu.enqueue_indirect_dma source(%arg13 : memref<128x128xf32, #tpu.memory_space<vmem>>) target(%dma_start3A_882 : memref<106512x128xf32, #tpu.memory_space<hbm>>) offsets(%dma_start3A_879 : memref<128xi32, #tpu.memory_space<vmem>>) semaphore(%arg15 : memref<!tpu.dma_semaphore, #tpu.memory_space<semaphore_mem>>)
          %dma_wait3A_883 = arith.constant 0 : i32
          %dma_wait3A_884 = arith.constant 0 : i32
          %dma_wait3A_885 = tpu.memref_slice %arg12[%dma_wait3A_883, %dma_wait3A_884] : memref<1x128xi32, #tpu.memory_space<vmem>> -> memref<1x128xi32, #tpu.memory_space<vmem>>
          %dma_wait3A_886 = tpu.memref_squeeze %dma_wait3A_885 : memref<1x128xi32, #tpu.memory_space<vmem>> -> memref<128xi32, #tpu.memory_space<vmem>>
          %dma_wait3A_887 = arith.constant 0 : i32
          %dma_wait3A_888 = arith.constant 0 : i32
          %dma_wait3A_889 = tpu.memref_slice %arg5[%dma_wait3A_887, %dma_wait3A_888] : memref<106512x128xf32, #tpu.memory_space<hbm>> -> memref<106512x128xf32, #tpu.memory_space<hbm>>
          tpu.wait_indirect_dma semaphore(%arg15 : memref<!tpu.dma_semaphore, #tpu.memory_space<semaphore_mem>>) src(%arg13 : memref<128x128xf32, #tpu.memory_space<vmem>>) dst(%dma_wait3A_889 : memref<106512x128xf32, #tpu.memory_space<hbm>>)
        } else {
        }
        %add3A_874 = arith.constant 1 : i32
        %add3A_875 = arith.addi %while3A_342, %add3A_874 : i32
        scf.yield %add3A_875 : i32
      }
      scf.yield %while3A_340 : i32
    }
    %dma_start3A = arith.constant 0 : i32
    %dma_start3A_134 = arith.constant 0 : i32
    %dma_start3A_135 = tpu.memref_slice %arg12[%dma_start3A, %dma_start3A_134] : memref<1x128xi32, #tpu.memory_space<vmem>> -> memref<1x128xi32, #tpu.memory_space<vmem>>
    %dma_start3A_136 = tpu.memref_squeeze %dma_start3A_135 : memref<1x128xi32, #tpu.memory_space<vmem>> -> memref<128xi32, #tpu.memory_space<vmem>>
    %dma_start3A_137 = arith.constant 0 : i32
    %dma_start3A_138 = arith.constant 0 : i32
    %dma_start3A_139 = tpu.memref_slice %arg5[%dma_start3A_137, %dma_start3A_138] : memref<106512x128xf32, #tpu.memory_space<hbm>> -> memref<106512x128xf32, #tpu.memory_space<hbm>>
    tpu.enqueue_indirect_dma source(%arg13 : memref<128x128xf32, #tpu.memory_space<vmem>>) target(%dma_start3A_139 : memref<106512x128xf32, #tpu.memory_space<hbm>>) offsets(%dma_start3A_136 : memref<128xi32, #tpu.memory_space<vmem>>) semaphore(%arg15 : memref<!tpu.dma_semaphore, #tpu.memory_space<semaphore_mem>>)
    %dma_wait3A = arith.constant 0 : i32
    %dma_wait3A_140 = arith.constant 0 : i32
    %dma_wait3A_141 = tpu.memref_slice %arg12[%dma_wait3A, %dma_wait3A_140] : memref<1x128xi32, #tpu.memory_space<vmem>> -> memref<1x128xi32, #tpu.memory_space<vmem>>
    %dma_wait3A_142 = tpu.memref_squeeze %dma_wait3A_141 : memref<1x128xi32, #tpu.memory_space<vmem>> -> memref<128xi32, #tpu.memory_space<vmem>>
    %dma_wait3A_143 = arith.constant 0 : i32
    %dma_wait3A_144 = arith.constant 0 : i32
    %dma_wait3A_145 = tpu.memref_slice %arg5[%dma_wait3A_143, %dma_wait3A_144] : memref<106512x128xf32, #tpu.memory_space<hbm>> -> memref<106512x128xf32, #tpu.memory_space<hbm>>
    tpu.wait_indirect_dma semaphore(%arg15 : memref<!tpu.dma_semaphore, #tpu.memory_space<semaphore_mem>>) src(%arg13 : memref<128x128xf32, #tpu.memory_space<vmem>>) dst(%dma_wait3A_145 : memref<106512x128xf32, #tpu.memory_space<hbm>>)
    return
  }
}

module attributes {stable_mosaic.version = 14 : i64} {
  func.func @_tc_body(%arg0: i32, %arg1: memref<256x16xf32, #tpu.memory_space<vmem>>, %arg2: memref<6656x128xf32, #tpu.memory_space<vmem>>, %arg3: memref<16x512xf32, #tpu.memory_space<vmem>>, %arg4: memref<1x512xf32, #tpu.memory_space<vmem>>, %arg5: memref<512x256xf32, #tpu.memory_space<vmem>>, %arg6: memref<1x256xf32, #tpu.memory_space<vmem>>, %arg7: memref<256x64xf32, #tpu.memory_space<vmem>>, %arg8: memref<1x64xf32, #tpu.memory_space<vmem>>, %arg9: memref<64x512xf32, #tpu.memory_space<vmem>>, %arg10: memref<729x512xf32, #tpu.memory_space<vmem>>, %arg11: memref<1x512xf32, #tpu.memory_space<vmem>>, %arg12: memref<512x512xf32, #tpu.memory_space<vmem>>, %arg13: memref<1x512xf32, #tpu.memory_space<vmem>>, %arg14: memref<512x256xf32, #tpu.memory_space<vmem>>, %arg15: memref<1x256xf32, #tpu.memory_space<vmem>>, %arg16: memref<256x1xf32, #tpu.memory_space<vmem>>, %arg17: memref<1x1xf32, #tpu.memory_space<vmem>>, %arg18: memref<256x1xf32, #tpu.memory_space<vmem>>) attributes {dimension_semantics = [#tpu.dimension_semantics<arbitrary>], iteration_bounds = array<i64: 16>, scalar_prefetch = 0 : i64, scratch_operands = 0 : i64, tpu.core_type = #tpu.core_type<tc>, window_params = [{transform_indices = @transform_0, window_bounds = array<i64: 256, 16>}, {transform_indices = @transform_1, window_bounds = array<i64: 6656, 128>}, {pipeline_mode = #tpu.pipeline_mode<synchronous>, transform_indices = @transform_2, window_bounds = array<i64: 16, 512>}, {pipeline_mode = #tpu.pipeline_mode<synchronous>, transform_indices = @transform_3, window_bounds = array<i64: 1, 512>}, {pipeline_mode = #tpu.pipeline_mode<synchronous>, transform_indices = @transform_4, window_bounds = array<i64: 512, 256>}, {pipeline_mode = #tpu.pipeline_mode<synchronous>, transform_indices = @transform_5, window_bounds = array<i64: 1, 256>}, {pipeline_mode = #tpu.pipeline_mode<synchronous>, transform_indices = @transform_6, window_bounds = array<i64: 256, 64>}, {pipeline_mode = #tpu.pipeline_mode<synchronous>, transform_indices = @transform_7, window_bounds = array<i64: 1, 64>}, {pipeline_mode = #tpu.pipeline_mode<synchronous>, transform_indices = @transform_8, window_bounds = array<i64: 64, 512>}, {pipeline_mode = #tpu.pipeline_mode<synchronous>, transform_indices = @transform_9, window_bounds = array<i64: 729, 512>}, {pipeline_mode = #tpu.pipeline_mode<synchronous>, transform_indices = @transform_10, window_bounds = array<i64: 1, 512>}, {pipeline_mode = #tpu.pipeline_mode<synchronous>, transform_indices = @transform_11, window_bounds = array<i64: 512, 512>}, {pipeline_mode = #tpu.pipeline_mode<synchronous>, transform_indices = @transform_12, window_bounds = array<i64: 1, 512>}, {pipeline_mode = #tpu.pipeline_mode<synchronous>, transform_indices = @transform_13, window_bounds = array<i64: 512, 256>}, {pipeline_mode = #tpu.pipeline_mode<synchronous>, transform_indices = @transform_14, window_bounds = array<i64: 1, 256>}, {pipeline_mode = #tpu.pipeline_mode<synchronous>, transform_indices = @transform_15, window_bounds = array<i64: 256, 1>}, {pipeline_mode = #tpu.pipeline_mode<synchronous>, transform_indices = @transform_16, window_bounds = array<i64: 1, 1>}, {transform_indices = @transform_17, window_bounds = array<i64: 256, 1>}]} {
    %get3A = arith.constant 0 : index
    %get3A_0 = arith.constant 0 : index
    %get3A_1 = vector.load %arg1[%get3A, %get3A_0] : memref<256x16xf32, #tpu.memory_space<vmem>>, vector<256x16xf32>
    %get3A_2 = arith.constant 0 : index
    %get3A_3 = arith.constant 0 : index
    %get3A_4 = vector.load %arg3[%get3A_2, %get3A_3] : memref<16x512xf32, #tpu.memory_space<vmem>>, vector<16x512xf32>
    %dot_general3A = arith.constant dense<0.000000e+00> : vector<256x512xf32>
    %dot_general3A_5 = tpu.matmul %get3A_1, %get3A_4, %dot_general3A {dimension_numbers = #tpu.dot_dimension_numbers<[1], [0], [0], [1], [0, 0, 1, 1], [], []>, transpose_lhs_hint = false} : vector<256x16xf32>, vector<16x512xf32>, vector<256x512xf32> -> vector<256x512xf32>
    %get3A_6 = arith.constant 0 : index
    %get3A_7 = arith.constant 0 : index
    %get3A_8 = vector.load %arg4[%get3A_6, %get3A_7] : memref<1x512xf32, #tpu.memory_space<vmem>>, vector<1x512xf32>
    %add3A = vector.broadcast %get3A_8 : vector<1x512xf32> to vector<256x512xf32>
    %add3A_9 = arith.addf %dot_general3A_5, %add3A : vector<256x512xf32>
    %max3A = arith.constant 0.000000e+00 : f32
    %max3A_10 = vector.broadcast %max3A : f32 to vector<256x512xf32>
    %max3A_11 = arith.maximumf %add3A_9, %max3A_10 : vector<256x512xf32>
    %get3A_12 = arith.constant 0 : index
    %get3A_13 = arith.constant 0 : index
    %get3A_14 = vector.load %arg5[%get3A_12, %get3A_13] : memref<512x256xf32, #tpu.memory_space<vmem>>, vector<512x256xf32>
    %dot_general3A_15 = arith.constant dense<0.000000e+00> : vector<256x256xf32>
    %dot_general3A_16 = tpu.matmul %max3A_11, %get3A_14, %dot_general3A_15 {dimension_numbers = #tpu.dot_dimension_numbers<[1], [0], [0], [1], [0, 0, 1, 1], [], []>, transpose_lhs_hint = false} : vector<256x512xf32>, vector<512x256xf32>, vector<256x256xf32> -> vector<256x256xf32>
    %get3A_17 = arith.constant 0 : index
    %get3A_18 = arith.constant 0 : index
    %get3A_19 = vector.load %arg6[%get3A_17, %get3A_18] : memref<1x256xf32, #tpu.memory_space<vmem>>, vector<1x256xf32>
    %add3A_20 = vector.broadcast %get3A_19 : vector<1x256xf32> to vector<256x256xf32>
    %add3A_21 = arith.addf %dot_general3A_16, %add3A_20 : vector<256x256xf32>
    %max3A_22 = arith.constant 0.000000e+00 : f32
    %max3A_23 = vector.broadcast %max3A_22 : f32 to vector<256x256xf32>
    %max3A_24 = arith.maximumf %add3A_21, %max3A_23 : vector<256x256xf32>
    %get3A_25 = arith.constant 0 : index
    %get3A_26 = arith.constant 0 : index
    %get3A_27 = vector.load %arg7[%get3A_25, %get3A_26] : memref<256x64xf32, #tpu.memory_space<vmem>>, vector<256x64xf32>
    %dot_general3A_28 = arith.constant dense<0.000000e+00> : vector<256x64xf32>
    %dot_general3A_29 = tpu.matmul %max3A_24, %get3A_27, %dot_general3A_28 {dimension_numbers = #tpu.dot_dimension_numbers<[1], [0], [0], [1], [0, 0, 1, 1], [], []>, transpose_lhs_hint = false} : vector<256x256xf32>, vector<256x64xf32>, vector<256x64xf32> -> vector<256x64xf32>
    %get3A_30 = arith.constant 0 : index
    %get3A_31 = arith.constant 0 : index
    %get3A_32 = vector.load %arg8[%get3A_30, %get3A_31] : memref<1x64xf32, #tpu.memory_space<vmem>>, vector<1x64xf32>
    %add3A_33 = vector.broadcast %get3A_32 : vector<1x64xf32> to vector<256x64xf32>
    %add3A_34 = arith.addf %dot_general3A_29, %add3A_33 : vector<256x64xf32>
    %max3A_35 = arith.constant 0.000000e+00 : f32
    %max3A_36 = vector.broadcast %max3A_35 : f32 to vector<256x64xf32>
    %max3A_37 = arith.maximumf %add3A_34, %max3A_36 : vector<256x64xf32>
    %get3A_38 = arith.constant 0 : index
    %get3A_39 = arith.constant 0 : index
    %get3A_40 = vector.load %arg2[%get3A_38, %get3A_39] : memref<6656x128xf32, #tpu.memory_space<vmem>>, vector<6656x128xf32>
    %reshape3A = vector.shape_cast %get3A_40 : vector<6656x128xf32> to vector<256x26x128xf32>
    %slice3A = vector.extract_strided_slice %reshape3A {offsets = [0, 0, 0], sizes = [256, 26, 64], strides = [1, 1, 1]} : vector<256x26x128xf32> to vector<256x26x64xf32>
    %broadcast_in_dim3A = vector.shape_cast %max3A_37 : vector<256x64xf32> to vector<256x1x64xf32>
    %concatenate3A = tpu.concatenate %broadcast_in_dim3A, %slice3A in 1 : vector<256x1x64xf32>, vector<256x26x64xf32> -> vector<256x27x64xf32>
    %dot_general3A_41 = arith.constant dense<0.000000e+00> : vector<256x27x27xf32>
    %dot_general3A_42 = tpu.matmul %concatenate3A, %concatenate3A, %dot_general3A_41 {dimension_numbers = #tpu.dot_dimension_numbers<[2], [2], [1], [1], [0, 0, 0, 1, 1, 1], [0], [0]>, transpose_lhs_hint = false} : vector<256x27x64xf32>, vector<256x27x64xf32>, vector<256x27x27xf32> -> vector<256x27x27xf32>
    %get3A_43 = arith.constant 0 : index
    %get3A_44 = arith.constant 0 : index
    %get3A_45 = vector.load %arg9[%get3A_43, %get3A_44] : memref<64x512xf32, #tpu.memory_space<vmem>>, vector<64x512xf32>
    %dot_general3A_46 = arith.constant dense<0.000000e+00> : vector<256x512xf32>
    %dot_general3A_47 = tpu.matmul %max3A_37, %get3A_45, %dot_general3A_46 {dimension_numbers = #tpu.dot_dimension_numbers<[1], [0], [0], [1], [0, 0, 1, 1], [], []>, transpose_lhs_hint = false} : vector<256x64xf32>, vector<64x512xf32>, vector<256x512xf32> -> vector<256x512xf32>
    %reshape3A_48 = vector.shape_cast %dot_general3A_42 : vector<256x27x27xf32> to vector<256x729xf32>
    %get3A_49 = arith.constant 0 : index
    %get3A_50 = arith.constant 0 : index
    %get3A_51 = vector.load %arg10[%get3A_49, %get3A_50] : memref<729x512xf32, #tpu.memory_space<vmem>>, vector<729x512xf32>
    %dot_general3A_52 = arith.constant dense<0.000000e+00> : vector<256x512xf32>
    %dot_general3A_53 = tpu.matmul %reshape3A_48, %get3A_51, %dot_general3A_52 {dimension_numbers = #tpu.dot_dimension_numbers<[1], [0], [0], [1], [0, 0, 1, 1], [], []>, transpose_lhs_hint = false} : vector<256x729xf32>, vector<729x512xf32>, vector<256x512xf32> -> vector<256x512xf32>
    %add3A_54 = arith.addf %dot_general3A_47, %dot_general3A_53 : vector<256x512xf32>
    %get3A_55 = arith.constant 0 : index
    %get3A_56 = arith.constant 0 : index
    %get3A_57 = vector.load %arg11[%get3A_55, %get3A_56] : memref<1x512xf32, #tpu.memory_space<vmem>>, vector<1x512xf32>
    %add3A_58 = vector.broadcast %get3A_57 : vector<1x512xf32> to vector<256x512xf32>
    %add3A_59 = arith.addf %add3A_54, %add3A_58 : vector<256x512xf32>
    %max3A_60 = arith.constant 0.000000e+00 : f32
    %max3A_61 = vector.broadcast %max3A_60 : f32 to vector<256x512xf32>
    %max3A_62 = arith.maximumf %add3A_59, %max3A_61 : vector<256x512xf32>
    %get3A_63 = arith.constant 0 : index
    %get3A_64 = arith.constant 0 : index
    %get3A_65 = vector.load %arg12[%get3A_63, %get3A_64] : memref<512x512xf32, #tpu.memory_space<vmem>>, vector<512x512xf32>
    %dot_general3A_66 = arith.constant dense<0.000000e+00> : vector<256x512xf32>
    %dot_general3A_67 = tpu.matmul %max3A_62, %get3A_65, %dot_general3A_66 {dimension_numbers = #tpu.dot_dimension_numbers<[1], [0], [0], [1], [0, 0, 1, 1], [], []>, transpose_lhs_hint = false} : vector<256x512xf32>, vector<512x512xf32>, vector<256x512xf32> -> vector<256x512xf32>
    %get3A_68 = arith.constant 0 : index
    %get3A_69 = arith.constant 0 : index
    %get3A_70 = vector.load %arg13[%get3A_68, %get3A_69] : memref<1x512xf32, #tpu.memory_space<vmem>>, vector<1x512xf32>
    %add3A_71 = vector.broadcast %get3A_70 : vector<1x512xf32> to vector<256x512xf32>
    %add3A_72 = arith.addf %dot_general3A_67, %add3A_71 : vector<256x512xf32>
    %max3A_73 = arith.constant 0.000000e+00 : f32
    %max3A_74 = vector.broadcast %max3A_73 : f32 to vector<256x512xf32>
    %max3A_75 = arith.maximumf %add3A_72, %max3A_74 : vector<256x512xf32>
    %get3A_76 = arith.constant 0 : index
    %get3A_77 = arith.constant 0 : index
    %get3A_78 = vector.load %arg14[%get3A_76, %get3A_77] : memref<512x256xf32, #tpu.memory_space<vmem>>, vector<512x256xf32>
    %dot_general3A_79 = arith.constant dense<0.000000e+00> : vector<256x256xf32>
    %dot_general3A_80 = tpu.matmul %max3A_75, %get3A_78, %dot_general3A_79 {dimension_numbers = #tpu.dot_dimension_numbers<[1], [0], [0], [1], [0, 0, 1, 1], [], []>, transpose_lhs_hint = false} : vector<256x512xf32>, vector<512x256xf32>, vector<256x256xf32> -> vector<256x256xf32>
    %get3A_81 = arith.constant 0 : index
    %get3A_82 = arith.constant 0 : index
    %get3A_83 = vector.load %arg15[%get3A_81, %get3A_82] : memref<1x256xf32, #tpu.memory_space<vmem>>, vector<1x256xf32>
    %add3A_84 = vector.broadcast %get3A_83 : vector<1x256xf32> to vector<256x256xf32>
    %add3A_85 = arith.addf %dot_general3A_80, %add3A_84 : vector<256x256xf32>
    %max3A_86 = arith.constant 0.000000e+00 : f32
    %max3A_87 = vector.broadcast %max3A_86 : f32 to vector<256x256xf32>
    %max3A_88 = arith.maximumf %add3A_85, %max3A_87 : vector<256x256xf32>
    %get3A_89 = arith.constant 0 : index
    %get3A_90 = arith.constant 0 : index
    %get3A_91 = vector.load %arg16[%get3A_89, %get3A_90] : memref<256x1xf32, #tpu.memory_space<vmem>>, vector<256x1xf32>
    %dot_general3A_92 = arith.constant dense<0.000000e+00> : vector<256x1xf32>
    %dot_general3A_93 = tpu.matmul %max3A_88, %get3A_91, %dot_general3A_92 {dimension_numbers = #tpu.dot_dimension_numbers<[1], [0], [0], [1], [0, 0, 1, 1], [], []>, transpose_lhs_hint = false} : vector<256x256xf32>, vector<256x1xf32>, vector<256x1xf32> -> vector<256x1xf32>
    %get3A_94 = arith.constant 0 : index
    %get3A_95 = arith.constant 0 : index
    %get3A_96 = vector.load %arg17[%get3A_94, %get3A_95] : memref<1x1xf32, #tpu.memory_space<vmem>>, vector<1x1xf32>
    %add3A_97 = vector.broadcast %get3A_96 : vector<1x1xf32> to vector<256x1xf32>
    %add3A_98 = arith.addf %dot_general3A_93, %add3A_97 : vector<256x1xf32>
    %swap3A = arith.constant 0 : index
    %swap3A_99 = arith.constant 0 : index
    %swap3A_100 = vector.load %arg18[%swap3A, %swap3A_99] : memref<256x1xf32, #tpu.memory_space<vmem>>, vector<256x1xf32>
    tpu.vector_store %arg18[%swap3A, %swap3A_99], %add3A_98 {strides = array<i32>} : memref<256x1xf32, #tpu.memory_space<vmem>>, vector<256x1xf32>,
    return
  }
  func.func @transform_0(%arg0: i32) -> (i32, i32) {
    %c0_i32 = arith.constant 0 : i32
    %c0_i32_0 = arith.constant 0 : i32
    return %arg0, %c0_i32 : i32, i32
  }
  func.func @transform_1(%arg0: i32) -> (i32, i32) {
    %c0_i32 = arith.constant 0 : i32
    %c0_i32_0 = arith.constant 0 : i32
    return %arg0, %c0_i32 : i32, i32
  }
  func.func @transform_2(%arg0: i32) -> (i32, i32) {
    %c0_i32 = arith.constant 0 : i32
    %c0_i32_0 = arith.constant 0 : i32
    %c0_i32_1 = arith.constant 0 : i32
    return %c0_i32, %c0_i32_0 : i32, i32
  }
  func.func @transform_3(%arg0: i32) -> (i32, i32) {
    %c0_i32 = arith.constant 0 : i32
    %c0_i32_0 = arith.constant 0 : i32
    %c0_i32_1 = arith.constant 0 : i32
    return %c0_i32, %c0_i32_0 : i32, i32
  }
  func.func @transform_4(%arg0: i32) -> (i32, i32) {
    %c0_i32 = arith.constant 0 : i32
    %c0_i32_0 = arith.constant 0 : i32
    %c0_i32_1 = arith.constant 0 : i32
    return %c0_i32, %c0_i32_0 : i32, i32
  }
  func.func @transform_5(%arg0: i32) -> (i32, i32) {
    %c0_i32 = arith.constant 0 : i32
    %c0_i32_0 = arith.constant 0 : i32
    %c0_i32_1 = arith.constant 0 : i32
    return %c0_i32, %c0_i32_0 : i32, i32
  }
  func.func @transform_6(%arg0: i32) -> (i32, i32) {
    %c0_i32 = arith.constant 0 : i32
    %c0_i32_0 = arith.constant 0 : i32
    %c0_i32_1 = arith.constant 0 : i32
    return %c0_i32, %c0_i32_0 : i32, i32
  }
  func.func @transform_7(%arg0: i32) -> (i32, i32) {
    %c0_i32 = arith.constant 0 : i32
    %c0_i32_0 = arith.constant 0 : i32
    %c0_i32_1 = arith.constant 0 : i32
    return %c0_i32, %c0_i32_0 : i32, i32
  }
  func.func @transform_8(%arg0: i32) -> (i32, i32) {
    %c0_i32 = arith.constant 0 : i32
    %c0_i32_0 = arith.constant 0 : i32
    %c0_i32_1 = arith.constant 0 : i32
    return %c0_i32, %c0_i32_0 : i32, i32
  }
  func.func @transform_9(%arg0: i32) -> (i32, i32) {
    %c0_i32 = arith.constant 0 : i32
    %c0_i32_0 = arith.constant 0 : i32
    %c0_i32_1 = arith.constant 0 : i32
    return %c0_i32, %c0_i32_0 : i32, i32
  }
  func.func @transform_10(%arg0: i32) -> (i32, i32) {
    %c0_i32 = arith.constant 0 : i32
    %c0_i32_0 = arith.constant 0 : i32
    %c0_i32_1 = arith.constant 0 : i32
    return %c0_i32, %c0_i32_0 : i32, i32
  }
  func.func @transform_11(%arg0: i32) -> (i32, i32) {
    %c0_i32 = arith.constant 0 : i32
    %c0_i32_0 = arith.constant 0 : i32
    %c0_i32_1 = arith.constant 0 : i32
    return %c0_i32, %c0_i32_0 : i32, i32
  }
  func.func @transform_12(%arg0: i32) -> (i32, i32) {
    %c0_i32 = arith.constant 0 : i32
    %c0_i32_0 = arith.constant 0 : i32
    %c0_i32_1 = arith.constant 0 : i32
    return %c0_i32, %c0_i32_0 : i32, i32
  }
  func.func @transform_13(%arg0: i32) -> (i32, i32) {
    %c0_i32 = arith.constant 0 : i32
    %c0_i32_0 = arith.constant 0 : i32
    %c0_i32_1 = arith.constant 0 : i32
    return %c0_i32, %c0_i32_0 : i32, i32
  }
  func.func @transform_14(%arg0: i32) -> (i32, i32) {
    %c0_i32 = arith.constant 0 : i32
    %c0_i32_0 = arith.constant 0 : i32
    %c0_i32_1 = arith.constant 0 : i32
    return %c0_i32, %c0_i32_0 : i32, i32
  }
  func.func @transform_15(%arg0: i32) -> (i32, i32) {
    %c0_i32 = arith.constant 0 : i32
    %c0_i32_0 = arith.constant 0 : i32
    %c0_i32_1 = arith.constant 0 : i32
    return %c0_i32, %c0_i32_0 : i32, i32
  }
  func.func @transform_16(%arg0: i32) -> (i32, i32) {
    %c0_i32 = arith.constant 0 : i32
    %c0_i32_0 = arith.constant 0 : i32
    %c0_i32_1 = arith.constant 0 : i32
    return %c0_i32, %c0_i32_0 : i32, i32
  }
  func.func @transform_17(%arg0: i32) -> (i32, i32) {
    %c0_i32 = arith.constant 0 : i32
    %c0_i32_0 = arith.constant 0 : i32
    return %arg0, %c0_i32 : i32, i32
  }
}

</mosaic_0001>

<sc_bundles>
// kernel: kernel.4.cloned.1.call-start
scs
__scs_entry_jumppad:
0x0: {  	(pc) =	sbr.rel $0x88, $3  }
0x1: {  	(tag) =	ssettag $0x0;
	lr =	simm.s32 $0x1  }
0x2: {  	[smem:$0x3F90] =	sst lr;
	_ =	strace $0xD0000000  }
0x3: {  	_ = 	snop  }
0x4: {  	_ = 	snop  }
0x5: {  	_ = 	snop  }
0x6: {  	_ = 	snop  }
0x7: {  	_ = 	snop  }
__scs_overlays_trampoline_lowered:
0x8: {  	[smem:$0x3F9F] =	sst s0  }
0x9: {  	[smem:$0x3FA0] =	sst s1  }
0xa: {  	[smem:$0x3FA1] =	sst s2  }
0xb: {  	[smem:$0x3FA2] =	sst s3  }
0xc: {  	[smem:$0x3FA3] =	sst s4  }
0xd: {  	[smem:$0x3FA4] =	sst s5  }
0xe: {  	[smem:$0x3FA5] =	sst s6  }
0xf: {  	[smem:$0x3FA6] =	sst s7  }
0x10: {  	[smem:$0x3FA7] =	sst s8  }
0x11: {  	[smem:$0x3FA8] =	sst s9;
	s0 =	simm.s32 @!p0 $0x0  }
0x12: {  	s1 =	sld [smem:$0x3F8E];
	s0 =	simm.s32 @p0 $0x1  }
0x13: {  	[smem:$0x3FA9] =	sst s0;
	s0 =	simm.s32 @!p1 $0x0  }
0x14: {  	s2 =	sld [smem:$0x3F8D];
	s0 =	simm.s32 @p1 $0x1  }
0x15: {  	[smem:$0x3FAA] =	sst s0;
	s0 =	simm.s32 @!p2 $0x0  }
0x16: {  	s3 =	sld [smem:$0x3FDB];
	s0 =	simm.s32 @p2 $0x1  }
0x17: {  	s4 =	simm.s32 $0x1BF5;
	[smem:$0x3FAC] =	sst s0  }
0x18: {  	s0 =	sld [smem:$0x3F8F];
	_ =	swait.ge [sflag:s4], $0x0  }
0x19: {  	s7 =	sld [smem:$0x3F90]  }
0x1a: {  	s8 =	sadd.s32 $0xFFFFE003, lr  }
0x1b: {  	s9 =	sadd.s32 $0xFFFFFEF7, lr;
	s5 =	simm.s32 $0xFFFFFFFF;
	p2 =	slt.u32 s8, $0xFFFFF086  }
0x1c: {  	p1 =	slt.u32 s9, $0xF7A;
	s5 =	simm.s32 @!p2 $0x0  }
0x1d: {  	s5 =	simm.s32 @p1 $0x1;
	p0 =	seq.s32 s7, s2  }
0x1e: {  	s7 =	smul.u32 @!p0 $0xF7A, s2;
	p2 =	seq.s32 @!p0 s5, $0x0  }
0x1f: {  	s9 =	smul.u32 $0xF7A, s1;
	s8 =	simm.s32 @!p0 $0x1BF5;
	p2 =	por !p2, p0  }
0x20: {  	[sflag:s8] =	ssyncset.s32 @!p0 $0xFFFFF086;
	s6 =	sadd.s32 @!p0 s3, s7;
	s7 =	simm.s32 @!p0 $0x108  }
0x21: {  	s3 =	sadd.s32 s3, s9;
	s6 =	sadd.s32 @!p0 $0x88, s6;
	s7 =	simm.s32 @p2 $0x1082  }
0x22: {  	[simem:s7], [sflag:s8] =	dma.local @!p0 [hbm:s6], $0xF7A  }
0x23: {  	s9 =	sor.u32 $0xD0000000, s2;
	s6 =	simm.s32 $0x108;
	_ =	swait.ge @!p0 [sflag:s8], $0x0  }
0x24: {  	s3 =	sadd.s32 $0x88, s3;
	s6 =	simm.s32 @!p1 $0x1082;
	[sflag:s4] =	ssyncset.s32 $0xFFFFF086  }
0x25: {  	[simem:s6], [sflag:s4] =	dma.local [hbm:s3], $0xF7A  }
0x26: {  	[smem:$0x3F90] =	sst s1;
	(tag) =	ssettag s2;
	_ =	strace s9  }
0x27: {  	s1 =	sld [smem:$0x3FA0]  }
0x28: {  	s2 =	sld [smem:$0x3FA1]  }
0x29: {  	s4 =	sld [smem:$0x3FA3]  }
0x2a: {  	p0 =	seq.s32 s5, $0x0;
	s5 =	sld [smem:$0x3FA4]  }
0x2b: {  	s6 =	sld [smem:$0x3FA5]  }
0x2c: {  	s7 =	sld [smem:$0x3FA6]  }
0x2d: {  	s3 =	simm.s32 $0x108;
	s8 =	sld [smem:$0x3FA7]  }
0x2e: {  	s3 =	simm.s32 @!p0 $0x1082;
	s9 =	sld [smem:$0x3FA8]  }
0x2f: {  	lr =	sadd.s32 s0, s3;
	s0 =	sld [smem:$0x3F9F]  }
0x30: {  	s3 =	sld [smem:$0x3FA2]  }
0x31: {  	[smem:$0x3FAB] =	sst s10  }
0x32: {  	s10 =	sld [smem:$0x3FA9];
	_ =	sdelay $0x3  }
0x33: {  	p0 =	seq.s32 s10, $0x1;
	s10 =	sld [smem:$0x3FAB];
	_ =	sdelay $0x3  }
0x34: {  	[smem:$0x3FAB] =	sst s10  }
0x35: {  	s10 =	sld [smem:$0x3FAA];
	_ =	sdelay $0x3  }
0x36: {  	p1 =	seq.s32 s10, $0x1;
	s10 =	sld [smem:$0x3FAB];
	_ =	sdelay $0x3  }
0x37: {  	[smem:$0x3FAB] =	sst s10  }
0x38: {  	s10 =	sld [smem:$0x3FAC]  }
0x39: {  	_ = 	snop;
	(pc) =	sbr.ind lr, $3  }
0x3a: {  	_ = 	snop  }
0x3b: {  	_ = 	snop  }
0x3c: {  	p2 =	seq.s32 s10, $0x1;
	s10 =	sld [smem:$0x3FAB]  }
0x3d: {  	_ =	shalt  }
0x3e: {  	_ =	shalt  }
0x3f: {  	_ =	shalt  }
0x40: {  	_ =	shalt  }
0x41: {  	_ =	shalt  }
0x42: {  	_ =	shalt  }
0x43: {  	_ =	shalt  }
0x44: {  	_ =	shalt  }
0x45: {  	_ =	shalt  }
0x46: {  	_ =	shalt  }
0x47: {  	_ =	shalt  }
0x48: {  	_ =	shalt  }
0x49: {  	_ =	shalt  }
0x4a: {  	_ =	shalt  }
0x4b: {  	_ =	shalt  }
0x4c: {  	_ =	shalt  }
0x4d: {  	_ =	shalt  }
0x4e: {  	_ =	shalt  }
0x4f: {  	_ =	shalt  }
0x50: {  	_ =	shalt  }
0x51: {  	_ =	shalt  }
0x52: {  	_ =	shalt  }
0x53: {  	_ =	shalt  }
0x54: {  	_ =	shalt  }
0x55: {  	_ =	shalt  }
0x56: {  	_ =	shalt  }
0x57: {  	_ =	shalt  }
0x58: {  	_ =	shalt  }
0x59: {  	_ =	shalt  }
0x5a: {  	_ =	shalt  }
0x5b: {  	_ =	shalt  }
0x5c: {  	_ =	shalt  }
0x5d: {  	_ =	shalt  }
0x5e: {  	_ =	shalt  }
0x5f: {  	_ =	shalt  }
0x60: {  	_ =	shalt  }
0x61: {  	_ =	shalt  }
0x62: {  	_ =	shalt  }
0x63: {  	_ =	shalt  }
0x64: {  	_ =	shalt  }
0x65: {  	_ =	shalt  }
0x66: {  	_ =	shalt  }
0x67: {  	_ =	shalt  }
0x68: {  	_ =	shalt  }
0x69: {  	_ =	shalt  }
0x6a: {  	_ =	shalt  }
0x6b: {  	_ =	shalt  }
0x6c: {  	_ =	shalt  }
0x6d: {  	_ =	shalt  }
0x6e: {  	_ =	shalt  }
0x6f: {  	_ =	shalt  }
0x70: {  	_ =	shalt  }
0x71: {  	_ =	shalt  }
0x72: {  	_ =	shalt  }
0x73: {  	_ =	shalt  }
0x74: {  	_ =	shalt  }
0x75: {  	_ =	shalt  }
0x76: {  	_ =	shalt  }
0x77: {  	_ =	shalt  }
0x78: {  	_ =	shalt  }
0x79: {  	_ =	shalt  }
0x7a: {  	_ =	shalt  }
0x7b: {  	_ =	shalt  }
0x7c: {  	_ =	shalt  }
0x7d: {  	_ =	shalt  }
0x7e: {  	_ =	shalt  }
0x7f: {  	_ =	shalt  }
0x80: {  	_ =	shalt  }
0x81: {  	_ =	shalt  }
0x82: {  	_ =	shalt  }
0x83: {  	_ =	shalt  }
0x84: {  	_ =	shalt  }
0x85: {  	_ =	shalt  }
0x86: {  	_ =	shalt  }
0x87: {  	_ =	shalt  }
.Lfunc_end0:
.L_simem_size_0:
called_computation_lowered:
.L_overlay_start_0:
0x88: {  	s2 =	sld [smem:$0x3FD9]  }
0x89: {  	s3 =	sld [smem:$0x3FFE];
	_ =	sdelay $0x1  }
0x8a: {  	s1 =	srdreg.scid  }
0x8b: {  	s0 =	sand.u32 $0x1, s1  }
0x8c: {  	s17 =	sshll.u32 s0, $0xA;
	s2 =	sadd.s32 s3, s2  }
0x8d: {  	s2 =	sadd.s32 s2, s17  }
0x8e: {  	[smem:$0x3FB7] =	sst s2  }
0x8f: {  	_ = 	snop  }
0x90: {  	s2 =	sld [smem:$0x3FC7];
	(tm) =	ssettm $0x1  }
0x91: {  	s18 =	sld [smem:$0x3FFB];
	_ =	sdelay $0x3  }
0x92: {  	_ =	strace s18  }
0x93: {  	s3 =	sld [smem:$0x3FFC];
	_ =	sdelay $0x3  }
0x94: {  	_ =	strace s3  }
0x95: {  	s3 =	sld [smem:$0x3FFD];
	_ =	sdelay $0x3  }
0x96: {  	_ =	strace s3  }
0x97: {  	_ =	strace $0x8FFFFFFF  }
0x98: {  	s19 =	sld [smem:$0x3FDB];
	_ =	sdelay $0x1  }
0x99: {  	s4 =	simm.s32 $_scs_section_size  }
0x9a: {  	s5 =	simm.s32 $_size__tile_overlayer_lowered;
	s6 =	simm.s32 $_tile_overlayer_lowered  }
0x9b: {  	s22 =	simm.s32 $0x1BFF;
	s21 =	sshll.u32 s6, $0x1;
	s3 =	sadd.s32 s4, s19  }
0x9c: {  	s7 =	simm.s32 $0x0;
	s20 =	sshll.u32 s5, $0x1;
	s5 =	sadd.s32 s21, s3  }
0x9d: {  	[timem:s7], [sflag:s22] =	dma.local [hbm:s5], s20  }
0x9e: {  	_ =	swait.ge [sflag:s22], s20  }
0x9f: {  	s4 =	ssub.s32 $0x0, s20;
	[sflag:s22] =	ssyncset.done $0x0  }
0xa0: {  	[sflag:s22] =	ssyncadd.s32 s4;
	_ =	sdelay $0x1  }
0xa1: {  	s23 =	simm.s32 $0x1B8B  }
0xa2: {  	_ =	swait.ge [sflag:s23], $0x1  }
0xa3: {  	[sflag:s23] =	ssyncset.done $0x0  }
0xa4: {  	s25 =	simm.s32 $0x1B8E;
	s24 =	sld [smem:$0x3FFE];
	[sflag:s23] =	ssyncadd.s32 $0xFFFFFFFF  }
0xa5: {  	s26 =	simm.s32 $execute0_lowered;
	[smem:$0x3FD2] =	sst s25  }
0xa6: {  	s5 =	sshll.u32 s26, $0x1;
	_ =	strace $0x80000046;
	[dreg:$0x1] =	wrdreg $0xFFFFFFFF  }
0xa7: {  	s28 =	simm.s32 $_size_execute0_lowered;
	s3 =	sadd.s32 s3, s5;
	[dreg:$0x0] =	wrdreg $0x0  }
0xa8: {  	s5 =	sshll.u32 s28, $0x1;
	[dreg:$0x2] =	wrdreg s3  }
0xa9: {  	[dreg:$0x3] =	wrdreg s5  }
0xaa: {  	[dreg:$0x4] =	wrdreg $0xC0  }
0xab: {  	_ =	task [dreg:s7], $0x5FFFF  }
0xac: {  	[dreg:$0x1] =	wrdreg $0xFFFFFFFF  }
0xad: {  	[dreg:$0x0] =	wrdreg $0x60  }
0xae: {  	[dreg:$0x2] =	wrdreg s2  }
0xaf: {  	[dreg:$0x3] =	wrdreg s24  }
0xb0: {  	[dreg:$0x4] =	wrdreg $0x9  }
0xb1: {  	_ =	task.clear_ibuf [dreg:s7], $0x5FFFF;
	_ =	strace $0x90000046  }
0xb2: {  	s29 =	simm.s32 $0x9;
	_ =	strace $0x80000048  }
0xb3: {  	_ =	swait.ge [sflag:s29], $0x1  }
0xb4: {  	[sflag:s29] =	ssyncadd.s32 $0xFFFFFFFF  }
0xb5: {  	_ =	strace $0x90000048  }
0xb6: {  	_ =	sfence  }
0xb7: {  	s30 =	sld [smem:$0x0];
	_ =	sdelay $0x2  }
0xb8: {  	s31 =	sshll.u32 s1, $0xD;
	s1 =	sshrl.u32 s1, $0x2  }
0xb9: {  	s3 =	sand.u32 $0x4000, s31;
	s1 =	sadd.s32 s1, s30  }
0xba: {  	s0 =	sor.u32 s3, s0;
	s1 =	sshll.u32 s1, $0x11  }
0xbb: {  	s0 =	sor.u32 s1, s0  }
0xbc: {  	s0 =	sadd.s32 $0x8F2B, s0  }
0xbd: {  	[sflag:s0] =	ssyncadd.remote.s32 $0x1  }
0xbe: {  	_ =	sfence.sel $0xFFFF  }
0xbf: {  	[dreg:$0x0] =	wrdreg $0xFFFFFFFF;
	(pc) =	sbr.abs _section_cstart, $3  }
0xc0: {  	[dreg:$0x1] =	wrdreg $0xFFFFFFFF  }
0xc1: {  	_ =	task.clear_ibuf [dreg:s7], $0x2FFFF;
	_ =	strace $0x9FFFFFFF  }
0xc2: {  	(tm) =	ssettm $0x7FFFFFFF  }
0xc3: {  	_ =	shalt  }
tec
execute0_lowered:
.L_overlay_start_1:
0x0: {  	(tag) =	ssettag $0x1  }
0x1: {  	s0 =	srdreg.scid;
	s2 =	rddreg [dreg:$0x0]  }
0x2: {  	s13 =	stileid.u32;
	s5 =	rddreg [dreg:$0x1]  }
0x3: {  	s6 =	simm.s32 $0x0;
	s14 =	simm.s32 $0x27B;
	s21 =	simm.s32 $0x2000  }
0x4: {  	s28 =	simm.s32 $0x6100;
	s29 =	simm.s32 $0x1A280;
	s0 =	sand.u32 $0x1, s0  }
0x5: {  	s1 =	sshll.u32 s13, $0x1;
	[smem:$0x7FF] =	sst s6;
	s22 =	sadd.s32 $0x3400, s5  }
0x6: {  	s6 =	sadd.s32 $0x3800, s5;
	s30 =	sadd.s32 $0x3480, s5;
	s31 =	smul.u32 $0x4F4, s13  }
0x7: {  	s13 =	sadd.s32 $0x3580, s5;
	s15 =	sadd.s32 $0x3680, s5;
	s16 =	sadd.s32 $0x3700, s5  }
0x8: {  	s17 =	sadd.s32 $0x3780, s5;
	s1 =	sor.u32 s0, s1;
	_ =	strace $0x80000047  }
0x9: {  	[dreg:$0x3] =	wrdreg s22;
	s8 =	ssub.s32 $0x2, s0;
	s0 =	smul.u32 $0x27A, s0  }
0xa: {  	[dreg:$0x7] =	wrdreg s30;
	s22 =	simm.s32 $0x4080;
	s3 =	smul.u32 $0x27A, s1  }
0xb: {  	s4 =	smin.u32 s1, $0x19;
	s9 =	sshrl.u32 s8, $0x1;
	p0 =	slt.u32 s1, $0x19  }
0xc: {  	s8 =	ssub.s32 s8, s9;
	s14 =	simm.s32 @!p0 $0x27A;
	s12 =	sadd.s32 s4, s3  }
0xd: {  	s11 =	smov.u32 s14;
	s8 =	smax.u32 s8, $0x1;
	s4 =	sadd.s32 s31, s4  }
0xe: {  	s3 =	sshll.u32 s12, $0x7;
	s24 =	sadd.s32 s14, s12;
	[dreg:$0x6] =	wrdreg s8  }
0xf: {  	s0 =	sadd.s32 s0, s4;
	s7 =	smulhi.u32 $0xA7C5AD, s3;
	s9 =	sshll.u32 s24, $0x7  }
0x10: {  	v0 =	vmov s3;
	s0 =	sshll.u32 s0, $0xA;
	s24 =	simm.s32 $0x1;
	s3 =	simm.s32 $0x0  }
0x11: {  	[dreg:$0x8] =	wrdreg s0;
	s10 =	sshrl.u32 s7, $0x8;
	s7 =	smov.u32 s12  }
.Ltmp0:
0x12: {  	v3 =	vlaneseq.u32;
	v6 =	vimm.s32 $0x40000000;
	v10 =	vimm.s32 $0x0;
	s23 =	smin.u32 s10, $0x18;
	s25 =	sshll.u32 s10, $0x9;
	(pc) =	sbr.rel .LBB2_1-.Ltmp0, $4  }
0x13: {  	v5 =	vmul.u32 $0x1A, v3;
	v7 =	vor.u32 $0x1A000, v3;
	v8 =	vor.u32 $0x10, v3;
	s1 =	sadd.s32 $0x1, s23;
	s14 =	sadd.s32 s5, s25;
	s23 =	simm.s32 $0x1A200  }
0x14: {  	v9 =	vor.u32 $0x20, v3;
	v11 =	vor.u32 $0x30, v3;
	v12 =	vor.u32 $0x40, v3;
	s25 =	simm.s32 $0x800;
	s26 =	sshll.u32 s1, $0x9;
	[dreg:$0x4] =	wrdreg s14  }
0x15: {  	v13 =	vor.u32 $0x50, v3;
	v14 =	vor.u32 $0x60, v3;
	v15 =	vor.u32 $0x70, v3;
	s14 =	sadd.s32 $0x3600, s5;
	p0 =	seq.s32 s1, s10;
	s12 =	sadd.s32 s5, s26  }
0x16: {  	v1 =	vmov s9;
	v2 =	vmov s10;
	v4 =	vmov s1;
	s26 =	simm.s32 $0x13D6400;
	[dreg:$0x5] =	wrdreg s12;
	s12 =	sadd.s32 $0x3500, s5  }
.LBB2_21:
0x17: {  	s0 =	simm.s32 $0x80;
	s1 =	simm.s32 $0x2  }
0x18: {  	[hbm4b:s6+s0] =	stream.indirect.scatter [tilespmem:s29], [sflag:$0x2], $0x80, s23, s0, $0xb8;
	[tilespmem:$0x1E280] =	vst v63  }
0x19: {  	_ =	swait.ge [sflag:s1], $0x4000  }
0x1a: {  	s3 =	rddreg [dreg:$0x9]  }
0x1b: {  	s31 =	rddreg [dreg:$0x6];
	s3 =	sadd.s32 $0x1, s3  }
0x1c: {  	p1 =	sne.s32 s3, s31  }
.Ltmp1:
0x1d: {  	_ = 	snop;
	(pc) =	sbr.rel @!p1 .LBB2_22-.Ltmp1, $3  }
0x1e: {  	_ =	sdelay $0x1  }
0x1f: {  	[sflag:s1] =	ssyncset.done $0x0  }
0x20: {  	[sflag:s1] =	ssyncadd.s32 $0xFFFFC000  }
.LBB2_1:
0x21: {  	[dreg:$0x9] =	wrdreg s3  }
0x22: {  	s18 =	simm.s32 $0x0;
	s0 =	rddreg [dreg:$0x4];
	s4 =	simm.s32 $0x3  }
0x23: {  	[tilespmem:s18], [sflag:$0x3] =	stream.linear.gather [hbm4b:s0+s18], $0x1000, $0x38;
	[tilespmem:$0x1E280] =	vst v63  }
0x24: {  	_ =	swait.ge [sflag:s4], $0x1000  }
0x25: {  	[sflag:s4] =	ssyncset.done $0x0  }
0x26: {  	s1 =	simm.s32 $0x1000;
	s19 =	rddreg [dreg:$0x5];
	[sflag:s4] =	ssyncadd.s32 $0xFFFFF000  }
0x27: {  	[tilespmem:s1], [sflag:$0x3] =	stream.linear.gather [hbm4b:s19+s18], $0x1000, $0x38;
	[tilespmem:$0x1E280] =	vst v63  }
0x28: {  	s20 =	sand.u32 $0x3E00, s18;
	_ =	swait.ge [sflag:s4], $0x1000  }
0x29: {  	s30 =	sand.u32 $0x70, s18;
	s0 =	sshrl.u32 s20, $0x2;
	[sflag:s4] =	ssyncset.done $0x0  }
0x2a: {  	s0 =	sor.u32 s30, s0;
	[sflag:s4] =	ssyncadd.s32 $0xFFFFF000  }
0x2b: {  	v16 =	vld [tilespmem:s0+$0x0];
	_ =	sdelay $0x4  }
0x2c: {  	vm0 =	vge.s32 v16, v0;
	vm1 =	vlt.s32 v16, v1  }
0x2d: {  	vm0 =	vmand vm0, vm1  }
0x2e: {  	v17 =	vsel vm0, $0x1, v10  }
0x2f: {  	(xrf0) =	vadd.scan.msk.s32 $0xffff, v17;
	_ =	sdelay $0x4  }
0x30: {  	v18 =	vsel vm0, $0xFFFFFFFF, v10;
	v17 =	vmov s18  }
0x31: {  	v18 =	vadd.s32 s18, v18;
	v17 =	vmul.u32 $0x1A, v17;
	v19, _, _ =	vpop (xrf0)  }
0x32: {  	v18 =	vadd.s32 v19, v18;
	(v2sf) =	vpush v19, $0xF  }
0x33: {  	v20 =	vadd.s32 v2, v17;
	v17 =	vnsel vm0, $0x202F, v18;
	_ =	sdelay $0x1  }
0x34: {  	s31 =	simm.s32 $0x40  }
0x35: {  	s3 =	sand.u32 $0x3E00, s31;
	v18 =	vbroadcast v20, $0x0  }
0x36: {  	s1 =	simm.s32 $0x0;
	s4 =	simm.s32 $0x80;
	s0 =	simm.s32 $0x10  }
.LBB2_2:
0x37: {  	p1 =	sne.s32 s4, $0x3FC0;
	s5 =	sand.u32 $0x70, s0;
	s3 =	sshrl.u32 s3, $0x2;
	v18 =	vadd.s32 v5, v18;
	[tilespmem:v17+s21+$0x0] =	vst.idx.msk $0xffff, v16  }
0x38: {  	s3 =	sor.u32 s5, s3;
	[tilespmem:v17+s22+$0x0] =	vst.idx.msk $0xffff, v18  }
0x39: {  	v16 =	vld [tilespmem:s3+$0x0];
	_ =	sdelay $0x4  }
0x3a: {  	vm0 =	vge.s32 v16, v0;
	vm1 =	vlt.s32 v16, v1  }
0x3b: {  	vm0 =	vmand vm0, vm1  }
0x3c: {  	v17 =	vsel vm0, $0xFFFFFFFF, v10;
	v18 =	vsel vm0, $0x1, v10;
	s3 =	spop (v2sf)  }
0x3d: {  	(xrf0) =	vadd.scan.msk.s32 $0xffff, v18;
	s1 =	sadd.s32 s1, s3  }
0x3e: {  	v17 =	vadd.s32 s1, v17;
	_ =	sdelay $0x4  }
0x3f: {  	v18, _, _ =	vpop (xrf0)  }
0x40: {  	v19 =	vmov s0;
	v17 =	vadd.s32 v18, v17;
	(v2sf) =	vpush v18, $0xF  }
.Ltmp2:
0x41: {  	v18 =	vmul.u32 $0x1A, v19;
	v17 =	vnsel vm0, $0x202F, v17;
	(pc) =	sbr.rel @p1 .LBB2_2-.Ltmp2, $4  }
0x42: {  	_ = 	snop  }
0x43: {  	v18 =	vadd.s32 v2, v18  }
0x44: {  	v18 =	vbroadcast v18, $0x0  }
0x45: {  	s0 =	sadd.s32 $0x10, s0;
	s3 =	sand.u32 $0x3E00, s4;
	s4 =	sadd.s32 $0x40, s4  }
0x46: {  	_ =	sdelay $0x3  }
0x47: {  	s4 =	sand.u32 $0x70, s0;
	s3 =	sshrl.u32 s3, $0x2;
	v18 =	vadd.s32 v5, v18;
	[tilespmem:v17+s21+$0x0] =	vst.idx.msk $0xffff, v16  }
0x48: {  	s3 =	sor.u32 s4, s3;
	[tilespmem:v17+s22+$0x0] =	vst.idx.msk $0xffff, v18  }
0x49: {  	v16 =	vld [tilespmem:s3+$0x0];
	_ =	sdelay $0x4  }
0x4a: {  	vm0 =	vge.s32 v16, v0;
	vm1 =	vlt.s32 v16, v1  }
0x4b: {  	vm0 =	vmand vm0, vm1  }
0x4c: {  	v17 =	vsel vm0, $0x1, v10  }
0x4d: {  	(xrf0) =	vadd.scan.msk.s32 $0xffff, v17;
	_ =	sdelay $0x3  }
0x4e: {  	s10 =	spop (v2sf)  }
0x4f: {  	v17 =	vsel vm0, $0xFFFFFFFF, v10;
	s1 =	sadd.s32 s1, s10  }
0x50: {  	v17 =	vadd.s32 s1, v17;
	v18, _, _ =	vpop (xrf0)  }
0x51: {  	v19 =	vmov s0;
	v17 =	vadd.s32 v18, v17  }
0x52: {  	v19 =	vmul.u32 $0x1A, v19;
	v17 =	vnsel vm0, $0x202F, v17;
	_ =	sdelay $0x1  }
0x53: {  	v19 =	vadd.s32 v2, v19  }
0x54: {  	s18 =	simm.s32 $0x0;
	v19 =	vbroadcast v19, $0x0  }
0x55: {  	s19 =	sand.u32 $0x3E00, s18;
	(v2sf) =	vpush v18, $0xF  }
0x56: {  	s20 =	sand.u32 $0x70, s18;
	s3 =	sshrl.u32 s19, $0x2;
	v18 =	vadd.s32 v5, v19;
	[tilespmem:v17+s21+$0x0] =	vst.idx.msk $0xffff, v16  }
0x57: {  	s3 =	sor.u32 s20, s3;
	[tilespmem:v17+s22+$0x0] =	vst.idx.msk $0xffff, v18  }
0x58: {  	v16 =	vld [tilespmem:s3+$0x1000];
	_ =	sdelay $0x4  }
0x59: {  	vm14 =	vge.s32 v16, v0;
	vm15 =	vlt.s32 v16, v1  }
0x5a: {  	vm0 =	vmand vm14, vm15  }
0x5b: {  	v17 =	vsel vm0, $0x1, v10  }
0x5c: {  	(xrf0) =	vadd.scan.msk.s32 $0xffff, v17;
	_ =	sdelay $0x3  }
0x5d: {  	s30 =	spop (v2sf)  }
0x5e: {  	v18 =	vsel vm0, $0xFFFFFFFF, v10;
	v17 =	vmov s18;
	s0 =	sadd.s32 s1, s30  }
0x5f: {  	v17 =	vmul.u32 $0x1A, v17;
	v18 =	vadd.s32 s0, v18;
	v19, _, _ =	vpop (xrf0)  }
0x60: {  	v18 =	vadd.s32 v19, v18;
	(v2sf) =	vpush v19, $0xF  }
0x61: {  	v20 =	vadd.s32 v4, v17;
	v17 =	vnsel vm0, $0x202F, v18;
	_ =	sdelay $0x2  }
0x62: {  	s31 =	simm.s32 $0x40;
	s8 =	simm.s32 $0x80;
	v18 =	vbroadcast v20, $0x0  }
0x63: {  	s3 =	sand.u32 $0x3E00, s31;
	s1 =	simm.s32 $0x10;
	s4 =	smov.u32 s0  }
.LBB2_4:
0x64: {  	p1 =	sne.s32 s8, $0x3FC0;
	s5 =	sand.u32 $0x70, s1;
	s3 =	sshrl.u32 s3, $0x2;
	v18 =	vadd.s32 v5, v18;
	[tilespmem:v17+s21+$0x0] =	vst.idx.msk $0xffff, v16  }
0x65: {  	s3 =	sor.u32 s5, s3;
	[tilespmem:v17+s22+$0x0] =	vst.idx.msk $0xffff, v18  }
0x66: {  	v16 =	vld [tilespmem:s3+$0x1000];
	_ =	sdelay $0x4  }
0x67: {  	vm0 =	vge.s32 v16, v0;
	vm1 =	vlt.s32 v16, v1  }
0x68: {  	vm0 =	vmand vm0, vm1  }
0x69: {  	v17 =	vsel vm0, $0xFFFFFFFF, v10;
	v18 =	vsel vm0, $0x1, v10;
	s3 =	spop (v2sf)  }
0x6a: {  	(xrf0) =	vadd.scan.msk.s32 $0xffff, v18;
	s4 =	sadd.s32 s4, s3  }
0x6b: {  	v17 =	vadd.s32 s4, v17;
	_ =	sdelay $0x4  }
0x6c: {  	v18, _, _ =	vpop (xrf0)  }
0x6d: {  	v19 =	vmov s1;
	v17 =	vadd.s32 v18, v17;
	(v2sf) =	vpush v18, $0xF  }
.Ltmp3:
0x6e: {  	v18 =	vmul.u32 $0x1A, v19;
	v17 =	vnsel vm0, $0x202F, v17;
	(pc) =	sbr.rel @p1 .LBB2_4-.Ltmp3, $4  }
0x6f: {  	_ = 	snop  }
0x70: {  	v18 =	vadd.s32 v4, v18  }
0x71: {  	v18 =	vbroadcast v18, $0x0  }
0x72: {  	s1 =	sadd.s32 $0x10, s1;
	s3 =	sand.u32 $0x3E00, s8;
	s8 =	sadd.s32 $0x40, s8  }
0x73: {  	_ =	sdelay $0x3  }
0x74: {  	s5 =	sand.u32 $0x70, s1;
	s3 =	sshrl.u32 s3, $0x2;
	v18 =	vadd.s32 v5, v18;
	[tilespmem:v17+s21+$0x0] =	vst.idx.msk $0xffff, v16  }
0x75: {  	s3 =	sor.u32 s5, s3;
	[tilespmem:v17+s22+$0x0] =	vst.idx.msk $0xffff, v18  }
0x76: {  	v16 =	vld [tilespmem:s3+$0x1000];
	_ =	sdelay $0x4  }
0x77: {  	vm0 =	vge.s32 v16, v0;
	vm1 =	vlt.s32 v16, v1  }
0x78: {  	vm0 =	vmand vm0, vm1  }
0x79: {  	v17 =	vsel vm0, $0x1, v10  }
0x7a: {  	(xrf0) =	vadd.scan.msk.s32 $0xffff, v17;
	_ =	sdelay $0x5  }
0x7b: {  	v17, _, _ =	vpop (xrf0)  }
0x7c: {  	(v2sf) =	vpush v17, $0xF;
	_ =	sdelay $0x6  }
0x7d: {  	s19 =	spop (v2sf)  }
0x7e: {  	v62 =	vsel vm0, $0xFFFFFFFF, v10;
	s3 =	sadd.s32 s4, s19  }
0x7f: {  	v18 =	vadd.s32 s3, v62  }
0x80: {  	v19 =	vmov s1;
	v17 =	vadd.s32 v17, v18  }
0x81: {  	v63 =	vmul.u32 $0x1A, v19;
	v17 =	vnsel vm0, $0x202F, v17;
	_ =	sdelay $0x1  }
0x82: {  	v18 =	vadd.s32 v4, v63  }
0x83: {  	v18 =	vbroadcast v18, $0x0  }
0x84: {  	s20 =	spop (v2sf)  }
0x85: {  	v18 =	vadd.s32 v5, v18;
	[tilespmem:v17+s21+$0x0] =	vst.idx.msk $0xffff, v16;
	s1 =	sadd.s32 s3, s20  }
0x86: {  	[tilespmem:v17+s22+$0x0] =	vst.idx.msk $0xffff, v18;
	s1 =	smov.u32 @p0 s0  }
0x87: {  	[tilespmem:s1+$0x2000] =	vst v6  }
0x88: {  	[tilespmem:s1+$0x4080] =	vst v7  }
0x89: {  	s0 =	sadd.s32 $0xF, s1;
	[tilespmem:v3+s23+$0x0] =	vst.idx.msk $0xffff, v7  }
0x8a: {  	s1 =	sand.u32 $0xF, s0;
	[tilespmem:v8+s23+$0x0] =	vst.idx.msk $0xffff, v7  }
0x8b: {  	s30 =	sshra.s32 s0, $0x1F;
	p1 =	slt.s32 s0, $0x1;
	p2 =	sne.s32 s1, $0x0;
	[tilespmem:v9+s23+$0x0] =	vst.idx.msk $0xffff, v7  }
.Ltmp4:
0x8c: {  	s31 =	sshrl.u32 s30, $0x1C;
	p1 =	por !p1, !p2;
	[tilespmem:v11+s23+$0x0] =	vst.idx.msk $0xffff, v7;
	(pc) =	sbr.rel .LBB2_6-.Ltmp4, $4  }
0x8d: {  	s1 =	simm.s32 $0x1;
	s0 =	sadd.s32 s31, s0;
	p1 =	por !p1, !p1;
	[tilespmem:v12+s23+$0x0] =	vst.idx.msk $0xffff, v7  }
0x8e: {  	s0 =	sshra.s32 s0, $0x4;
	s1 =	simm.s32 @!p1 $0x0;
	[tilespmem:v13+s23+$0x0] =	vst.idx.msk $0xffff, v7  }
0x8f: {  	s18 =	rddreg [dreg:$0x8];
	s0 =	ssub.s32 s0, s1;
	[tilespmem:v14+s23+$0x0] =	vst.idx.msk $0xffff, v7  }
0x90: {  	s8 =	simm.s32 $0x0;
	s20 =	simm.s32 $0x0;
	p1 =	slt.s32 s0, $0x1;
	[tilespmem:v15+s23+$0x0] =	vst.idx.msk $0xffff, v7  }
.LBB2_20:
0x91: {  	s8 =	sadd.s32 $0x1, s8  }
0x92: {  	p2 =	sne.s32 s8, $0x50  }
.Ltmp5:
0x93: {  	_ = 	snop;
	(pc) =	sbr.rel @!p2 .LBB2_21-.Ltmp5, $2  }
0x94: {  	_ =	sdelay $0x2  }
0x95: {  	s18 =	sadd.s32 $0x2000, s18  }
.LBB2_6:
0x96: {  	s1 =	sshll.u32 s8, $0x3  }
0x97: {  	s3 =	ssub.s32 s11, s1  }
0x98: {  	p2 =	slt.s32 s3, $0x8  }
0x99: {  	s10 =	sadd.s32 s7, s1;
	s3 =	simm.s32 @!p2 $0x8  }
0x9a: {  	s31 =	sadd.s32 s10, s3  }
0x9b: {  	s1 =	simm.s32 $0x1;
	p2 =	seq.s32 s31, $0x4F59  }
0x9c: {  	s1 =	simm.s32 @!p2 $0x0  }
0x9d: {  	s1 =	ssub.s32 s3, s1  }
0x9e: {  	s3 =	sshrl.u32 s1, $0x1F  }
0x9f: {  	s3 =	sadd.s32 s3, s1  }
0xa0: {  	s4 =	sand.u32 $0xFFFFFFFE, s3  }
0xa1: {  	p6 =	slt.s32 s1, $0x1;
	p3 =	sne.s32 s1, s4  }
0xa2: {  	p2 =	por !p6, !p3  }
0xa3: {  	s4 =	simm.s32 $0x1;
	p2 =	por !p2, !p2  }
0xa4: {  	s3 =	sshra.s32 s3, $0x1;
	s4 =	simm.s32 @!p2 $0x0  }
0xa5: {  	s9 =	ssub.s32 s3, s4  }
0xa6: {  	p3 =	slt.s32 s9, $0x1  }
.Ltmp6:
0xa7: {  	_ = 	snop;
	(pc) =	sbr.rel @p3 .LBB2_10-.Ltmp6, $2  }
0xa8: {  	_ =	sdelay $0x2  }
0xa9: {  	s4 =	simm.s32 $0x6100  }
0xaa: {  	p2 =	sgt.s32 s9, $0x1  }
.Ltmp7:
0xab: {  	_ = 	snop;
	(pc) =	sbr.rel @!p2 .LBB2_9-.Ltmp7, $3  }
0xac: {  	_ =	sdelay $0x1  }
0xad: {  	s19 =	simm.s32 $0x1;
	s3 =	sshrl.u32 s18, $0x3  }
0xae: {  	s30 =	sadd.s32 $0x800, s18;
	s5 =	sadd.s32 s2, s3;
	s3 =	simm.s32 $0xA100  }
.LBB2_8:
0xaf: {  	[tilespmem:s4], [sflag:$0x1] =	stream.strided.gather [hbm4b:s5+s25], $0x4000, s26, s25, $0x38;
	[tilespmem:$0x1E280] =	vst v63  }
0xb0: {  	s19 =	sadd.s32 $0x1, s19  }
0xb1: {  	p2 =	slt.s32 s19, s9  }
.Ltmp8:
0xb2: {  	s4 =	smov.u32 s3;
	(pc) =	sbr.rel @p2 .LBB2_8-.Ltmp8, $3  }
0xb3: {  	_ =	sdelay $0x1  }
0xb4: {  	s5 =	sshrl.u32 s30, $0x3  }
0xb5: {  	s30 =	sadd.s32 $0x800, s30;
	s3 =	sadd.s32 $0x4000, s3;
	s5 =	sadd.s32 s2, s5  }
.LBB2_9:
0xb6: {  	[tilespmem:s4], [sflag:$0x1] =	stream.strided.gather [hbm4b:s5+s25], $0x4000, s26, s25, $0x38;
	[tilespmem:$0x1E280] =	vst v63  }
.LBB2_10:
0xb7: {  	s3 =	sand.u32 $0x1, s1  }
0xb8: {  	p2 =	seq.s32 s3, $0x0  }
0xb9: {  	s1 =	sadd.s32 @!p2 s10, s1  }
0xba: {  	s1 =	sshll.u32 @!p2 s1, $0xA  }
0xbb: {  	s4 =	sshll.u32 @!p2 s9, $0x10;
	s1 =	sadd.s32 @!p2 $0xFFFFFC00, s1  }
0xbc: {  	s4 =	sshra.s32 @!p2 s4, $0x2;
	s1 =	sshrl.u32 @!p2 s1, $0x3  }
0xbd: {  	s19 =	simm.s32 @!p2 $0x0;
	s5 =	sadd.s32 @!p2 $0x6100, s4;
	s1 =	sadd.s32 @!p2 s2, s1  }
0xbe: {  	[tilespmem:s5], [sflag:$0x1] =	stream.linear.gather @!p2 [hbm4b:s1+s19], $0x400, $0x38;
	[tilespmem:$0x1E280] =	vst v63  }
0xbf: {  	s30 =	sadd.s32 @!p2 $0x6900, s4;
	s5 =	sadd.s32 @!p2 $0x27AC80, s1  }
0xc0: {  	[tilespmem:s30], [sflag:$0x1] =	stream.linear.gather @!p2 [hbm4b:s5+s19], $0x400, $0x38;
	[tilespmem:$0x1E280] =	vst v63  }
0xc1: {  	s5 =	sadd.s32 @!p2 $0x4F5900, s1;
	s30 =	sadd.s32 @!p2 $0x7100, s4  }
0xc2: {  	[tilespmem:s30], [sflag:$0x1] =	stream.linear.gather @!p2 [hbm4b:s5+s19], $0x400, $0x38;
	[tilespmem:$0x1E280] =	vst v63  }
0xc3: {  	s5 =	sadd.s32 @!p2 $0x770580, s1;
	s30 =	sadd.s32 @!p2 $0x7900, s4  }
0xc4: {  	[tilespmem:s30], [sflag:$0x1] =	stream.linear.gather @!p2 [hbm4b:s5+s19], $0x400, $0x38;
	[tilespmem:$0x1E280] =	vst v63  }
0xc5: {  	s5 =	sadd.s32 @!p2 $0x9EB200, s1;
	s30 =	sadd.s32 @!p2 $0x8100, s4  }
0xc6: {  	[tilespmem:s30], [sflag:$0x1] =	stream.linear.gather @!p2 [hbm4b:s5+s19], $0x400, $0x38;
	[tilespmem:$0x1E280] =	vst v63  }
0xc7: {  	s5 =	sadd.s32 @!p2 $0xC65E80, s1;
	s30 =	sadd.s32 @!p2 $0x8900, s4  }
0xc8: {  	[tilespmem:s30], [sflag:$0x1] =	stream.linear.gather @!p2 [hbm4b:s5+s19], $0x400, $0x38;
	[tilespmem:$0x1E280] =	vst v63  }
0xc9: {  	s5 =	sadd.s32 @!p2 $0xEE0B00, s1;
	s30 =	sadd.s32 @!p2 $0x9100, s4  }
0xca: {  	[tilespmem:s30], [sflag:$0x1] =	stream.linear.gather @!p2 [hbm4b:s5+s19], $0x400, $0x38;
	[tilespmem:$0x1E280] =	vst v63  }
0xcb: {  	p4 =	sne.s32 s31, $0x4F59;
	s1 =	sadd.s32 @!p2 $0x115B780, s1;
	s4 =	sadd.s32 @!p2 $0x9900, s4  }
0xcc: {  	[tilespmem:s4], [sflag:$0x1] =	stream.linear.gather @!p2 [hbm4b:s1+s19], $0x400, $0x38;
	[tilespmem:$0x1E280] =	vst v63  }
0xcd: {  	s1 =	sshll.u32 @!p4 s9, $0x10  }
0xce: {  	s3 =	sshll.u32 @!p4 s3, $0xA;
	s1 =	sshra.s32 @!p4 s1, $0x2  }
0xcf: {  	s1 =	sor.u32 @!p4 s3, s1  }
0xd0: {  	s5 =	rddreg [dreg:$0x3];
	s4 =	simm.s32 @!p4 $0x0;
	s3 =	sadd.s32 @!p4 $0x6100, s1  }
0xd1: {  	[tilespmem:s3], [sflag:$0x3] =	stream.linear.gather @!p4 [hbm4b:s5+s4], $0x400, $0x38;
	[tilespmem:$0x1E280] =	vst v63  }
0xd2: {  	s3 =	sadd.s32 @!p4 $0x6900, s1;
	s5 =	rddreg [dreg:$0x7]  }
0xd3: {  	[tilespmem:s3], [sflag:$0x3] =	stream.linear.gather @!p4 [hbm4b:s5+s4], $0x400, $0x38;
	[tilespmem:$0x1E280] =	vst v63  }
0xd4: {  	s3 =	sadd.s32 @!p4 $0x7100, s1  }
0xd5: {  	[tilespmem:s3], [sflag:$0x3] =	stream.linear.gather @!p4 [hbm4b:s12+s4], $0x400, $0x38;
	[tilespmem:$0x1E280] =	vst v63  }
0xd6: {  	s3 =	sadd.s32 @!p4 $0x7900, s1  }
0xd7: {  	[tilespmem:s3], [sflag:$0x3] =	stream.linear.gather @!p4 [hbm4b:s13+s4], $0x400, $0x38;
	[tilespmem:$0x1E280] =	vst v63  }
0xd8: {  	s3 =	sadd.s32 @!p4 $0x8100, s1  }
0xd9: {  	[tilespmem:s3], [sflag:$0x3] =	stream.linear.gather @!p4 [hbm4b:s14+s4], $0x400, $0x38;
	[tilespmem:$0x1E280] =	vst v63  }
0xda: {  	s3 =	sadd.s32 @!p4 $0x8900, s1  }
0xdb: {  	[tilespmem:s3], [sflag:$0x3] =	stream.linear.gather @!p4 [hbm4b:s15+s4], $0x400, $0x38;
	[tilespmem:$0x1E280] =	vst v63  }
0xdc: {  	s3 =	sadd.s32 @!p4 $0x9100, s1  }
0xdd: {  	[tilespmem:s3], [sflag:$0x3] =	stream.linear.gather @!p4 [hbm4b:s16+s4], $0x400, $0x38;
	[tilespmem:$0x1E280] =	vst v63  }
0xde: {  	s1 =	sadd.s32 @!p4 $0x9900, s1  }
0xdf: {  	[tilespmem:s1], [sflag:$0x3] =	stream.linear.gather @!p4 [hbm4b:s17+s4], $0x400, $0x38;
	[tilespmem:$0x1E280] =	vst v63  }
.Ltmp9:
0xe0: {  	_ = 	snop;
	(pc) =	sbr.rel @p1 .LBB2_13-.Ltmp9, $4  }
0xe1: {  	s1 =	simm.s32 @!p4 $0x3  }
0xe2: {  	_ =	swait.ge @!p4 [sflag:s1], $0x2000  }
0xe3: {  	[sflag:s1] =	ssyncset.done @!p4 $0x0  }
0xe4: {  	v16 =	vmov s10;
	s30 =	simm.s32 $0x0;
	s4 =	simm.s32 $0x0;
	[sflag:s1] =	ssyncadd.s32 @!p4 $0xFFFFE000  }
0xe5: {  	s1 =	simm.s32 $0x2000  }
0xe6: {  	v18 =	vld [tilespmem:s1+$0x0];
	_ =	sdelay $0x4  }
0xe7: {  	v17 =	vmov s31;
	v19 =	vshrl.u32 v18, $0x7  }
0xe8: {  	vm0 =	vge.u32 v19, v16;
	vm1 =	vlt.s32 v19, v17  }
0xe9: {  	vm0 =	vmand vm0, vm1  }
0xea: {  	v19 =	vmpcnt.ones.xlane vm0;
	_ =	sdelay $0x1  }
0xeb: {  	(v2sf) =	vpush v19, $0x0;
	_ =	sdelay $0xe  }
0xec: {  	s4 =	spop (v2sf)  }
0xed: {  	p4 =	slt.s32 s4, $0x1  }
0xee: {  	v19 =	vimm.s32 @!p4 $0x0  }
0xef: {  	v20 =	vsel @!p4 vm0, $0x1, v19  }
0xf0: {  	(xrf0) =	vadd.scan.msk.s32 @!p4 $0xffff, v20;
	_ =	sdelay $0x4  }
0xf1: {  	v19 =	vsel @!p4 vm0, $0xFFFFFFFF, v19  }
0xf2: {  	v19 =	vadd.s32 @!p4 s30, v19;
	v20, _, _ =	vpop @!p4 (xrf0)  }
0xf3: {  	v19 =	vadd.s32 @!p4 v20, v19  }
0xf4: {  	s31 =	simm.s32 $0x4080;
	s19 =	sadd.s32 $0xFFFFFFFF, s0;
	v19 =	vnsel @!p4 vm0, $0x202F, v19  }
0xf5: {  	p5 =	sne.s32 s19, $0x0;
	v20 =	vld @!p4 [tilespmem:s31+$0x0]  }
.Ltmp10:
0xf6: {  	_ = 	snop;
	(pc) =	sbr.rel @!p5 .LBB2_13-.Ltmp10, $4  }
0xf7: {  	_ = 	snop  }
0xf8: {  	s3 =	simm.s32 @!p4 $0x16100  }
0xf9: {  	s5 =	simm.s32 @!p4 $0x18180;
	[tilespmem:v19+s3+$0x0] =	vst.idx.msk @!p4 $0xffff, v18  }
0xfa: {  	s1 =	simm.s32 $0x2010;
	s4 =	sadd.s32 $0x0, s4;
	[tilespmem:v19+s5+$0x0] =	vst.idx.msk @!p4 $0xffff, v20  }
.LBB2_12:
0xfb: {  	v18 =	vld [tilespmem:s1+$0x0];
	s3 =	smov.u32 s4  }
0xfc: {  	s19 =	sadd.s32 $0xFFFFFFFF, s19  }
0xfd: {  	p4 =	sne.s32 s19, $0x0;
	_ =	sdelay $0x2  }
0xfe: {  	v19 =	vshrl.u32 v18, $0x7  }
0xff: {  	vm0 =	vge.u32 v19, v16;
	vm1 =	vlt.s32 v19, v17  }
0x100: {  	vm0 =	vmand vm0, vm1  }
0x101: {  	v19 =	vmpcnt.ones.xlane vm0;
	_ =	sdelay $0x1  }
0x102: {  	(v2sf) =	vpush v19, $0x0;
	_ =	sdelay $0xe  }
0x103: {  	s5 =	spop (v2sf)  }
0x104: {  	p5 =	slt.s32 s5, $0x1;
	s4 =	sadd.s32 s4, s5  }
0x105: {  	v19 =	vimm.s32 @!p5 $0x0;
	s5 =	simm.s32 @!p5 $0x18180  }
0x106: {  	v20 =	vsel @!p5 vm0, $0x1, v19  }
0x107: {  	(xrf0) =	vadd.scan.msk.s32 @!p5 $0xffff, v20;
	_ =	sdelay $0x4  }
0x108: {  	v19 =	vsel @!p5 vm0, $0xFFFFFFFF, v19  }
0x109: {  	v19 =	vadd.s32 @!p5 s3, v19;
	v20, _, _ =	vpop @!p5 (xrf0)  }
0x10a: {  	v19 =	vadd.s32 @!p5 v20, v19  }
0x10b: {  	s31 =	sadd.s32 $0x10, s31;
	v19 =	vnsel @!p5 vm0, $0x202F, v19  }
0x10c: {  	v20 =	vld @!p5 [tilespmem:s31+$0x0]  }
.Ltmp11:
0x10d: {  	(pc) =	sbr.rel @p4 .LBB2_12-.Ltmp11, $4  }
0x10e: {  	_ = 	snop  }
0x10f: {  	s3 =	simm.s32 @!p5 $0x16100  }
0x110: {  	[tilespmem:v19+s3+$0x0] =	vst.idx.msk @!p5 $0xffff, v18  }
0x111: {  	s1 =	sadd.s32 $0x10, s1;
	[tilespmem:v19+s5+$0x0] =	vst.idx.msk @!p5 $0xffff, v20  }
.LBB2_13:
.Ltmp12:
0x112: {  	(pc) =	sbr.rel @p3 .LBB2_17-.Ltmp12, $4  }
0x113: {  	_ = 	snop  }
0x114: {  	s1 =	sshll.u32 s10, $0x7  }
0x115: {  	[tilespmem:s4+$0x18180] =	vst v7;
	v17 =	vmov s1  }
0x116: {  	[tilespmem:s4+$0x16100] =	vst v17  }
0x117: {  	s1 =	sadd.s32 $0x1, s30  }
0x118: {  	p3 =	slt.s32 s1, s9  }
.Ltmp13:
0x119: {  	_ = 	snop;
	(pc) =	sbr.rel @!p3 .LBB2_16-.Ltmp13, $3  }
0x11a: {  	_ =	sdelay $0x1  }
0x11b: {  	_ =	swait.ge [sflag:s24], $0x4000  }
0x11c: {  	[sflag:s24] =	ssyncset.done $0x0  }
.LBB2_15:
0x11d: {  	s1 =	sadd.s32 $0x1, s1  }
0x11e: {  	[sflag:s24] =	ssyncadd.s32 $0xFFFFC000;
	p3 =	slt.s32 s1, s9  }
.Ltmp14:
0x11f: {  	(pc) =	sbr.rel @p3 .LBB2_15-.Ltmp14, $3  }
0x120: {  	_ =	sdelay $0x1  }
0x121: {  	_ =	swait.ge [sflag:s24], $0x4000  }
0x122: {  	[sflag:s24] =	ssyncset.done $0x0  }
.LBB2_16:
0x123: {  	[sflag:s24] =	ssyncadd.s32 $0xFFFFC000  }
.LBB2_17:
0x124: {  	s1 =	sadd.s32 $0xF, s4  }
0x125: {  	s3 =	sand.u32 $0xF, s1  }
0x126: {  	s4 =	sshra.s32 s1, $0x1F;
	p3 =	slt.s32 s1, $0x1;
	p4 =	sne.s32 s3, $0x0  }
0x127: {  	s31 =	sshrl.u32 s4, $0x1C;
	p3 =	por !p3, !p4  }
0x128: {  	s3 =	simm.s32 $0x1;
	s1 =	sadd.s32 s31, s1;
	p3 =	por !p3, !p3  }
0x129: {  	s1 =	sshra.s32 s1, $0x4;
	s3 =	simm.s32 @!p3 $0x0  }
0x12a: {  	s9 =	ssub.s32 s1, s3  }
0x12b: {  	p3 =	slt.s32 s9, $0x1  }
.Ltmp15:
0x12c: {  	_ = 	snop;
	(pc) =	sbr.rel @p3 .LBB2_20-.Ltmp15, $4  }
0x12d: {  	s4 =	simm.s32 @!p2 $0x1  }
0x12e: {  	_ =	swait.ge @!p2 [sflag:s4], $0x2000  }
0x12f: {  	[sflag:s4] =	ssyncset.done @!p2 $0x0  }
0x130: {  	[sflag:s4] =	ssyncadd.s32 @!p2 $0xFFFFE000  }
0x131: {  	s10 =	simm.s32 $0x16100;
	s30 =	simm.s32 $0x18180  }
.LBB2_19:
0x132: {  	v17 =	vld [tilespmem:s10+$0x0];
	_ =	sdelay $0x4  }
0x133: {  	v18 =	vshrl.u32 v17, $0x7  }
0x134: {  	v18 =	vsub.s32 v18, v16  }
0x135: {  	s31 =	sand.u32 $0x7, s20;
	v26 =	vshll.u32 v18, $0xD;
	v18 =	vshll.u32 v18, $0xA  }
0x136: {  	s1 =	sshll.u32 s31, $0x4;
	v19 =	vand.u32 $0xFFFFC000, v26;
	v27 =	vand.u32 $0x400, v18  }
0x137: {  	v20 =	vld [tilespmem:s30+$0x0];
	v18 =	vand.u32 $0x7F, v17;
	v17 =	vor.u32 s1, v3;
	v28 =	vor.u32 v27, v19  }
0x138: {  	v19 =	vor.u32 v18, v28;
	_ =	sdelay $0x3  }
0x139: {  	[tilespmem:v17+s23+$0x0] =	vst.idx.msk $0xffff, v20  }
0x13a: {  	v17 =	vshll.u32 v17, $0x7;
	v20 =	vld.idx.msk [tilespmem:v19+s28+$0x0], $0xffff;
	v19 =	vor.u32 $0x80, v18  }
0x13b: {  	v21 =	vor.u32 v28, v19;
	_ =	sdelay $0x3  }
0x13c: {  	[tilespmem:v17+s29+$0x0] =	vst.idx.msk $0xffff, v20  }
0x13d: {  	v22 =	vor.u32 $0x1, v17;
	v20 =	vor.u32 $0x100, v18;
	v21 =	vld.idx.msk [tilespmem:v21+s28+$0x0], $0xffff  }
0x13e: {  	v23 =	vor.u32 v28, v20;
	_ =	sdelay $0x3  }
0x13f: {  	[tilespmem:v22+s29+$0x0] =	vst.idx.msk $0xffff, v21  }
0x140: {  	v47 =	vor.u32 $0x2, v17;
	v21 =	vor.u32 $0x180, v18;
	v22 =	vld.idx.msk [tilespmem:v23+s28+$0x0], $0xffff  }
0x141: {  	v24 =	vor.u32 v28, v21;
	_ =	sdelay $0x3  }
0x142: {  	[tilespmem:v47+s29+$0x0] =	vst.idx.msk $0xffff, v22  }
0x143: {  	v48 =	vor.u32 $0x3, v17;
	v22 =	vor.u32 $0x200, v18;
	v23 =	vld.idx.msk [tilespmem:v24+s28+$0x0], $0xffff  }
0x144: {  	v25 =	vor.u32 v28, v22;
	_ =	sdelay $0x3  }
0x145: {  	[tilespmem:v48+s29+$0x0] =	vst.idx.msk $0xffff, v23  }
0x146: {  	v49 =	vor.u32 $0x4, v17;
	v23 =	vor.u32 $0x280, v18;
	v24 =	vld.idx.msk [tilespmem:v25+s28+$0x0], $0xffff  }
0x147: {  	v29 =	vor.u32 v28, v23;
	_ =	sdelay $0x3  }
0x148: {  	[tilespmem:v49+s29+$0x0] =	vst.idx.msk $0xffff, v24  }
0x149: {  	v50 =	vor.u32 $0x5, v17;
	v24 =	vor.u32 $0x300, v18;
	v25 =	vld.idx.msk [tilespmem:v29+s28+$0x0], $0xffff  }
0x14a: {  	v30 =	vor.u32 v28, v24;
	_ =	sdelay $0x3  }
0x14b: {  	[tilespmem:v50+s29+$0x0] =	vst.idx.msk $0xffff, v25  }
0x14c: {  	v51 =	vor.u32 $0x6, v17;
	v25 =	vor.u32 $0x380, v18;
	v29 =	vld.idx.msk [tilespmem:v30+s28+$0x0], $0xffff  }
0x14d: {  	v31 =	vor.u32 v28, v25;
	_ =	sdelay $0x3  }
0x14e: {  	[tilespmem:v51+s29+$0x0] =	vst.idx.msk $0xffff, v29  }
0x14f: {  	v53 =	vor.u32 $0x800, v28;
	v52 =	vor.u32 $0x7, v17;
	v29 =	vld.idx.msk [tilespmem:v31+s28+$0x0], $0xffff  }
0x150: {  	v32 =	vor.u32 v18, v53;
	_ =	sdelay $0x3  }
0x151: {  	[tilespmem:v52+s29+$0x0] =	vst.idx.msk $0xffff, v29  }
0x152: {  	v54 =	vor.u32 $0x8, v17;
	v29 =	vld.idx.msk [tilespmem:v32+s28+$0x0], $0xffff  }
0x153: {  	v55 =	vor.u32 v53, v19;
	_ =	sdelay $0x3  }
0x154: {  	[tilespmem:v54+s29+$0x0] =	vst.idx.msk $0xffff, v29  }
0x155: {  	v56 =	vor.u32 $0x9, v17;
	v29 =	vld.idx.msk [tilespmem:v55+s28+$0x0], $0xffff  }
0x156: {  	v57 =	vor.u32 v53, v20;
	_ =	sdelay $0x3  }
0x157: {  	[tilespmem:v56+s29+$0x0] =	vst.idx.msk $0xffff, v29  }
0x158: {  	v58 =	vor.u32 $0xA, v17;
	v29 =	vld.idx.msk [tilespmem:v57+s28+$0x0], $0xffff  }
0x159: {  	v59 =	vor.u32 v53, v21;
	_ =	sdelay $0x3  }
0x15a: {  	[tilespmem:v58+s29+$0x0] =	vst.idx.msk $0xffff, v29  }
0x15b: {  	v60 =	vor.u32 $0xB, v17;
	v29 =	vld.idx.msk [tilespmem:v59+s28+$0x0], $0xffff  }
0x15c: {  	v61 =	vor.u32 v53, v22;
	_ =	sdelay $0x3  }
0x15d: {  	[tilespmem:v60+s29+$0x0] =	vst.idx.msk $0xffff, v29  }
0x15e: {  	v62 =	vor.u32 $0xC, v17;
	v29 =	vld.idx.msk [tilespmem:v61+s28+$0x0], $0xffff  }
0x15f: {  	v63 =	vor.u32 v53, v23;
	_ =	sdelay $0x3  }
0x160: {  	[tilespmem:v62+s29+$0x0] =	vst.idx.msk $0xffff, v29  }
0x161: {  	v36 =	vor.u32 $0xD, v17;
	v29 =	vld.idx.msk [tilespmem:v63+s28+$0x0], $0xffff  }
0x162: {  	v37 =	vor.u32 v53, v24;
	_ =	sdelay $0x3  }
0x163: {  	[tilespmem:v36+s29+$0x0] =	vst.idx.msk $0xffff, v29  }
0x164: {  	v38 =	vor.u32 $0xE, v17;
	v29 =	vld.idx.msk [tilespmem:v37+s28+$0x0], $0xffff  }
0x165: {  	v31 =	vor.u32 v53, v25;
	_ =	sdelay $0x3  }
0x166: {  	[tilespmem:v38+s29+$0x0] =	vst.idx.msk $0xffff, v29  }
0x167: {  	v40 =	vor.u32 $0x1000, v28;
	v39 =	vor.u32 $0xF, v17;
	v29 =	vld.idx.msk [tilespmem:v31+s28+$0x0], $0xffff  }
0x168: {  	v41 =	vor.u32 v18, v40;
	_ =	sdelay $0x3  }
0x169: {  	[tilespmem:v39+s29+$0x0] =	vst.idx.msk $0xffff, v29  }
0x16a: {  	v42 =	vor.u32 $0x10, v17;
	v29 =	vld.idx.msk [tilespmem:v41+s28+$0x0], $0xffff  }
0x16b: {  	v43 =	vor.u32 v40, v19;
	_ =	sdelay $0x3  }
0x16c: {  	[tilespmem:v42+s29+$0x0] =	vst.idx.msk $0xffff, v29  }
0x16d: {  	v44 =	vor.u32 $0x11, v17;
	v29 =	vld.idx.msk [tilespmem:v43+s28+$0x0], $0xffff  }
0x16e: {  	v45 =	vor.u32 v40, v20;
	_ =	sdelay $0x3  }
0x16f: {  	[tilespmem:v44+s29+$0x0] =	vst.idx.msk $0xffff, v29  }
0x170: {  	v46 =	vor.u32 $0x12, v17;
	v29 =	vld.idx.msk [tilespmem:v45+s28+$0x0], $0xffff  }
0x171: {  	v47 =	vor.u32 v40, v21;
	_ =	sdelay $0x3  }
0x172: {  	[tilespmem:v46+s29+$0x0] =	vst.idx.msk $0xffff, v29  }
0x173: {  	v48 =	vor.u32 $0x13, v17;
	v29 =	vld.idx.msk [tilespmem:v47+s28+$0x0], $0xffff  }
0x174: {  	v49 =	vor.u32 v40, v22;
	_ =	sdelay $0x3  }
0x175: {  	[tilespmem:v48+s29+$0x0] =	vst.idx.msk $0xffff, v29  }
0x176: {  	v50 =	vor.u32 $0x14, v17;
	v29 =	vld.idx.msk [tilespmem:v49+s28+$0x0], $0xffff  }
0x177: {  	v51 =	vor.u32 v40, v23;
	_ =	sdelay $0x3  }
0x178: {  	[tilespmem:v50+s29+$0x0] =	vst.idx.msk $0xffff, v29  }
0x179: {  	v52 =	vor.u32 $0x15, v17;
	v29 =	vld.idx.msk [tilespmem:v51+s28+$0x0], $0xffff  }
0x17a: {  	v53 =	vor.u32 v40, v24;
	_ =	sdelay $0x3  }
0x17b: {  	[tilespmem:v52+s29+$0x0] =	vst.idx.msk $0xffff, v29  }
0x17c: {  	v54 =	vor.u32 $0x16, v17;
	v29 =	vld.idx.msk [tilespmem:v53+s28+$0x0], $0xffff  }
0x17d: {  	v31 =	vor.u32 v40, v25;
	_ =	sdelay $0x3  }
0x17e: {  	[tilespmem:v54+s29+$0x0] =	vst.idx.msk $0xffff, v29  }
0x17f: {  	v28 =	vor.u32 $0x1800, v28;
	v55 =	vor.u32 $0x17, v17;
	v29 =	vld.idx.msk [tilespmem:v31+s28+$0x0], $0xffff  }
0x180: {  	v56 =	vor.u32 v18, v28;
	_ =	sdelay $0x3  }
0x181: {  	[tilespmem:v55+s29+$0x0] =	vst.idx.msk $0xffff, v29  }
0x182: {  	v57 =	vor.u32 $0x18, v17;
	v29 =	vld.idx.msk [tilespmem:v56+s28+$0x0], $0xffff  }
0x183: {  	v58 =	vor.u32 v28, v19;
	_ =	sdelay $0x3  }
0x184: {  	[tilespmem:v57+s29+$0x0] =	vst.idx.msk $0xffff, v29  }
0x185: {  	v59 =	vor.u32 $0x19, v17;
	v29 =	vld.idx.msk [tilespmem:v58+s28+$0x0], $0xffff  }
0x186: {  	v60 =	vor.u32 v28, v20;
	_ =	sdelay $0x3  }
0x187: {  	[tilespmem:v59+s29+$0x0] =	vst.idx.msk $0xffff, v29  }
0x188: {  	v61 =	vor.u32 $0x1A, v17;
	v29 =	vld.idx.msk [tilespmem:v60+s28+$0x0], $0xffff  }
0x189: {  	v62 =	vor.u32 v28, v21;
	_ =	sdelay $0x3  }
0x18a: {  	[tilespmem:v61+s29+$0x0] =	vst.idx.msk $0xffff, v29  }
0x18b: {  	v63 =	vor.u32 $0x1B, v17;
	v29 =	vld.idx.msk [tilespmem:v62+s28+$0x0], $0xffff  }
0x18c: {  	v33 =	vor.u32 v28, v22;
	_ =	sdelay $0x3  }
0x18d: {  	[tilespmem:v63+s29+$0x0] =	vst.idx.msk $0xffff, v29  }
0x18e: {  	v34 =	vor.u32 $0x1C, v17;
	v29 =	vld.idx.msk [tilespmem:v33+s28+$0x0], $0xffff  }
0x18f: {  	v35 =	vor.u32 v28, v23;
	_ =	sdelay $0x3  }
0x190: {  	[tilespmem:v34+s29+$0x0] =	vst.idx.msk $0xffff, v29  }
0x191: {  	v36 =	vor.u32 $0x1D, v17;
	v29 =	vld.idx.msk [tilespmem:v35+s28+$0x0], $0xffff  }
0x192: {  	v37 =	vor.u32 v28, v24;
	_ =	sdelay $0x3  }
0x193: {  	[tilespmem:v36+s29+$0x0] =	vst.idx.msk $0xffff, v29  }
0x194: {  	v38 =	vor.u32 $0x1E, v17;
	v29 =	vld.idx.msk [tilespmem:v37+s28+$0x0], $0xffff  }
0x195: {  	v28 =	vor.u32 v28, v25;
	_ =	sdelay $0x3  }
0x196: {  	v26 =	vor.u32 v26, v27;
	[tilespmem:v38+s29+$0x0] =	vst.idx.msk $0xffff, v29  }
0x197: {  	v40 =	vor.u32 $0x1F, v17;
	v41 =	vor.u32 $0x2000, v26;
	v39 =	vld.idx.msk [tilespmem:v28+s28+$0x0], $0xffff  }
0x198: {  	v42 =	vor.u32 v18, v41;
	_ =	sdelay $0x3  }
0x199: {  	[tilespmem:v40+s29+$0x0] =	vst.idx.msk $0xffff, v39  }
0x19a: {  	v43 =	vor.u32 $0x20, v17;
	v27 =	vld.idx.msk [tilespmem:v42+s28+$0x0], $0xffff  }
0x19b: {  	v44 =	vor.u32 v41, v19;
	_ =	sdelay $0x3  }
0x19c: {  	[tilespmem:v43+s29+$0x0] =	vst.idx.msk $0xffff, v27  }
0x19d: {  	v45 =	vor.u32 $0x21, v17;
	v27 =	vld.idx.msk [tilespmem:v44+s28+$0x0], $0xffff  }
0x19e: {  	v46 =	vor.u32 v41, v20;
	_ =	sdelay $0x3  }
0x19f: {  	[tilespmem:v45+s29+$0x0] =	vst.idx.msk $0xffff, v27  }
0x1a0: {  	v47 =	vor.u32 $0x22, v17;
	v27 =	vld.idx.msk [tilespmem:v46+s28+$0x0], $0xffff  }
0x1a1: {  	v48 =	vor.u32 v41, v21;
	_ =	sdelay $0x3  }
0x1a2: {  	[tilespmem:v47+s29+$0x0] =	vst.idx.msk $0xffff, v27  }
0x1a3: {  	v49 =	vor.u32 $0x23, v17;
	v27 =	vld.idx.msk [tilespmem:v48+s28+$0x0], $0xffff  }
0x1a4: {  	v50 =	vor.u32 v41, v22;
	_ =	sdelay $0x3  }
0x1a5: {  	[tilespmem:v49+s29+$0x0] =	vst.idx.msk $0xffff, v27  }
0x1a6: {  	v51 =	vor.u32 $0x24, v17;
	v27 =	vld.idx.msk [tilespmem:v50+s28+$0x0], $0xffff  }
0x1a7: {  	v52 =	vor.u32 v41, v23;
	_ =	sdelay $0x3  }
0x1a8: {  	[tilespmem:v51+s29+$0x0] =	vst.idx.msk $0xffff, v27  }
0x1a9: {  	v53 =	vor.u32 $0x25, v17;
	v27 =	vld.idx.msk [tilespmem:v52+s28+$0x0], $0xffff  }
0x1aa: {  	v54 =	vor.u32 v41, v24;
	_ =	sdelay $0x3  }
0x1ab: {  	[tilespmem:v53+s29+$0x0] =	vst.idx.msk $0xffff, v27  }
0x1ac: {  	v55 =	vor.u32 $0x26, v17;
	v27 =	vld.idx.msk [tilespmem:v54+s28+$0x0], $0xffff  }
0x1ad: {  	v29 =	vor.u32 v41, v25;
	_ =	sdelay $0x3  }
0x1ae: {  	[tilespmem:v55+s29+$0x0] =	vst.idx.msk $0xffff, v27  }
0x1af: {  	v56 =	vor.u32 $0x27, v17;
	v57 =	vor.u32 $0x2800, v26;
	v27 =	vld.idx.msk [tilespmem:v29+s28+$0x0], $0xffff  }
0x1b0: {  	v58 =	vor.u32 v18, v57;
	_ =	sdelay $0x3  }
0x1b1: {  	[tilespmem:v56+s29+$0x0] =	vst.idx.msk $0xffff, v27  }
0x1b2: {  	v59 =	vor.u32 $0x28, v17;
	v27 =	vld.idx.msk [tilespmem:v58+s28+$0x0], $0xffff  }
0x1b3: {  	v60 =	vor.u32 v57, v19;
	_ =	sdelay $0x3  }
0x1b4: {  	[tilespmem:v59+s29+$0x0] =	vst.idx.msk $0xffff, v27  }
0x1b5: {  	v61 =	vor.u32 $0x29, v17;
	v27 =	vld.idx.msk [tilespmem:v60+s28+$0x0], $0xffff  }
0x1b6: {  	v62 =	vor.u32 v57, v20;
	_ =	sdelay $0x3  }
0x1b7: {  	[tilespmem:v61+s29+$0x0] =	vst.idx.msk $0xffff, v27  }
0x1b8: {  	v63 =	vor.u32 $0x2A, v17;
	v27 =	vld.idx.msk [tilespmem:v62+s28+$0x0], $0xffff  }
0x1b9: {  	v33 =	vor.u32 v57, v21;
	_ =	sdelay $0x3  }
0x1ba: {  	[tilespmem:v63+s29+$0x0] =	vst.idx.msk $0xffff, v27  }
0x1bb: {  	v34 =	vor.u32 $0x2B, v17;
	v27 =	vld.idx.msk [tilespmem:v33+s28+$0x0], $0xffff  }
0x1bc: {  	v35 =	vor.u32 v57, v22;
	_ =	sdelay $0x3  }
0x1bd: {  	[tilespmem:v34+s29+$0x0] =	vst.idx.msk $0xffff, v27  }
0x1be: {  	v36 =	vor.u32 $0x2C, v17;
	v27 =	vld.idx.msk [tilespmem:v35+s28+$0x0], $0xffff  }
0x1bf: {  	v37 =	vor.u32 v57, v23;
	_ =	sdelay $0x3  }
0x1c0: {  	[tilespmem:v36+s29+$0x0] =	vst.idx.msk $0xffff, v27  }
0x1c1: {  	v38 =	vor.u32 $0x2D, v17;
	v27 =	vld.idx.msk [tilespmem:v37+s28+$0x0], $0xffff  }
0x1c2: {  	v39 =	vor.u32 v57, v24;
	_ =	sdelay $0x3  }
0x1c3: {  	[tilespmem:v38+s29+$0x0] =	vst.idx.msk $0xffff, v27  }
0x1c4: {  	v40 =	vor.u32 $0x2E, v17;
	v27 =	vld.idx.msk [tilespmem:v39+s28+$0x0], $0xffff  }
0x1c5: {  	v29 =	vor.u32 v57, v25;
	_ =	sdelay $0x3  }
0x1c6: {  	[tilespmem:v40+s29+$0x0] =	vst.idx.msk $0xffff, v27  }
0x1c7: {  	v41 =	vor.u32 $0x2F, v17;
	v42 =	vor.u32 $0x3000, v26;
	v27 =	vld.idx.msk [tilespmem:v29+s28+$0x0], $0xffff  }
0x1c8: {  	v43 =	vor.u32 v18, v42;
	_ =	sdelay $0x3  }
0x1c9: {  	[tilespmem:v41+s29+$0x0] =	vst.idx.msk $0xffff, v27  }
0x1ca: {  	v44 =	vor.u32 $0x30, v17;
	v27 =	vld.idx.msk [tilespmem:v43+s28+$0x0], $0xffff  }
0x1cb: {  	v45 =	vor.u32 v42, v19;
	_ =	sdelay $0x3  }
0x1cc: {  	[tilespmem:v44+s29+$0x0] =	vst.idx.msk $0xffff, v27  }
0x1cd: {  	v46 =	vor.u32 $0x31, v17;
	v27 =	vld.idx.msk [tilespmem:v45+s28+$0x0], $0xffff  }
0x1ce: {  	v47 =	vor.u32 v42, v20;
	_ =	sdelay $0x3  }
0x1cf: {  	[tilespmem:v46+s29+$0x0] =	vst.idx.msk $0xffff, v27  }
0x1d0: {  	v48 =	vor.u32 $0x32, v17;
	v27 =	vld.idx.msk [tilespmem:v47+s28+$0x0], $0xffff  }
0x1d1: {  	v49 =	vor.u32 v42, v21;
	_ =	sdelay $0x3  }
0x1d2: {  	[tilespmem:v48+s29+$0x0] =	vst.idx.msk $0xffff, v27  }
0x1d3: {  	v50 =	vor.u32 $0x33, v17;
	v27 =	vld.idx.msk [tilespmem:v49+s28+$0x0], $0xffff  }
0x1d4: {  	v51 =	vor.u32 v42, v22;
	_ =	sdelay $0x3  }
0x1d5: {  	[tilespmem:v50+s29+$0x0] =	vst.idx.msk $0xffff, v27  }
0x1d6: {  	v52 =	vor.u32 $0x34, v17;
	v27 =	vld.idx.msk [tilespmem:v51+s28+$0x0], $0xffff  }
0x1d7: {  	v53 =	vor.u32 v42, v23;
	_ =	sdelay $0x3  }
0x1d8: {  	[tilespmem:v52+s29+$0x0] =	vst.idx.msk $0xffff, v27  }
0x1d9: {  	v54 =	vor.u32 $0x35, v17;
	v27 =	vld.idx.msk [tilespmem:v53+s28+$0x0], $0xffff  }
0x1da: {  	v55 =	vor.u32 v42, v24;
	_ =	sdelay $0x3  }
0x1db: {  	[tilespmem:v54+s29+$0x0] =	vst.idx.msk $0xffff, v27  }
0x1dc: {  	v56 =	vor.u32 $0x36, v17;
	v27 =	vld.idx.msk [tilespmem:v55+s28+$0x0], $0xffff  }
0x1dd: {  	v29 =	vor.u32 v42, v25;
	_ =	sdelay $0x3  }
0x1de: {  	[tilespmem:v56+s29+$0x0] =	vst.idx.msk $0xffff, v27  }
0x1df: {  	v26 =	vor.u32 $0x3800, v26;
	v57 =	vor.u32 $0x37, v17;
	v27 =	vld.idx.msk [tilespmem:v29+s28+$0x0], $0xffff  }
0x1e0: {  	v18 =	vor.u32 v18, v26;
	_ =	sdelay $0x3  }
0x1e1: {  	[tilespmem:v57+s29+$0x0] =	vst.idx.msk $0xffff, v27  }
0x1e2: {  	v58 =	vor.u32 $0x38, v17;
	v18 =	vld.idx.msk [tilespmem:v18+s28+$0x0], $0xffff  }
0x1e3: {  	v19 =	vor.u32 v26, v19;
	_ =	sdelay $0x3  }
0x1e4: {  	[tilespmem:v58+s29+$0x0] =	vst.idx.msk $0xffff, v18  }
0x1e5: {  	v18 =	vld.idx.msk [tilespmem:v19+s28+$0x0], $0xffff;
	v19 =	vor.u32 $0x39, v17  }
0x1e6: {  	v20 =	vor.u32 v26, v20;
	_ =	sdelay $0x3  }
0x1e7: {  	[tilespmem:v19+s29+$0x0] =	vst.idx.msk $0xffff, v18  }
0x1e8: {  	v19 =	vor.u32 $0x3A, v17;
	v18 =	vld.idx.msk [tilespmem:v20+s28+$0x0], $0xffff  }
0x1e9: {  	v59 =	vor.u32 v26, v21;
	_ =	sdelay $0x3  }
0x1ea: {  	[tilespmem:v19+s29+$0x0] =	vst.idx.msk $0xffff, v18  }
0x1eb: {  	v19 =	vor.u32 $0x3B, v17;
	v18 =	vld.idx.msk [tilespmem:v59+s28+$0x0], $0xffff  }
0x1ec: {  	v60 =	vor.u32 v26, v22;
	_ =	sdelay $0x3  }
0x1ed: {  	[tilespmem:v19+s29+$0x0] =	vst.idx.msk $0xffff, v18  }
0x1ee: {  	v19 =	vor.u32 $0x3C, v17;
	v18 =	vld.idx.msk [tilespmem:v60+s28+$0x0], $0xffff  }
0x1ef: {  	v61 =	vor.u32 v26, v23;
	_ =	sdelay $0x3  }
0x1f0: {  	[tilespmem:v19+s29+$0x0] =	vst.idx.msk $0xffff, v18  }
0x1f1: {  	v19 =	vor.u32 $0x3D, v17;
	v18 =	vld.idx.msk [tilespmem:v61+s28+$0x0], $0xffff  }
0x1f2: {  	v62 =	vor.u32 v26, v24;
	_ =	sdelay $0x3  }
0x1f3: {  	[tilespmem:v19+s29+$0x0] =	vst.idx.msk $0xffff, v18  }
0x1f4: {  	v19 =	vor.u32 $0x3E, v17;
	v18 =	vld.idx.msk [tilespmem:v62+s28+$0x0], $0xffff  }
0x1f5: {  	v63 =	vor.u32 v26, v25;
	_ =	sdelay $0x3  }
0x1f6: {  	[tilespmem:v19+s29+$0x0] =	vst.idx.msk $0xffff, v18  }
0x1f7: {  	v17 =	vor.u32 $0x3F, v17;
	v18 =	vld.idx.msk [tilespmem:v63+s28+$0x0], $0xffff;
	_ =	sdelay $0x3  }
0x1f8: {  	p2 =	sne.s32 s31, $0x7  }
0x1f9: {  	s3 =	simm.s32 @!p2 $0x1A200;
	s4 =	simm.s32 @!p2 $0x1A280;
	s1 =	simm.s32 @!p2 $0x80;
	[tilespmem:v17+s29+$0x0] =	vst.idx.msk $0xffff, v18  }
0x1fa: {  	[hbm4b:s6+s1] =	stream.indirect.scatter @!p2 [tilespmem:s4], [sflag:$0x2], $0x80, s3, s1, $0xb8;
	[tilespmem:$0x1E280] =	vst v63  }
0x1fb: {  	s1 =	simm.s32 @!p2 $0x2  }
0x1fc: {  	_ =	swait.ge @!p2 [sflag:s1], $0x4000  }
0x1fd: {  	s9 =	sadd.s32 $0xFFFFFFFF, s9;
	[sflag:s1] =	ssyncset.done @!p2 $0x0  }
0x1fe: {  	[sflag:s1] =	ssyncadd.s32 @!p2 $0xFFFFC000;
	p2 =	sne.s32 s9, $0x0  }
.Ltmp16:
0x1ff: {  	_ = 	snop;
	(pc) =	sbr.rel @p2 .LBB2_19-.Ltmp16, $2  }
0x200: {  	_ =	sdelay $0x2  }
0x201: {  	s20 =	sadd.s32 $0x1, s20;
	s10 =	sadd.s32 $0x10, s10;
	s30 =	sadd.s32 $0x10, s30  }
.Ltmp17:
0x202: {  	_ = 	snop;
	(pc) =	sbr.rel .LBB2_20-.Ltmp17, $1  }
0x203: {  	_ =	sdelay $0x3  }
.LBB2_22:
0x204: {  	_ =	sfence.sel $0x180000  }
0x205: {  	[bflag:$0x0] =	sbarrier.arrive $0xFFFF  }
0x206: {  	_ =	strace $0x90000047  }
0x207: {  	s0 =	stileid.u32;
	[bflag:$0x2] =	sbarrier.arrive $0xFFFF  }
0x208: {  	p0 =	sne.s32 s0, $0x0;
	s0 =	rddreg [dreg:$0x2]  }
0x209: {  	s0 =	sadd.s32 @!p0 $0x100000, s0  }
0x20a: {  	[sflag:s0] =	ssyncadd.tile.s32 @!p0 $0x1;
	_ =	shalt  }
.Lfunc_end2:
_tile_overlayer_lowered:
.L_overlay_start_2:
0x20b: {  	(tag) =	ssettag $0x2  }
0x20c: {  	s0 =	rddreg [dreg:$0x0];
	s2 =	stileid.u32  }
0x20d: {  	s1 =	rddreg [dreg:$0x1];
	p0 =	sne.s32 s2, $0x0  }
0x20e: {  	s3 =	rddreg [dreg:$0x2];
	[bflag:$0x3] =	sbarrier.arrive $0xFFFF;
	s2 =	simm.s32 @!p0 $0x1C03  }
0x20f: {  	[timem:s3], [sflag:s2] =	dma.local @!p0 [hbm:s0], s1  }
0x210: {  	s0 =	simm.s32 @!p0 $0x3  }
0x211: {  	_ =	swait.ge @!p0 [sflag:s0], s1  }
0x212: {  	s1 =	ssub.s32 @!p0 $0x0, s1;
	[sflag:s0] =	ssyncset.done @!p0 $0x0  }
0x213: {  	[sflag:s0] =	ssyncadd.s32 @!p0 s1  }
0x214: {  	[bflag:$0x3] =	sbarrier.arrive $0xFFFF  }
0x215: {  	_ =	shalt  }

</sc_bundles>
